<compile_context>
chip_gen: v7x
topology: tpu7x:2x2x1
jax: 0.10.2.dev20260603
libtpu: 0.0.44.dev20260713+nightly
codegen_flags: <defaults>
</compile_context>

<pallas_src>
import functools

import jax
import jax.numpy as jnp
from jax import lax
from jax.experimental import pallas as pl
from jax.experimental.pallas import tpu as pltpu
from jax.experimental.pallas import tpu_sc as plsc

N = 10000
E = 160000
DN = 128
DG = 64

NC = 2
NS = 16
NW = NC * NS

CHUNK = 125
NSLAB = 4
SLAB_E = E // NSLAB
SLAB_PER_W = SLAB_E // NW
NCH_S = SLAB_PER_W // CHUNK

_gather_mesh = plsc.VectorSubcoreMesh(core_axis_name="c", subcore_axis_name="s")
_sc_params = pltpu.CompilerParams(use_tc_tiling_on_sc=False)


@functools.partial(
    pl.kernel,
    out_type=[jax.ShapeDtypeStruct((SLAB_E, DN), jnp.float32),
              jax.ShapeDtypeStruct((SLAB_E, DN), jnp.float32)],
    mesh=_gather_mesh,
    compiler_params=_sc_params,
    scratch_types=[
        pltpu.VMEM((NCH_S, CHUNK), jnp.int32),
        pltpu.VMEM((NCH_S, CHUNK), jnp.int32),
        pltpu.VMEM((CHUNK, DN), jnp.float32),
        pltpu.VMEM((CHUNK, DN), jnp.float32),
        pltpu.SemaphoreType.DMA,
        pltpu.SemaphoreType.DMA,
    ],
)
def _gather_rows(nodes_hbm, sidx_hbm, didx_hbm, sout_hbm, dout_hbm,
                 sidx_v, didx_v, srows_v, drows_v, sem1, sem2):
    wid = lax.axis_index("s") * NC + lax.axis_index("c")
    pltpu.sync_copy(sidx_hbm.at[wid], sidx_v)
    pltpu.sync_copy(didx_hbm.at[wid], didx_v)
    base = wid * SLAB_PER_W

    @pl.loop(0, NCH_S)
    def _chunk(c):
        cp1 = pltpu.async_copy(nodes_hbm.at[sidx_v.at[c]], srows_v, sem1)
        cp2 = pltpu.async_copy(nodes_hbm.at[didx_v.at[c]], drows_v, sem2)
        cp1.wait()
        pltpu.sync_copy(srows_v, sout_hbm.at[pl.ds(base + c * CHUNK, CHUNK)])
        cp2.wait()
        pltpu.sync_copy(drows_v, dout_hbm.at[pl.ds(base + c * CHUNK, CHUNK)])


S_ROWS_PER_TILE = N // NS


@functools.partial(
    pl.kernel,
    out_type=jax.ShapeDtypeStruct((NC, N, DN), jnp.float32),
    mesh=_gather_mesh,
    compiler_params=_sc_params,
    scratch_types=[
        pltpu.VMEM((NCH_S, CHUNK), jnp.int32),
        pltpu.VMEM((NCH_S, CHUNK), jnp.int32),
        pltpu.VMEM((CHUNK, DN), jnp.float32),
        pltpu.VMEM_SHARED((N, DN), jnp.float32),
    ],
)
def _scatter_add(feata_hbm, sidxa_hbm, didxa_hbm,
                 featb_hbm, sidxb_hbm, didxb_hbm, zeros_hbm, out_hbm,
                 sidx_v, didx_v, feat_v, agg_sh):
    cid = lax.axis_index("c")
    sid = lax.axis_index("s")
    wid = sid * NC + cid
    rslice = pl.ds(sid * S_ROWS_PER_TILE, S_ROWS_PER_TILE)
    pltpu.sync_copy(zeros_hbm.at[rslice], agg_sh.at[rslice])
    plsc.subcore_barrier()
    base = wid * SLAB_PER_W

    for feat_hbm, sidx_hbm, didx_hbm in (
            (feata_hbm, sidxa_hbm, didxa_hbm),
            (featb_hbm, sidxb_hbm, didxb_hbm)):
        pltpu.sync_copy(sidx_hbm.at[wid], sidx_v)
        pltpu.sync_copy(didx_hbm.at[wid], didx_v)

        @pl.loop(0, NCH_S)
        def _chunk(c):
            pltpu.sync_copy(feat_hbm.at[pl.ds(base + c * CHUNK, CHUNK)],
                            feat_v)
            pltpu.sync_copy(feat_v, agg_sh.at[sidx_v.at[c]], add=True)
            pltpu.sync_copy(feat_v, agg_sh.at[didx_v.at[c]], add=True)

    plsc.subcore_barrier()
    pltpu.sync_copy(agg_sh.at[rslice], out_hbm.at[cid, rslice])


EB = 2000


def _edge_mlp_body(e_ref, s_ref, d_ref, gl_ref,
                   w0e, w0s, w0d, w0g, b0, w1, b1, w2, b2, gam, bet,
                   out_ref, slab_ref, sum_ref):
    i = pl.program_id(0)
    x = jnp.dot(e_ref[...], w0e[...], preferred_element_type=jnp.float32)
    x += jnp.dot(s_ref[...].astype(jnp.bfloat16), w0s[...],
                 preferred_element_type=jnp.float32)
    x += jnp.dot(d_ref[...].astype(jnp.bfloat16), w0d[...],
                 preferred_element_type=jnp.float32)
    gbb = jnp.dot(gl_ref[...], w0g[...],
                  preferred_element_type=jnp.float32) + b0[...]
    h = jax.nn.relu(x + gbb)
    h = jax.nn.relu(jnp.dot(h.astype(jnp.bfloat16), w1[...],
                            preferred_element_type=jnp.float32) + b1[...])
    h = jax.nn.sigmoid(jnp.dot(h.astype(jnp.bfloat16), w2[...],
                               preferred_element_type=jnp.float32) + b2[...])
    mu = jnp.mean(h, axis=-1, keepdims=True)
    hc = h - mu
    var = jnp.mean(hc * hc, axis=-1, keepdims=True)
    y = hc * lax.rsqrt(var + 1e-3) * gam[...] + bet[...]
    out_ref[...] = y
    slab_ref[...] = y

    @pl.when(i == 0)
    def _init():
        sum_ref[...] = jnp.zeros_like(sum_ref)

    sum_ref[...] += jnp.sum(y, axis=0, keepdims=True)


def _edge_mlp_slab(slab, buf, edges128, src_feat, dst_feat, globals_, p):
    w0 = p["W0"]

    def rep(w):
        return pl.BlockSpec(w.shape, lambda i: (0,) * w.ndim)

    steps = SLAB_E // EB
    off = slab * steps
    body = (_edge_mlp_body if buf is None
            else lambda buf_ref, *a: _edge_mlp_body(*a))
    return pl.pallas_call(
        body,
        grid=(steps,),
        in_specs=([pl.BlockSpec(memory_space=pl.ANY)] if buf is not None
                  else []) + [
            pl.BlockSpec((EB, 16), lambda i: (off + i, 0)),
            pl.BlockSpec((EB, 128), lambda i: (i, 0)),
            pl.BlockSpec((EB, 128), lambda i: (i, 0)),
            pl.BlockSpec((1, DG), lambda i: (0, 0)),
            rep(w0[:16]), rep(w0[16:144]), rep(w0[144:272]), rep(w0[272:336]),
            pl.BlockSpec((1, 256), lambda i: (0, 0)),
            pl.BlockSpec((256, 256), lambda i: (0, 0)),
            pl.BlockSpec((1, 256), lambda i: (0, 0)),
            pl.BlockSpec((256, 128), lambda i: (0, 0)),
            pl.BlockSpec((1, 128), lambda i: (0, 0)),
            pl.BlockSpec((1, 128), lambda i: (0, 0)),
            pl.BlockSpec((1, 128), lambda i: (0, 0)),
        ],
        out_specs=[
            pl.BlockSpec((EB, 128), lambda i: (off + i, 0)),
            pl.BlockSpec((EB, 128), lambda i: (i, 0)),
            pl.BlockSpec((1, 128), lambda i: (0, 0)),
        ],
        out_shape=[
            jax.ShapeDtypeStruct((E, 128), jnp.float32),
            jax.ShapeDtypeStruct((SLAB_E, 128), jnp.float32),
            jax.ShapeDtypeStruct((1, 128), jnp.float32),
        ],
        input_output_aliases={0: 0} if buf is not None else {},
    )(*(((buf,) if buf is not None else ()) + (edges128, src_feat, dst_feat)),
      globals_.astype(jnp.bfloat16),
      w0[:16].astype(jnp.bfloat16), w0[16:144].astype(jnp.bfloat16),
      w0[144:272].astype(jnp.bfloat16), w0[272:336].astype(jnp.bfloat16),
      p["b0"].reshape(1, -1),
      p["W1"].astype(jnp.bfloat16), p["b1"].reshape(1, -1),
      p["W2"].astype(jnp.bfloat16), p["b2"].reshape(1, -1),
      p["g"].reshape(1, -1), p["beta"].reshape(1, -1))


NB = 2000


def _node_mlp_body(n_ref, a0_ref, a1_ref, gl_ref, esum_ref,
                   w0n, w0g, w0a, b0, w1, b1, w2, b2, gam, bet,
                   gw0g, gw0n, gw0e, gb0, gw1, gb1, gw2, gb2, ggam, gbet,
                   out_ref, gout_ref, nsum):
    i = pl.program_id(0)
    agg = ((a0_ref[0] + a0_ref[1]) + (a1_ref[0] + a1_ref[1])
           ).astype(jnp.bfloat16)
    x = jnp.dot(n_ref[...], w0n[...], preferred_element_type=jnp.float32)
    x += jnp.dot(agg, w0a[...], preferred_element_type=jnp.float32)
    gbb = jnp.dot(gl_ref[...], w0g[...],
                  preferred_element_type=jnp.float32) + b0[...]
    h = jax.nn.relu(x + gbb)
    h = jax.nn.relu(jnp.dot(h.astype(jnp.bfloat16), w1[...],
                            preferred_element_type=jnp.float32) + b1[...])
    h = jax.nn.sigmoid(jnp.dot(h.astype(jnp.bfloat16), w2[...],
                               preferred_element_type=jnp.float32) + b2[...])
    mu = jnp.mean(h, axis=-1, keepdims=True)
    hc = h - mu
    var = jnp.mean(hc * hc, axis=-1, keepdims=True)
    y = hc * lax.rsqrt(var + 1e-3) * gam[...] + bet[...]
    out_ref[...] = y

    @pl.when(i == 0)
    def _init():
        nsum[...] = jnp.zeros_like(nsum)

    nsum[...] += jnp.sum(y, axis=0, keepdims=True)

    @pl.when(i == pl.num_programs(0) - 1)
    def _globals():
        nm = nsum[...] / N
        em = esum_ref[...] / E
        gx = jnp.dot(gl_ref[...], gw0g[...], preferred_element_type=jnp.float32)
        gx += jnp.dot(nm, gw0n[...], preferred_element_type=jnp.float32)
        gx += jnp.dot(em, gw0e[...], preferred_element_type=jnp.float32)
        gh = jax.nn.relu(gx + gb0[...])
        gh = jax.nn.relu(jnp.dot(gh, gw1[...], preferred_element_type=jnp.float32) + gb1[...])
        gh = jax.nn.sigmoid(jnp.dot(gh, gw2[...], preferred_element_type=jnp.float32) + gb2[...])
        gmu = jnp.mean(gh, axis=-1, keepdims=True)
        ghc = gh - gmu
        gvar = jnp.mean(ghc * ghc, axis=-1, keepdims=True)
        gout_ref[...] = ghc * lax.rsqrt(gvar + 1e-3) * ggam[...] + gbet[...]


def _node_mlp(nodes, aggs, globals_, esum, p, gp):
    w0 = p["W0"]
    gw0 = gp["W0"]

    def rep(w):
        return pl.BlockSpec(w.shape, lambda i: (0,) * w.ndim)

    grid = N // NB
    return pl.pallas_call(
        _node_mlp_body,
        grid=(grid,),
        in_specs=[
            pl.BlockSpec((NB, DN), lambda i: (i, 0)),
            pl.BlockSpec((NC, NB, DN), lambda i: (0, i, 0)),
            pl.BlockSpec((NC, NB, DN), lambda i: (0, i, 0)),
            pl.BlockSpec((1, DG), lambda i: (0, 0)),
            pl.BlockSpec((1, 128), lambda i: (0, 0)),
            rep(w0[:128]), rep(w0[128:192]), rep(w0[192:320]),
            rep(p["b0"].reshape(1, -1)), rep(p["W1"]), rep(p["b1"].reshape(1, -1)),
            rep(p["W2"]), rep(p["b2"].reshape(1, -1)),
            rep(p["g"].reshape(1, -1)), rep(p["beta"].reshape(1, -1)),
            rep(gw0[:64]), rep(gw0[64:192]), rep(gw0[192:320]),
            rep(gp["b0"].reshape(1, -1)), rep(gp["W1"]), rep(gp["b1"].reshape(1, -1)),
            rep(gp["W2"]), rep(gp["b2"].reshape(1, -1)),
            rep(gp["g"].reshape(1, -1)), rep(gp["beta"].reshape(1, -1)),
        ],
        out_specs=[
            pl.BlockSpec((NB, 128), lambda i: (i, 0)),
            pl.BlockSpec((1, DG), lambda i: (0, 0)),
        ],
        out_shape=[
            jax.ShapeDtypeStruct((N, 128), jnp.float32),
            jax.ShapeDtypeStruct((1, DG), jnp.float32),
        ],
        scratch_shapes=[pltpu.VMEM((1, 128), jnp.float32)],
    )(nodes.astype(jnp.bfloat16), aggs[0], aggs[1],
      globals_, esum,
      w0[:128].astype(jnp.bfloat16), w0[128:192], w0[192:320].astype(jnp.bfloat16),
      p["b0"].reshape(1, -1), p["W1"].astype(jnp.bfloat16), p["b1"].reshape(1, -1),
      p["W2"].astype(jnp.bfloat16), p["b2"].reshape(1, -1),
      p["g"].reshape(1, -1), p["beta"].reshape(1, -1),
      gw0[:64], gw0[64:192], gw0[192:320],
      gp["b0"].reshape(1, -1), gp["W1"], gp["b1"].reshape(1, -1),
      gp["W2"], gp["b2"].reshape(1, -1),
      gp["g"].reshape(1, -1), gp["beta"].reshape(1, -1))


def kernel(nodes, edges, globals_, edge_index, params):
    ei = edge_index.astype(jnp.int32)
    sidx4 = ei[:, 0].reshape(NSLAB, NW, NCH_S, CHUNK)
    didx4 = ei[:, 1].reshape(NSLAB, NW, NCH_S, CHUNK)
    edges128 = edges.astype(jnp.bfloat16)
    zeros = jnp.zeros((N, DN), jnp.float32)
    edges_new = None
    esum = None
    aggs = []
    en = []
    for s in range(NSLAB):
        sf, df = _gather_rows(nodes, sidx4[s], didx4[s])
        edges_new, en_s, es = _edge_mlp_slab(s, edges_new, edges128, sf, df,
                                             globals_, params["edge"])
        esum = es if esum is None else esum + es
        en.append(en_s)
        if s % 2 == 1:
            aggs.append(_scatter_add(
                en[s - 1], sidx4[s - 1], didx4[s - 1],
                en[s], sidx4[s], didx4[s], zeros))
    nodes_new, globals_new = _node_mlp(nodes, aggs, globals_, esum,
                                       params["node"], params["global"])
    return nodes_new, edges_new, globals_new

# --- scband reference (transcript-rebuilt; emitter-appended) ---
"""Pipeline reference for scband-hypergraph-network-28286654612016 (READ-ONLY COPY).

The authoritative reference and input builder live on the scoring server;
editing this copy changes nothing except your own understanding.
"""

import jax, jax.numpy as jnp
import numpy as np

N = 10000
E = 160000
DN = 128
DE = 16
DG = 64
ELS = [256, 256, 128]
NLS = [256, 256, 128]
GLS = [256, 256, 64]


def _init_mlp(key, in_dim, sizes):
    p = {}
    d = in_dim
    for i, s in enumerate(sizes):
        key, k1 = jax.random.split(key)
        p["W%d" % i] = jax.random.normal(k1, (d, s), jnp.float32) / np.sqrt(d)
        p["b%d" % i] = jnp.zeros((s,), jnp.float32)
        d = s
    p["g"] = jnp.ones((d,), jnp.float32)
    p["beta"] = jnp.zeros((d,), jnp.float32)
    return p


def _mlp_ln(x, p, n_layers):
    h = x
    for i in range(n_layers - 1):
        h = jax.nn.relu(h @ p["W%d" % i] + p["b%d" % i])
    h = jax.nn.sigmoid(h @ p["W%d" % (n_layers - 1)] + p["b%d" % (n_layers - 1)])
    mu = jnp.mean(h, axis=-1, keepdims=True)
    var = jnp.var(h, axis=-1, keepdims=True)
    return (h - mu) / jnp.sqrt(var + 1e-3) * p["g"] + p["beta"]


def setup_inputs(seed: int = 0):
    key = jax.random.key(seed)
    ks = jax.random.split(key, 8)
    nodes = jax.random.normal(ks[0], (N, DN), jnp.float32)
    edges = jax.random.normal(ks[1], (E, DE), jnp.float32)
    globals_ = jax.random.normal(ks[2], (1, DG), jnp.float32)
    edge_index = jax.random.randint(ks[3], (E, 2), 0, N)
    params = {
        "edge": _init_mlp(ks[4], DE + 2 * DN + DG, ELS),
        "node": _init_mlp(ks[5], DN + DG + ELS[-1], NLS),
        "global": _init_mlp(ks[6], DG + NLS[-1] + ELS[-1], GLS),
    }
    return {"nodes": nodes, "edges": edges, "globals_": globals_, "edge_index": edge_index, "params": params}


def _forward(nodes, edges, globals_, params, edge_index):
    E_ = edges.shape[0]
    N_ = nodes.shape[0]
    # HypergraphEdgeBlock: _fixed_number_to_one gather of endpoint node features
    gathered = nodes[edge_index.reshape(-1)].reshape(E_, -1)
    ge = jnp.broadcast_to(globals_, (E_, globals_.shape[1]))
    e_in = jnp.concatenate([edges, gathered, ge], axis=1)
    edges_new = _mlp_ln(e_in, params["edge"], len(ELS))
    # HypergraphNodeBlock: _one_to_fixed_number scatter-add of edge features to endpoints
    flat_idx = edge_index.reshape(-1)
    flat_feat = jnp.repeat(edges_new, 2, axis=0)
    agg = jax.ops.segment_sum(flat_feat, flat_idx, num_segments=N_)
    gn = jnp.broadcast_to(globals_, (N_, globals_.shape[1]))
    n_in = jnp.concatenate([nodes, gn, agg], axis=1)
    nodes_new = _mlp_ln(n_in, params["node"], len(NLS))
    # HypergraphGlobalBlock: _segments_to_one aggregation over nodes and edges
    g_in = jnp.concatenate([globals_, jnp.mean(nodes_new, axis=0, keepdims=True), jnp.mean(edges_new, axis=0, keepdims=True)], axis=1)
    globals_new = _mlp_ln(g_in, params["global"], len(GLS))
    return nodes_new, edges_new, globals_new


def reference(nodes, edges, globals_, edge_index, params):
    return _forward(nodes, edges, globals_, params, edge_index)

if __name__ == "__main__":
    import jax
    _d = setup_inputs()
    print(jax.jit(kernel)(*tuple(_d.values())))

</pallas_src>

<mosaic_0001>
#map = affine_map<(d0, d1) -> (0, 0)>
#map1 = affine_map<(d0, d1) -> (0, 0, 0)>
module attributes {stable_mosaic.version = 14 : i64} {
  func.func @_gather_rows(%arg0: i32, %arg1: i32, %arg2: memref<10000x128xf32, #tpu.memory_space<hbm>>, %arg3: memref<32x10x125xi32, #tpu.memory_space<hbm>>, %arg4: memref<32x10x125xi32, #tpu.memory_space<hbm>>, %arg5: memref<40000x128xf32, #tpu.memory_space<hbm>>, %arg6: memref<40000x128xf32, #tpu.memory_space<hbm>>, %arg7: memref<10x125xi32, #tpu.memory_space<vmem>>, %arg8: memref<10x125xi32, #tpu.memory_space<vmem>>, %arg9: memref<125x128xf32, #tpu.memory_space<vmem>>, %arg10: memref<125x128xf32, #tpu.memory_space<vmem>>, %arg11: memref<!tpu.dma_semaphore, #tpu.memory_space<semaphore_mem>>, %arg12: memref<!tpu.dma_semaphore, #tpu.memory_space<semaphore_mem>>) attributes {dimension_semantics = [#tpu.dimension_semantics<core_parallel>, #tpu.dimension_semantics<subcore_parallel>], iteration_bounds = array<i64: 2, 16>, scalar_prefetch = 0 : i64, scratch_operands = 6 : i64, tpu.core_type = #tpu.core_type<sc_vector_subcore>, window_params = [{transform_indices = #map}, {transform_indices = #map1}, {transform_indices = #map1}, {transform_indices = #map}, {transform_indices = #map}]} {
    %mul3A = arith.constant 2 : i32
    %mul3A_0 = arith.muli %arg1, %mul3A : i32
    %add3A = arith.addi %mul3A_0, %arg0 : i32
    "tpu.region"() ({
      %run_scoped3A = tpu.sem_alloc : memref<!tpu.dma_semaphore, #tpu.memory_space<semaphore_mem>>
      %dma_start3A = arith.constant 0 : i32
      %dma_start3A_7 = arith.constant 0 : i32
      %dma_start3A_8 = tpu.memref_slice %arg3[%add3A, %dma_start3A, %dma_start3A_7] : memref<32x10x125xi32, #tpu.memory_space<hbm>> -> memref<1x10x125xi32, #tpu.memory_space<hbm>>
      %dma_start3A_9 = tpu.memref_squeeze %dma_start3A_8 : memref<1x10x125xi32, #tpu.memory_space<hbm>> -> memref<10x125xi32, #tpu.memory_space<hbm>>
      %dma_start3A_10 = arith.constant 0 : i32
      %dma_start3A_11 = arith.constant 0 : i32
      %dma_start3A_12 = tpu.memref_slice %arg3[%add3A, %dma_start3A_10, %dma_start3A_11] : memref<32x10x125xi32, #tpu.memory_space<hbm>> -> memref<1x10x125xi32, #tpu.memory_space<hbm>>
      %dma_start3A_13 = tpu.memref_squeeze %dma_start3A_12 : memref<1x10x125xi32, #tpu.memory_space<hbm>> -> memref<10x125xi32, #tpu.memory_space<hbm>>
      tpu.enqueue_dma source(%dma_start3A_13 : memref<10x125xi32, #tpu.memory_space<hbm>>) target(%arg7 : memref<10x125xi32, #tpu.memory_space<vmem>>) target_semaphore(%run_scoped3A : memref<!tpu.dma_semaphore, #tpu.memory_space<semaphore_mem>>)
      %dma_wait3A = arith.constant 0 : i32
      %dma_wait3A_14 = arith.constant 0 : i32
      %dma_wait3A_15 = tpu.memref_slice %arg3[%add3A, %dma_wait3A, %dma_wait3A_14] : memref<32x10x125xi32, #tpu.memory_space<hbm>> -> memref<1x10x125xi32, #tpu.memory_space<hbm>>
      %dma_wait3A_16 = tpu.memref_squeeze %dma_wait3A_15 : memref<1x10x125xi32, #tpu.memory_space<hbm>> -> memref<10x125xi32, #tpu.memory_space<hbm>>
      %dma_wait3A_17 = arith.constant 0 : i32
      %dma_wait3A_18 = arith.constant 0 : i32
      %dma_wait3A_19 = tpu.memref_slice %arg3[%add3A, %dma_wait3A_17, %dma_wait3A_18] : memref<32x10x125xi32, #tpu.memory_space<hbm>> -> memref<1x10x125xi32, #tpu.memory_space<hbm>>
      %dma_wait3A_20 = tpu.memref_squeeze %dma_wait3A_19 : memref<1x10x125xi32, #tpu.memory_space<hbm>> -> memref<10x125xi32, #tpu.memory_space<hbm>>
      tpu.wait_dma2 semaphore(%run_scoped3A : memref<!tpu.dma_semaphore, #tpu.memory_space<semaphore_mem>>) src(%dma_wait3A_20 : memref<10x125xi32, #tpu.memory_space<hbm>>) dst(%arg7 : memref<10x125xi32, #tpu.memory_space<vmem>>)
      tpu.yield
    }) : () -> ()
    "tpu.region"() ({
      %run_scoped3A = tpu.sem_alloc : memref<!tpu.dma_semaphore, #tpu.memory_space<semaphore_mem>>
      %dma_start3A = arith.constant 0 : i32
      %dma_start3A_7 = arith.constant 0 : i32
      %dma_start3A_8 = tpu.memref_slice %arg4[%add3A, %dma_start3A, %dma_start3A_7] : memref<32x10x125xi32, #tpu.memory_space<hbm>> -> memref<1x10x125xi32, #tpu.memory_space<hbm>>
      %dma_start3A_9 = tpu.memref_squeeze %dma_start3A_8 : memref<1x10x125xi32, #tpu.memory_space<hbm>> -> memref<10x125xi32, #tpu.memory_space<hbm>>
      %dma_start3A_10 = arith.constant 0 : i32
      %dma_start3A_11 = arith.constant 0 : i32
      %dma_start3A_12 = tpu.memref_slice %arg4[%add3A, %dma_start3A_10, %dma_start3A_11] : memref<32x10x125xi32, #tpu.memory_space<hbm>> -> memref<1x10x125xi32, #tpu.memory_space<hbm>>
      %dma_start3A_13 = tpu.memref_squeeze %dma_start3A_12 : memref<1x10x125xi32, #tpu.memory_space<hbm>> -> memref<10x125xi32, #tpu.memory_space<hbm>>
      tpu.enqueue_dma source(%dma_start3A_13 : memref<10x125xi32, #tpu.memory_space<hbm>>) target(%arg8 : memref<10x125xi32, #tpu.memory_space<vmem>>) target_semaphore(%run_scoped3A : memref<!tpu.dma_semaphore, #tpu.memory_space<semaphore_mem>>)
      %dma_wait3A = arith.constant 0 : i32
      %dma_wait3A_14 = arith.constant 0 : i32
      %dma_wait3A_15 = tpu.memref_slice %arg4[%add3A, %dma_wait3A, %dma_wait3A_14] : memref<32x10x125xi32, #tpu.memory_space<hbm>> -> memref<1x10x125xi32, #tpu.memory_space<hbm>>
      %dma_wait3A_16 = tpu.memref_squeeze %dma_wait3A_15 : memref<1x10x125xi32, #tpu.memory_space<hbm>> -> memref<10x125xi32, #tpu.memory_space<hbm>>
      %dma_wait3A_17 = arith.constant 0 : i32
      %dma_wait3A_18 = arith.constant 0 : i32
      %dma_wait3A_19 = tpu.memref_slice %arg4[%add3A, %dma_wait3A_17, %dma_wait3A_18] : memref<32x10x125xi32, #tpu.memory_space<hbm>> -> memref<1x10x125xi32, #tpu.memory_space<hbm>>
      %dma_wait3A_20 = tpu.memref_squeeze %dma_wait3A_19 : memref<1x10x125xi32, #tpu.memory_space<hbm>> -> memref<10x125xi32, #tpu.memory_space<hbm>>
      tpu.wait_dma2 semaphore(%run_scoped3A : memref<!tpu.dma_semaphore, #tpu.memory_space<semaphore_mem>>) src(%dma_wait3A_20 : memref<10x125xi32, #tpu.memory_space<hbm>>) dst(%arg8 : memref<10x125xi32, #tpu.memory_space<vmem>>)
      tpu.yield
    }) : () -> ()
    %mul3A_1 = arith.constant 1250 : i32
    %mul3A_2 = arith.muli %add3A, %mul3A_1 : i32
    %scan3A = arith.constant 0 : i32
    %scan3A_3 = arith.constant 10 : i32
    %scan3A_4 = arith.addi %scan3A, %scan3A_3 : i32
    %scan3A_5 = arith.constant 1 : i32
    scf.for %scan3A_7 = %scan3A to %scan3A_4 step %scan3A_5  : i32 {
      %mul3A_8 = arith.constant 1 : i32
      %mul3A_9 = arith.muli %scan3A_7, %mul3A_8 : i32
      %add3A_10 = arith.constant 0 : i32
      %add3A_11 = arith.addi %add3A_10, %mul3A_9 : i32
      %dma_start3A = arith.constant 0 : i32
      %dma_start3A_12 = tpu.memref_slice %arg7[%add3A_11, %dma_start3A] : memref<10x125xi32, #tpu.memory_space<vmem>> -> memref<1x125xi32, #tpu.memory_space<vmem>>
      %dma_start3A_13 = tpu.memref_squeeze %dma_start3A_12 : memref<1x125xi32, #tpu.memory_space<vmem>> -> memref<125xi32, #tpu.memory_space<vmem>>
      %dma_start3A_14 = arith.constant 0 : i32
      %dma_start3A_15 = arith.constant 0 : i32
      %dma_start3A_16 = tpu.memref_slice %arg2[%dma_start3A_14, %dma_start3A_15] : memref<10000x128xf32, #tpu.memory_space<hbm>> -> memref<10000x128xf32, #tpu.memory_space<hbm>>
      tpu.enqueue_indirect_dma source(%dma_start3A_16 : memref<10000x128xf32, #tpu.memory_space<hbm>>) target(%arg9 : memref<125x128xf32, #tpu.memory_space<vmem>>) offsets(%dma_start3A_13 : memref<125xi32, #tpu.memory_space<vmem>>) semaphore(%arg11 : memref<!tpu.dma_semaphore, #tpu.memory_space<semaphore_mem>>)
      %dma_start3A_17 = arith.constant 0 : i32
      %dma_start3A_18 = tpu.memref_slice %arg8[%add3A_11, %dma_start3A_17] : memref<10x125xi32, #tpu.memory_space<vmem>> -> memref<1x125xi32, #tpu.memory_space<vmem>>
      %dma_start3A_19 = tpu.memref_squeeze %dma_start3A_18 : memref<1x125xi32, #tpu.memory_space<vmem>> -> memref<125xi32, #tpu.memory_space<vmem>>
      %dma_start3A_20 = arith.constant 0 : i32
      %dma_start3A_21 = arith.constant 0 : i32
      %dma_start3A_22 = tpu.memref_slice %arg2[%dma_start3A_20, %dma_start3A_21] : memref<10000x128xf32, #tpu.memory_space<hbm>> -> memref<10000x128xf32, #tpu.memory_space<hbm>>
      tpu.enqueue_indirect_dma source(%dma_start3A_22 : memref<10000x128xf32, #tpu.memory_space<hbm>>) target(%arg10 : memref<125x128xf32, #tpu.memory_space<vmem>>) offsets(%dma_start3A_19 : memref<125xi32, #tpu.memory_space<vmem>>) semaphore(%arg12 : memref<!tpu.dma_semaphore, #tpu.memory_space<semaphore_mem>>)
      %dma_wait3A = arith.constant 0 : i32
      %dma_wait3A_23 = tpu.memref_slice %arg7[%add3A_11, %dma_wait3A] : memref<10x125xi32, #tpu.memory_space<vmem>> -> memref<1x125xi32, #tpu.memory_space<vmem>>
      %dma_wait3A_24 = tpu.memref_squeeze %dma_wait3A_23 : memref<1x125xi32, #tpu.memory_space<vmem>> -> memref<125xi32, #tpu.memory_space<vmem>>
      %dma_wait3A_25 = arith.constant 0 : i32
      %dma_wait3A_26 = arith.constant 0 : i32
      %dma_wait3A_27 = tpu.memref_slice %arg2[%dma_wait3A_25, %dma_wait3A_26] : memref<10000x128xf32, #tpu.memory_space<hbm>> -> memref<10000x128xf32, #tpu.memory_space<hbm>>
      tpu.wait_indirect_dma semaphore(%arg11 : memref<!tpu.dma_semaphore, #tpu.memory_space<semaphore_mem>>) src(%dma_wait3A_27 : memref<10000x128xf32, #tpu.memory_space<hbm>>) dst(%arg9 : memref<125x128xf32, #tpu.memory_space<vmem>>)
      %mul3A_28 = arith.constant 125 : i32
      %mul3A_29 = arith.muli %add3A_11, %mul3A_28 : i32
      %add3A_30 = arith.addi %mul3A_2, %mul3A_29 : i32
      "tpu.region"() ({
        %run_scoped3A = tpu.sem_alloc : memref<!tpu.dma_semaphore, #tpu.memory_space<semaphore_mem>>
        %dma_start3A_40 = arith.constant 0 : i32
        %dma_start3A_41 = tpu.memref_slice %arg5[%add3A_30, %dma_start3A_40] : memref<40000x128xf32, #tpu.memory_space<hbm>> -> memref<125x128xf32, #tpu.memory_space<hbm>>
        %dma_start3A_42 = arith.constant 0 : i32
        %dma_start3A_43 = tpu.memref_slice %arg5[%add3A_30, %dma_start3A_42] : memref<40000x128xf32, #tpu.memory_space<hbm>> -> memref<125x128xf32, #tpu.memory_space<hbm>>
        tpu.enqueue_dma source(%arg9 : memref<125x128xf32, #tpu.memory_space<vmem>>) target(%dma_start3A_43 : memref<125x128xf32, #tpu.memory_space<hbm>>) target_semaphore(%run_scoped3A : memref<!tpu.dma_semaphore, #tpu.memory_space<semaphore_mem>>)
        %dma_wait3A_44 = arith.constant 0 : i32
        %dma_wait3A_45 = tpu.memref_slice %arg5[%add3A_30, %dma_wait3A_44] : memref<40000x128xf32, #tpu.memory_space<hbm>> -> memref<125x128xf32, #tpu.memory_space<hbm>>
        %dma_wait3A_46 = arith.constant 0 : i32
        %dma_wait3A_47 = tpu.memref_slice %arg5[%add3A_30, %dma_wait3A_46] : memref<40000x128xf32, #tpu.memory_space<hbm>> -> memref<125x128xf32, #tpu.memory_space<hbm>>
        tpu.wait_dma2 semaphore(%run_scoped3A : memref<!tpu.dma_semaphore, #tpu.memory_space<semaphore_mem>>) src(%arg9 : memref<125x128xf32, #tpu.memory_space<vmem>>) dst(%dma_wait3A_47 : memref<125x128xf32, #tpu.memory_space<hbm>>)
        tpu.yield
      }) : () -> ()
      %dma_wait3A_31 = arith.constant 0 : i32
      %dma_wait3A_32 = tpu.memref_slice %arg8[%add3A_11, %dma_wait3A_31] : memref<10x125xi32, #tpu.memory_space<vmem>> -> memref<1x125xi32, #tpu.memory_space<vmem>>
      %dma_wait3A_33 = tpu.memref_squeeze %dma_wait3A_32 : memref<1x125xi32, #tpu.memory_space<vmem>> -> memref<125xi32, #tpu.memory_space<vmem>>
      %dma_wait3A_34 = arith.constant 0 : i32
      %dma_wait3A_35 = arith.constant 0 : i32
      %dma_wait3A_36 = tpu.memref_slice %arg2[%dma_wait3A_34, %dma_wait3A_35] : memref<10000x128xf32, #tpu.memory_space<hbm>> -> memref<10000x128xf32, #tpu.memory_space<hbm>>
      tpu.wait_indirect_dma semaphore(%arg12 : memref<!tpu.dma_semaphore, #tpu.memory_space<semaphore_mem>>) src(%dma_wait3A_36 : memref<10000x128xf32, #tpu.memory_space<hbm>>) dst(%arg10 : memref<125x128xf32, #tpu.memory_space<vmem>>)
      %mul3A_37 = arith.constant 125 : i32
      %mul3A_38 = arith.muli %add3A_11, %mul3A_37 : i32
      %add3A_39 = arith.addi %mul3A_2, %mul3A_38 : i32
      "tpu.region"() ({
        %run_scoped3A = tpu.sem_alloc : memref<!tpu.dma_semaphore, #tpu.memory_space<semaphore_mem>>
        %dma_start3A_40 = arith.constant 0 : i32
        %dma_start3A_41 = tpu.memref_slice %arg6[%add3A_39, %dma_start3A_40] : memref<40000x128xf32, #tpu.memory_space<hbm>> -> memref<125x128xf32, #tpu.memory_space<hbm>>
        %dma_start3A_42 = arith.constant 0 : i32
        %dma_start3A_43 = tpu.memref_slice %arg6[%add3A_39, %dma_start3A_42] : memref<40000x128xf32, #tpu.memory_space<hbm>> -> memref<125x128xf32, #tpu.memory_space<hbm>>
        tpu.enqueue_dma source(%arg10 : memref<125x128xf32, #tpu.memory_space<vmem>>) target(%dma_start3A_43 : memref<125x128xf32, #tpu.memory_space<hbm>>) target_semaphore(%run_scoped3A : memref<!tpu.dma_semaphore, #tpu.memory_space<semaphore_mem>>)
        %dma_wait3A_44 = arith.constant 0 : i32
        %dma_wait3A_45 = tpu.memref_slice %arg6[%add3A_39, %dma_wait3A_44] : memref<40000x128xf32, #tpu.memory_space<hbm>> -> memref<125x128xf32, #tpu.memory_space<hbm>>
        %dma_wait3A_46 = arith.constant 0 : i32
        %dma_wait3A_47 = tpu.memref_slice %arg6[%add3A_39, %dma_wait3A_46] : memref<40000x128xf32, #tpu.memory_space<hbm>> -> memref<125x128xf32, #tpu.memory_space<hbm>>
        tpu.wait_dma2 semaphore(%run_scoped3A : memref<!tpu.dma_semaphore, #tpu.memory_space<semaphore_mem>>) src(%arg10 : memref<125x128xf32, #tpu.memory_space<vmem>>) dst(%dma_wait3A_47 : memref<125x128xf32, #tpu.memory_space<hbm>>)
        tpu.yield
      }) : () -> ()
    }
    %scan3A_6 = arith.constant 10 : i32
    return
  }
}

#map = affine_map<(d0, d1) -> (0, 0)>
#map1 = affine_map<(d0, d1) -> (0, 0, 0)>
module attributes {stable_mosaic.version = 14 : i64} {
  func.func @_gather_rows(%arg0: i32, %arg1: i32, %arg2: memref<10000x128xf32, #tpu.memory_space<hbm>>, %arg3: memref<32x10x125xi32, #tpu.memory_space<hbm>>, %arg4: memref<32x10x125xi32, #tpu.memory_space<hbm>>, %arg5: memref<40000x128xf32, #tpu.memory_space<hbm>>, %arg6: memref<40000x128xf32, #tpu.memory_space<hbm>>, %arg7: memref<10x125xi32, #tpu.memory_space<vmem>>, %arg8: memref<10x125xi32, #tpu.memory_space<vmem>>, %arg9: memref<125x128xf32, #tpu.memory_space<vmem>>, %arg10: memref<125x128xf32, #tpu.memory_space<vmem>>, %arg11: memref<!tpu.dma_semaphore, #tpu.memory_space<semaphore_mem>>, %arg12: memref<!tpu.dma_semaphore, #tpu.memory_space<semaphore_mem>>) attributes {dimension_semantics = [#tpu.dimension_semantics<core_parallel>, #tpu.dimension_semantics<subcore_parallel>], iteration_bounds = array<i64: 2, 16>, scalar_prefetch = 0 : i64, scratch_operands = 6 : i64, tpu.core_type = #tpu.core_type<sc_vector_subcore>, window_params = [{transform_indices = #map}, {transform_indices = #map1}, {transform_indices = #map1}, {transform_indices = #map}, {transform_indices = #map}]} {
    %mul3A = arith.constant 2 : i32
    %mul3A_0 = arith.muli %arg1, %mul3A : i32
    %add3A = arith.addi %mul3A_0, %arg0 : i32
    "tpu.region"() ({
      %run_scoped3A = tpu.sem_alloc : memref<!tpu.dma_semaphore, #tpu.memory_space<semaphore_mem>>
      %dma_start3A = arith.constant 0 : i32
      %dma_start3A_7 = arith.constant 0 : i32
      %dma_start3A_8 = tpu.memref_slice %arg3[%add3A, %dma_start3A, %dma_start3A_7] : memref<32x10x125xi32, #tpu.memory_space<hbm>> -> memref<1x10x125xi32, #tpu.memory_space<hbm>>
      %dma_start3A_9 = tpu.memref_squeeze %dma_start3A_8 : memref<1x10x125xi32, #tpu.memory_space<hbm>> -> memref<10x125xi32, #tpu.memory_space<hbm>>
      %dma_start3A_10 = arith.constant 0 : i32
      %dma_start3A_11 = arith.constant 0 : i32
      %dma_start3A_12 = tpu.memref_slice %arg3[%add3A, %dma_start3A_10, %dma_start3A_11] : memref<32x10x125xi32, #tpu.memory_space<hbm>> -> memref<1x10x125xi32, #tpu.memory_space<hbm>>
      %dma_start3A_13 = tpu.memref_squeeze %dma_start3A_12 : memref<1x10x125xi32, #tpu.memory_space<hbm>> -> memref<10x125xi32, #tpu.memory_space<hbm>>
      tpu.enqueue_dma source(%dma_start3A_13 : memref<10x125xi32, #tpu.memory_space<hbm>>) target(%arg7 : memref<10x125xi32, #tpu.memory_space<vmem>>) target_semaphore(%run_scoped3A : memref<!tpu.dma_semaphore, #tpu.memory_space<semaphore_mem>>)
      %dma_wait3A = arith.constant 0 : i32
      %dma_wait3A_14 = arith.constant 0 : i32
      %dma_wait3A_15 = tpu.memref_slice %arg3[%add3A, %dma_wait3A, %dma_wait3A_14] : memref<32x10x125xi32, #tpu.memory_space<hbm>> -> memref<1x10x125xi32, #tpu.memory_space<hbm>>
      %dma_wait3A_16 = tpu.memref_squeeze %dma_wait3A_15 : memref<1x10x125xi32, #tpu.memory_space<hbm>> -> memref<10x125xi32, #tpu.memory_space<hbm>>
      %dma_wait3A_17 = arith.constant 0 : i32
      %dma_wait3A_18 = arith.constant 0 : i32
      %dma_wait3A_19 = tpu.memref_slice %arg3[%add3A, %dma_wait3A_17, %dma_wait3A_18] : memref<32x10x125xi32, #tpu.memory_space<hbm>> -> memref<1x10x125xi32, #tpu.memory_space<hbm>>
      %dma_wait3A_20 = tpu.memref_squeeze %dma_wait3A_19 : memref<1x10x125xi32, #tpu.memory_space<hbm>> -> memref<10x125xi32, #tpu.memory_space<hbm>>
      tpu.wait_dma2 semaphore(%run_scoped3A : memref<!tpu.dma_semaphore, #tpu.memory_space<semaphore_mem>>) src(%dma_wait3A_20 : memref<10x125xi32, #tpu.memory_space<hbm>>) dst(%arg7 : memref<10x125xi32, #tpu.memory_space<vmem>>)
      tpu.yield
    }) : () -> ()
    "tpu.region"() ({
      %run_scoped3A = tpu.sem_alloc : memref<!tpu.dma_semaphore, #tpu.memory_space<semaphore_mem>>
      %dma_start3A = arith.constant 0 : i32
      %dma_start3A_7 = arith.constant 0 : i32
      %dma_start3A_8 = tpu.memref_slice %arg4[%add3A, %dma_start3A, %dma_start3A_7] : memref<32x10x125xi32, #tpu.memory_space<hbm>> -> memref<1x10x125xi32, #tpu.memory_space<hbm>>
      %dma_start3A_9 = tpu.memref_squeeze %dma_start3A_8 : memref<1x10x125xi32, #tpu.memory_space<hbm>> -> memref<10x125xi32, #tpu.memory_space<hbm>>
      %dma_start3A_10 = arith.constant 0 : i32
      %dma_start3A_11 = arith.constant 0 : i32
      %dma_start3A_12 = tpu.memref_slice %arg4[%add3A, %dma_start3A_10, %dma_start3A_11] : memref<32x10x125xi32, #tpu.memory_space<hbm>> -> memref<1x10x125xi32, #tpu.memory_space<hbm>>
      %dma_start3A_13 = tpu.memref_squeeze %dma_start3A_12 : memref<1x10x125xi32, #tpu.memory_space<hbm>> -> memref<10x125xi32, #tpu.memory_space<hbm>>
      tpu.enqueue_dma source(%dma_start3A_13 : memref<10x125xi32, #tpu.memory_space<hbm>>) target(%arg8 : memref<10x125xi32, #tpu.memory_space<vmem>>) target_semaphore(%run_scoped3A : memref<!tpu.dma_semaphore, #tpu.memory_space<semaphore_mem>>)
      %dma_wait3A = arith.constant 0 : i32
      %dma_wait3A_14 = arith.constant 0 : i32
      %dma_wait3A_15 = tpu.memref_slice %arg4[%add3A, %dma_wait3A, %dma_wait3A_14] : memref<32x10x125xi32, #tpu.memory_space<hbm>> -> memref<1x10x125xi32, #tpu.memory_space<hbm>>
      %dma_wait3A_16 = tpu.memref_squeeze %dma_wait3A_15 : memref<1x10x125xi32, #tpu.memory_space<hbm>> -> memref<10x125xi32, #tpu.memory_space<hbm>>
      %dma_wait3A_17 = arith.constant 0 : i32
      %dma_wait3A_18 = arith.constant 0 : i32
      %dma_wait3A_19 = tpu.memref_slice %arg4[%add3A, %dma_wait3A_17, %dma_wait3A_18] : memref<32x10x125xi32, #tpu.memory_space<hbm>> -> memref<1x10x125xi32, #tpu.memory_space<hbm>>
      %dma_wait3A_20 = tpu.memref_squeeze %dma_wait3A_19 : memref<1x10x125xi32, #tpu.memory_space<hbm>> -> memref<10x125xi32, #tpu.memory_space<hbm>>
      tpu.wait_dma2 semaphore(%run_scoped3A : memref<!tpu.dma_semaphore, #tpu.memory_space<semaphore_mem>>) src(%dma_wait3A_20 : memref<10x125xi32, #tpu.memory_space<hbm>>) dst(%arg8 : memref<10x125xi32, #tpu.memory_space<vmem>>)
      tpu.yield
    }) : () -> ()
    %mul3A_1 = arith.constant 1250 : i32
    %mul3A_2 = arith.muli %add3A, %mul3A_1 : i32
    %scan3A = arith.constant 0 : i32
    %scan3A_3 = arith.constant 10 : i32
    %scan3A_4 = arith.addi %scan3A, %scan3A_3 : i32
    %scan3A_5 = arith.constant 1 : i32
    scf.for %scan3A_7 = %scan3A to %scan3A_4 step %scan3A_5  : i32 {
      %mul3A_8 = arith.constant 1 : i32
      %mul3A_9 = arith.muli %scan3A_7, %mul3A_8 : i32
      %add3A_10 = arith.constant 0 : i32
      %add3A_11 = arith.addi %add3A_10, %mul3A_9 : i32
      %dma_start3A = arith.constant 0 : i32
      %dma_start3A_12 = tpu.memref_slice %arg7[%add3A_11, %dma_start3A] : memref<10x125xi32, #tpu.memory_space<vmem>> -> memref<1x125xi32, #tpu.memory_space<vmem>>
      %dma_start3A_13 = tpu.memref_squeeze %dma_start3A_12 : memref<1x125xi32, #tpu.memory_space<vmem>> -> memref<125xi32, #tpu.memory_space<vmem>>
      %dma_start3A_14 = arith.constant 0 : i32
      %dma_start3A_15 = arith.constant 0 : i32
      %dma_start3A_16 = tpu.memref_slice %arg2[%dma_start3A_14, %dma_start3A_15] : memref<10000x128xf32, #tpu.memory_space<hbm>> -> memref<10000x128xf32, #tpu.memory_space<hbm>>
      tpu.enqueue_indirect_dma source(%dma_start3A_16 : memref<10000x128xf32, #tpu.memory_space<hbm>>) target(%arg9 : memref<125x128xf32, #tpu.memory_space<vmem>>) offsets(%dma_start3A_13 : memref<125xi32, #tpu.memory_space<vmem>>) semaphore(%arg11 : memref<!tpu.dma_semaphore, #tpu.memory_space<semaphore_mem>>)
      %dma_start3A_17 = arith.constant 0 : i32
      %dma_start3A_18 = tpu.memref_slice %arg8[%add3A_11, %dma_start3A_17] : memref<10x125xi32, #tpu.memory_space<vmem>> -> memref<1x125xi32, #tpu.memory_space<vmem>>
      %dma_start3A_19 = tpu.memref_squeeze %dma_start3A_18 : memref<1x125xi32, #tpu.memory_space<vmem>> -> memref<125xi32, #tpu.memory_space<vmem>>
      %dma_start3A_20 = arith.constant 0 : i32
      %dma_start3A_21 = arith.constant 0 : i32
      %dma_start3A_22 = tpu.memref_slice %arg2[%dma_start3A_20, %dma_start3A_21] : memref<10000x128xf32, #tpu.memory_space<hbm>> -> memref<10000x128xf32, #tpu.memory_space<hbm>>
      tpu.enqueue_indirect_dma source(%dma_start3A_22 : memref<10000x128xf32, #tpu.memory_space<hbm>>) target(%arg10 : memref<125x128xf32, #tpu.memory_space<vmem>>) offsets(%dma_start3A_19 : memref<125xi32, #tpu.memory_space<vmem>>) semaphore(%arg12 : memref<!tpu.dma_semaphore, #tpu.memory_space<semaphore_mem>>)
      %dma_wait3A = arith.constant 0 : i32
      %dma_wait3A_23 = tpu.memref_slice %arg7[%add3A_11, %dma_wait3A] : memref<10x125xi32, #tpu.memory_space<vmem>> -> memref<1x125xi32, #tpu.memory_space<vmem>>
      %dma_wait3A_24 = tpu.memref_squeeze %dma_wait3A_23 : memref<1x125xi32, #tpu.memory_space<vmem>> -> memref<125xi32, #tpu.memory_space<vmem>>
      %dma_wait3A_25 = arith.constant 0 : i32
      %dma_wait3A_26 = arith.constant 0 : i32
      %dma_wait3A_27 = tpu.memref_slice %arg2[%dma_wait3A_25, %dma_wait3A_26] : memref<10000x128xf32, #tpu.memory_space<hbm>> -> memref<10000x128xf32, #tpu.memory_space<hbm>>
      tpu.wait_indirect_dma semaphore(%arg11 : memref<!tpu.dma_semaphore, #tpu.memory_space<semaphore_mem>>) src(%dma_wait3A_27 : memref<10000x128xf32, #tpu.memory_space<hbm>>) dst(%arg9 : memref<125x128xf32, #tpu.memory_space<vmem>>)
      %mul3A_28 = arith.constant 125 : i32
      %mul3A_29 = arith.muli %add3A_11, %mul3A_28 : i32
      %add3A_30 = arith.addi %mul3A_2, %mul3A_29 : i32
      "tpu.region"() ({
        %run_scoped3A = tpu.sem_alloc : memref<!tpu.dma_semaphore, #tpu.memory_space<semaphore_mem>>
        %dma_start3A_40 = arith.constant 0 : i32
        %dma_start3A_41 = tpu.memref_slice %arg5[%add3A_30, %dma_start3A_40] : memref<40000x128xf32, #tpu.memory_space<hbm>> -> memref<125x128xf32, #tpu.memory_space<hbm>>
        %dma_start3A_42 = arith.constant 0 : i32
        %dma_start3A_43 = tpu.memref_slice %arg5[%add3A_30, %dma_start3A_42] : memref<40000x128xf32, #tpu.memory_space<hbm>> -> memref<125x128xf32, #tpu.memory_space<hbm>>
        tpu.enqueue_dma source(%arg9 : memref<125x128xf32, #tpu.memory_space<vmem>>) target(%dma_start3A_43 : memref<125x128xf32, #tpu.memory_space<hbm>>) target_semaphore(%run_scoped3A : memref<!tpu.dma_semaphore, #tpu.memory_space<semaphore_mem>>)
        %dma_wait3A_44 = arith.constant 0 : i32
        %dma_wait3A_45 = tpu.memref_slice %arg5[%add3A_30, %dma_wait3A_44] : memref<40000x128xf32, #tpu.memory_space<hbm>> -> memref<125x128xf32, #tpu.memory_space<hbm>>
        %dma_wait3A_46 = arith.constant 0 : i32
        %dma_wait3A_47 = tpu.memref_slice %arg5[%add3A_30, %dma_wait3A_46] : memref<40000x128xf32, #tpu.memory_space<hbm>> -> memref<125x128xf32, #tpu.memory_space<hbm>>
        tpu.wait_dma2 semaphore(%run_scoped3A : memref<!tpu.dma_semaphore, #tpu.memory_space<semaphore_mem>>) src(%arg9 : memref<125x128xf32, #tpu.memory_space<vmem>>) dst(%dma_wait3A_47 : memref<125x128xf32, #tpu.memory_space<hbm>>)
        tpu.yield
      }) : () -> ()
      %dma_wait3A_31 = arith.constant 0 : i32
      %dma_wait3A_32 = tpu.memref_slice %arg8[%add3A_11, %dma_wait3A_31] : memref<10x125xi32, #tpu.memory_space<vmem>> -> memref<1x125xi32, #tpu.memory_space<vmem>>
      %dma_wait3A_33 = tpu.memref_squeeze %dma_wait3A_32 : memref<1x125xi32, #tpu.memory_space<vmem>> -> memref<125xi32, #tpu.memory_space<vmem>>
      %dma_wait3A_34 = arith.constant 0 : i32
      %dma_wait3A_35 = arith.constant 0 : i32
      %dma_wait3A_36 = tpu.memref_slice %arg2[%dma_wait3A_34, %dma_wait3A_35] : memref<10000x128xf32, #tpu.memory_space<hbm>> -> memref<10000x128xf32, #tpu.memory_space<hbm>>
      tpu.wait_indirect_dma semaphore(%arg12 : memref<!tpu.dma_semaphore, #tpu.memory_space<semaphore_mem>>) src(%dma_wait3A_36 : memref<10000x128xf32, #tpu.memory_space<hbm>>) dst(%arg10 : memref<125x128xf32, #tpu.memory_space<vmem>>)
      %mul3A_37 = arith.constant 125 : i32
      %mul3A_38 = arith.muli %add3A_11, %mul3A_37 : i32
      %add3A_39 = arith.addi %mul3A_2, %mul3A_38 : i32
      "tpu.region"() ({
        %run_scoped3A = tpu.sem_alloc : memref<!tpu.dma_semaphore, #tpu.memory_space<semaphore_mem>>
        %dma_start3A_40 = arith.constant 0 : i32
        %dma_start3A_41 = tpu.memref_slice %arg6[%add3A_39, %dma_start3A_40] : memref<40000x128xf32, #tpu.memory_space<hbm>> -> memref<125x128xf32, #tpu.memory_space<hbm>>
        %dma_start3A_42 = arith.constant 0 : i32
        %dma_start3A_43 = tpu.memref_slice %arg6[%add3A_39, %dma_start3A_42] : memref<40000x128xf32, #tpu.memory_space<hbm>> -> memref<125x128xf32, #tpu.memory_space<hbm>>
        tpu.enqueue_dma source(%arg10 : memref<125x128xf32, #tpu.memory_space<vmem>>) target(%dma_start3A_43 : memref<125x128xf32, #tpu.memory_space<hbm>>) target_semaphore(%run_scoped3A : memref<!tpu.dma_semaphore, #tpu.memory_space<semaphore_mem>>)
        %dma_wait3A_44 = arith.constant 0 : i32
        %dma_wait3A_45 = tpu.memref_slice %arg6[%add3A_39, %dma_wait3A_44] : memref<40000x128xf32, #tpu.memory_space<hbm>> -> memref<125x128xf32, #tpu.memory_space<hbm>>
        %dma_wait3A_46 = arith.constant 0 : i32
        %dma_wait3A_47 = tpu.memref_slice %arg6[%add3A_39, %dma_wait3A_46] : memref<40000x128xf32, #tpu.memory_space<hbm>> -> memref<125x128xf32, #tpu.memory_space<hbm>>
        tpu.wait_dma2 semaphore(%run_scoped3A : memref<!tpu.dma_semaphore, #tpu.memory_space<semaphore_mem>>) src(%arg10 : memref<125x128xf32, #tpu.memory_space<vmem>>) dst(%dma_wait3A_47 : memref<125x128xf32, #tpu.memory_space<hbm>>)
        tpu.yield
      }) : () -> ()
    }
    %scan3A_6 = arith.constant 10 : i32
    return
  }
}

#map = affine_map<(d0, d1) -> (0, 0)>
#map1 = affine_map<(d0, d1) -> (0, 0, 0)>
module attributes {stable_mosaic.version = 14 : i64} {
  func.func @_gather_rows(%arg0: i32, %arg1: i32, %arg2: memref<10000x128xf32, #tpu.memory_space<hbm>>, %arg3: memref<32x10x125xi32, #tpu.memory_space<hbm>>, %arg4: memref<32x10x125xi32, #tpu.memory_space<hbm>>, %arg5: memref<40000x128xf32, #tpu.memory_space<hbm>>, %arg6: memref<40000x128xf32, #tpu.memory_space<hbm>>, %arg7: memref<10x125xi32, #tpu.memory_space<vmem>>, %arg8: memref<10x125xi32, #tpu.memory_space<vmem>>, %arg9: memref<125x128xf32, #tpu.memory_space<vmem>>, %arg10: memref<125x128xf32, #tpu.memory_space<vmem>>, %arg11: memref<!tpu.dma_semaphore, #tpu.memory_space<semaphore_mem>>, %arg12: memref<!tpu.dma_semaphore, #tpu.memory_space<semaphore_mem>>) attributes {dimension_semantics = [#tpu.dimension_semantics<core_parallel>, #tpu.dimension_semantics<subcore_parallel>], iteration_bounds = array<i64: 2, 16>, scalar_prefetch = 0 : i64, scratch_operands = 6 : i64, tpu.core_type = #tpu.core_type<sc_vector_subcore>, window_params = [{transform_indices = #map}, {transform_indices = #map1}, {transform_indices = #map1}, {transform_indices = #map}, {transform_indices = #map}]} {
    %mul3A = arith.constant 2 : i32
    %mul3A_0 = arith.muli %arg1, %mul3A : i32
    %add3A = arith.addi %mul3A_0, %arg0 : i32
    "tpu.region"() ({
      %run_scoped3A = tpu.sem_alloc : memref<!tpu.dma_semaphore, #tpu.memory_space<semaphore_mem>>
      %dma_start3A = arith.constant 0 : i32
      %dma_start3A_7 = arith.constant 0 : i32
      %dma_start3A_8 = tpu.memref_slice %arg3[%add3A, %dma_start3A, %dma_start3A_7] : memref<32x10x125xi32, #tpu.memory_space<hbm>> -> memref<1x10x125xi32, #tpu.memory_space<hbm>>
      %dma_start3A_9 = tpu.memref_squeeze %dma_start3A_8 : memref<1x10x125xi32, #tpu.memory_space<hbm>> -> memref<10x125xi32, #tpu.memory_space<hbm>>
      %dma_start3A_10 = arith.constant 0 : i32
      %dma_start3A_11 = arith.constant 0 : i32
      %dma_start3A_12 = tpu.memref_slice %arg3[%add3A, %dma_start3A_10, %dma_start3A_11] : memref<32x10x125xi32, #tpu.memory_space<hbm>> -> memref<1x10x125xi32, #tpu.memory_space<hbm>>
      %dma_start3A_13 = tpu.memref_squeeze %dma_start3A_12 : memref<1x10x125xi32, #tpu.memory_space<hbm>> -> memref<10x125xi32, #tpu.memory_space<hbm>>
      tpu.enqueue_dma source(%dma_start3A_13 : memref<10x125xi32, #tpu.memory_space<hbm>>) target(%arg7 : memref<10x125xi32, #tpu.memory_space<vmem>>) target_semaphore(%run_scoped3A : memref<!tpu.dma_semaphore, #tpu.memory_space<semaphore_mem>>)
      %dma_wait3A = arith.constant 0 : i32
      %dma_wait3A_14 = arith.constant 0 : i32
      %dma_wait3A_15 = tpu.memref_slice %arg3[%add3A, %dma_wait3A, %dma_wait3A_14] : memref<32x10x125xi32, #tpu.memory_space<hbm>> -> memref<1x10x125xi32, #tpu.memory_space<hbm>>
      %dma_wait3A_16 = tpu.memref_squeeze %dma_wait3A_15 : memref<1x10x125xi32, #tpu.memory_space<hbm>> -> memref<10x125xi32, #tpu.memory_space<hbm>>
      %dma_wait3A_17 = arith.constant 0 : i32
      %dma_wait3A_18 = arith.constant 0 : i32
      %dma_wait3A_19 = tpu.memref_slice %arg3[%add3A, %dma_wait3A_17, %dma_wait3A_18] : memref<32x10x125xi32, #tpu.memory_space<hbm>> -> memref<1x10x125xi32, #tpu.memory_space<hbm>>
      %dma_wait3A_20 = tpu.memref_squeeze %dma_wait3A_19 : memref<1x10x125xi32, #tpu.memory_space<hbm>> -> memref<10x125xi32, #tpu.memory_space<hbm>>
      tpu.wait_dma2 semaphore(%run_scoped3A : memref<!tpu.dma_semaphore, #tpu.memory_space<semaphore_mem>>) src(%dma_wait3A_20 : memref<10x125xi32, #tpu.memory_space<hbm>>) dst(%arg7 : memref<10x125xi32, #tpu.memory_space<vmem>>)
      tpu.yield
    }) : () -> ()
    "tpu.region"() ({
      %run_scoped3A = tpu.sem_alloc : memref<!tpu.dma_semaphore, #tpu.memory_space<semaphore_mem>>
      %dma_start3A = arith.constant 0 : i32
      %dma_start3A_7 = arith.constant 0 : i32
      %dma_start3A_8 = tpu.memref_slice %arg4[%add3A, %dma_start3A, %dma_start3A_7] : memref<32x10x125xi32, #tpu.memory_space<hbm>> -> memref<1x10x125xi32, #tpu.memory_space<hbm>>
      %dma_start3A_9 = tpu.memref_squeeze %dma_start3A_8 : memref<1x10x125xi32, #tpu.memory_space<hbm>> -> memref<10x125xi32, #tpu.memory_space<hbm>>
      %dma_start3A_10 = arith.constant 0 : i32
      %dma_start3A_11 = arith.constant 0 : i32
      %dma_start3A_12 = tpu.memref_slice %arg4[%add3A, %dma_start3A_10, %dma_start3A_11] : memref<32x10x125xi32, #tpu.memory_space<hbm>> -> memref<1x10x125xi32, #tpu.memory_space<hbm>>
      %dma_start3A_13 = tpu.memref_squeeze %dma_start3A_12 : memref<1x10x125xi32, #tpu.memory_space<hbm>> -> memref<10x125xi32, #tpu.memory_space<hbm>>
      tpu.enqueue_dma source(%dma_start3A_13 : memref<10x125xi32, #tpu.memory_space<hbm>>) target(%arg8 : memref<10x125xi32, #tpu.memory_space<vmem>>) target_semaphore(%run_scoped3A : memref<!tpu.dma_semaphore, #tpu.memory_space<semaphore_mem>>)
      %dma_wait3A = arith.constant 0 : i32
      %dma_wait3A_14 = arith.constant 0 : i32
      %dma_wait3A_15 = tpu.memref_slice %arg4[%add3A, %dma_wait3A, %dma_wait3A_14] : memref<32x10x125xi32, #tpu.memory_space<hbm>> -> memref<1x10x125xi32, #tpu.memory_space<hbm>>
      %dma_wait3A_16 = tpu.memref_squeeze %dma_wait3A_15 : memref<1x10x125xi32, #tpu.memory_space<hbm>> -> memref<10x125xi32, #tpu.memory_space<hbm>>
      %dma_wait3A_17 = arith.constant 0 : i32
      %dma_wait3A_18 = arith.constant 0 : i32
      %dma_wait3A_19 = tpu.memref_slice %arg4[%add3A, %dma_wait3A_17, %dma_wait3A_18] : memref<32x10x125xi32, #tpu.memory_space<hbm>> -> memref<1x10x125xi32, #tpu.memory_space<hbm>>
      %dma_wait3A_20 = tpu.memref_squeeze %dma_wait3A_19 : memref<1x10x125xi32, #tpu.memory_space<hbm>> -> memref<10x125xi32, #tpu.memory_space<hbm>>
      tpu.wait_dma2 semaphore(%run_scoped3A : memref<!tpu.dma_semaphore, #tpu.memory_space<semaphore_mem>>) src(%dma_wait3A_20 : memref<10x125xi32, #tpu.memory_space<hbm>>) dst(%arg8 : memref<10x125xi32, #tpu.memory_space<vmem>>)
      tpu.yield
    }) : () -> ()
    %mul3A_1 = arith.constant 1250 : i32
    %mul3A_2 = arith.muli %add3A, %mul3A_1 : i32
    %scan3A = arith.constant 0 : i32
    %scan3A_3 = arith.constant 10 : i32
    %scan3A_4 = arith.addi %scan3A, %scan3A_3 : i32
    %scan3A_5 = arith.constant 1 : i32
    scf.for %scan3A_7 = %scan3A to %scan3A_4 step %scan3A_5  : i32 {
      %mul3A_8 = arith.constant 1 : i32
      %mul3A_9 = arith.muli %scan3A_7, %mul3A_8 : i32
      %add3A_10 = arith.constant 0 : i32
      %add3A_11 = arith.addi %add3A_10, %mul3A_9 : i32
      %dma_start3A = arith.constant 0 : i32
      %dma_start3A_12 = tpu.memref_slice %arg7[%add3A_11, %dma_start3A] : memref<10x125xi32, #tpu.memory_space<vmem>> -> memref<1x125xi32, #tpu.memory_space<vmem>>
      %dma_start3A_13 = tpu.memref_squeeze %dma_start3A_12 : memref<1x125xi32, #tpu.memory_space<vmem>> -> memref<125xi32, #tpu.memory_space<vmem>>
      %dma_start3A_14 = arith.constant 0 : i32
      %dma_start3A_15 = arith.constant 0 : i32
      %dma_start3A_16 = tpu.memref_slice %arg2[%dma_start3A_14, %dma_start3A_15] : memref<10000x128xf32, #tpu.memory_space<hbm>> -> memref<10000x128xf32, #tpu.memory_space<hbm>>
      tpu.enqueue_indirect_dma source(%dma_start3A_16 : memref<10000x128xf32, #tpu.memory_space<hbm>>) target(%arg9 : memref<125x128xf32, #tpu.memory_space<vmem>>) offsets(%dma_start3A_13 : memref<125xi32, #tpu.memory_space<vmem>>) semaphore(%arg11 : memref<!tpu.dma_semaphore, #tpu.memory_space<semaphore_mem>>)
      %dma_start3A_17 = arith.constant 0 : i32
      %dma_start3A_18 = tpu.memref_slice %arg8[%add3A_11, %dma_start3A_17] : memref<10x125xi32, #tpu.memory_space<vmem>> -> memref<1x125xi32, #tpu.memory_space<vmem>>
      %dma_start3A_19 = tpu.memref_squeeze %dma_start3A_18 : memref<1x125xi32, #tpu.memory_space<vmem>> -> memref<125xi32, #tpu.memory_space<vmem>>
      %dma_start3A_20 = arith.constant 0 : i32
      %dma_start3A_21 = arith.constant 0 : i32
      %dma_start3A_22 = tpu.memref_slice %arg2[%dma_start3A_20, %dma_start3A_21] : memref<10000x128xf32, #tpu.memory_space<hbm>> -> memref<10000x128xf32, #tpu.memory_space<hbm>>
      tpu.enqueue_indirect_dma source(%dma_start3A_22 : memref<10000x128xf32, #tpu.memory_space<hbm>>) target(%arg10 : memref<125x128xf32, #tpu.memory_space<vmem>>) offsets(%dma_start3A_19 : memref<125xi32, #tpu.memory_space<vmem>>) semaphore(%arg12 : memref<!tpu.dma_semaphore, #tpu.memory_space<semaphore_mem>>)
      %dma_wait3A = arith.constant 0 : i32
      %dma_wait3A_23 = tpu.memref_slice %arg7[%add3A_11, %dma_wait3A] : memref<10x125xi32, #tpu.memory_space<vmem>> -> memref<1x125xi32, #tpu.memory_space<vmem>>
      %dma_wait3A_24 = tpu.memref_squeeze %dma_wait3A_23 : memref<1x125xi32, #tpu.memory_space<vmem>> -> memref<125xi32, #tpu.memory_space<vmem>>
      %dma_wait3A_25 = arith.constant 0 : i32
      %dma_wait3A_26 = arith.constant 0 : i32
      %dma_wait3A_27 = tpu.memref_slice %arg2[%dma_wait3A_25, %dma_wait3A_26] : memref<10000x128xf32, #tpu.memory_space<hbm>> -> memref<10000x128xf32, #tpu.memory_space<hbm>>
      tpu.wait_indirect_dma semaphore(%arg11 : memref<!tpu.dma_semaphore, #tpu.memory_space<semaphore_mem>>) src(%dma_wait3A_27 : memref<10000x128xf32, #tpu.memory_space<hbm>>) dst(%arg9 : memref<125x128xf32, #tpu.memory_space<vmem>>)
      %mul3A_28 = arith.constant 125 : i32
      %mul3A_29 = arith.muli %add3A_11, %mul3A_28 : i32
      %add3A_30 = arith.addi %mul3A_2, %mul3A_29 : i32
      "tpu.region"() ({
        %run_scoped3A = tpu.sem_alloc : memref<!tpu.dma_semaphore, #tpu.memory_space<semaphore_mem>>
        %dma_start3A_40 = arith.constant 0 : i32
        %dma_start3A_41 = tpu.memref_slice %arg5[%add3A_30, %dma_start3A_40] : memref<40000x128xf32, #tpu.memory_space<hbm>> -> memref<125x128xf32, #tpu.memory_space<hbm>>
        %dma_start3A_42 = arith.constant 0 : i32
        %dma_start3A_43 = tpu.memref_slice %arg5[%add3A_30, %dma_start3A_42] : memref<40000x128xf32, #tpu.memory_space<hbm>> -> memref<125x128xf32, #tpu.memory_space<hbm>>
        tpu.enqueue_dma source(%arg9 : memref<125x128xf32, #tpu.memory_space<vmem>>) target(%dma_start3A_43 : memref<125x128xf32, #tpu.memory_space<hbm>>) target_semaphore(%run_scoped3A : memref<!tpu.dma_semaphore, #tpu.memory_space<semaphore_mem>>)
        %dma_wait3A_44 = arith.constant 0 : i32
        %dma_wait3A_45 = tpu.memref_slice %arg5[%add3A_30, %dma_wait3A_44] : memref<40000x128xf32, #tpu.memory_space<hbm>> -> memref<125x128xf32, #tpu.memory_space<hbm>>
        %dma_wait3A_46 = arith.constant 0 : i32
        %dma_wait3A_47 = tpu.memref_slice %arg5[%add3A_30, %dma_wait3A_46] : memref<40000x128xf32, #tpu.memory_space<hbm>> -> memref<125x128xf32, #tpu.memory_space<hbm>>
        tpu.wait_dma2 semaphore(%run_scoped3A : memref<!tpu.dma_semaphore, #tpu.memory_space<semaphore_mem>>) src(%arg9 : memref<125x128xf32, #tpu.memory_space<vmem>>) dst(%dma_wait3A_47 : memref<125x128xf32, #tpu.memory_space<hbm>>)
        tpu.yield
      }) : () -> ()
      %dma_wait3A_31 = arith.constant 0 : i32
      %dma_wait3A_32 = tpu.memref_slice %arg8[%add3A_11, %dma_wait3A_31] : memref<10x125xi32, #tpu.memory_space<vmem>> -> memref<1x125xi32, #tpu.memory_space<vmem>>
      %dma_wait3A_33 = tpu.memref_squeeze %dma_wait3A_32 : memref<1x125xi32, #tpu.memory_space<vmem>> -> memref<125xi32, #tpu.memory_space<vmem>>
      %dma_wait3A_34 = arith.constant 0 : i32
      %dma_wait3A_35 = arith.constant 0 : i32
      %dma_wait3A_36 = tpu.memref_slice %arg2[%dma_wait3A_34, %dma_wait3A_35] : memref<10000x128xf32, #tpu.memory_space<hbm>> -> memref<10000x128xf32, #tpu.memory_space<hbm>>
      tpu.wait_indirect_dma semaphore(%arg12 : memref<!tpu.dma_semaphore, #tpu.memory_space<semaphore_mem>>) src(%dma_wait3A_36 : memref<10000x128xf32, #tpu.memory_space<hbm>>) dst(%arg10 : memref<125x128xf32, #tpu.memory_space<vmem>>)
      %mul3A_37 = arith.constant 125 : i32
      %mul3A_38 = arith.muli %add3A_11, %mul3A_37 : i32
      %add3A_39 = arith.addi %mul3A_2, %mul3A_38 : i32
      "tpu.region"() ({
        %run_scoped3A = tpu.sem_alloc : memref<!tpu.dma_semaphore, #tpu.memory_space<semaphore_mem>>
        %dma_start3A_40 = arith.constant 0 : i32
        %dma_start3A_41 = tpu.memref_slice %arg6[%add3A_39, %dma_start3A_40] : memref<40000x128xf32, #tpu.memory_space<hbm>> -> memref<125x128xf32, #tpu.memory_space<hbm>>
        %dma_start3A_42 = arith.constant 0 : i32
        %dma_start3A_43 = tpu.memref_slice %arg6[%add3A_39, %dma_start3A_42] : memref<40000x128xf32, #tpu.memory_space<hbm>> -> memref<125x128xf32, #tpu.memory_space<hbm>>
        tpu.enqueue_dma source(%arg10 : memref<125x128xf32, #tpu.memory_space<vmem>>) target(%dma_start3A_43 : memref<125x128xf32, #tpu.memory_space<hbm>>) target_semaphore(%run_scoped3A : memref<!tpu.dma_semaphore, #tpu.memory_space<semaphore_mem>>)
        %dma_wait3A_44 = arith.constant 0 : i32
        %dma_wait3A_45 = tpu.memref_slice %arg6[%add3A_39, %dma_wait3A_44] : memref<40000x128xf32, #tpu.memory_space<hbm>> -> memref<125x128xf32, #tpu.memory_space<hbm>>
        %dma_wait3A_46 = arith.constant 0 : i32
        %dma_wait3A_47 = tpu.memref_slice %arg6[%add3A_39, %dma_wait3A_46] : memref<40000x128xf32, #tpu.memory_space<hbm>> -> memref<125x128xf32, #tpu.memory_space<hbm>>
        tpu.wait_dma2 semaphore(%run_scoped3A : memref<!tpu.dma_semaphore, #tpu.memory_space<semaphore_mem>>) src(%arg10 : memref<125x128xf32, #tpu.memory_space<vmem>>) dst(%dma_wait3A_47 : memref<125x128xf32, #tpu.memory_space<hbm>>)
        tpu.yield
      }) : () -> ()
    }
    %scan3A_6 = arith.constant 10 : i32
    return
  }
}

#map = affine_map<(d0, d1) -> (0, 0)>
#map1 = affine_map<(d0, d1) -> (0, 0, 0)>
module attributes {stable_mosaic.version = 14 : i64} {
  func.func @_gather_rows(%arg0: i32, %arg1: i32, %arg2: memref<10000x128xf32, #tpu.memory_space<hbm>>, %arg3: memref<32x10x125xi32, #tpu.memory_space<hbm>>, %arg4: memref<32x10x125xi32, #tpu.memory_space<hbm>>, %arg5: memref<40000x128xf32, #tpu.memory_space<hbm>>, %arg6: memref<40000x128xf32, #tpu.memory_space<hbm>>, %arg7: memref<10x125xi32, #tpu.memory_space<vmem>>, %arg8: memref<10x125xi32, #tpu.memory_space<vmem>>, %arg9: memref<125x128xf32, #tpu.memory_space<vmem>>, %arg10: memref<125x128xf32, #tpu.memory_space<vmem>>, %arg11: memref<!tpu.dma_semaphore, #tpu.memory_space<semaphore_mem>>, %arg12: memref<!tpu.dma_semaphore, #tpu.memory_space<semaphore_mem>>) attributes {dimension_semantics = [#tpu.dimension_semantics<core_parallel>, #tpu.dimension_semantics<subcore_parallel>], iteration_bounds = array<i64: 2, 16>, scalar_prefetch = 0 : i64, scratch_operands = 6 : i64, tpu.core_type = #tpu.core_type<sc_vector_subcore>, window_params = [{transform_indices = #map}, {transform_indices = #map1}, {transform_indices = #map1}, {transform_indices = #map}, {transform_indices = #map}]} {
    %mul3A = arith.constant 2 : i32
    %mul3A_0 = arith.muli %arg1, %mul3A : i32
    %add3A = arith.addi %mul3A_0, %arg0 : i32
    "tpu.region"() ({
      %run_scoped3A = tpu.sem_alloc : memref<!tpu.dma_semaphore, #tpu.memory_space<semaphore_mem>>
      %dma_start3A = arith.constant 0 : i32
      %dma_start3A_7 = arith.constant 0 : i32
      %dma_start3A_8 = tpu.memref_slice %arg3[%add3A, %dma_start3A, %dma_start3A_7] : memref<32x10x125xi32, #tpu.memory_space<hbm>> -> memref<1x10x125xi32, #tpu.memory_space<hbm>>
      %dma_start3A_9 = tpu.memref_squeeze %dma_start3A_8 : memref<1x10x125xi32, #tpu.memory_space<hbm>> -> memref<10x125xi32, #tpu.memory_space<hbm>>
      %dma_start3A_10 = arith.constant 0 : i32
      %dma_start3A_11 = arith.constant 0 : i32
      %dma_start3A_12 = tpu.memref_slice %arg3[%add3A, %dma_start3A_10, %dma_start3A_11] : memref<32x10x125xi32, #tpu.memory_space<hbm>> -> memref<1x10x125xi32, #tpu.memory_space<hbm>>
      %dma_start3A_13 = tpu.memref_squeeze %dma_start3A_12 : memref<1x10x125xi32, #tpu.memory_space<hbm>> -> memref<10x125xi32, #tpu.memory_space<hbm>>
      tpu.enqueue_dma source(%dma_start3A_13 : memref<10x125xi32, #tpu.memory_space<hbm>>) target(%arg7 : memref<10x125xi32, #tpu.memory_space<vmem>>) target_semaphore(%run_scoped3A : memref<!tpu.dma_semaphore, #tpu.memory_space<semaphore_mem>>)
      %dma_wait3A = arith.constant 0 : i32
      %dma_wait3A_14 = arith.constant 0 : i32
      %dma_wait3A_15 = tpu.memref_slice %arg3[%add3A, %dma_wait3A, %dma_wait3A_14] : memref<32x10x125xi32, #tpu.memory_space<hbm>> -> memref<1x10x125xi32, #tpu.memory_space<hbm>>
      %dma_wait3A_16 = tpu.memref_squeeze %dma_wait3A_15 : memref<1x10x125xi32, #tpu.memory_space<hbm>> -> memref<10x125xi32, #tpu.memory_space<hbm>>
      %dma_wait3A_17 = arith.constant 0 : i32
      %dma_wait3A_18 = arith.constant 0 : i32
      %dma_wait3A_19 = tpu.memref_slice %arg3[%add3A, %dma_wait3A_17, %dma_wait3A_18] : memref<32x10x125xi32, #tpu.memory_space<hbm>> -> memref<1x10x125xi32, #tpu.memory_space<hbm>>
      %dma_wait3A_20 = tpu.memref_squeeze %dma_wait3A_19 : memref<1x10x125xi32, #tpu.memory_space<hbm>> -> memref<10x125xi32, #tpu.memory_space<hbm>>
      tpu.wait_dma2 semaphore(%run_scoped3A : memref<!tpu.dma_semaphore, #tpu.memory_space<semaphore_mem>>) src(%dma_wait3A_20 : memref<10x125xi32, #tpu.memory_space<hbm>>) dst(%arg7 : memref<10x125xi32, #tpu.memory_space<vmem>>)
      tpu.yield
    }) : () -> ()
    "tpu.region"() ({
      %run_scoped3A = tpu.sem_alloc : memref<!tpu.dma_semaphore, #tpu.memory_space<semaphore_mem>>
      %dma_start3A = arith.constant 0 : i32
      %dma_start3A_7 = arith.constant 0 : i32
      %dma_start3A_8 = tpu.memref_slice %arg4[%add3A, %dma_start3A, %dma_start3A_7] : memref<32x10x125xi32, #tpu.memory_space<hbm>> -> memref<1x10x125xi32, #tpu.memory_space<hbm>>
      %dma_start3A_9 = tpu.memref_squeeze %dma_start3A_8 : memref<1x10x125xi32, #tpu.memory_space<hbm>> -> memref<10x125xi32, #tpu.memory_space<hbm>>
      %dma_start3A_10 = arith.constant 0 : i32
      %dma_start3A_11 = arith.constant 0 : i32
      %dma_start3A_12 = tpu.memref_slice %arg4[%add3A, %dma_start3A_10, %dma_start3A_11] : memref<32x10x125xi32, #tpu.memory_space<hbm>> -> memref<1x10x125xi32, #tpu.memory_space<hbm>>
      %dma_start3A_13 = tpu.memref_squeeze %dma_start3A_12 : memref<1x10x125xi32, #tpu.memory_space<hbm>> -> memref<10x125xi32, #tpu.memory_space<hbm>>
      tpu.enqueue_dma source(%dma_start3A_13 : memref<10x125xi32, #tpu.memory_space<hbm>>) target(%arg8 : memref<10x125xi32, #tpu.memory_space<vmem>>) target_semaphore(%run_scoped3A : memref<!tpu.dma_semaphore, #tpu.memory_space<semaphore_mem>>)
      %dma_wait3A = arith.constant 0 : i32
      %dma_wait3A_14 = arith.constant 0 : i32
      %dma_wait3A_15 = tpu.memref_slice %arg4[%add3A, %dma_wait3A, %dma_wait3A_14] : memref<32x10x125xi32, #tpu.memory_space<hbm>> -> memref<1x10x125xi32, #tpu.memory_space<hbm>>
      %dma_wait3A_16 = tpu.memref_squeeze %dma_wait3A_15 : memref<1x10x125xi32, #tpu.memory_space<hbm>> -> memref<10x125xi32, #tpu.memory_space<hbm>>
      %dma_wait3A_17 = arith.constant 0 : i32
      %dma_wait3A_18 = arith.constant 0 : i32
      %dma_wait3A_19 = tpu.memref_slice %arg4[%add3A, %dma_wait3A_17, %dma_wait3A_18] : memref<32x10x125xi32, #tpu.memory_space<hbm>> -> memref<1x10x125xi32, #tpu.memory_space<hbm>>
      %dma_wait3A_20 = tpu.memref_squeeze %dma_wait3A_19 : memref<1x10x125xi32, #tpu.memory_space<hbm>> -> memref<10x125xi32, #tpu.memory_space<hbm>>
      tpu.wait_dma2 semaphore(%run_scoped3A : memref<!tpu.dma_semaphore, #tpu.memory_space<semaphore_mem>>) src(%dma_wait3A_20 : memref<10x125xi32, #tpu.memory_space<hbm>>) dst(%arg8 : memref<10x125xi32, #tpu.memory_space<vmem>>)
      tpu.yield
    }) : () -> ()
    %mul3A_1 = arith.constant 1250 : i32
    %mul3A_2 = arith.muli %add3A, %mul3A_1 : i32
    %scan3A = arith.constant 0 : i32
    %scan3A_3 = arith.constant 10 : i32
    %scan3A_4 = arith.addi %scan3A, %scan3A_3 : i32
    %scan3A_5 = arith.constant 1 : i32
    scf.for %scan3A_7 = %scan3A to %scan3A_4 step %scan3A_5  : i32 {
      %mul3A_8 = arith.constant 1 : i32
      %mul3A_9 = arith.muli %scan3A_7, %mul3A_8 : i32
      %add3A_10 = arith.constant 0 : i32
      %add3A_11 = arith.addi %add3A_10, %mul3A_9 : i32
      %dma_start3A = arith.constant 0 : i32
      %dma_start3A_12 = tpu.memref_slice %arg7[%add3A_11, %dma_start3A] : memref<10x125xi32, #tpu.memory_space<vmem>> -> memref<1x125xi32, #tpu.memory_space<vmem>>
      %dma_start3A_13 = tpu.memref_squeeze %dma_start3A_12 : memref<1x125xi32, #tpu.memory_space<vmem>> -> memref<125xi32, #tpu.memory_space<vmem>>
      %dma_start3A_14 = arith.constant 0 : i32
      %dma_start3A_15 = arith.constant 0 : i32
      %dma_start3A_16 = tpu.memref_slice %arg2[%dma_start3A_14, %dma_start3A_15] : memref<10000x128xf32, #tpu.memory_space<hbm>> -> memref<10000x128xf32, #tpu.memory_space<hbm>>
      tpu.enqueue_indirect_dma source(%dma_start3A_16 : memref<10000x128xf32, #tpu.memory_space<hbm>>) target(%arg9 : memref<125x128xf32, #tpu.memory_space<vmem>>) offsets(%dma_start3A_13 : memref<125xi32, #tpu.memory_space<vmem>>) semaphore(%arg11 : memref<!tpu.dma_semaphore, #tpu.memory_space<semaphore_mem>>)
      %dma_start3A_17 = arith.constant 0 : i32
      %dma_start3A_18 = tpu.memref_slice %arg8[%add3A_11, %dma_start3A_17] : memref<10x125xi32, #tpu.memory_space<vmem>> -> memref<1x125xi32, #tpu.memory_space<vmem>>
      %dma_start3A_19 = tpu.memref_squeeze %dma_start3A_18 : memref<1x125xi32, #tpu.memory_space<vmem>> -> memref<125xi32, #tpu.memory_space<vmem>>
      %dma_start3A_20 = arith.constant 0 : i32
      %dma_start3A_21 = arith.constant 0 : i32
      %dma_start3A_22 = tpu.memref_slice %arg2[%dma_start3A_20, %dma_start3A_21] : memref<10000x128xf32, #tpu.memory_space<hbm>> -> memref<10000x128xf32, #tpu.memory_space<hbm>>
      tpu.enqueue_indirect_dma source(%dma_start3A_22 : memref<10000x128xf32, #tpu.memory_space<hbm>>) target(%arg10 : memref<125x128xf32, #tpu.memory_space<vmem>>) offsets(%dma_start3A_19 : memref<125xi32, #tpu.memory_space<vmem>>) semaphore(%arg12 : memref<!tpu.dma_semaphore, #tpu.memory_space<semaphore_mem>>)
      %dma_wait3A = arith.constant 0 : i32
      %dma_wait3A_23 = tpu.memref_slice %arg7[%add3A_11, %dma_wait3A] : memref<10x125xi32, #tpu.memory_space<vmem>> -> memref<1x125xi32, #tpu.memory_space<vmem>>
      %dma_wait3A_24 = tpu.memref_squeeze %dma_wait3A_23 : memref<1x125xi32, #tpu.memory_space<vmem>> -> memref<125xi32, #tpu.memory_space<vmem>>
      %dma_wait3A_25 = arith.constant 0 : i32
      %dma_wait3A_26 = arith.constant 0 : i32
      %dma_wait3A_27 = tpu.memref_slice %arg2[%dma_wait3A_25, %dma_wait3A_26] : memref<10000x128xf32, #tpu.memory_space<hbm>> -> memref<10000x128xf32, #tpu.memory_space<hbm>>
      tpu.wait_indirect_dma semaphore(%arg11 : memref<!tpu.dma_semaphore, #tpu.memory_space<semaphore_mem>>) src(%dma_wait3A_27 : memref<10000x128xf32, #tpu.memory_space<hbm>>) dst(%arg9 : memref<125x128xf32, #tpu.memory_space<vmem>>)
      %mul3A_28 = arith.constant 125 : i32
      %mul3A_29 = arith.muli %add3A_11, %mul3A_28 : i32
      %add3A_30 = arith.addi %mul3A_2, %mul3A_29 : i32
      "tpu.region"() ({
        %run_scoped3A = tpu.sem_alloc : memref<!tpu.dma_semaphore, #tpu.memory_space<semaphore_mem>>
        %dma_start3A_40 = arith.constant 0 : i32
        %dma_start3A_41 = tpu.memref_slice %arg5[%add3A_30, %dma_start3A_40] : memref<40000x128xf32, #tpu.memory_space<hbm>> -> memref<125x128xf32, #tpu.memory_space<hbm>>
        %dma_start3A_42 = arith.constant 0 : i32
        %dma_start3A_43 = tpu.memref_slice %arg5[%add3A_30, %dma_start3A_42] : memref<40000x128xf32, #tpu.memory_space<hbm>> -> memref<125x128xf32, #tpu.memory_space<hbm>>
        tpu.enqueue_dma source(%arg9 : memref<125x128xf32, #tpu.memory_space<vmem>>) target(%dma_start3A_43 : memref<125x128xf32, #tpu.memory_space<hbm>>) target_semaphore(%run_scoped3A : memref<!tpu.dma_semaphore, #tpu.memory_space<semaphore_mem>>)
        %dma_wait3A_44 = arith.constant 0 : i32
        %dma_wait3A_45 = tpu.memref_slice %arg5[%add3A_30, %dma_wait3A_44] : memref<40000x128xf32, #tpu.memory_space<hbm>> -> memref<125x128xf32, #tpu.memory_space<hbm>>
        %dma_wait3A_46 = arith.constant 0 : i32
        %dma_wait3A_47 = tpu.memref_slice %arg5[%add3A_30, %dma_wait3A_46] : memref<40000x128xf32, #tpu.memory_space<hbm>> -> memref<125x128xf32, #tpu.memory_space<hbm>>
        tpu.wait_dma2 semaphore(%run_scoped3A : memref<!tpu.dma_semaphore, #tpu.memory_space<semaphore_mem>>) src(%arg9 : memref<125x128xf32, #tpu.memory_space<vmem>>) dst(%dma_wait3A_47 : memref<125x128xf32, #tpu.memory_space<hbm>>)
        tpu.yield
      }) : () -> ()
      %dma_wait3A_31 = arith.constant 0 : i32
      %dma_wait3A_32 = tpu.memref_slice %arg8[%add3A_11, %dma_wait3A_31] : memref<10x125xi32, #tpu.memory_space<vmem>> -> memref<1x125xi32, #tpu.memory_space<vmem>>
      %dma_wait3A_33 = tpu.memref_squeeze %dma_wait3A_32 : memref<1x125xi32, #tpu.memory_space<vmem>> -> memref<125xi32, #tpu.memory_space<vmem>>
      %dma_wait3A_34 = arith.constant 0 : i32
      %dma_wait3A_35 = arith.constant 0 : i32
      %dma_wait3A_36 = tpu.memref_slice %arg2[%dma_wait3A_34, %dma_wait3A_35] : memref<10000x128xf32, #tpu.memory_space<hbm>> -> memref<10000x128xf32, #tpu.memory_space<hbm>>
      tpu.wait_indirect_dma semaphore(%arg12 : memref<!tpu.dma_semaphore, #tpu.memory_space<semaphore_mem>>) src(%dma_wait3A_36 : memref<10000x128xf32, #tpu.memory_space<hbm>>) dst(%arg10 : memref<125x128xf32, #tpu.memory_space<vmem>>)
      %mul3A_37 = arith.constant 125 : i32
      %mul3A_38 = arith.muli %add3A_11, %mul3A_37 : i32
      %add3A_39 = arith.addi %mul3A_2, %mul3A_38 : i32
      "tpu.region"() ({
        %run_scoped3A = tpu.sem_alloc : memref<!tpu.dma_semaphore, #tpu.memory_space<semaphore_mem>>
        %dma_start3A_40 = arith.constant 0 : i32
        %dma_start3A_41 = tpu.memref_slice %arg6[%add3A_39, %dma_start3A_40] : memref<40000x128xf32, #tpu.memory_space<hbm>> -> memref<125x128xf32, #tpu.memory_space<hbm>>
        %dma_start3A_42 = arith.constant 0 : i32
        %dma_start3A_43 = tpu.memref_slice %arg6[%add3A_39, %dma_start3A_42] : memref<40000x128xf32, #tpu.memory_space<hbm>> -> memref<125x128xf32, #tpu.memory_space<hbm>>
        tpu.enqueue_dma source(%arg10 : memref<125x128xf32, #tpu.memory_space<vmem>>) target(%dma_start3A_43 : memref<125x128xf32, #tpu.memory_space<hbm>>) target_semaphore(%run_scoped3A : memref<!tpu.dma_semaphore, #tpu.memory_space<semaphore_mem>>)
        %dma_wait3A_44 = arith.constant 0 : i32
        %dma_wait3A_45 = tpu.memref_slice %arg6[%add3A_39, %dma_wait3A_44] : memref<40000x128xf32, #tpu.memory_space<hbm>> -> memref<125x128xf32, #tpu.memory_space<hbm>>
        %dma_wait3A_46 = arith.constant 0 : i32
        %dma_wait3A_47 = tpu.memref_slice %arg6[%add3A_39, %dma_wait3A_46] : memref<40000x128xf32, #tpu.memory_space<hbm>> -> memref<125x128xf32, #tpu.memory_space<hbm>>
        tpu.wait_dma2 semaphore(%run_scoped3A : memref<!tpu.dma_semaphore, #tpu.memory_space<semaphore_mem>>) src(%arg10 : memref<125x128xf32, #tpu.memory_space<vmem>>) dst(%dma_wait3A_47 : memref<125x128xf32, #tpu.memory_space<hbm>>)
        tpu.yield
      }) : () -> ()
    }
    %scan3A_6 = arith.constant 10 : i32
    return
  }
}

#map = affine_map<(d0, d1) -> (0, 0)>
#map1 = affine_map<(d0, d1) -> (0, 0, 0)>
module attributes {stable_mosaic.version = 14 : i64} {
  func.func @_scatter_add(%arg0: i32, %arg1: i32, %arg2: memref<40000x128xf32, #tpu.memory_space<hbm>>, %arg3: memref<32x10x125xi32, #tpu.memory_space<hbm>>, %arg4: memref<32x10x125xi32, #tpu.memory_space<hbm>>, %arg5: memref<40000x128xf32, #tpu.memory_space<hbm>>, %arg6: memref<32x10x125xi32, #tpu.memory_space<hbm>>, %arg7: memref<32x10x125xi32, #tpu.memory_space<hbm>>, %arg8: memref<10000x128xf32, #tpu.memory_space<hbm>>, %arg9: memref<2x10000x128xf32, #tpu.memory_space<hbm>>, %arg10: memref<10x125xi32, #tpu.memory_space<vmem>>, %arg11: memref<10x125xi32, #tpu.memory_space<vmem>>, %arg12: memref<125x128xf32, #tpu.memory_space<vmem>>, %arg13: memref<10000x128xf32, #tpu.memory_space<vmem_shared>>) attributes {dimension_semantics = [#tpu.dimension_semantics<core_parallel>, #tpu.dimension_semantics<subcore_parallel>], iteration_bounds = array<i64: 2, 16>, scalar_prefetch = 0 : i64, scratch_operands = 4 : i64, tpu.core_type = #tpu.core_type<sc_vector_subcore>, window_params = [{transform_indices = #map}, {transform_indices = #map1}, {transform_indices = #map1}, {transform_indices = #map}, {transform_indices = #map1}, {transform_indices = #map1}, {transform_indices = #map}, {transform_indices = #map1}]} {
    %mul3A = arith.constant 2 : i32
    %mul3A_0 = arith.muli %arg1, %mul3A : i32
    %add3A = arith.addi %mul3A_0, %arg0 : i32
    %mul3A_1 = arith.constant 625 : i32
    %mul3A_2 = arith.muli %arg1, %mul3A_1 : i32
    "tpu.region"() ({
      %run_scoped3A = tpu.sem_alloc : memref<!tpu.dma_semaphore, #tpu.memory_space<semaphore_mem>>
      %dma_start3A = arith.constant 0 : i32
      %dma_start3A_15 = tpu.memref_slice %arg13[%mul3A_2, %dma_start3A] : memref<10000x128xf32, #tpu.memory_space<vmem_shared>> -> memref<625x128xf32, #tpu.memory_space<vmem_shared>>
      %dma_start3A_16 = arith.constant 0 : i32
      %dma_start3A_17 = tpu.memref_slice %arg8[%mul3A_2, %dma_start3A_16] : memref<10000x128xf32, #tpu.memory_space<hbm>> -> memref<625x128xf32, #tpu.memory_space<hbm>>
      tpu.enqueue_dma source(%dma_start3A_17 : memref<625x128xf32, #tpu.memory_space<hbm>>) target(%dma_start3A_15 : memref<625x128xf32, #tpu.memory_space<vmem_shared>>) target_semaphore(%run_scoped3A : memref<!tpu.dma_semaphore, #tpu.memory_space<semaphore_mem>>)
      %dma_wait3A = arith.constant 0 : i32
      %dma_wait3A_18 = tpu.memref_slice %arg13[%mul3A_2, %dma_wait3A] : memref<10000x128xf32, #tpu.memory_space<vmem_shared>> -> memref<625x128xf32, #tpu.memory_space<vmem_shared>>
      %dma_wait3A_19 = arith.constant 0 : i32
      %dma_wait3A_20 = tpu.memref_slice %arg8[%mul3A_2, %dma_wait3A_19] : memref<10000x128xf32, #tpu.memory_space<hbm>> -> memref<625x128xf32, #tpu.memory_space<hbm>>
      tpu.wait_dma2 semaphore(%run_scoped3A : memref<!tpu.dma_semaphore, #tpu.memory_space<semaphore_mem>>) src(%dma_wait3A_20 : memref<625x128xf32, #tpu.memory_space<hbm>>) dst(%dma_wait3A_18 : memref<625x128xf32, #tpu.memory_space<vmem_shared>>)
      tpu.yield
    }) : () -> ()
    %barrier3A = arith.constant 0 : index
    tpu.barrier barrier_id(%barrier3A)
    %mul3A_3 = arith.constant 1250 : i32
    %mul3A_4 = arith.muli %add3A, %mul3A_3 : i32
    "tpu.region"() ({
      %run_scoped3A = tpu.sem_alloc : memref<!tpu.dma_semaphore, #tpu.memory_space<semaphore_mem>>
      %dma_start3A = arith.constant 0 : i32
      %dma_start3A_15 = arith.constant 0 : i32
      %dma_start3A_16 = tpu.memref_slice %arg3[%add3A, %dma_start3A, %dma_start3A_15] : memref<32x10x125xi32, #tpu.memory_space<hbm>> -> memref<1x10x125xi32, #tpu.memory_space<hbm>>
      %dma_start3A_17 = tpu.memref_squeeze %dma_start3A_16 : memref<1x10x125xi32, #tpu.memory_space<hbm>> -> memref<10x125xi32, #tpu.memory_space<hbm>>
      %dma_start3A_18 = arith.constant 0 : i32
      %dma_start3A_19 = arith.constant 0 : i32
      %dma_start3A_20 = tpu.memref_slice %arg3[%add3A, %dma_start3A_18, %dma_start3A_19] : memref<32x10x125xi32, #tpu.memory_space<hbm>> -> memref<1x10x125xi32, #tpu.memory_space<hbm>>
      %dma_start3A_21 = tpu.memref_squeeze %dma_start3A_20 : memref<1x10x125xi32, #tpu.memory_space<hbm>> -> memref<10x125xi32, #tpu.memory_space<hbm>>
      tpu.enqueue_dma source(%dma_start3A_21 : memref<10x125xi32, #tpu.memory_space<hbm>>) target(%arg10 : memref<10x125xi32, #tpu.memory_space<vmem>>) target_semaphore(%run_scoped3A : memref<!tpu.dma_semaphore, #tpu.memory_space<semaphore_mem>>)
      %dma_wait3A = arith.constant 0 : i32
      %dma_wait3A_22 = arith.constant 0 : i32
      %dma_wait3A_23 = tpu.memref_slice %arg3[%add3A, %dma_wait3A, %dma_wait3A_22] : memref<32x10x125xi32, #tpu.memory_space<hbm>> -> memref<1x10x125xi32, #tpu.memory_space<hbm>>
      %dma_wait3A_24 = tpu.memref_squeeze %dma_wait3A_23 : memref<1x10x125xi32, #tpu.memory_space<hbm>> -> memref<10x125xi32, #tpu.memory_space<hbm>>
      %dma_wait3A_25 = arith.constant 0 : i32
      %dma_wait3A_26 = arith.constant 0 : i32
      %dma_wait3A_27 = tpu.memref_slice %arg3[%add3A, %dma_wait3A_25, %dma_wait3A_26] : memref<32x10x125xi32, #tpu.memory_space<hbm>> -> memref<1x10x125xi32, #tpu.memory_space<hbm>>
      %dma_wait3A_28 = tpu.memref_squeeze %dma_wait3A_27 : memref<1x10x125xi32, #tpu.memory_space<hbm>> -> memref<10x125xi32, #tpu.memory_space<hbm>>
      tpu.wait_dma2 semaphore(%run_scoped3A : memref<!tpu.dma_semaphore, #tpu.memory_space<semaphore_mem>>) src(%dma_wait3A_28 : memref<10x125xi32, #tpu.memory_space<hbm>>) dst(%arg10 : memref<10x125xi32, #tpu.memory_space<vmem>>)
      tpu.yield
    }) : () -> ()
    "tpu.region"() ({
      %run_scoped3A = tpu.sem_alloc : memref<!tpu.dma_semaphore, #tpu.memory_space<semaphore_mem>>
      %dma_start3A = arith.constant 0 : i32
      %dma_start3A_15 = arith.constant 0 : i32
      %dma_start3A_16 = tpu.memref_slice %arg4[%add3A, %dma_start3A, %dma_start3A_15] : memref<32x10x125xi32, #tpu.memory_space<hbm>> -> memref<1x10x125xi32, #tpu.memory_space<hbm>>
      %dma_start3A_17 = tpu.memref_squeeze %dma_start3A_16 : memref<1x10x125xi32, #tpu.memory_space<hbm>> -> memref<10x125xi32, #tpu.memory_space<hbm>>
      %dma_start3A_18 = arith.constant 0 : i32
      %dma_start3A_19 = arith.constant 0 : i32
      %dma_start3A_20 = tpu.memref_slice %arg4[%add3A, %dma_start3A_18, %dma_start3A_19] : memref<32x10x125xi32, #tpu.memory_space<hbm>> -> memref<1x10x125xi32, #tpu.memory_space<hbm>>
      %dma_start3A_21 = tpu.memref_squeeze %dma_start3A_20 : memref<1x10x125xi32, #tpu.memory_space<hbm>> -> memref<10x125xi32, #tpu.memory_space<hbm>>
      tpu.enqueue_dma source(%dma_start3A_21 : memref<10x125xi32, #tpu.memory_space<hbm>>) target(%arg11 : memref<10x125xi32, #tpu.memory_space<vmem>>) target_semaphore(%run_scoped3A : memref<!tpu.dma_semaphore, #tpu.memory_space<semaphore_mem>>)
      %dma_wait3A = arith.constant 0 : i32
      %dma_wait3A_22 = arith.constant 0 : i32
      %dma_wait3A_23 = tpu.memref_slice %arg4[%add3A, %dma_wait3A, %dma_wait3A_22] : memref<32x10x125xi32, #tpu.memory_space<hbm>> -> memref<1x10x125xi32, #tpu.memory_space<hbm>>
      %dma_wait3A_24 = tpu.memref_squeeze %dma_wait3A_23 : memref<1x10x125xi32, #tpu.memory_space<hbm>> -> memref<10x125xi32, #tpu.memory_space<hbm>>
      %dma_wait3A_25 = arith.constant 0 : i32
      %dma_wait3A_26 = arith.constant 0 : i32
      %dma_wait3A_27 = tpu.memref_slice %arg4[%add3A, %dma_wait3A_25, %dma_wait3A_26] : memref<32x10x125xi32, #tpu.memory_space<hbm>> -> memref<1x10x125xi32, #tpu.memory_space<hbm>>
      %dma_wait3A_28 = tpu.memref_squeeze %dma_wait3A_27 : memref<1x10x125xi32, #tpu.memory_space<hbm>> -> memref<10x125xi32, #tpu.memory_space<hbm>>
      tpu.wait_dma2 semaphore(%run_scoped3A : memref<!tpu.dma_semaphore, #tpu.memory_space<semaphore_mem>>) src(%dma_wait3A_28 : memref<10x125xi32, #tpu.memory_space<hbm>>) dst(%arg11 : memref<10x125xi32, #tpu.memory_space<vmem>>)
      tpu.yield
    }) : () -> ()
    %scan3A = arith.constant 0 : i32
    %scan3A_5 = arith.constant 10 : i32
    %scan3A_6 = arith.addi %scan3A, %scan3A_5 : i32
    %scan3A_7 = arith.constant 1 : i32
    scf.for %scan3A_15 = %scan3A to %scan3A_6 step %scan3A_7  : i32 {
      %mul3A_16 = arith.constant 1 : i32
      %mul3A_17 = arith.muli %scan3A_15, %mul3A_16 : i32
      %add3A_18 = arith.constant 0 : i32
      %add3A_19 = arith.addi %add3A_18, %mul3A_17 : i32
      %mul3A_20 = arith.constant 125 : i32
      %mul3A_21 = arith.muli %add3A_19, %mul3A_20 : i32
      %add3A_22 = arith.addi %mul3A_4, %mul3A_21 : i32
      "tpu.region"() ({
        %run_scoped3A = tpu.sem_alloc : memref<!tpu.dma_semaphore, #tpu.memory_space<semaphore_mem>>
        %dma_start3A = arith.constant 0 : i32
        %dma_start3A_23 = tpu.memref_slice %arg2[%add3A_22, %dma_start3A] : memref<40000x128xf32, #tpu.memory_space<hbm>> -> memref<125x128xf32, #tpu.memory_space<hbm>>
        %dma_start3A_24 = arith.constant 0 : i32
        %dma_start3A_25 = tpu.memref_slice %arg2[%add3A_22, %dma_start3A_24] : memref<40000x128xf32, #tpu.memory_space<hbm>> -> memref<125x128xf32, #tpu.memory_space<hbm>>
        tpu.enqueue_dma source(%dma_start3A_25 : memref<125x128xf32, #tpu.memory_space<hbm>>) target(%arg12 : memref<125x128xf32, #tpu.memory_space<vmem>>) target_semaphore(%run_scoped3A : memref<!tpu.dma_semaphore, #tpu.memory_space<semaphore_mem>>)
        %dma_wait3A = arith.constant 0 : i32
        %dma_wait3A_26 = tpu.memref_slice %arg2[%add3A_22, %dma_wait3A] : memref<40000x128xf32, #tpu.memory_space<hbm>> -> memref<125x128xf32, #tpu.memory_space<hbm>>
        %dma_wait3A_27 = arith.constant 0 : i32
        %dma_wait3A_28 = tpu.memref_slice %arg2[%add3A_22, %dma_wait3A_27] : memref<40000x128xf32, #tpu.memory_space<hbm>> -> memref<125x128xf32, #tpu.memory_space<hbm>>
        tpu.wait_dma2 semaphore(%run_scoped3A : memref<!tpu.dma_semaphore, #tpu.memory_space<semaphore_mem>>) src(%dma_wait3A_28 : memref<125x128xf32, #tpu.memory_space<hbm>>) dst(%arg12 : memref<125x128xf32, #tpu.memory_space<vmem>>)
        tpu.yield
      }) : () -> ()
      "tpu.region"() ({
        %run_scoped3A = tpu.sem_alloc : memref<!tpu.dma_semaphore, #tpu.memory_space<semaphore_mem>>
        %dma_start3A = arith.constant 0 : i32
        %dma_start3A_23 = tpu.memref_slice %arg10[%add3A_19, %dma_start3A] : memref<10x125xi32, #tpu.memory_space<vmem>> -> memref<1x125xi32, #tpu.memory_space<vmem>>
        %dma_start3A_24 = tpu.memref_squeeze %dma_start3A_23 : memref<1x125xi32, #tpu.memory_space<vmem>> -> memref<125xi32, #tpu.memory_space<vmem>>
        %dma_start3A_25 = arith.constant 0 : i32
        %dma_start3A_26 = arith.constant 0 : i32
        %dma_start3A_27 = tpu.memref_slice %arg13[%dma_start3A_25, %dma_start3A_26] : memref<10000x128xf32, #tpu.memory_space<vmem_shared>> -> memref<10000x128xf32, #tpu.memory_space<vmem_shared>>
        tpu.enqueue_indirect_dma source(%arg12 : memref<125x128xf32, #tpu.memory_space<vmem>>) target(%dma_start3A_27 : memref<10000x128xf32, #tpu.memory_space<vmem_shared>>) offsets(%dma_start3A_24 : memref<125xi32, #tpu.memory_space<vmem>>) semaphore(%run_scoped3A : memref<!tpu.dma_semaphore, #tpu.memory_space<semaphore_mem>>) {add = true}
        %dma_wait3A = arith.constant 0 : i32
        %dma_wait3A_28 = tpu.memref_slice %arg10[%add3A_19, %dma_wait3A] : memref<10x125xi32, #tpu.memory_space<vmem>> -> memref<1x125xi32, #tpu.memory_space<vmem>>
        %dma_wait3A_29 = tpu.memref_squeeze %dma_wait3A_28 : memref<1x125xi32, #tpu.memory_space<vmem>> -> memref<125xi32, #tpu.memory_space<vmem>>
        %dma_wait3A_30 = arith.constant 0 : i32
        %dma_wait3A_31 = arith.constant 0 : i32
        %dma_wait3A_32 = tpu.memref_slice %arg13[%dma_wait3A_30, %dma_wait3A_31] : memref<10000x128xf32, #tpu.memory_space<vmem_shared>> -> memref<10000x128xf32, #tpu.memory_space<vmem_shared>>
        tpu.wait_indirect_dma semaphore(%run_scoped3A : memref<!tpu.dma_semaphore, #tpu.memory_space<semaphore_mem>>) src(%arg12 : memref<125x128xf32, #tpu.memory_space<vmem>>) dst(%dma_wait3A_32 : memref<10000x128xf32, #tpu.memory_space<vmem_shared>>)
        tpu.yield
      }) : () -> ()
      "tpu.region"() ({
        %run_scoped3A = tpu.sem_alloc : memref<!tpu.dma_semaphore, #tpu.memory_space<semaphore_mem>>
        %dma_start3A = arith.constant 0 : i32
        %dma_start3A_23 = tpu.memref_slice %arg11[%add3A_19, %dma_start3A] : memref<10x125xi32, #tpu.memory_space<vmem>> -> memref<1x125xi32, #tpu.memory_space<vmem>>
        %dma_start3A_24 = tpu.memref_squeeze %dma_start3A_23 : memref<1x125xi32, #tpu.memory_space<vmem>> -> memref<125xi32, #tpu.memory_space<vmem>>
        %dma_start3A_25 = arith.constant 0 : i32
        %dma_start3A_26 = arith.constant 0 : i32
        %dma_start3A_27 = tpu.memref_slice %arg13[%dma_start3A_25, %dma_start3A_26] : memref<10000x128xf32, #tpu.memory_space<vmem_shared>> -> memref<10000x128xf32, #tpu.memory_space<vmem_shared>>
        tpu.enqueue_indirect_dma source(%arg12 : memref<125x128xf32, #tpu.memory_space<vmem>>) target(%dma_start3A_27 : memref<10000x128xf32, #tpu.memory_space<vmem_shared>>) offsets(%dma_start3A_24 : memref<125xi32, #tpu.memory_space<vmem>>) semaphore(%run_scoped3A : memref<!tpu.dma_semaphore, #tpu.memory_space<semaphore_mem>>) {add = true}
        %dma_wait3A = arith.constant 0 : i32
        %dma_wait3A_28 = tpu.memref_slice %arg11[%add3A_19, %dma_wait3A] : memref<10x125xi32, #tpu.memory_space<vmem>> -> memref<1x125xi32, #tpu.memory_space<vmem>>
        %dma_wait3A_29 = tpu.memref_squeeze %dma_wait3A_28 : memref<1x125xi32, #tpu.memory_space<vmem>> -> memref<125xi32, #tpu.memory_space<vmem>>
        %dma_wait3A_30 = arith.constant 0 : i32
        %dma_wait3A_31 = arith.constant 0 : i32
        %dma_wait3A_32 = tpu.memref_slice %arg13[%dma_wait3A_30, %dma_wait3A_31] : memref<10000x128xf32, #tpu.memory_space<vmem_shared>> -> memref<10000x128xf32, #tpu.memory_space<vmem_shared>>
        tpu.wait_indirect_dma semaphore(%run_scoped3A : memref<!tpu.dma_semaphore, #tpu.memory_space<semaphore_mem>>) src(%arg12 : memref<125x128xf32, #tpu.memory_space<vmem>>) dst(%dma_wait3A_32 : memref<10000x128xf32, #tpu.memory_space<vmem_shared>>)
        tpu.yield
      }) : () -> ()
    }
    %scan3A_8 = arith.constant 10 : i32
    "tpu.region"() ({
      %run_scoped3A = tpu.sem_alloc : memref<!tpu.dma_semaphore, #tpu.memory_space<semaphore_mem>>
      %dma_start3A = arith.constant 0 : i32
      %dma_start3A_15 = arith.constant 0 : i32
      %dma_start3A_16 = tpu.memref_slice %arg6[%add3A, %dma_start3A, %dma_start3A_15] : memref<32x10x125xi32, #tpu.memory_space<hbm>> -> memref<1x10x125xi32, #tpu.memory_space<hbm>>
      %dma_start3A_17 = tpu.memref_squeeze %dma_start3A_16 : memref<1x10x125xi32, #tpu.memory_space<hbm>> -> memref<10x125xi32, #tpu.memory_space<hbm>>
      %dma_start3A_18 = arith.constant 0 : i32
      %dma_start3A_19 = arith.constant 0 : i32
      %dma_start3A_20 = tpu.memref_slice %arg6[%add3A, %dma_start3A_18, %dma_start3A_19] : memref<32x10x125xi32, #tpu.memory_space<hbm>> -> memref<1x10x125xi32, #tpu.memory_space<hbm>>
      %dma_start3A_21 = tpu.memref_squeeze %dma_start3A_20 : memref<1x10x125xi32, #tpu.memory_space<hbm>> -> memref<10x125xi32, #tpu.memory_space<hbm>>
      tpu.enqueue_dma source(%dma_start3A_21 : memref<10x125xi32, #tpu.memory_space<hbm>>) target(%arg10 : memref<10x125xi32, #tpu.memory_space<vmem>>) target_semaphore(%run_scoped3A : memref<!tpu.dma_semaphore, #tpu.memory_space<semaphore_mem>>)
      %dma_wait3A = arith.constant 0 : i32
      %dma_wait3A_22 = arith.constant 0 : i32
      %dma_wait3A_23 = tpu.memref_slice %arg6[%add3A, %dma_wait3A, %dma_wait3A_22] : memref<32x10x125xi32, #tpu.memory_space<hbm>> -> memref<1x10x125xi32, #tpu.memory_space<hbm>>
      %dma_wait3A_24 = tpu.memref_squeeze %dma_wait3A_23 : memref<1x10x125xi32, #tpu.memory_space<hbm>> -> memref<10x125xi32, #tpu.memory_space<hbm>>
      %dma_wait3A_25 = arith.constant 0 : i32
      %dma_wait3A_26 = arith.constant 0 : i32
      %dma_wait3A_27 = tpu.memref_slice %arg6[%add3A, %dma_wait3A_25, %dma_wait3A_26] : memref<32x10x125xi32, #tpu.memory_space<hbm>> -> memref<1x10x125xi32, #tpu.memory_space<hbm>>
      %dma_wait3A_28 = tpu.memref_squeeze %dma_wait3A_27 : memref<1x10x125xi32, #tpu.memory_space<hbm>> -> memref<10x125xi32, #tpu.memory_space<hbm>>
      tpu.wait_dma2 semaphore(%run_scoped3A : memref<!tpu.dma_semaphore, #tpu.memory_space<semaphore_mem>>) src(%dma_wait3A_28 : memref<10x125xi32, #tpu.memory_space<hbm>>) dst(%arg10 : memref<10x125xi32, #tpu.memory_space<vmem>>)
      tpu.yield
    }) : () -> ()
    "tpu.region"() ({
      %run_scoped3A = tpu.sem_alloc : memref<!tpu.dma_semaphore, #tpu.memory_space<semaphore_mem>>
      %dma_start3A = arith.constant 0 : i32
      %dma_start3A_15 = arith.constant 0 : i32
      %dma_start3A_16 = tpu.memref_slice %arg7[%add3A, %dma_start3A, %dma_start3A_15] : memref<32x10x125xi32, #tpu.memory_space<hbm>> -> memref<1x10x125xi32, #tpu.memory_space<hbm>>
      %dma_start3A_17 = tpu.memref_squeeze %dma_start3A_16 : memref<1x10x125xi32, #tpu.memory_space<hbm>> -> memref<10x125xi32, #tpu.memory_space<hbm>>
      %dma_start3A_18 = arith.constant 0 : i32
      %dma_start3A_19 = arith.constant 0 : i32
      %dma_start3A_20 = tpu.memref_slice %arg7[%add3A, %dma_start3A_18, %dma_start3A_19] : memref<32x10x125xi32, #tpu.memory_space<hbm>> -> memref<1x10x125xi32, #tpu.memory_space<hbm>>
      %dma_start3A_21 = tpu.memref_squeeze %dma_start3A_20 : memref<1x10x125xi32, #tpu.memory_space<hbm>> -> memref<10x125xi32, #tpu.memory_space<hbm>>
      tpu.enqueue_dma source(%dma_start3A_21 : memref<10x125xi32, #tpu.memory_space<hbm>>) target(%arg11 : memref<10x125xi32, #tpu.memory_space<vmem>>) target_semaphore(%run_scoped3A : memref<!tpu.dma_semaphore, #tpu.memory_space<semaphore_mem>>)
      %dma_wait3A = arith.constant 0 : i32
      %dma_wait3A_22 = arith.constant 0 : i32
      %dma_wait3A_23 = tpu.memref_slice %arg7[%add3A, %dma_wait3A, %dma_wait3A_22] : memref<32x10x125xi32, #tpu.memory_space<hbm>> -> memref<1x10x125xi32, #tpu.memory_space<hbm>>
      %dma_wait3A_24 = tpu.memref_squeeze %dma_wait3A_23 : memref<1x10x125xi32, #tpu.memory_space<hbm>> -> memref<10x125xi32, #tpu.memory_space<hbm>>
      %dma_wait3A_25 = arith.constant 0 : i32
      %dma_wait3A_26 = arith.constant 0 : i32
      %dma_wait3A_27 = tpu.memref_slice %arg7[%add3A, %dma_wait3A_25, %dma_wait3A_26] : memref<32x10x125xi32, #tpu.memory_space<hbm>> -> memref<1x10x125xi32, #tpu.memory_space<hbm>>
      %dma_wait3A_28 = tpu.memref_squeeze %dma_wait3A_27 : memref<1x10x125xi32, #tpu.memory_space<hbm>> -> memref<10x125xi32, #tpu.memory_space<hbm>>
      tpu.wait_dma2 semaphore(%run_scoped3A : memref<!tpu.dma_semaphore, #tpu.memory_space<semaphore_mem>>) src(%dma_wait3A_28 : memref<10x125xi32, #tpu.memory_space<hbm>>) dst(%arg11 : memref<10x125xi32, #tpu.memory_space<vmem>>)
      tpu.yield
    }) : () -> ()
    %scan3A_9 = arith.constant 0 : i32
    %scan3A_10 = arith.constant 10 : i32
    %scan3A_11 = arith.addi %scan3A_9, %scan3A_10 : i32
    %scan3A_12 = arith.constant 1 : i32
    scf.for %scan3A_15 = %scan3A_9 to %scan3A_11 step %scan3A_12  : i32 {
      %mul3A_16 = arith.constant 1 : i32
      %mul3A_17 = arith.muli %scan3A_15, %mul3A_16 : i32
      %add3A_18 = arith.constant 0 : i32
      %add3A_19 = arith.addi %add3A_18, %mul3A_17 : i32
      %mul3A_20 = arith.constant 125 : i32
      %mul3A_21 = arith.muli %add3A_19, %mul3A_20 : i32
      %add3A_22 = arith.addi %mul3A_4, %mul3A_21 : i32
      "tpu.region"() ({
        %run_scoped3A = tpu.sem_alloc : memref<!tpu.dma_semaphore, #tpu.memory_space<semaphore_mem>>
        %dma_start3A = arith.constant 0 : i32
        %dma_start3A_23 = tpu.memref_slice %arg5[%add3A_22, %dma_start3A] : memref<40000x128xf32, #tpu.memory_space<hbm>> -> memref<125x128xf32, #tpu.memory_space<hbm>>
        %dma_start3A_24 = arith.constant 0 : i32
        %dma_start3A_25 = tpu.memref_slice %arg5[%add3A_22, %dma_start3A_24] : memref<40000x128xf32, #tpu.memory_space<hbm>> -> memref<125x128xf32, #tpu.memory_space<hbm>>
        tpu.enqueue_dma source(%dma_start3A_25 : memref<125x128xf32, #tpu.memory_space<hbm>>) target(%arg12 : memref<125x128xf32, #tpu.memory_space<vmem>>) target_semaphore(%run_scoped3A : memref<!tpu.dma_semaphore, #tpu.memory_space<semaphore_mem>>)
        %dma_wait3A = arith.constant 0 : i32
        %dma_wait3A_26 = tpu.memref_slice %arg5[%add3A_22, %dma_wait3A] : memref<40000x128xf32, #tpu.memory_space<hbm>> -> memref<125x128xf32, #tpu.memory_space<hbm>>
        %dma_wait3A_27 = arith.constant 0 : i32
        %dma_wait3A_28 = tpu.memref_slice %arg5[%add3A_22, %dma_wait3A_27] : memref<40000x128xf32, #tpu.memory_space<hbm>> -> memref<125x128xf32, #tpu.memory_space<hbm>>
        tpu.wait_dma2 semaphore(%run_scoped3A : memref<!tpu.dma_semaphore, #tpu.memory_space<semaphore_mem>>) src(%dma_wait3A_28 : memref<125x128xf32, #tpu.memory_space<hbm>>) dst(%arg12 : memref<125x128xf32, #tpu.memory_space<vmem>>)
        tpu.yield
      }) : () -> ()
      "tpu.region"() ({
        %run_scoped3A = tpu.sem_alloc : memref<!tpu.dma_semaphore, #tpu.memory_space<semaphore_mem>>
        %dma_start3A = arith.constant 0 : i32
        %dma_start3A_23 = tpu.memref_slice %arg10[%add3A_19, %dma_start3A] : memref<10x125xi32, #tpu.memory_space<vmem>> -> memref<1x125xi32, #tpu.memory_space<vmem>>
        %dma_start3A_24 = tpu.memref_squeeze %dma_start3A_23 : memref<1x125xi32, #tpu.memory_space<vmem>> -> memref<125xi32, #tpu.memory_space<vmem>>
        %dma_start3A_25 = arith.constant 0 : i32
        %dma_start3A_26 = arith.constant 0 : i32
        %dma_start3A_27 = tpu.memref_slice %arg13[%dma_start3A_25, %dma_start3A_26] : memref<10000x128xf32, #tpu.memory_space<vmem_shared>> -> memref<10000x128xf32, #tpu.memory_space<vmem_shared>>
        tpu.enqueue_indirect_dma source(%arg12 : memref<125x128xf32, #tpu.memory_space<vmem>>) target(%dma_start3A_27 : memref<10000x128xf32, #tpu.memory_space<vmem_shared>>) offsets(%dma_start3A_24 : memref<125xi32, #tpu.memory_space<vmem>>) semaphore(%run_scoped3A : memref<!tpu.dma_semaphore, #tpu.memory_space<semaphore_mem>>) {add = true}
        %dma_wait3A = arith.constant 0 : i32
        %dma_wait3A_28 = tpu.memref_slice %arg10[%add3A_19, %dma_wait3A] : memref<10x125xi32, #tpu.memory_space<vmem>> -> memref<1x125xi32, #tpu.memory_space<vmem>>
        %dma_wait3A_29 = tpu.memref_squeeze %dma_wait3A_28 : memref<1x125xi32, #tpu.memory_space<vmem>> -> memref<125xi32, #tpu.memory_space<vmem>>
        %dma_wait3A_30 = arith.constant 0 : i32
        %dma_wait3A_31 = arith.constant 0 : i32
        %dma_wait3A_32 = tpu.memref_slice %arg13[%dma_wait3A_30, %dma_wait3A_31] : memref<10000x128xf32, #tpu.memory_space<vmem_shared>> -> memref<10000x128xf32, #tpu.memory_space<vmem_shared>>
        tpu.wait_indirect_dma semaphore(%run_scoped3A : memref<!tpu.dma_semaphore, #tpu.memory_space<semaphore_mem>>) src(%arg12 : memref<125x128xf32, #tpu.memory_space<vmem>>) dst(%dma_wait3A_32 : memref<10000x128xf32, #tpu.memory_space<vmem_shared>>)
        tpu.yield
      }) : () -> ()
      "tpu.region"() ({
        %run_scoped3A = tpu.sem_alloc : memref<!tpu.dma_semaphore, #tpu.memory_space<semaphore_mem>>
        %dma_start3A = arith.constant 0 : i32
        %dma_start3A_23 = tpu.memref_slice %arg11[%add3A_19, %dma_start3A] : memref<10x125xi32, #tpu.memory_space<vmem>> -> memref<1x125xi32, #tpu.memory_space<vmem>>
        %dma_start3A_24 = tpu.memref_squeeze %dma_start3A_23 : memref<1x125xi32, #tpu.memory_space<vmem>> -> memref<125xi32, #tpu.memory_space<vmem>>
        %dma_start3A_25 = arith.constant 0 : i32
        %dma_start3A_26 = arith.constant 0 : i32
        %dma_start3A_27 = tpu.memref_slice %arg13[%dma_start3A_25, %dma_start3A_26] : memref<10000x128xf32, #tpu.memory_space<vmem_shared>> -> memref<10000x128xf32, #tpu.memory_space<vmem_shared>>
        tpu.enqueue_indirect_dma source(%arg12 : memref<125x128xf32, #tpu.memory_space<vmem>>) target(%dma_start3A_27 : memref<10000x128xf32, #tpu.memory_space<vmem_shared>>) offsets(%dma_start3A_24 : memref<125xi32, #tpu.memory_space<vmem>>) semaphore(%run_scoped3A : memref<!tpu.dma_semaphore, #tpu.memory_space<semaphore_mem>>) {add = true}
        %dma_wait3A = arith.constant 0 : i32
        %dma_wait3A_28 = tpu.memref_slice %arg11[%add3A_19, %dma_wait3A] : memref<10x125xi32, #tpu.memory_space<vmem>> -> memref<1x125xi32, #tpu.memory_space<vmem>>
        %dma_wait3A_29 = tpu.memref_squeeze %dma_wait3A_28 : memref<1x125xi32, #tpu.memory_space<vmem>> -> memref<125xi32, #tpu.memory_space<vmem>>
        %dma_wait3A_30 = arith.constant 0 : i32
        %dma_wait3A_31 = arith.constant 0 : i32
        %dma_wait3A_32 = tpu.memref_slice %arg13[%dma_wait3A_30, %dma_wait3A_31] : memref<10000x128xf32, #tpu.memory_space<vmem_shared>> -> memref<10000x128xf32, #tpu.memory_space<vmem_shared>>
        tpu.wait_indirect_dma semaphore(%run_scoped3A : memref<!tpu.dma_semaphore, #tpu.memory_space<semaphore_mem>>) src(%arg12 : memref<125x128xf32, #tpu.memory_space<vmem>>) dst(%dma_wait3A_32 : memref<10000x128xf32, #tpu.memory_space<vmem_shared>>)
        tpu.yield
      }) : () -> ()
    }
    %scan3A_13 = arith.constant 10 : i32
    %barrier3A_14 = arith.constant 0 : index
    tpu.barrier barrier_id(%barrier3A_14)
    "tpu.region"() ({
      %run_scoped3A = tpu.sem_alloc : memref<!tpu.dma_semaphore, #tpu.memory_space<semaphore_mem>>
      %dma_start3A = arith.constant 0 : i32
      %dma_start3A_15 = tpu.memref_slice %arg9[%arg0, %mul3A_2, %dma_start3A] : memref<2x10000x128xf32, #tpu.memory_space<hbm>> -> memref<1x625x128xf32, #tpu.memory_space<hbm>>
      %dma_start3A_16 = tpu.memref_squeeze %dma_start3A_15 : memref<1x625x128xf32, #tpu.memory_space<hbm>> -> memref<625x128xf32, #tpu.memory_space<hbm>>
      %dma_start3A_17 = arith.constant 0 : i32
      %dma_start3A_18 = tpu.memref_slice %arg13[%mul3A_2, %dma_start3A_17] : memref<10000x128xf32, #tpu.memory_space<vmem_shared>> -> memref<625x128xf32, #tpu.memory_space<vmem_shared>>
      tpu.enqueue_dma source(%dma_start3A_18 : memref<625x128xf32, #tpu.memory_space<vmem_shared>>) target(%dma_start3A_16 : memref<625x128xf32, #tpu.memory_space<hbm>>) target_semaphore(%run_scoped3A : memref<!tpu.dma_semaphore, #tpu.memory_space<semaphore_mem>>)
      %dma_wait3A = arith.constant 0 : i32
      %dma_wait3A_19 = tpu.memref_slice %arg9[%arg0, %mul3A_2, %dma_wait3A] : memref<2x10000x128xf32, #tpu.memory_space<hbm>> -> memref<1x625x128xf32, #tpu.memory_space<hbm>>
      %dma_wait3A_20 = tpu.memref_squeeze %dma_wait3A_19 : memref<1x625x128xf32, #tpu.memory_space<hbm>> -> memref<625x128xf32, #tpu.memory_space<hbm>>
      %dma_wait3A_21 = arith.constant 0 : i32
      %dma_wait3A_22 = tpu.memref_slice %arg13[%mul3A_2, %dma_wait3A_21] : memref<10000x128xf32, #tpu.memory_space<vmem_shared>> -> memref<625x128xf32, #tpu.memory_space<vmem_shared>>
      tpu.wait_dma2 semaphore(%run_scoped3A : memref<!tpu.dma_semaphore, #tpu.memory_space<semaphore_mem>>) src(%dma_wait3A_22 : memref<625x128xf32, #tpu.memory_space<vmem_shared>>) dst(%dma_wait3A_20 : memref<625x128xf32, #tpu.memory_space<hbm>>)
      tpu.yield
    }) : () -> ()
    return
  }
}

#map = affine_map<(d0, d1) -> (0, 0)>
#map1 = affine_map<(d0, d1) -> (0, 0, 0)>
module attributes {stable_mosaic.version = 14 : i64} {
  func.func @_scatter_add(%arg0: i32, %arg1: i32, %arg2: memref<40000x128xf32, #tpu.memory_space<hbm>>, %arg3: memref<32x10x125xi32, #tpu.memory_space<hbm>>, %arg4: memref<32x10x125xi32, #tpu.memory_space<hbm>>, %arg5: memref<40000x128xf32, #tpu.memory_space<hbm>>, %arg6: memref<32x10x125xi32, #tpu.memory_space<hbm>>, %arg7: memref<32x10x125xi32, #tpu.memory_space<hbm>>, %arg8: memref<10000x128xf32, #tpu.memory_space<hbm>>, %arg9: memref<2x10000x128xf32, #tpu.memory_space<hbm>>, %arg10: memref<10x125xi32, #tpu.memory_space<vmem>>, %arg11: memref<10x125xi32, #tpu.memory_space<vmem>>, %arg12: memref<125x128xf32, #tpu.memory_space<vmem>>, %arg13: memref<10000x128xf32, #tpu.memory_space<vmem_shared>>) attributes {dimension_semantics = [#tpu.dimension_semantics<core_parallel>, #tpu.dimension_semantics<subcore_parallel>], iteration_bounds = array<i64: 2, 16>, scalar_prefetch = 0 : i64, scratch_operands = 4 : i64, tpu.core_type = #tpu.core_type<sc_vector_subcore>, window_params = [{transform_indices = #map}, {transform_indices = #map1}, {transform_indices = #map1}, {transform_indices = #map}, {transform_indices = #map1}, {transform_indices = #map1}, {transform_indices = #map}, {transform_indices = #map1}]} {
    %mul3A = arith.constant 2 : i32
    %mul3A_0 = arith.muli %arg1, %mul3A : i32
    %add3A = arith.addi %mul3A_0, %arg0 : i32
    %mul3A_1 = arith.constant 625 : i32
    %mul3A_2 = arith.muli %arg1, %mul3A_1 : i32
    "tpu.region"() ({
      %run_scoped3A = tpu.sem_alloc : memref<!tpu.dma_semaphore, #tpu.memory_space<semaphore_mem>>
      %dma_start3A = arith.constant 0 : i32
      %dma_start3A_15 = tpu.memref_slice %arg13[%mul3A_2, %dma_start3A] : memref<10000x128xf32, #tpu.memory_space<vmem_shared>> -> memref<625x128xf32, #tpu.memory_space<vmem_shared>>
      %dma_start3A_16 = arith.constant 0 : i32
      %dma_start3A_17 = tpu.memref_slice %arg8[%mul3A_2, %dma_start3A_16] : memref<10000x128xf32, #tpu.memory_space<hbm>> -> memref<625x128xf32, #tpu.memory_space<hbm>>
      tpu.enqueue_dma source(%dma_start3A_17 : memref<625x128xf32, #tpu.memory_space<hbm>>) target(%dma_start3A_15 : memref<625x128xf32, #tpu.memory_space<vmem_shared>>) target_semaphore(%run_scoped3A : memref<!tpu.dma_semaphore, #tpu.memory_space<semaphore_mem>>)
      %dma_wait3A = arith.constant 0 : i32
      %dma_wait3A_18 = tpu.memref_slice %arg13[%mul3A_2, %dma_wait3A] : memref<10000x128xf32, #tpu.memory_space<vmem_shared>> -> memref<625x128xf32, #tpu.memory_space<vmem_shared>>
      %dma_wait3A_19 = arith.constant 0 : i32
      %dma_wait3A_20 = tpu.memref_slice %arg8[%mul3A_2, %dma_wait3A_19] : memref<10000x128xf32, #tpu.memory_space<hbm>> -> memref<625x128xf32, #tpu.memory_space<hbm>>
      tpu.wait_dma2 semaphore(%run_scoped3A : memref<!tpu.dma_semaphore, #tpu.memory_space<semaphore_mem>>) src(%dma_wait3A_20 : memref<625x128xf32, #tpu.memory_space<hbm>>) dst(%dma_wait3A_18 : memref<625x128xf32, #tpu.memory_space<vmem_shared>>)
      tpu.yield
    }) : () -> ()
    %barrier3A = arith.constant 0 : index
    tpu.barrier barrier_id(%barrier3A)
    %mul3A_3 = arith.constant 1250 : i32
    %mul3A_4 = arith.muli %add3A, %mul3A_3 : i32
    "tpu.region"() ({
      %run_scoped3A = tpu.sem_alloc : memref<!tpu.dma_semaphore, #tpu.memory_space<semaphore_mem>>
      %dma_start3A = arith.constant 0 : i32
      %dma_start3A_15 = arith.constant 0 : i32
      %dma_start3A_16 = tpu.memref_slice %arg3[%add3A, %dma_start3A, %dma_start3A_15] : memref<32x10x125xi32, #tpu.memory_space<hbm>> -> memref<1x10x125xi32, #tpu.memory_space<hbm>>
      %dma_start3A_17 = tpu.memref_squeeze %dma_start3A_16 : memref<1x10x125xi32, #tpu.memory_space<hbm>> -> memref<10x125xi32, #tpu.memory_space<hbm>>
      %dma_start3A_18 = arith.constant 0 : i32
      %dma_start3A_19 = arith.constant 0 : i32
      %dma_start3A_20 = tpu.memref_slice %arg3[%add3A, %dma_start3A_18, %dma_start3A_19] : memref<32x10x125xi32, #tpu.memory_space<hbm>> -> memref<1x10x125xi32, #tpu.memory_space<hbm>>
      %dma_start3A_21 = tpu.memref_squeeze %dma_start3A_20 : memref<1x10x125xi32, #tpu.memory_space<hbm>> -> memref<10x125xi32, #tpu.memory_space<hbm>>
      tpu.enqueue_dma source(%dma_start3A_21 : memref<10x125xi32, #tpu.memory_space<hbm>>) target(%arg10 : memref<10x125xi32, #tpu.memory_space<vmem>>) target_semaphore(%run_scoped3A : memref<!tpu.dma_semaphore, #tpu.memory_space<semaphore_mem>>)
      %dma_wait3A = arith.constant 0 : i32
      %dma_wait3A_22 = arith.constant 0 : i32
      %dma_wait3A_23 = tpu.memref_slice %arg3[%add3A, %dma_wait3A, %dma_wait3A_22] : memref<32x10x125xi32, #tpu.memory_space<hbm>> -> memref<1x10x125xi32, #tpu.memory_space<hbm>>
      %dma_wait3A_24 = tpu.memref_squeeze %dma_wait3A_23 : memref<1x10x125xi32, #tpu.memory_space<hbm>> -> memref<10x125xi32, #tpu.memory_space<hbm>>
      %dma_wait3A_25 = arith.constant 0 : i32
      %dma_wait3A_26 = arith.constant 0 : i32
      %dma_wait3A_27 = tpu.memref_slice %arg3[%add3A, %dma_wait3A_25, %dma_wait3A_26] : memref<32x10x125xi32, #tpu.memory_space<hbm>> -> memref<1x10x125xi32, #tpu.memory_space<hbm>>
      %dma_wait3A_28 = tpu.memref_squeeze %dma_wait3A_27 : memref<1x10x125xi32, #tpu.memory_space<hbm>> -> memref<10x125xi32, #tpu.memory_space<hbm>>
      tpu.wait_dma2 semaphore(%run_scoped3A : memref<!tpu.dma_semaphore, #tpu.memory_space<semaphore_mem>>) src(%dma_wait3A_28 : memref<10x125xi32, #tpu.memory_space<hbm>>) dst(%arg10 : memref<10x125xi32, #tpu.memory_space<vmem>>)
      tpu.yield
    }) : () -> ()
    "tpu.region"() ({
      %run_scoped3A = tpu.sem_alloc : memref<!tpu.dma_semaphore, #tpu.memory_space<semaphore_mem>>
      %dma_start3A = arith.constant 0 : i32
      %dma_start3A_15 = arith.constant 0 : i32
      %dma_start3A_16 = tpu.memref_slice %arg4[%add3A, %dma_start3A, %dma_start3A_15] : memref<32x10x125xi32, #tpu.memory_space<hbm>> -> memref<1x10x125xi32, #tpu.memory_space<hbm>>
      %dma_start3A_17 = tpu.memref_squeeze %dma_start3A_16 : memref<1x10x125xi32, #tpu.memory_space<hbm>> -> memref<10x125xi32, #tpu.memory_space<hbm>>
      %dma_start3A_18 = arith.constant 0 : i32
      %dma_start3A_19 = arith.constant 0 : i32
      %dma_start3A_20 = tpu.memref_slice %arg4[%add3A, %dma_start3A_18, %dma_start3A_19] : memref<32x10x125xi32, #tpu.memory_space<hbm>> -> memref<1x10x125xi32, #tpu.memory_space<hbm>>
      %dma_start3A_21 = tpu.memref_squeeze %dma_start3A_20 : memref<1x10x125xi32, #tpu.memory_space<hbm>> -> memref<10x125xi32, #tpu.memory_space<hbm>>
      tpu.enqueue_dma source(%dma_start3A_21 : memref<10x125xi32, #tpu.memory_space<hbm>>) target(%arg11 : memref<10x125xi32, #tpu.memory_space<vmem>>) target_semaphore(%run_scoped3A : memref<!tpu.dma_semaphore, #tpu.memory_space<semaphore_mem>>)
      %dma_wait3A = arith.constant 0 : i32
      %dma_wait3A_22 = arith.constant 0 : i32
      %dma_wait3A_23 = tpu.memref_slice %arg4[%add3A, %dma_wait3A, %dma_wait3A_22] : memref<32x10x125xi32, #tpu.memory_space<hbm>> -> memref<1x10x125xi32, #tpu.memory_space<hbm>>
      %dma_wait3A_24 = tpu.memref_squeeze %dma_wait3A_23 : memref<1x10x125xi32, #tpu.memory_space<hbm>> -> memref<10x125xi32, #tpu.memory_space<hbm>>
      %dma_wait3A_25 = arith.constant 0 : i32
      %dma_wait3A_26 = arith.constant 0 : i32
      %dma_wait3A_27 = tpu.memref_slice %arg4[%add3A, %dma_wait3A_25, %dma_wait3A_26] : memref<32x10x125xi32, #tpu.memory_space<hbm>> -> memref<1x10x125xi32, #tpu.memory_space<hbm>>
      %dma_wait3A_28 = tpu.memref_squeeze %dma_wait3A_27 : memref<1x10x125xi32, #tpu.memory_space<hbm>> -> memref<10x125xi32, #tpu.memory_space<hbm>>
      tpu.wait_dma2 semaphore(%run_scoped3A : memref<!tpu.dma_semaphore, #tpu.memory_space<semaphore_mem>>) src(%dma_wait3A_28 : memref<10x125xi32, #tpu.memory_space<hbm>>) dst(%arg11 : memref<10x125xi32, #tpu.memory_space<vmem>>)
      tpu.yield
    }) : () -> ()
    %scan3A = arith.constant 0 : i32
    %scan3A_5 = arith.constant 10 : i32
    %scan3A_6 = arith.addi %scan3A, %scan3A_5 : i32
    %scan3A_7 = arith.constant 1 : i32
    scf.for %scan3A_15 = %scan3A to %scan3A_6 step %scan3A_7  : i32 {
      %mul3A_16 = arith.constant 1 : i32
      %mul3A_17 = arith.muli %scan3A_15, %mul3A_16 : i32
      %add3A_18 = arith.constant 0 : i32
      %add3A_19 = arith.addi %add3A_18, %mul3A_17 : i32
      %mul3A_20 = arith.constant 125 : i32
      %mul3A_21 = arith.muli %add3A_19, %mul3A_20 : i32
      %add3A_22 = arith.addi %mul3A_4, %mul3A_21 : i32
      "tpu.region"() ({
        %run_scoped3A = tpu.sem_alloc : memref<!tpu.dma_semaphore, #tpu.memory_space<semaphore_mem>>
        %dma_start3A = arith.constant 0 : i32
        %dma_start3A_23 = tpu.memref_slice %arg2[%add3A_22, %dma_start3A] : memref<40000x128xf32, #tpu.memory_space<hbm>> -> memref<125x128xf32, #tpu.memory_space<hbm>>
        %dma_start3A_24 = arith.constant 0 : i32
        %dma_start3A_25 = tpu.memref_slice %arg2[%add3A_22, %dma_start3A_24] : memref<40000x128xf32, #tpu.memory_space<hbm>> -> memref<125x128xf32, #tpu.memory_space<hbm>>
        tpu.enqueue_dma source(%dma_start3A_25 : memref<125x128xf32, #tpu.memory_space<hbm>>) target(%arg12 : memref<125x128xf32, #tpu.memory_space<vmem>>) target_semaphore(%run_scoped3A : memref<!tpu.dma_semaphore, #tpu.memory_space<semaphore_mem>>)
        %dma_wait3A = arith.constant 0 : i32
        %dma_wait3A_26 = tpu.memref_slice %arg2[%add3A_22, %dma_wait3A] : memref<40000x128xf32, #tpu.memory_space<hbm>> -> memref<125x128xf32, #tpu.memory_space<hbm>>
        %dma_wait3A_27 = arith.constant 0 : i32
        %dma_wait3A_28 = tpu.memref_slice %arg2[%add3A_22, %dma_wait3A_27] : memref<40000x128xf32, #tpu.memory_space<hbm>> -> memref<125x128xf32, #tpu.memory_space<hbm>>
        tpu.wait_dma2 semaphore(%run_scoped3A : memref<!tpu.dma_semaphore, #tpu.memory_space<semaphore_mem>>) src(%dma_wait3A_28 : memref<125x128xf32, #tpu.memory_space<hbm>>) dst(%arg12 : memref<125x128xf32, #tpu.memory_space<vmem>>)
        tpu.yield
      }) : () -> ()
      "tpu.region"() ({
        %run_scoped3A = tpu.sem_alloc : memref<!tpu.dma_semaphore, #tpu.memory_space<semaphore_mem>>
        %dma_start3A = arith.constant 0 : i32
        %dma_start3A_23 = tpu.memref_slice %arg10[%add3A_19, %dma_start3A] : memref<10x125xi32, #tpu.memory_space<vmem>> -> memref<1x125xi32, #tpu.memory_space<vmem>>
        %dma_start3A_24 = tpu.memref_squeeze %dma_start3A_23 : memref<1x125xi32, #tpu.memory_space<vmem>> -> memref<125xi32, #tpu.memory_space<vmem>>
        %dma_start3A_25 = arith.constant 0 : i32
        %dma_start3A_26 = arith.constant 0 : i32
        %dma_start3A_27 = tpu.memref_slice %arg13[%dma_start3A_25, %dma_start3A_26] : memref<10000x128xf32, #tpu.memory_space<vmem_shared>> -> memref<10000x128xf32, #tpu.memory_space<vmem_shared>>
        tpu.enqueue_indirect_dma source(%arg12 : memref<125x128xf32, #tpu.memory_space<vmem>>) target(%dma_start3A_27 : memref<10000x128xf32, #tpu.memory_space<vmem_shared>>) offsets(%dma_start3A_24 : memref<125xi32, #tpu.memory_space<vmem>>) semaphore(%run_scoped3A : memref<!tpu.dma_semaphore, #tpu.memory_space<semaphore_mem>>) {add = true}
        %dma_wait3A = arith.constant 0 : i32
        %dma_wait3A_28 = tpu.memref_slice %arg10[%add3A_19, %dma_wait3A] : memref<10x125xi32, #tpu.memory_space<vmem>> -> memref<1x125xi32, #tpu.memory_space<vmem>>
        %dma_wait3A_29 = tpu.memref_squeeze %dma_wait3A_28 : memref<1x125xi32, #tpu.memory_space<vmem>> -> memref<125xi32, #tpu.memory_space<vmem>>
        %dma_wait3A_30 = arith.constant 0 : i32
        %dma_wait3A_31 = arith.constant 0 : i32
        %dma_wait3A_32 = tpu.memref_slice %arg13[%dma_wait3A_30, %dma_wait3A_31] : memref<10000x128xf32, #tpu.memory_space<vmem_shared>> -> memref<10000x128xf32, #tpu.memory_space<vmem_shared>>
        tpu.wait_indirect_dma semaphore(%run_scoped3A : memref<!tpu.dma_semaphore, #tpu.memory_space<semaphore_mem>>) src(%arg12 : memref<125x128xf32, #tpu.memory_space<vmem>>) dst(%dma_wait3A_32 : memref<10000x128xf32, #tpu.memory_space<vmem_shared>>)
        tpu.yield
      }) : () -> ()
      "tpu.region"() ({
        %run_scoped3A = tpu.sem_alloc : memref<!tpu.dma_semaphore, #tpu.memory_space<semaphore_mem>>
        %dma_start3A = arith.constant 0 : i32
        %dma_start3A_23 = tpu.memref_slice %arg11[%add3A_19, %dma_start3A] : memref<10x125xi32, #tpu.memory_space<vmem>> -> memref<1x125xi32, #tpu.memory_space<vmem>>
        %dma_start3A_24 = tpu.memref_squeeze %dma_start3A_23 : memref<1x125xi32, #tpu.memory_space<vmem>> -> memref<125xi32, #tpu.memory_space<vmem>>
        %dma_start3A_25 = arith.constant 0 : i32
        %dma_start3A_26 = arith.constant 0 : i32
        %dma_start3A_27 = tpu.memref_slice %arg13[%dma_start3A_25, %dma_start3A_26] : memref<10000x128xf32, #tpu.memory_space<vmem_shared>> -> memref<10000x128xf32, #tpu.memory_space<vmem_shared>>
        tpu.enqueue_indirect_dma source(%arg12 : memref<125x128xf32, #tpu.memory_space<vmem>>) target(%dma_start3A_27 : memref<10000x128xf32, #tpu.memory_space<vmem_shared>>) offsets(%dma_start3A_24 : memref<125xi32, #tpu.memory_space<vmem>>) semaphore(%run_scoped3A : memref<!tpu.dma_semaphore, #tpu.memory_space<semaphore_mem>>) {add = true}
        %dma_wait3A = arith.constant 0 : i32
        %dma_wait3A_28 = tpu.memref_slice %arg11[%add3A_19, %dma_wait3A] : memref<10x125xi32, #tpu.memory_space<vmem>> -> memref<1x125xi32, #tpu.memory_space<vmem>>
        %dma_wait3A_29 = tpu.memref_squeeze %dma_wait3A_28 : memref<1x125xi32, #tpu.memory_space<vmem>> -> memref<125xi32, #tpu.memory_space<vmem>>
        %dma_wait3A_30 = arith.constant 0 : i32
        %dma_wait3A_31 = arith.constant 0 : i32
        %dma_wait3A_32 = tpu.memref_slice %arg13[%dma_wait3A_30, %dma_wait3A_31] : memref<10000x128xf32, #tpu.memory_space<vmem_shared>> -> memref<10000x128xf32, #tpu.memory_space<vmem_shared>>
        tpu.wait_indirect_dma semaphore(%run_scoped3A : memref<!tpu.dma_semaphore, #tpu.memory_space<semaphore_mem>>) src(%arg12 : memref<125x128xf32, #tpu.memory_space<vmem>>) dst(%dma_wait3A_32 : memref<10000x128xf32, #tpu.memory_space<vmem_shared>>)
        tpu.yield
      }) : () -> ()
    }
    %scan3A_8 = arith.constant 10 : i32
    "tpu.region"() ({
      %run_scoped3A = tpu.sem_alloc : memref<!tpu.dma_semaphore, #tpu.memory_space<semaphore_mem>>
      %dma_start3A = arith.constant 0 : i32
      %dma_start3A_15 = arith.constant 0 : i32
      %dma_start3A_16 = tpu.memref_slice %arg6[%add3A, %dma_start3A, %dma_start3A_15] : memref<32x10x125xi32, #tpu.memory_space<hbm>> -> memref<1x10x125xi32, #tpu.memory_space<hbm>>
      %dma_start3A_17 = tpu.memref_squeeze %dma_start3A_16 : memref<1x10x125xi32, #tpu.memory_space<hbm>> -> memref<10x125xi32, #tpu.memory_space<hbm>>
      %dma_start3A_18 = arith.constant 0 : i32
      %dma_start3A_19 = arith.constant 0 : i32
      %dma_start3A_20 = tpu.memref_slice %arg6[%add3A, %dma_start3A_18, %dma_start3A_19] : memref<32x10x125xi32, #tpu.memory_space<hbm>> -> memref<1x10x125xi32, #tpu.memory_space<hbm>>
      %dma_start3A_21 = tpu.memref_squeeze %dma_start3A_20 : memref<1x10x125xi32, #tpu.memory_space<hbm>> -> memref<10x125xi32, #tpu.memory_space<hbm>>
      tpu.enqueue_dma source(%dma_start3A_21 : memref<10x125xi32, #tpu.memory_space<hbm>>) target(%arg10 : memref<10x125xi32, #tpu.memory_space<vmem>>) target_semaphore(%run_scoped3A : memref<!tpu.dma_semaphore, #tpu.memory_space<semaphore_mem>>)
      %dma_wait3A = arith.constant 0 : i32
      %dma_wait3A_22 = arith.constant 0 : i32
      %dma_wait3A_23 = tpu.memref_slice %arg6[%add3A, %dma_wait3A, %dma_wait3A_22] : memref<32x10x125xi32, #tpu.memory_space<hbm>> -> memref<1x10x125xi32, #tpu.memory_space<hbm>>
      %dma_wait3A_24 = tpu.memref_squeeze %dma_wait3A_23 : memref<1x10x125xi32, #tpu.memory_space<hbm>> -> memref<10x125xi32, #tpu.memory_space<hbm>>
      %dma_wait3A_25 = arith.constant 0 : i32
      %dma_wait3A_26 = arith.constant 0 : i32
      %dma_wait3A_27 = tpu.memref_slice %arg6[%add3A, %dma_wait3A_25, %dma_wait3A_26] : memref<32x10x125xi32, #tpu.memory_space<hbm>> -> memref<1x10x125xi32, #tpu.memory_space<hbm>>
      %dma_wait3A_28 = tpu.memref_squeeze %dma_wait3A_27 : memref<1x10x125xi32, #tpu.memory_space<hbm>> -> memref<10x125xi32, #tpu.memory_space<hbm>>
      tpu.wait_dma2 semaphore(%run_scoped3A : memref<!tpu.dma_semaphore, #tpu.memory_space<semaphore_mem>>) src(%dma_wait3A_28 : memref<10x125xi32, #tpu.memory_space<hbm>>) dst(%arg10 : memref<10x125xi32, #tpu.memory_space<vmem>>)
      tpu.yield
    }) : () -> ()
    "tpu.region"() ({
      %run_scoped3A = tpu.sem_alloc : memref<!tpu.dma_semaphore, #tpu.memory_space<semaphore_mem>>
      %dma_start3A = arith.constant 0 : i32
      %dma_start3A_15 = arith.constant 0 : i32
      %dma_start3A_16 = tpu.memref_slice %arg7[%add3A, %dma_start3A, %dma_start3A_15] : memref<32x10x125xi32, #tpu.memory_space<hbm>> -> memref<1x10x125xi32, #tpu.memory_space<hbm>>
      %dma_start3A_17 = tpu.memref_squeeze %dma_start3A_16 : memref<1x10x125xi32, #tpu.memory_space<hbm>> -> memref<10x125xi32, #tpu.memory_space<hbm>>
      %dma_start3A_18 = arith.constant 0 : i32
      %dma_start3A_19 = arith.constant 0 : i32
      %dma_start3A_20 = tpu.memref_slice %arg7[%add3A, %dma_start3A_18, %dma_start3A_19] : memref<32x10x125xi32, #tpu.memory_space<hbm>> -> memref<1x10x125xi32, #tpu.memory_space<hbm>>
      %dma_start3A_21 = tpu.memref_squeeze %dma_start3A_20 : memref<1x10x125xi32, #tpu.memory_space<hbm>> -> memref<10x125xi32, #tpu.memory_space<hbm>>
      tpu.enqueue_dma source(%dma_start3A_21 : memref<10x125xi32, #tpu.memory_space<hbm>>) target(%arg11 : memref<10x125xi32, #tpu.memory_space<vmem>>) target_semaphore(%run_scoped3A : memref<!tpu.dma_semaphore, #tpu.memory_space<semaphore_mem>>)
      %dma_wait3A = arith.constant 0 : i32
      %dma_wait3A_22 = arith.constant 0 : i32
      %dma_wait3A_23 = tpu.memref_slice %arg7[%add3A, %dma_wait3A, %dma_wait3A_22] : memref<32x10x125xi32, #tpu.memory_space<hbm>> -> memref<1x10x125xi32, #tpu.memory_space<hbm>>
      %dma_wait3A_24 = tpu.memref_squeeze %dma_wait3A_23 : memref<1x10x125xi32, #tpu.memory_space<hbm>> -> memref<10x125xi32, #tpu.memory_space<hbm>>
      %dma_wait3A_25 = arith.constant 0 : i32
      %dma_wait3A_26 = arith.constant 0 : i32
      %dma_wait3A_27 = tpu.memref_slice %arg7[%add3A, %dma_wait3A_25, %dma_wait3A_26] : memref<32x10x125xi32, #tpu.memory_space<hbm>> -> memref<1x10x125xi32, #tpu.memory_space<hbm>>
      %dma_wait3A_28 = tpu.memref_squeeze %dma_wait3A_27 : memref<1x10x125xi32, #tpu.memory_space<hbm>> -> memref<10x125xi32, #tpu.memory_space<hbm>>
      tpu.wait_dma2 semaphore(%run_scoped3A : memref<!tpu.dma_semaphore, #tpu.memory_space<semaphore_mem>>) src(%dma_wait3A_28 : memref<10x125xi32, #tpu.memory_space<hbm>>) dst(%arg11 : memref<10x125xi32, #tpu.memory_space<vmem>>)
      tpu.yield
    }) : () -> ()
    %scan3A_9 = arith.constant 0 : i32
    %scan3A_10 = arith.constant 10 : i32
    %scan3A_11 = arith.addi %scan3A_9, %scan3A_10 : i32
    %scan3A_12 = arith.constant 1 : i32
    scf.for %scan3A_15 = %scan3A_9 to %scan3A_11 step %scan3A_12  : i32 {
      %mul3A_16 = arith.constant 1 : i32
      %mul3A_17 = arith.muli %scan3A_15, %mul3A_16 : i32
      %add3A_18 = arith.constant 0 : i32
      %add3A_19 = arith.addi %add3A_18, %mul3A_17 : i32
      %mul3A_20 = arith.constant 125 : i32
      %mul3A_21 = arith.muli %add3A_19, %mul3A_20 : i32
      %add3A_22 = arith.addi %mul3A_4, %mul3A_21 : i32
      "tpu.region"() ({
        %run_scoped3A = tpu.sem_alloc : memref<!tpu.dma_semaphore, #tpu.memory_space<semaphore_mem>>
        %dma_start3A = arith.constant 0 : i32
        %dma_start3A_23 = tpu.memref_slice %arg5[%add3A_22, %dma_start3A] : memref<40000x128xf32, #tpu.memory_space<hbm>> -> memref<125x128xf32, #tpu.memory_space<hbm>>
        %dma_start3A_24 = arith.constant 0 : i32
        %dma_start3A_25 = tpu.memref_slice %arg5[%add3A_22, %dma_start3A_24] : memref<40000x128xf32, #tpu.memory_space<hbm>> -> memref<125x128xf32, #tpu.memory_space<hbm>>
        tpu.enqueue_dma source(%dma_start3A_25 : memref<125x128xf32, #tpu.memory_space<hbm>>) target(%arg12 : memref<125x128xf32, #tpu.memory_space<vmem>>) target_semaphore(%run_scoped3A : memref<!tpu.dma_semaphore, #tpu.memory_space<semaphore_mem>>)
        %dma_wait3A = arith.constant 0 : i32
        %dma_wait3A_26 = tpu.memref_slice %arg5[%add3A_22, %dma_wait3A] : memref<40000x128xf32, #tpu.memory_space<hbm>> -> memref<125x128xf32, #tpu.memory_space<hbm>>
        %dma_wait3A_27 = arith.constant 0 : i32
        %dma_wait3A_28 = tpu.memref_slice %arg5[%add3A_22, %dma_wait3A_27] : memref<40000x128xf32, #tpu.memory_space<hbm>> -> memref<125x128xf32, #tpu.memory_space<hbm>>
        tpu.wait_dma2 semaphore(%run_scoped3A : memref<!tpu.dma_semaphore, #tpu.memory_space<semaphore_mem>>) src(%dma_wait3A_28 : memref<125x128xf32, #tpu.memory_space<hbm>>) dst(%arg12 : memref<125x128xf32, #tpu.memory_space<vmem>>)
        tpu.yield
      }) : () -> ()
      "tpu.region"() ({
        %run_scoped3A = tpu.sem_alloc : memref<!tpu.dma_semaphore, #tpu.memory_space<semaphore_mem>>
        %dma_start3A = arith.constant 0 : i32
        %dma_start3A_23 = tpu.memref_slice %arg10[%add3A_19, %dma_start3A] : memref<10x125xi32, #tpu.memory_space<vmem>> -> memref<1x125xi32, #tpu.memory_space<vmem>>
        %dma_start3A_24 = tpu.memref_squeeze %dma_start3A_23 : memref<1x125xi32, #tpu.memory_space<vmem>> -> memref<125xi32, #tpu.memory_space<vmem>>
        %dma_start3A_25 = arith.constant 0 : i32
        %dma_start3A_26 = arith.constant 0 : i32
        %dma_start3A_27 = tpu.memref_slice %arg13[%dma_start3A_25, %dma_start3A_26] : memref<10000x128xf32, #tpu.memory_space<vmem_shared>> -> memref<10000x128xf32, #tpu.memory_space<vmem_shared>>
        tpu.enqueue_indirect_dma source(%arg12 : memref<125x128xf32, #tpu.memory_space<vmem>>) target(%dma_start3A_27 : memref<10000x128xf32, #tpu.memory_space<vmem_shared>>) offsets(%dma_start3A_24 : memref<125xi32, #tpu.memory_space<vmem>>) semaphore(%run_scoped3A : memref<!tpu.dma_semaphore, #tpu.memory_space<semaphore_mem>>) {add = true}
        %dma_wait3A = arith.constant 0 : i32
        %dma_wait3A_28 = tpu.memref_slice %arg10[%add3A_19, %dma_wait3A] : memref<10x125xi32, #tpu.memory_space<vmem>> -> memref<1x125xi32, #tpu.memory_space<vmem>>
        %dma_wait3A_29 = tpu.memref_squeeze %dma_wait3A_28 : memref<1x125xi32, #tpu.memory_space<vmem>> -> memref<125xi32, #tpu.memory_space<vmem>>
        %dma_wait3A_30 = arith.constant 0 : i32
        %dma_wait3A_31 = arith.constant 0 : i32
        %dma_wait3A_32 = tpu.memref_slice %arg13[%dma_wait3A_30, %dma_wait3A_31] : memref<10000x128xf32, #tpu.memory_space<vmem_shared>> -> memref<10000x128xf32, #tpu.memory_space<vmem_shared>>
        tpu.wait_indirect_dma semaphore(%run_scoped3A : memref<!tpu.dma_semaphore, #tpu.memory_space<semaphore_mem>>) src(%arg12 : memref<125x128xf32, #tpu.memory_space<vmem>>) dst(%dma_wait3A_32 : memref<10000x128xf32, #tpu.memory_space<vmem_shared>>)
        tpu.yield
      }) : () -> ()
      "tpu.region"() ({
        %run_scoped3A = tpu.sem_alloc : memref<!tpu.dma_semaphore, #tpu.memory_space<semaphore_mem>>
        %dma_start3A = arith.constant 0 : i32
        %dma_start3A_23 = tpu.memref_slice %arg11[%add3A_19, %dma_start3A] : memref<10x125xi32, #tpu.memory_space<vmem>> -> memref<1x125xi32, #tpu.memory_space<vmem>>
        %dma_start3A_24 = tpu.memref_squeeze %dma_start3A_23 : memref<1x125xi32, #tpu.memory_space<vmem>> -> memref<125xi32, #tpu.memory_space<vmem>>
        %dma_start3A_25 = arith.constant 0 : i32
        %dma_start3A_26 = arith.constant 0 : i32
        %dma_start3A_27 = tpu.memref_slice %arg13[%dma_start3A_25, %dma_start3A_26] : memref<10000x128xf32, #tpu.memory_space<vmem_shared>> -> memref<10000x128xf32, #tpu.memory_space<vmem_shared>>
        tpu.enqueue_indirect_dma source(%arg12 : memref<125x128xf32, #tpu.memory_space<vmem>>) target(%dma_start3A_27 : memref<10000x128xf32, #tpu.memory_space<vmem_shared>>) offsets(%dma_start3A_24 : memref<125xi32, #tpu.memory_space<vmem>>) semaphore(%run_scoped3A : memref<!tpu.dma_semaphore, #tpu.memory_space<semaphore_mem>>) {add = true}
        %dma_wait3A = arith.constant 0 : i32
        %dma_wait3A_28 = tpu.memref_slice %arg11[%add3A_19, %dma_wait3A] : memref<10x125xi32, #tpu.memory_space<vmem>> -> memref<1x125xi32, #tpu.memory_space<vmem>>
        %dma_wait3A_29 = tpu.memref_squeeze %dma_wait3A_28 : memref<1x125xi32, #tpu.memory_space<vmem>> -> memref<125xi32, #tpu.memory_space<vmem>>
        %dma_wait3A_30 = arith.constant 0 : i32
        %dma_wait3A_31 = arith.constant 0 : i32
        %dma_wait3A_32 = tpu.memref_slice %arg13[%dma_wait3A_30, %dma_wait3A_31] : memref<10000x128xf32, #tpu.memory_space<vmem_shared>> -> memref<10000x128xf32, #tpu.memory_space<vmem_shared>>
        tpu.wait_indirect_dma semaphore(%run_scoped3A : memref<!tpu.dma_semaphore, #tpu.memory_space<semaphore_mem>>) src(%arg12 : memref<125x128xf32, #tpu.memory_space<vmem>>) dst(%dma_wait3A_32 : memref<10000x128xf32, #tpu.memory_space<vmem_shared>>)
        tpu.yield
      }) : () -> ()
    }
    %scan3A_13 = arith.constant 10 : i32
    %barrier3A_14 = arith.constant 0 : index
    tpu.barrier barrier_id(%barrier3A_14)
    "tpu.region"() ({
      %run_scoped3A = tpu.sem_alloc : memref<!tpu.dma_semaphore, #tpu.memory_space<semaphore_mem>>
      %dma_start3A = arith.constant 0 : i32
      %dma_start3A_15 = tpu.memref_slice %arg9[%arg0, %mul3A_2, %dma_start3A] : memref<2x10000x128xf32, #tpu.memory_space<hbm>> -> memref<1x625x128xf32, #tpu.memory_space<hbm>>
      %dma_start3A_16 = tpu.memref_squeeze %dma_start3A_15 : memref<1x625x128xf32, #tpu.memory_space<hbm>> -> memref<625x128xf32, #tpu.memory_space<hbm>>
      %dma_start3A_17 = arith.constant 0 : i32
      %dma_start3A_18 = tpu.memref_slice %arg13[%mul3A_2, %dma_start3A_17] : memref<10000x128xf32, #tpu.memory_space<vmem_shared>> -> memref<625x128xf32, #tpu.memory_space<vmem_shared>>
      tpu.enqueue_dma source(%dma_start3A_18 : memref<625x128xf32, #tpu.memory_space<vmem_shared>>) target(%dma_start3A_16 : memref<625x128xf32, #tpu.memory_space<hbm>>) target_semaphore(%run_scoped3A : memref<!tpu.dma_semaphore, #tpu.memory_space<semaphore_mem>>)
      %dma_wait3A = arith.constant 0 : i32
      %dma_wait3A_19 = tpu.memref_slice %arg9[%arg0, %mul3A_2, %dma_wait3A] : memref<2x10000x128xf32, #tpu.memory_space<hbm>> -> memref<1x625x128xf32, #tpu.memory_space<hbm>>
      %dma_wait3A_20 = tpu.memref_squeeze %dma_wait3A_19 : memref<1x625x128xf32, #tpu.memory_space<hbm>> -> memref<625x128xf32, #tpu.memory_space<hbm>>
      %dma_wait3A_21 = arith.constant 0 : i32
      %dma_wait3A_22 = tpu.memref_slice %arg13[%mul3A_2, %dma_wait3A_21] : memref<10000x128xf32, #tpu.memory_space<vmem_shared>> -> memref<625x128xf32, #tpu.memory_space<vmem_shared>>
      tpu.wait_dma2 semaphore(%run_scoped3A : memref<!tpu.dma_semaphore, #tpu.memory_space<semaphore_mem>>) src(%dma_wait3A_22 : memref<625x128xf32, #tpu.memory_space<vmem_shared>>) dst(%dma_wait3A_20 : memref<625x128xf32, #tpu.memory_space<hbm>>)
      tpu.yield
    }) : () -> ()
    return
  }
}

module attributes {stable_mosaic.version = 14 : i64} {
  func.func @_edge_mlp_body(%arg0: i32, %arg1: memref<2000x16xbf16, #tpu.memory_space<vmem>>, %arg2: memref<2000x128xf32, #tpu.memory_space<vmem>>, %arg3: memref<2000x128xf32, #tpu.memory_space<vmem>>, %arg4: memref<1x64xbf16, #tpu.memory_space<vmem>>, %arg5: memref<16x256xbf16, #tpu.memory_space<vmem>>, %arg6: memref<128x256xbf16, #tpu.memory_space<vmem>>, %arg7: memref<128x256xbf16, #tpu.memory_space<vmem>>, %arg8: memref<64x256xbf16, #tpu.memory_space<vmem>>, %arg9: memref<1x256xf32, #tpu.memory_space<vmem>>, %arg10: memref<256x256xbf16, #tpu.memory_space<vmem>>, %arg11: memref<1x256xf32, #tpu.memory_space<vmem>>, %arg12: memref<256x128xbf16, #tpu.memory_space<vmem>>, %arg13: memref<1x128xf32, #tpu.memory_space<vmem>>, %arg14: memref<1x128xf32, #tpu.memory_space<vmem>>, %arg15: memref<1x128xf32, #tpu.memory_space<vmem>>, %arg16: memref<2000x128xf32, #tpu.memory_space<vmem>>, %arg17: memref<2000x128xf32, #tpu.memory_space<vmem>>, %arg18: memref<1x128xf32, #tpu.memory_space<vmem>>) attributes {dimension_semantics = [#tpu.dimension_semantics<arbitrary>], iteration_bounds = array<i64: 20>, scalar_prefetch = 0 : i64, scratch_operands = 0 : i64, tpu.core_type = #tpu.core_type<tc>, window_params = [{transform_indices = @transform_0, window_bounds = array<i64: 2000, 16>}, {transform_indices = @transform_1, window_bounds = array<i64: 2000, 128>}, {transform_indices = @transform_2, window_bounds = array<i64: 2000, 128>}, {pipeline_mode = #tpu.pipeline_mode<synchronous>, transform_indices = @transform_3, window_bounds = array<i64: 1, 64>}, {pipeline_mode = #tpu.pipeline_mode<synchronous>, transform_indices = @transform_4, window_bounds = array<i64: 16, 256>}, {pipeline_mode = #tpu.pipeline_mode<synchronous>, transform_indices = @transform_5, window_bounds = array<i64: 128, 256>}, {pipeline_mode = #tpu.pipeline_mode<synchronous>, transform_indices = @transform_6, window_bounds = array<i64: 128, 256>}, {pipeline_mode = #tpu.pipeline_mode<synchronous>, transform_indices = @transform_7, window_bounds = array<i64: 64, 256>}, {pipeline_mode = #tpu.pipeline_mode<synchronous>, transform_indices = @transform_8, window_bounds = array<i64: 1, 256>}, {pipeline_mode = #tpu.pipeline_mode<synchronous>, transform_indices = @transform_9, window_bounds = array<i64: 256, 256>}, {pipeline_mode = #tpu.pipeline_mode<synchronous>, transform_indices = @transform_10, window_bounds = array<i64: 1, 256>}, {pipeline_mode = #tpu.pipeline_mode<synchronous>, transform_indices = @transform_11, window_bounds = array<i64: 256, 128>}, {pipeline_mode = #tpu.pipeline_mode<synchronous>, transform_indices = @transform_12, window_bounds = array<i64: 1, 128>}, {pipeline_mode = #tpu.pipeline_mode<synchronous>, transform_indices = @transform_13, window_bounds = array<i64: 1, 128>}, {pipeline_mode = #tpu.pipeline_mode<synchronous>, transform_indices = @transform_14, window_bounds = array<i64: 1, 128>}, {transform_indices = @transform_15, window_bounds = array<i64: 2000, 128>}, {transform_indices = @transform_16, window_bounds = array<i64: 2000, 128>}, {pipeline_mode = #tpu.pipeline_mode<synchronous>, transform_indices = @transform_17, window_bounds = array<i64: 1, 128>}]} {
    %get3A = arith.constant 0 : index
    %get3A_0 = arith.constant 0 : index
    %get3A_1 = vector.load %arg1[%get3A, %get3A_0] : memref<2000x16xbf16, #tpu.memory_space<vmem>>, vector<2000x16xbf16>
    %get3A_2 = arith.constant 0 : index
    %get3A_3 = arith.constant 0 : index
    %get3A_4 = vector.load %arg5[%get3A_2, %get3A_3] : memref<16x256xbf16, #tpu.memory_space<vmem>>, vector<16x256xbf16>
    %dot_general3A = arith.constant dense<0.000000e+00> : vector<2000x256xf32>
    %dot_general3A_5 = tpu.matmul %get3A_1, %get3A_4, %dot_general3A {dimension_numbers = #tpu.dot_dimension_numbers<[1], [0], [0], [1], [0, 0, 1, 1], [], []>, transpose_lhs_hint = false} : vector<2000x16xbf16>, vector<16x256xbf16>, vector<2000x256xf32> -> vector<2000x256xf32>
    %get3A_6 = arith.constant 0 : index
    %get3A_7 = arith.constant 0 : index
    %get3A_8 = vector.load %arg2[%get3A_6, %get3A_7] : memref<2000x128xf32, #tpu.memory_space<vmem>>, vector<2000x128xf32>
    %convert_element_type3A = arith.truncf %get3A_8 : vector<2000x128xf32> to vector<2000x128xbf16>
    %get3A_9 = arith.constant 0 : index
    %get3A_10 = arith.constant 0 : index
    %get3A_11 = vector.load %arg6[%get3A_9, %get3A_10] : memref<128x256xbf16, #tpu.memory_space<vmem>>, vector<128x256xbf16>
    %dot_general3A_12 = arith.constant dense<0.000000e+00> : vector<2000x256xf32>
    %dot_general3A_13 = tpu.matmul %convert_element_type3A, %get3A_11, %dot_general3A_12 {dimension_numbers = #tpu.dot_dimension_numbers<[1], [0], [0], [1], [0, 0, 1, 1], [], []>, transpose_lhs_hint = false} : vector<2000x128xbf16>, vector<128x256xbf16>, vector<2000x256xf32> -> vector<2000x256xf32>
    %add3A = arith.addf %dot_general3A_5, %dot_general3A_13 : vector<2000x256xf32>
    %get3A_14 = arith.constant 0 : index
    %get3A_15 = arith.constant 0 : index
    %get3A_16 = vector.load %arg3[%get3A_14, %get3A_15] : memref<2000x128xf32, #tpu.memory_space<vmem>>, vector<2000x128xf32>
    %convert_element_type3A_17 = arith.truncf %get3A_16 : vector<2000x128xf32> to vector<2000x128xbf16>
    %get3A_18 = arith.constant 0 : index
    %get3A_19 = arith.constant 0 : index
    %get3A_20 = vector.load %arg7[%get3A_18, %get3A_19] : memref<128x256xbf16, #tpu.memory_space<vmem>>, vector<128x256xbf16>
    %dot_general3A_21 = arith.constant dense<0.000000e+00> : vector<2000x256xf32>
    %dot_general3A_22 = tpu.matmul %convert_element_type3A_17, %get3A_20, %dot_general3A_21 {dimension_numbers = #tpu.dot_dimension_numbers<[1], [0], [0], [1], [0, 0, 1, 1], [], []>, transpose_lhs_hint = false} : vector<2000x128xbf16>, vector<128x256xbf16>, vector<2000x256xf32> -> vector<2000x256xf32>
    %add3A_23 = arith.addf %add3A, %dot_general3A_22 : vector<2000x256xf32>
    %get3A_24 = arith.constant 0 : index
    %get3A_25 = arith.constant 0 : index
    %get3A_26 = vector.load %arg4[%get3A_24, %get3A_25] : memref<1x64xbf16, #tpu.memory_space<vmem>>, vector<1x64xbf16>
    %get3A_27 = arith.constant 0 : index
    %get3A_28 = arith.constant 0 : index
    %get3A_29 = vector.load %arg8[%get3A_27, %get3A_28] : memref<64x256xbf16, #tpu.memory_space<vmem>>, vector<64x256xbf16>
    %dot_general3A_30 = arith.constant dense<0.000000e+00> : vector<1x256xf32>
    %dot_general3A_31 = tpu.matmul %get3A_26, %get3A_29, %dot_general3A_30 {dimension_numbers = #tpu.dot_dimension_numbers<[1], [0], [0], [1], [0, 0, 1, 1], [], []>, transpose_lhs_hint = false} : vector<1x64xbf16>, vector<64x256xbf16>, vector<1x256xf32> -> vector<1x256xf32>
    %get3A_32 = arith.constant 0 : index
    %get3A_33 = arith.constant 0 : index
    %get3A_34 = vector.load %arg9[%get3A_32, %get3A_33] : memref<1x256xf32, #tpu.memory_space<vmem>>, vector<1x256xf32>
    %add3A_35 = arith.addf %dot_general3A_31, %get3A_34 : vector<1x256xf32>
    %add3A_36 = vector.broadcast %add3A_35 : vector<1x256xf32> to vector<2000x256xf32>
    %add3A_37 = arith.addf %add3A_23, %add3A_36 : vector<2000x256xf32>
    %max3A = arith.constant 0.000000e+00 : f32
    %max3A_38 = vector.broadcast %max3A : f32 to vector<2000x256xf32>
    %max3A_39 = arith.maximumf %add3A_37, %max3A_38 : vector<2000x256xf32>
    %convert_element_type3A_40 = arith.truncf %max3A_39 : vector<2000x256xf32> to vector<2000x256xbf16>
    %get3A_41 = arith.constant 0 : index
    %get3A_42 = arith.constant 0 : index
    %get3A_43 = vector.load %arg10[%get3A_41, %get3A_42] : memref<256x256xbf16, #tpu.memory_space<vmem>>, vector<256x256xbf16>
    %dot_general3A_44 = arith.constant dense<0.000000e+00> : vector<2000x256xf32>
    %dot_general3A_45 = tpu.matmul %convert_element_type3A_40, %get3A_43, %dot_general3A_44 {dimension_numbers = #tpu.dot_dimension_numbers<[1], [0], [0], [1], [0, 0, 1, 1], [], []>, transpose_lhs_hint = false} : vector<2000x256xbf16>, vector<256x256xbf16>, vector<2000x256xf32> -> vector<2000x256xf32>
    %get3A_46 = arith.constant 0 : index
    %get3A_47 = arith.constant 0 : index
    %get3A_48 = vector.load %arg11[%get3A_46, %get3A_47] : memref<1x256xf32, #tpu.memory_space<vmem>>, vector<1x256xf32>
    %add3A_49 = vector.broadcast %get3A_48 : vector<1x256xf32> to vector<2000x256xf32>
    %add3A_50 = arith.addf %dot_general3A_45, %add3A_49 : vector<2000x256xf32>
    %max3A_51 = arith.constant 0.000000e+00 : f32
    %max3A_52 = vector.broadcast %max3A_51 : f32 to vector<2000x256xf32>
    %max3A_53 = arith.maximumf %add3A_50, %max3A_52 : vector<2000x256xf32>
    %convert_element_type3A_54 = arith.truncf %max3A_53 : vector<2000x256xf32> to vector<2000x256xbf16>
    %get3A_55 = arith.constant 0 : index
    %get3A_56 = arith.constant 0 : index
    %get3A_57 = vector.load %arg12[%get3A_55, %get3A_56] : memref<256x128xbf16, #tpu.memory_space<vmem>>, vector<256x128xbf16>
    %dot_general3A_58 = arith.constant dense<0.000000e+00> : vector<2000x128xf32>
    %dot_general3A_59 = tpu.matmul %convert_element_type3A_54, %get3A_57, %dot_general3A_58 {dimension_numbers = #tpu.dot_dimension_numbers<[1], [0], [0], [1], [0, 0, 1, 1], [], []>, transpose_lhs_hint = false} : vector<2000x256xbf16>, vector<256x128xbf16>, vector<2000x128xf32> -> vector<2000x128xf32>
    %get3A_60 = arith.constant 0 : index
    %get3A_61 = arith.constant 0 : index
    %get3A_62 = vector.load %arg13[%get3A_60, %get3A_61] : memref<1x128xf32, #tpu.memory_space<vmem>>, vector<1x128xf32>
    %add3A_63 = vector.broadcast %get3A_62 : vector<1x128xf32> to vector<2000x128xf32>
    %add3A_64 = arith.addf %dot_general3A_59, %add3A_63 : vector<2000x128xf32>
    %logistic3A = arith.negf %add3A_64 : vector<2000x128xf32>
    %logistic3A_65 = math.exp %logistic3A : vector<2000x128xf32>
    %logistic3A_66 = arith.constant 1.000000e+00 : f32
    %logistic3A_67 = vector.broadcast %logistic3A_66 : f32 to vector<2000x128xf32>
    %logistic3A_68 = arith.addf %logistic3A_67, %logistic3A_65 : vector<2000x128xf32>
    %logistic3A_69 = arith.divf %logistic3A_67, %logistic3A_68 : vector<2000x128xf32>
    %reduce_sum3A = arith.constant dense<0.000000e+00> : vector<2000xf32>
    %reduce_sum3A_70 = vector.multi_reduction <add>, %logistic3A_69, %reduce_sum3A [1] : vector<2000x128xf32> to vector<2000xf32>
    %broadcast_in_dim3A = vector.shape_cast %reduce_sum3A_70 : vector<2000xf32> to vector<2000x1xf32>
    %div3A = arith.constant 1.280000e+02 : f32
    %div3A_71 = vector.broadcast %div3A : f32 to vector<2000x1xf32>
    %div3A_72 = arith.divf %broadcast_in_dim3A, %div3A_71 : vector<2000x1xf32>
    %sub3A = vector.broadcast %div3A_72 : vector<2000x1xf32> to vector<2000x128xf32>
    %sub3A_73 = arith.subf %logistic3A_69, %sub3A : vector<2000x128xf32>
    %mul3A = arith.mulf %sub3A_73, %sub3A_73 : vector<2000x128xf32>
    %reduce_sum3A_74 = arith.constant dense<0.000000e+00> : vector<2000xf32>
    %reduce_sum3A_75 = vector.multi_reduction <add>, %mul3A, %reduce_sum3A_74 [1] : vector<2000x128xf32> to vector<2000xf32>
    %broadcast_in_dim3A_76 = vector.shape_cast %reduce_sum3A_75 : vector<2000xf32> to vector<2000x1xf32>
    %div3A_77 = arith.constant 1.280000e+02 : f32
    %div3A_78 = vector.broadcast %div3A_77 : f32 to vector<2000x1xf32>
    %div3A_79 = arith.divf %broadcast_in_dim3A_76, %div3A_78 : vector<2000x1xf32>
    %add3A_80 = arith.constant 1.000000e-03 : f32
    %add3A_81 = vector.broadcast %add3A_80 : f32 to vector<2000x1xf32>
    %add3A_82 = arith.addf %div3A_79, %add3A_81 : vector<2000x1xf32>
    %rsqrt3A = math.rsqrt %add3A_82 : vector<2000x1xf32>
    %mul3A_83 = vector.broadcast %rsqrt3A : vector<2000x1xf32> to vector<2000x128xf32>
    %mul3A_84 = arith.mulf %sub3A_73, %mul3A_83 : vector<2000x128xf32>
    %get3A_85 = arith.constant 0 : index
    %get3A_86 = arith.constant 0 : index
    %get3A_87 = vector.load %arg14[%get3A_85, %get3A_86] : memref<1x128xf32, #tpu.memory_space<vmem>>, vector<1x128xf32>
    %mul3A_88 = vector.broadcast %get3A_87 : vector<1x128xf32> to vector<2000x128xf32>
    %mul3A_89 = arith.mulf %mul3A_84, %mul3A_88 : vector<2000x128xf32>
    %get3A_90 = arith.constant 0 : index
    %get3A_91 = arith.constant 0 : index
    %get3A_92 = vector.load %arg15[%get3A_90, %get3A_91] : memref<1x128xf32, #tpu.memory_space<vmem>>, vector<1x128xf32>
    %add3A_93 = vector.broadcast %get3A_92 : vector<1x128xf32> to vector<2000x128xf32>
    %add3A_94 = arith.addf %mul3A_89, %add3A_93 : vector<2000x128xf32>
    %swap3A = arith.constant 0 : index
    %swap3A_95 = arith.constant 0 : index
    %swap3A_96 = vector.load %arg16[%swap3A, %swap3A_95] : memref<2000x128xf32, #tpu.memory_space<vmem>>, vector<2000x128xf32>
    tpu.vector_store %arg16[%swap3A, %swap3A_95], %add3A_94 {strides = array<i32>} : memref<2000x128xf32, #tpu.memory_space<vmem>>, vector<2000x128xf32>,
    %swap3A_97 = arith.constant 0 : index
    %swap3A_98 = arith.constant 0 : index
    %swap3A_99 = vector.load %arg17[%swap3A_97, %swap3A_98] : memref<2000x128xf32, #tpu.memory_space<vmem>>, vector<2000x128xf32>
    tpu.vector_store %arg17[%swap3A_97, %swap3A_98], %add3A_94 {strides = array<i32>} : memref<2000x128xf32, #tpu.memory_space<vmem>>, vector<2000x128xf32>,
    %eq3A = arith.constant 0 : i32
    %eq3A_100 = arith.cmpi eq, %arg0, %eq3A : i32
    %convert_element_type3A_101 = arith.extui %eq3A_100 : i1 to i32
    %cond3A = arith.constant 0 : i32
    %cond3A_102 = arith.cmpi ne, %convert_element_type3A_101, %cond3A : i32
    scf.if %cond3A_102 {
      %broadcast_in_dim3A_113 = arith.constant 0.000000e+00 : f32
      %broadcast_in_dim3A_114 = vector.broadcast %broadcast_in_dim3A_113 : f32 to vector<1x128xf32>
      %swap3A_115 = arith.constant 0 : index
      %swap3A_116 = arith.constant 0 : index
      %swap3A_117 = vector.load %arg18[%swap3A_115, %swap3A_116] : memref<1x128xf32, #tpu.memory_space<vmem>>, vector<1x128xf32>
      tpu.vector_store %arg18[%swap3A_115, %swap3A_116], %broadcast_in_dim3A_114 {strides = array<i32>} : memref<1x128xf32, #tpu.memory_space<vmem>>, vector<1x128xf32>,
    } else {
    }
    %get3A_103 = arith.constant 0 : index
    %get3A_104 = arith.constant 0 : index
    %get3A_105 = vector.load %arg18[%get3A_103, %get3A_104] : memref<1x128xf32, #tpu.memory_space<vmem>>, vector<1x128xf32>
    %reduce_sum3A_106 = arith.constant dense<0.000000e+00> : vector<128xf32>
    %reduce_sum3A_107 = vector.multi_reduction <add>, %add3A_94, %reduce_sum3A_106 [0] : vector<2000x128xf32> to vector<128xf32>
    %broadcast_in_dim3A_108 = vector.shape_cast %reduce_sum3A_107 : vector<128xf32> to vector<1x128xf32>
    %add3A_109 = arith.addf %get3A_105, %broadcast_in_dim3A_108 : vector<1x128xf32>
    %swap3A_110 = arith.constant 0 : index
    %swap3A_111 = arith.constant 0 : index
    %swap3A_112 = vector.load %arg18[%swap3A_110, %swap3A_111] : memref<1x128xf32, #tpu.memory_space<vmem>>, vector<1x128xf32>
    tpu.vector_store %arg18[%swap3A_110, %swap3A_111], %add3A_109 {strides = array<i32>} : memref<1x128xf32, #tpu.memory_space<vmem>>, vector<1x128xf32>,
    return
  }
  func.func @transform_0(%arg0: i32) -> (i32, i32) {
    %add3A = arith.constant 0 : i32
    %add3A_0 = arith.addi %add3A, %arg0 : i32
    %c0_i32 = arith.constant 0 : i32
    %c0_i32_1 = arith.constant 0 : i32
    return %add3A_0, %c0_i32 : i32, i32
  }
  func.func @transform_1(%arg0: i32) -> (i32, i32) {
    %c0_i32 = arith.constant 0 : i32
    %c0_i32_0 = arith.constant 0 : i32
    return %arg0, %c0_i32 : i32, i32
  }
  func.func @transform_2(%arg0: i32) -> (i32, i32) {
    %c0_i32 = arith.constant 0 : i32
    %c0_i32_0 = arith.constant 0 : i32
    return %arg0, %c0_i32 : i32, i32
  }
  func.func @transform_3(%arg0: i32) -> (i32, i32) {
    %c0_i32 = arith.constant 0 : i32
    %c0_i32_0 = arith.constant 0 : i32
    %c0_i32_1 = arith.constant 0 : i32
    return %c0_i32, %c0_i32_0 : i32, i32
  }
  func.func @transform_4(%arg0: i32) -> (i32, i32) {
    %c0_i32 = arith.constant 0 : i32
    %c0_i32_0 = arith.constant 0 : i32
    %c0_i32_1 = arith.constant 0 : i32
    return %c0_i32, %c0_i32_0 : i32, i32
  }
  func.func @transform_5(%arg0: i32) -> (i32, i32) {
    %c0_i32 = arith.constant 0 : i32
    %c0_i32_0 = arith.constant 0 : i32
    %c0_i32_1 = arith.constant 0 : i32
    return %c0_i32, %c0_i32_0 : i32, i32
  }
  func.func @transform_6(%arg0: i32) -> (i32, i32) {
    %c0_i32 = arith.constant 0 : i32
    %c0_i32_0 = arith.constant 0 : i32
    %c0_i32_1 = arith.constant 0 : i32
    return %c0_i32, %c0_i32_0 : i32, i32
  }
  func.func @transform_7(%arg0: i32) -> (i32, i32) {
    %c0_i32 = arith.constant 0 : i32
    %c0_i32_0 = arith.constant 0 : i32
    %c0_i32_1 = arith.constant 0 : i32
    return %c0_i32, %c0_i32_0 : i32, i32
  }
  func.func @transform_8(%arg0: i32) -> (i32, i32) {
    %c0_i32 = arith.constant 0 : i32
    %c0_i32_0 = arith.constant 0 : i32
    %c0_i32_1 = arith.constant 0 : i32
    return %c0_i32, %c0_i32_0 : i32, i32
  }
  func.func @transform_9(%arg0: i32) -> (i32, i32) {
    %c0_i32 = arith.constant 0 : i32
    %c0_i32_0 = arith.constant 0 : i32
    %c0_i32_1 = arith.constant 0 : i32
    return %c0_i32, %c0_i32_0 : i32, i32
  }
  func.func @transform_10(%arg0: i32) -> (i32, i32) {
    %c0_i32 = arith.constant 0 : i32
    %c0_i32_0 = arith.constant 0 : i32
    %c0_i32_1 = arith.constant 0 : i32
    return %c0_i32, %c0_i32_0 : i32, i32
  }
  func.func @transform_11(%arg0: i32) -> (i32, i32) {
    %c0_i32 = arith.constant 0 : i32
    %c0_i32_0 = arith.constant 0 : i32
    %c0_i32_1 = arith.constant 0 : i32
    return %c0_i32, %c0_i32_0 : i32, i32
  }
  func.func @transform_12(%arg0: i32) -> (i32, i32) {
    %c0_i32 = arith.constant 0 : i32
    %c0_i32_0 = arith.constant 0 : i32
    %c0_i32_1 = arith.constant 0 : i32
    return %c0_i32, %c0_i32_0 : i32, i32
  }
  func.func @transform_13(%arg0: i32) -> (i32, i32) {
    %c0_i32 = arith.constant 0 : i32
    %c0_i32_0 = arith.constant 0 : i32
    %c0_i32_1 = arith.constant 0 : i32
    return %c0_i32, %c0_i32_0 : i32, i32
  }
  func.func @transform_14(%arg0: i32) -> (i32, i32) {
    %c0_i32 = arith.constant 0 : i32
    %c0_i32_0 = arith.constant 0 : i32
    %c0_i32_1 = arith.constant 0 : i32
    return %c0_i32, %c0_i32_0 : i32, i32
  }
  func.func @transform_15(%arg0: i32) -> (i32, i32) {
    %add3A = arith.constant 0 : i32
    %add3A_0 = arith.addi %add3A, %arg0 : i32
    %c0_i32 = arith.constant 0 : i32
    %c0_i32_1 = arith.constant 0 : i32
    return %add3A_0, %c0_i32 : i32, i32
  }
  func.func @transform_16(%arg0: i32) -> (i32, i32) {
    %c0_i32 = arith.constant 0 : i32
    %c0_i32_0 = arith.constant 0 : i32
    return %arg0, %c0_i32 : i32, i32
  }
  func.func @transform_17(%arg0: i32) -> (i32, i32) {
    %c0_i32 = arith.constant 0 : i32
    %c0_i32_0 = arith.constant 0 : i32
    %c0_i32_1 = arith.constant 0 : i32
    return %c0_i32, %c0_i32_0 : i32, i32
  }
}

module attributes {stable_mosaic.version = 14 : i64} {
  func.func @_lambda_(%arg0: i32, %arg1: memref<160000x128xf32, #tpu.memory_space<any>>, %arg2: memref<2000x16xbf16, #tpu.memory_space<vmem>>, %arg3: memref<2000x128xf32, #tpu.memory_space<vmem>>, %arg4: memref<2000x128xf32, #tpu.memory_space<vmem>>, %arg5: memref<1x64xbf16, #tpu.memory_space<vmem>>, %arg6: memref<16x256xbf16, #tpu.memory_space<vmem>>, %arg7: memref<128x256xbf16, #tpu.memory_space<vmem>>, %arg8: memref<128x256xbf16, #tpu.memory_space<vmem>>, %arg9: memref<64x256xbf16, #tpu.memory_space<vmem>>, %arg10: memref<1x256xf32, #tpu.memory_space<vmem>>, %arg11: memref<256x256xbf16, #tpu.memory_space<vmem>>, %arg12: memref<1x256xf32, #tpu.memory_space<vmem>>, %arg13: memref<256x128xbf16, #tpu.memory_space<vmem>>, %arg14: memref<1x128xf32, #tpu.memory_space<vmem>>, %arg15: memref<1x128xf32, #tpu.memory_space<vmem>>, %arg16: memref<1x128xf32, #tpu.memory_space<vmem>>, %arg17: memref<2000x128xf32, #tpu.memory_space<vmem>>, %arg18: memref<2000x128xf32, #tpu.memory_space<vmem>>, %arg19: memref<1x128xf32, #tpu.memory_space<vmem>>) attributes {dimension_semantics = [#tpu.dimension_semantics<arbitrary>], iteration_bounds = array<i64: 20>, scalar_prefetch = 0 : i64, scratch_operands = 0 : i64, tpu.core_type = #tpu.core_type<tc>, window_params = [{}, {transform_indices = @transform_1, window_bounds = array<i64: 2000, 16>}, {transform_indices = @transform_2, window_bounds = array<i64: 2000, 128>}, {transform_indices = @transform_3, window_bounds = array<i64: 2000, 128>}, {pipeline_mode = #tpu.pipeline_mode<synchronous>, transform_indices = @transform_4, window_bounds = array<i64: 1, 64>}, {pipeline_mode = #tpu.pipeline_mode<synchronous>, transform_indices = @transform_5, window_bounds = array<i64: 16, 256>}, {pipeline_mode = #tpu.pipeline_mode<synchronous>, transform_indices = @transform_6, window_bounds = array<i64: 128, 256>}, {pipeline_mode = #tpu.pipeline_mode<synchronous>, transform_indices = @transform_7, window_bounds = array<i64: 128, 256>}, {pipeline_mode = #tpu.pipeline_mode<synchronous>, transform_indices = @transform_8, window_bounds = array<i64: 64, 256>}, {pipeline_mode = #tpu.pipeline_mode<synchronous>, transform_indices = @transform_9, window_bounds = array<i64: 1, 256>}, {pipeline_mode = #tpu.pipeline_mode<synchronous>, transform_indices = @transform_10, window_bounds = array<i64: 256, 256>}, {pipeline_mode = #tpu.pipeline_mode<synchronous>, transform_indices = @transform_11, window_bounds = array<i64: 1, 256>}, {pipeline_mode = #tpu.pipeline_mode<synchronous>, transform_indices = @transform_12, window_bounds = array<i64: 256, 128>}, {pipeline_mode = #tpu.pipeline_mode<synchronous>, transform_indices = @transform_13, window_bounds = array<i64: 1, 128>}, {pipeline_mode = #tpu.pipeline_mode<synchronous>, transform_indices = @transform_14, window_bounds = array<i64: 1, 128>}, {pipeline_mode = #tpu.pipeline_mode<synchronous>, transform_indices = @transform_15, window_bounds = array<i64: 1, 128>}, {transform_indices = @transform_16, window_bounds = array<i64: 2000, 128>}, {transform_indices = @transform_17, window_bounds = array<i64: 2000, 128>}, {pipeline_mode = #tpu.pipeline_mode<synchronous>, transform_indices = @transform_18, window_bounds = array<i64: 1, 128>}]} {
    %get3A = arith.constant 0 : index
    %get3A_0 = arith.constant 0 : index
    %get3A_1 = vector.load %arg2[%get3A, %get3A_0] : memref<2000x16xbf16, #tpu.memory_space<vmem>>, vector<2000x16xbf16>
    %get3A_2 = arith.constant 0 : index
    %get3A_3 = arith.constant 0 : index
    %get3A_4 = vector.load %arg6[%get3A_2, %get3A_3] : memref<16x256xbf16, #tpu.memory_space<vmem>>, vector<16x256xbf16>
    %dot_general3A = arith.constant dense<0.000000e+00> : vector<2000x256xf32>
    %dot_general3A_5 = tpu.matmul %get3A_1, %get3A_4, %dot_general3A {dimension_numbers = #tpu.dot_dimension_numbers<[1], [0], [0], [1], [0, 0, 1, 1], [], []>, transpose_lhs_hint = false} : vector<2000x16xbf16>, vector<16x256xbf16>, vector<2000x256xf32> -> vector<2000x256xf32>
    %get3A_6 = arith.constant 0 : index
    %get3A_7 = arith.constant 0 : index
    %get3A_8 = vector.load %arg3[%get3A_6, %get3A_7] : memref<2000x128xf32, #tpu.memory_space<vmem>>, vector<2000x128xf32>
    %convert_element_type3A = arith.truncf %get3A_8 : vector<2000x128xf32> to vector<2000x128xbf16>
    %get3A_9 = arith.constant 0 : index
    %get3A_10 = arith.constant 0 : index
    %get3A_11 = vector.load %arg7[%get3A_9, %get3A_10] : memref<128x256xbf16, #tpu.memory_space<vmem>>, vector<128x256xbf16>
    %dot_general3A_12 = arith.constant dense<0.000000e+00> : vector<2000x256xf32>
    %dot_general3A_13 = tpu.matmul %convert_element_type3A, %get3A_11, %dot_general3A_12 {dimension_numbers = #tpu.dot_dimension_numbers<[1], [0], [0], [1], [0, 0, 1, 1], [], []>, transpose_lhs_hint = false} : vector<2000x128xbf16>, vector<128x256xbf16>, vector<2000x256xf32> -> vector<2000x256xf32>
    %add3A = arith.addf %dot_general3A_5, %dot_general3A_13 : vector<2000x256xf32>
    %get3A_14 = arith.constant 0 : index
    %get3A_15 = arith.constant 0 : index
    %get3A_16 = vector.load %arg4[%get3A_14, %get3A_15] : memref<2000x128xf32, #tpu.memory_space<vmem>>, vector<2000x128xf32>
    %convert_element_type3A_17 = arith.truncf %get3A_16 : vector<2000x128xf32> to vector<2000x128xbf16>
    %get3A_18 = arith.constant 0 : index
    %get3A_19 = arith.constant 0 : index
    %get3A_20 = vector.load %arg8[%get3A_18, %get3A_19] : memref<128x256xbf16, #tpu.memory_space<vmem>>, vector<128x256xbf16>
    %dot_general3A_21 = arith.constant dense<0.000000e+00> : vector<2000x256xf32>
    %dot_general3A_22 = tpu.matmul %convert_element_type3A_17, %get3A_20, %dot_general3A_21 {dimension_numbers = #tpu.dot_dimension_numbers<[1], [0], [0], [1], [0, 0, 1, 1], [], []>, transpose_lhs_hint = false} : vector<2000x128xbf16>, vector<128x256xbf16>, vector<2000x256xf32> -> vector<2000x256xf32>
    %add3A_23 = arith.addf %add3A, %dot_general3A_22 : vector<2000x256xf32>
    %get3A_24 = arith.constant 0 : index
    %get3A_25 = arith.constant 0 : index
    %get3A_26 = vector.load %arg5[%get3A_24, %get3A_25] : memref<1x64xbf16, #tpu.memory_space<vmem>>, vector<1x64xbf16>
    %get3A_27 = arith.constant 0 : index
    %get3A_28 = arith.constant 0 : index
    %get3A_29 = vector.load %arg9[%get3A_27, %get3A_28] : memref<64x256xbf16, #tpu.memory_space<vmem>>, vector<64x256xbf16>
    %dot_general3A_30 = arith.constant dense<0.000000e+00> : vector<1x256xf32>
    %dot_general3A_31 = tpu.matmul %get3A_26, %get3A_29, %dot_general3A_30 {dimension_numbers = #tpu.dot_dimension_numbers<[1], [0], [0], [1], [0, 0, 1, 1], [], []>, transpose_lhs_hint = false} : vector<1x64xbf16>, vector<64x256xbf16>, vector<1x256xf32> -> vector<1x256xf32>
    %get3A_32 = arith.constant 0 : index
    %get3A_33 = arith.constant 0 : index
    %get3A_34 = vector.load %arg10[%get3A_32, %get3A_33] : memref<1x256xf32, #tpu.memory_space<vmem>>, vector<1x256xf32>
    %add3A_35 = arith.addf %dot_general3A_31, %get3A_34 : vector<1x256xf32>
    %add3A_36 = vector.broadcast %add3A_35 : vector<1x256xf32> to vector<2000x256xf32>
    %add3A_37 = arith.addf %add3A_23, %add3A_36 : vector<2000x256xf32>
    %max3A = arith.constant 0.000000e+00 : f32
    %max3A_38 = vector.broadcast %max3A : f32 to vector<2000x256xf32>
    %max3A_39 = arith.maximumf %add3A_37, %max3A_38 : vector<2000x256xf32>
    %convert_element_type3A_40 = arith.truncf %max3A_39 : vector<2000x256xf32> to vector<2000x256xbf16>
    %get3A_41 = arith.constant 0 : index
    %get3A_42 = arith.constant 0 : index
    %get3A_43 = vector.load %arg11[%get3A_41, %get3A_42] : memref<256x256xbf16, #tpu.memory_space<vmem>>, vector<256x256xbf16>
    %dot_general3A_44 = arith.constant dense<0.000000e+00> : vector<2000x256xf32>
    %dot_general3A_45 = tpu.matmul %convert_element_type3A_40, %get3A_43, %dot_general3A_44 {dimension_numbers = #tpu.dot_dimension_numbers<[1], [0], [0], [1], [0, 0, 1, 1], [], []>, transpose_lhs_hint = false} : vector<2000x256xbf16>, vector<256x256xbf16>, vector<2000x256xf32> -> vector<2000x256xf32>
    %get3A_46 = arith.constant 0 : index
    %get3A_47 = arith.constant 0 : index
    %get3A_48 = vector.load %arg12[%get3A_46, %get3A_47] : memref<1x256xf32, #tpu.memory_space<vmem>>, vector<1x256xf32>
    %add3A_49 = vector.broadcast %get3A_48 : vector<1x256xf32> to vector<2000x256xf32>
    %add3A_50 = arith.addf %dot_general3A_45, %add3A_49 : vector<2000x256xf32>
    %max3A_51 = arith.constant 0.000000e+00 : f32
    %max3A_52 = vector.broadcast %max3A_51 : f32 to vector<2000x256xf32>
    %max3A_53 = arith.maximumf %add3A_50, %max3A_52 : vector<2000x256xf32>
    %convert_element_type3A_54 = arith.truncf %max3A_53 : vector<2000x256xf32> to vector<2000x256xbf16>
    %get3A_55 = arith.constant 0 : index
    %get3A_56 = arith.constant 0 : index
    %get3A_57 = vector.load %arg13[%get3A_55, %get3A_56] : memref<256x128xbf16, #tpu.memory_space<vmem>>, vector<256x128xbf16>
    %dot_general3A_58 = arith.constant dense<0.000000e+00> : vector<2000x128xf32>
    %dot_general3A_59 = tpu.matmul %convert_element_type3A_54, %get3A_57, %dot_general3A_58 {dimension_numbers = #tpu.dot_dimension_numbers<[1], [0], [0], [1], [0, 0, 1, 1], [], []>, transpose_lhs_hint = false} : vector<2000x256xbf16>, vector<256x128xbf16>, vector<2000x128xf32> -> vector<2000x128xf32>
    %get3A_60 = arith.constant 0 : index
    %get3A_61 = arith.constant 0 : index
    %get3A_62 = vector.load %arg14[%get3A_60, %get3A_61] : memref<1x128xf32, #tpu.memory_space<vmem>>, vector<1x128xf32>
    %add3A_63 = vector.broadcast %get3A_62 : vector<1x128xf32> to vector<2000x128xf32>
    %add3A_64 = arith.addf %dot_general3A_59, %add3A_63 : vector<2000x128xf32>
    %logistic3A = arith.negf %add3A_64 : vector<2000x128xf32>
    %logistic3A_65 = math.exp %logistic3A : vector<2000x128xf32>
    %logistic3A_66 = arith.constant 1.000000e+00 : f32
    %logistic3A_67 = vector.broadcast %logistic3A_66 : f32 to vector<2000x128xf32>
    %logistic3A_68 = arith.addf %logistic3A_67, %logistic3A_65 : vector<2000x128xf32>
    %logistic3A_69 = arith.divf %logistic3A_67, %logistic3A_68 : vector<2000x128xf32>
    %reduce_sum3A = arith.constant dense<0.000000e+00> : vector<2000xf32>
    %reduce_sum3A_70 = vector.multi_reduction <add>, %logistic3A_69, %reduce_sum3A [1] : vector<2000x128xf32> to vector<2000xf32>
    %broadcast_in_dim3A = vector.shape_cast %reduce_sum3A_70 : vector<2000xf32> to vector<2000x1xf32>
    %div3A = arith.constant 1.280000e+02 : f32
    %div3A_71 = vector.broadcast %div3A : f32 to vector<2000x1xf32>
    %div3A_72 = arith.divf %broadcast_in_dim3A, %div3A_71 : vector<2000x1xf32>
    %sub3A = vector.broadcast %div3A_72 : vector<2000x1xf32> to vector<2000x128xf32>
    %sub3A_73 = arith.subf %logistic3A_69, %sub3A : vector<2000x128xf32>
    %mul3A = arith.mulf %sub3A_73, %sub3A_73 : vector<2000x128xf32>
    %reduce_sum3A_74 = arith.constant dense<0.000000e+00> : vector<2000xf32>
    %reduce_sum3A_75 = vector.multi_reduction <add>, %mul3A, %reduce_sum3A_74 [1] : vector<2000x128xf32> to vector<2000xf32>
    %broadcast_in_dim3A_76 = vector.shape_cast %reduce_sum3A_75 : vector<2000xf32> to vector<2000x1xf32>
    %div3A_77 = arith.constant 1.280000e+02 : f32
    %div3A_78 = vector.broadcast %div3A_77 : f32 to vector<2000x1xf32>
    %div3A_79 = arith.divf %broadcast_in_dim3A_76, %div3A_78 : vector<2000x1xf32>
    %add3A_80 = arith.constant 1.000000e-03 : f32
    %add3A_81 = vector.broadcast %add3A_80 : f32 to vector<2000x1xf32>
    %add3A_82 = arith.addf %div3A_79, %add3A_81 : vector<2000x1xf32>
    %rsqrt3A = math.rsqrt %add3A_82 : vector<2000x1xf32>
    %mul3A_83 = vector.broadcast %rsqrt3A : vector<2000x1xf32> to vector<2000x128xf32>
    %mul3A_84 = arith.mulf %sub3A_73, %mul3A_83 : vector<2000x128xf32>
    %get3A_85 = arith.constant 0 : index
    %get3A_86 = arith.constant 0 : index
    %get3A_87 = vector.load %arg15[%get3A_85, %get3A_86] : memref<1x128xf32, #tpu.memory_space<vmem>>, vector<1x128xf32>
    %mul3A_88 = vector.broadcast %get3A_87 : vector<1x128xf32> to vector<2000x128xf32>
    %mul3A_89 = arith.mulf %mul3A_84, %mul3A_88 : vector<2000x128xf32>
    %get3A_90 = arith.constant 0 : index
    %get3A_91 = arith.constant 0 : index
    %get3A_92 = vector.load %arg16[%get3A_90, %get3A_91] : memref<1x128xf32, #tpu.memory_space<vmem>>, vector<1x128xf32>
    %add3A_93 = vector.broadcast %get3A_92 : vector<1x128xf32> to vector<2000x128xf32>
    %add3A_94 = arith.addf %mul3A_89, %add3A_93 : vector<2000x128xf32>
    %swap3A = arith.constant 0 : index
    %swap3A_95 = arith.constant 0 : index
    %swap3A_96 = vector.load %arg17[%swap3A, %swap3A_95] : memref<2000x128xf32, #tpu.memory_space<vmem>>, vector<2000x128xf32>
    tpu.vector_store %arg17[%swap3A, %swap3A_95], %add3A_94 {strides = array<i32>} : memref<2000x128xf32, #tpu.memory_space<vmem>>, vector<2000x128xf32>,
    %swap3A_97 = arith.constant 0 : index
    %swap3A_98 = arith.constant 0 : index
    %swap3A_99 = vector.load %arg18[%swap3A_97, %swap3A_98] : memref<2000x128xf32, #tpu.memory_space<vmem>>, vector<2000x128xf32>
    tpu.vector_store %arg18[%swap3A_97, %swap3A_98], %add3A_94 {strides = array<i32>} : memref<2000x128xf32, #tpu.memory_space<vmem>>, vector<2000x128xf32>,
    %eq3A = arith.constant 0 : i32
    %eq3A_100 = arith.cmpi eq, %arg0, %eq3A : i32
    %convert_element_type3A_101 = arith.extui %eq3A_100 : i1 to i32
    %cond3A = arith.constant 0 : i32
    %cond3A_102 = arith.cmpi ne, %convert_element_type3A_101, %cond3A : i32
    scf.if %cond3A_102 {
      %broadcast_in_dim3A_113 = arith.constant 0.000000e+00 : f32
      %broadcast_in_dim3A_114 = vector.broadcast %broadcast_in_dim3A_113 : f32 to vector<1x128xf32>
      %swap3A_115 = arith.constant 0 : index
      %swap3A_116 = arith.constant 0 : index
      %swap3A_117 = vector.load %arg19[%swap3A_115, %swap3A_116] : memref<1x128xf32, #tpu.memory_space<vmem>>, vector<1x128xf32>
      tpu.vector_store %arg19[%swap3A_115, %swap3A_116], %broadcast_in_dim3A_114 {strides = array<i32>} : memref<1x128xf32, #tpu.memory_space<vmem>>, vector<1x128xf32>,
    } else {
    }
    %get3A_103 = arith.constant 0 : index
    %get3A_104 = arith.constant 0 : index
    %get3A_105 = vector.load %arg19[%get3A_103, %get3A_104] : memref<1x128xf32, #tpu.memory_space<vmem>>, vector<1x128xf32>
    %reduce_sum3A_106 = arith.constant dense<0.000000e+00> : vector<128xf32>
    %reduce_sum3A_107 = vector.multi_reduction <add>, %add3A_94, %reduce_sum3A_106 [0] : vector<2000x128xf32> to vector<128xf32>
    %broadcast_in_dim3A_108 = vector.shape_cast %reduce_sum3A_107 : vector<128xf32> to vector<1x128xf32>
    %add3A_109 = arith.addf %get3A_105, %broadcast_in_dim3A_108 : vector<1x128xf32>
    %swap3A_110 = arith.constant 0 : index
    %swap3A_111 = arith.constant 0 : index
    %swap3A_112 = vector.load %arg19[%swap3A_110, %swap3A_111] : memref<1x128xf32, #tpu.memory_space<vmem>>, vector<1x128xf32>
    tpu.vector_store %arg19[%swap3A_110, %swap3A_111], %add3A_109 {strides = array<i32>} : memref<1x128xf32, #tpu.memory_space<vmem>>, vector<1x128xf32>,
    return
  }
  func.func @transform_1(%arg0: i32) -> (i32, i32) {
    %add3A = arith.constant 20 : i32
    %add3A_0 = arith.addi %add3A, %arg0 : i32
    %c0_i32 = arith.constant 0 : i32
    %c0_i32_1 = arith.constant 0 : i32
    return %add3A_0, %c0_i32 : i32, i32
  }
  func.func @transform_2(%arg0: i32) -> (i32, i32) {
    %c0_i32 = arith.constant 0 : i32
    %c0_i32_0 = arith.constant 0 : i32
    return %arg0, %c0_i32 : i32, i32
  }
  func.func @transform_3(%arg0: i32) -> (i32, i32) {
    %c0_i32 = arith.constant 0 : i32
    %c0_i32_0 = arith.constant 0 : i32
    return %arg0, %c0_i32 : i32, i32
  }
  func.func @transform_4(%arg0: i32) -> (i32, i32) {
    %c0_i32 = arith.constant 0 : i32
    %c0_i32_0 = arith.constant 0 : i32
    %c0_i32_1 = arith.constant 0 : i32
    return %c0_i32, %c0_i32_0 : i32, i32
  }
  func.func @transform_5(%arg0: i32) -> (i32, i32) {
    %c0_i32 = arith.constant 0 : i32
    %c0_i32_0 = arith.constant 0 : i32
    %c0_i32_1 = arith.constant 0 : i32
    return %c0_i32, %c0_i32_0 : i32, i32
  }
  func.func @transform_6(%arg0: i32) -> (i32, i32) {
    %c0_i32 = arith.constant 0 : i32
    %c0_i32_0 = arith.constant 0 : i32
    %c0_i32_1 = arith.constant 0 : i32
    return %c0_i32, %c0_i32_0 : i32, i32
  }
  func.func @transform_7(%arg0: i32) -> (i32, i32) {
    %c0_i32 = arith.constant 0 : i32
    %c0_i32_0 = arith.constant 0 : i32
    %c0_i32_1 = arith.constant 0 : i32
    return %c0_i32, %c0_i32_0 : i32, i32
  }
  func.func @transform_8(%arg0: i32) -> (i32, i32) {
    %c0_i32 = arith.constant 0 : i32
    %c0_i32_0 = arith.constant 0 : i32
    %c0_i32_1 = arith.constant 0 : i32
    return %c0_i32, %c0_i32_0 : i32, i32
  }
  func.func @transform_9(%arg0: i32) -> (i32, i32) {
    %c0_i32 = arith.constant 0 : i32
    %c0_i32_0 = arith.constant 0 : i32
    %c0_i32_1 = arith.constant 0 : i32
    return %c0_i32, %c0_i32_0 : i32, i32
  }
  func.func @transform_10(%arg0: i32) -> (i32, i32) {
    %c0_i32 = arith.constant 0 : i32
    %c0_i32_0 = arith.constant 0 : i32
    %c0_i32_1 = arith.constant 0 : i32
    return %c0_i32, %c0_i32_0 : i32, i32
  }
  func.func @transform_11(%arg0: i32) -> (i32, i32) {
    %c0_i32 = arith.constant 0 : i32
    %c0_i32_0 = arith.constant 0 : i32
    %c0_i32_1 = arith.constant 0 : i32
    return %c0_i32, %c0_i32_0 : i32, i32
  }
  func.func @transform_12(%arg0: i32) -> (i32, i32) {
    %c0_i32 = arith.constant 0 : i32
    %c0_i32_0 = arith.constant 0 : i32
    %c0_i32_1 = arith.constant 0 : i32
    return %c0_i32, %c0_i32_0 : i32, i32
  }
  func.func @transform_13(%arg0: i32) -> (i32, i32) {
    %c0_i32 = arith.constant 0 : i32
    %c0_i32_0 = arith.constant 0 : i32
    %c0_i32_1 = arith.constant 0 : i32
    return %c0_i32, %c0_i32_0 : i32, i32
  }
  func.func @transform_14(%arg0: i32) -> (i32, i32) {
    %c0_i32 = arith.constant 0 : i32
    %c0_i32_0 = arith.constant 0 : i32
    %c0_i32_1 = arith.constant 0 : i32
    return %c0_i32, %c0_i32_0 : i32, i32
  }
  func.func @transform_15(%arg0: i32) -> (i32, i32) {
    %c0_i32 = arith.constant 0 : i32
    %c0_i32_0 = arith.constant 0 : i32
    %c0_i32_1 = arith.constant 0 : i32
    return %c0_i32, %c0_i32_0 : i32, i32
  }
  func.func @transform_16(%arg0: i32) -> (i32, i32) {
    %add3A = arith.constant 20 : i32
    %add3A_0 = arith.addi %add3A, %arg0 : i32
    %c0_i32 = arith.constant 0 : i32
    %c0_i32_1 = arith.constant 0 : i32
    return %add3A_0, %c0_i32 : i32, i32
  }
  func.func @transform_17(%arg0: i32) -> (i32, i32) {
    %c0_i32 = arith.constant 0 : i32
    %c0_i32_0 = arith.constant 0 : i32
    return %arg0, %c0_i32 : i32, i32
  }
  func.func @transform_18(%arg0: i32) -> (i32, i32) {
    %c0_i32 = arith.constant 0 : i32
    %c0_i32_0 = arith.constant 0 : i32
    %c0_i32_1 = arith.constant 0 : i32
    return %c0_i32, %c0_i32_0 : i32, i32
  }
}

module attributes {stable_mosaic.version = 14 : i64} {
  func.func @_lambda_(%arg0: i32, %arg1: memref<160000x128xf32, #tpu.memory_space<any>>, %arg2: memref<2000x16xbf16, #tpu.memory_space<vmem>>, %arg3: memref<2000x128xf32, #tpu.memory_space<vmem>>, %arg4: memref<2000x128xf32, #tpu.memory_space<vmem>>, %arg5: memref<1x64xbf16, #tpu.memory_space<vmem>>, %arg6: memref<16x256xbf16, #tpu.memory_space<vmem>>, %arg7: memref<128x256xbf16, #tpu.memory_space<vmem>>, %arg8: memref<128x256xbf16, #tpu.memory_space<vmem>>, %arg9: memref<64x256xbf16, #tpu.memory_space<vmem>>, %arg10: memref<1x256xf32, #tpu.memory_space<vmem>>, %arg11: memref<256x256xbf16, #tpu.memory_space<vmem>>, %arg12: memref<1x256xf32, #tpu.memory_space<vmem>>, %arg13: memref<256x128xbf16, #tpu.memory_space<vmem>>, %arg14: memref<1x128xf32, #tpu.memory_space<vmem>>, %arg15: memref<1x128xf32, #tpu.memory_space<vmem>>, %arg16: memref<1x128xf32, #tpu.memory_space<vmem>>, %arg17: memref<2000x128xf32, #tpu.memory_space<vmem>>, %arg18: memref<2000x128xf32, #tpu.memory_space<vmem>>, %arg19: memref<1x128xf32, #tpu.memory_space<vmem>>) attributes {dimension_semantics = [#tpu.dimension_semantics<arbitrary>], iteration_bounds = array<i64: 20>, scalar_prefetch = 0 : i64, scratch_operands = 0 : i64, tpu.core_type = #tpu.core_type<tc>, window_params = [{}, {transform_indices = @transform_1, window_bounds = array<i64: 2000, 16>}, {transform_indices = @transform_2, window_bounds = array<i64: 2000, 128>}, {transform_indices = @transform_3, window_bounds = array<i64: 2000, 128>}, {pipeline_mode = #tpu.pipeline_mode<synchronous>, transform_indices = @transform_4, window_bounds = array<i64: 1, 64>}, {pipeline_mode = #tpu.pipeline_mode<synchronous>, transform_indices = @transform_5, window_bounds = array<i64: 16, 256>}, {pipeline_mode = #tpu.pipeline_mode<synchronous>, transform_indices = @transform_6, window_bounds = array<i64: 128, 256>}, {pipeline_mode = #tpu.pipeline_mode<synchronous>, transform_indices = @transform_7, window_bounds = array<i64: 128, 256>}, {pipeline_mode = #tpu.pipeline_mode<synchronous>, transform_indices = @transform_8, window_bounds = array<i64: 64, 256>}, {pipeline_mode = #tpu.pipeline_mode<synchronous>, transform_indices = @transform_9, window_bounds = array<i64: 1, 256>}, {pipeline_mode = #tpu.pipeline_mode<synchronous>, transform_indices = @transform_10, window_bounds = array<i64: 256, 256>}, {pipeline_mode = #tpu.pipeline_mode<synchronous>, transform_indices = @transform_11, window_bounds = array<i64: 1, 256>}, {pipeline_mode = #tpu.pipeline_mode<synchronous>, transform_indices = @transform_12, window_bounds = array<i64: 256, 128>}, {pipeline_mode = #tpu.pipeline_mode<synchronous>, transform_indices = @transform_13, window_bounds = array<i64: 1, 128>}, {pipeline_mode = #tpu.pipeline_mode<synchronous>, transform_indices = @transform_14, window_bounds = array<i64: 1, 128>}, {pipeline_mode = #tpu.pipeline_mode<synchronous>, transform_indices = @transform_15, window_bounds = array<i64: 1, 128>}, {transform_indices = @transform_16, window_bounds = array<i64: 2000, 128>}, {transform_indices = @transform_17, window_bounds = array<i64: 2000, 128>}, {pipeline_mode = #tpu.pipeline_mode<synchronous>, transform_indices = @transform_18, window_bounds = array<i64: 1, 128>}]} {
    %get3A = arith.constant 0 : index
    %get3A_0 = arith.constant 0 : index
    %get3A_1 = vector.load %arg2[%get3A, %get3A_0] : memref<2000x16xbf16, #tpu.memory_space<vmem>>, vector<2000x16xbf16>
    %get3A_2 = arith.constant 0 : index
    %get3A_3 = arith.constant 0 : index
    %get3A_4 = vector.load %arg6[%get3A_2, %get3A_3] : memref<16x256xbf16, #tpu.memory_space<vmem>>, vector<16x256xbf16>
    %dot_general3A = arith.constant dense<0.000000e+00> : vector<2000x256xf32>
    %dot_general3A_5 = tpu.matmul %get3A_1, %get3A_4, %dot_general3A {dimension_numbers = #tpu.dot_dimension_numbers<[1], [0], [0], [1], [0, 0, 1, 1], [], []>, transpose_lhs_hint = false} : vector<2000x16xbf16>, vector<16x256xbf16>, vector<2000x256xf32> -> vector<2000x256xf32>
    %get3A_6 = arith.constant 0 : index
    %get3A_7 = arith.constant 0 : index
    %get3A_8 = vector.load %arg3[%get3A_6, %get3A_7] : memref<2000x128xf32, #tpu.memory_space<vmem>>, vector<2000x128xf32>
    %convert_element_type3A = arith.truncf %get3A_8 : vector<2000x128xf32> to vector<2000x128xbf16>
    %get3A_9 = arith.constant 0 : index
    %get3A_10 = arith.constant 0 : index
    %get3A_11 = vector.load %arg7[%get3A_9, %get3A_10] : memref<128x256xbf16, #tpu.memory_space<vmem>>, vector<128x256xbf16>
    %dot_general3A_12 = arith.constant dense<0.000000e+00> : vector<2000x256xf32>
    %dot_general3A_13 = tpu.matmul %convert_element_type3A, %get3A_11, %dot_general3A_12 {dimension_numbers = #tpu.dot_dimension_numbers<[1], [0], [0], [1], [0, 0, 1, 1], [], []>, transpose_lhs_hint = false} : vector<2000x128xbf16>, vector<128x256xbf16>, vector<2000x256xf32> -> vector<2000x256xf32>
    %add3A = arith.addf %dot_general3A_5, %dot_general3A_13 : vector<2000x256xf32>
    %get3A_14 = arith.constant 0 : index
    %get3A_15 = arith.constant 0 : index
    %get3A_16 = vector.load %arg4[%get3A_14, %get3A_15] : memref<2000x128xf32, #tpu.memory_space<vmem>>, vector<2000x128xf32>
    %convert_element_type3A_17 = arith.truncf %get3A_16 : vector<2000x128xf32> to vector<2000x128xbf16>
    %get3A_18 = arith.constant 0 : index
    %get3A_19 = arith.constant 0 : index
    %get3A_20 = vector.load %arg8[%get3A_18, %get3A_19] : memref<128x256xbf16, #tpu.memory_space<vmem>>, vector<128x256xbf16>
    %dot_general3A_21 = arith.constant dense<0.000000e+00> : vector<2000x256xf32>
    %dot_general3A_22 = tpu.matmul %convert_element_type3A_17, %get3A_20, %dot_general3A_21 {dimension_numbers = #tpu.dot_dimension_numbers<[1], [0], [0], [1], [0, 0, 1, 1], [], []>, transpose_lhs_hint = false} : vector<2000x128xbf16>, vector<128x256xbf16>, vector<2000x256xf32> -> vector<2000x256xf32>
    %add3A_23 = arith.addf %add3A, %dot_general3A_22 : vector<2000x256xf32>
    %get3A_24 = arith.constant 0 : index
    %get3A_25 = arith.constant 0 : index
    %get3A_26 = vector.load %arg5[%get3A_24, %get3A_25] : memref<1x64xbf16, #tpu.memory_space<vmem>>, vector<1x64xbf16>
    %get3A_27 = arith.constant 0 : index
    %get3A_28 = arith.constant 0 : index
    %get3A_29 = vector.load %arg9[%get3A_27, %get3A_28] : memref<64x256xbf16, #tpu.memory_space<vmem>>, vector<64x256xbf16>
    %dot_general3A_30 = arith.constant dense<0.000000e+00> : vector<1x256xf32>
    %dot_general3A_31 = tpu.matmul %get3A_26, %get3A_29, %dot_general3A_30 {dimension_numbers = #tpu.dot_dimension_numbers<[1], [0], [0], [1], [0, 0, 1, 1], [], []>, transpose_lhs_hint = false} : vector<1x64xbf16>, vector<64x256xbf16>, vector<1x256xf32> -> vector<1x256xf32>
    %get3A_32 = arith.constant 0 : index
    %get3A_33 = arith.constant 0 : index
    %get3A_34 = vector.load %arg10[%get3A_32, %get3A_33] : memref<1x256xf32, #tpu.memory_space<vmem>>, vector<1x256xf32>
    %add3A_35 = arith.addf %dot_general3A_31, %get3A_34 : vector<1x256xf32>
    %add3A_36 = vector.broadcast %add3A_35 : vector<1x256xf32> to vector<2000x256xf32>
    %add3A_37 = arith.addf %add3A_23, %add3A_36 : vector<2000x256xf32>
    %max3A = arith.constant 0.000000e+00 : f32
    %max3A_38 = vector.broadcast %max3A : f32 to vector<2000x256xf32>
    %max3A_39 = arith.maximumf %add3A_37, %max3A_38 : vector<2000x256xf32>
    %convert_element_type3A_40 = arith.truncf %max3A_39 : vector<2000x256xf32> to vector<2000x256xbf16>
    %get3A_41 = arith.constant 0 : index
    %get3A_42 = arith.constant 0 : index
    %get3A_43 = vector.load %arg11[%get3A_41, %get3A_42] : memref<256x256xbf16, #tpu.memory_space<vmem>>, vector<256x256xbf16>
    %dot_general3A_44 = arith.constant dense<0.000000e+00> : vector<2000x256xf32>
    %dot_general3A_45 = tpu.matmul %convert_element_type3A_40, %get3A_43, %dot_general3A_44 {dimension_numbers = #tpu.dot_dimension_numbers<[1], [0], [0], [1], [0, 0, 1, 1], [], []>, transpose_lhs_hint = false} : vector<2000x256xbf16>, vector<256x256xbf16>, vector<2000x256xf32> -> vector<2000x256xf32>
    %get3A_46 = arith.constant 0 : index
    %get3A_47 = arith.constant 0 : index
    %get3A_48 = vector.load %arg12[%get3A_46, %get3A_47] : memref<1x256xf32, #tpu.memory_space<vmem>>, vector<1x256xf32>
    %add3A_49 = vector.broadcast %get3A_48 : vector<1x256xf32> to vector<2000x256xf32>
    %add3A_50 = arith.addf %dot_general3A_45, %add3A_49 : vector<2000x256xf32>
    %max3A_51 = arith.constant 0.000000e+00 : f32
    %max3A_52 = vector.broadcast %max3A_51 : f32 to vector<2000x256xf32>
    %max3A_53 = arith.maximumf %add3A_50, %max3A_52 : vector<2000x256xf32>
    %convert_element_type3A_54 = arith.truncf %max3A_53 : vector<2000x256xf32> to vector<2000x256xbf16>
    %get3A_55 = arith.constant 0 : index
    %get3A_56 = arith.constant 0 : index
    %get3A_57 = vector.load %arg13[%get3A_55, %get3A_56] : memref<256x128xbf16, #tpu.memory_space<vmem>>, vector<256x128xbf16>
    %dot_general3A_58 = arith.constant dense<0.000000e+00> : vector<2000x128xf32>
    %dot_general3A_59 = tpu.matmul %convert_element_type3A_54, %get3A_57, %dot_general3A_58 {dimension_numbers = #tpu.dot_dimension_numbers<[1], [0], [0], [1], [0, 0, 1, 1], [], []>, transpose_lhs_hint = false} : vector<2000x256xbf16>, vector<256x128xbf16>, vector<2000x128xf32> -> vector<2000x128xf32>
    %get3A_60 = arith.constant 0 : index
    %get3A_61 = arith.constant 0 : index
    %get3A_62 = vector.load %arg14[%get3A_60, %get3A_61] : memref<1x128xf32, #tpu.memory_space<vmem>>, vector<1x128xf32>
    %add3A_63 = vector.broadcast %get3A_62 : vector<1x128xf32> to vector<2000x128xf32>
    %add3A_64 = arith.addf %dot_general3A_59, %add3A_63 : vector<2000x128xf32>
    %logistic3A = arith.negf %add3A_64 : vector<2000x128xf32>
    %logistic3A_65 = math.exp %logistic3A : vector<2000x128xf32>
    %logistic3A_66 = arith.constant 1.000000e+00 : f32
    %logistic3A_67 = vector.broadcast %logistic3A_66 : f32 to vector<2000x128xf32>
    %logistic3A_68 = arith.addf %logistic3A_67, %logistic3A_65 : vector<2000x128xf32>
    %logistic3A_69 = arith.divf %logistic3A_67, %logistic3A_68 : vector<2000x128xf32>
    %reduce_sum3A = arith.constant dense<0.000000e+00> : vector<2000xf32>
    %reduce_sum3A_70 = vector.multi_reduction <add>, %logistic3A_69, %reduce_sum3A [1] : vector<2000x128xf32> to vector<2000xf32>
    %broadcast_in_dim3A = vector.shape_cast %reduce_sum3A_70 : vector<2000xf32> to vector<2000x1xf32>
    %div3A = arith.constant 1.280000e+02 : f32
    %div3A_71 = vector.broadcast %div3A : f32 to vector<2000x1xf32>
    %div3A_72 = arith.divf %broadcast_in_dim3A, %div3A_71 : vector<2000x1xf32>
    %sub3A = vector.broadcast %div3A_72 : vector<2000x1xf32> to vector<2000x128xf32>
    %sub3A_73 = arith.subf %logistic3A_69, %sub3A : vector<2000x128xf32>
    %mul3A = arith.mulf %sub3A_73, %sub3A_73 : vector<2000x128xf32>
    %reduce_sum3A_74 = arith.constant dense<0.000000e+00> : vector<2000xf32>
    %reduce_sum3A_75 = vector.multi_reduction <add>, %mul3A, %reduce_sum3A_74 [1] : vector<2000x128xf32> to vector<2000xf32>
    %broadcast_in_dim3A_76 = vector.shape_cast %reduce_sum3A_75 : vector<2000xf32> to vector<2000x1xf32>
    %div3A_77 = arith.constant 1.280000e+02 : f32
    %div3A_78 = vector.broadcast %div3A_77 : f32 to vector<2000x1xf32>
    %div3A_79 = arith.divf %broadcast_in_dim3A_76, %div3A_78 : vector<2000x1xf32>
    %add3A_80 = arith.constant 1.000000e-03 : f32
    %add3A_81 = vector.broadcast %add3A_80 : f32 to vector<2000x1xf32>
    %add3A_82 = arith.addf %div3A_79, %add3A_81 : vector<2000x1xf32>
    %rsqrt3A = math.rsqrt %add3A_82 : vector<2000x1xf32>
    %mul3A_83 = vector.broadcast %rsqrt3A : vector<2000x1xf32> to vector<2000x128xf32>
    %mul3A_84 = arith.mulf %sub3A_73, %mul3A_83 : vector<2000x128xf32>
    %get3A_85 = arith.constant 0 : index
    %get3A_86 = arith.constant 0 : index
    %get3A_87 = vector.load %arg15[%get3A_85, %get3A_86] : memref<1x128xf32, #tpu.memory_space<vmem>>, vector<1x128xf32>
    %mul3A_88 = vector.broadcast %get3A_87 : vector<1x128xf32> to vector<2000x128xf32>
    %mul3A_89 = arith.mulf %mul3A_84, %mul3A_88 : vector<2000x128xf32>
    %get3A_90 = arith.constant 0 : index
    %get3A_91 = arith.constant 0 : index
    %get3A_92 = vector.load %arg16[%get3A_90, %get3A_91] : memref<1x128xf32, #tpu.memory_space<vmem>>, vector<1x128xf32>
    %add3A_93 = vector.broadcast %get3A_92 : vector<1x128xf32> to vector<2000x128xf32>
    %add3A_94 = arith.addf %mul3A_89, %add3A_93 : vector<2000x128xf32>
    %swap3A = arith.constant 0 : index
    %swap3A_95 = arith.constant 0 : index
    %swap3A_96 = vector.load %arg17[%swap3A, %swap3A_95] : memref<2000x128xf32, #tpu.memory_space<vmem>>, vector<2000x128xf32>
    tpu.vector_store %arg17[%swap3A, %swap3A_95], %add3A_94 {strides = array<i32>} : memref<2000x128xf32, #tpu.memory_space<vmem>>, vector<2000x128xf32>,
    %swap3A_97 = arith.constant 0 : index
    %swap3A_98 = arith.constant 0 : index
    %swap3A_99 = vector.load %arg18[%swap3A_97, %swap3A_98] : memref<2000x128xf32, #tpu.memory_space<vmem>>, vector<2000x128xf32>
    tpu.vector_store %arg18[%swap3A_97, %swap3A_98], %add3A_94 {strides = array<i32>} : memref<2000x128xf32, #tpu.memory_space<vmem>>, vector<2000x128xf32>,
    %eq3A = arith.constant 0 : i32
    %eq3A_100 = arith.cmpi eq, %arg0, %eq3A : i32
    %convert_element_type3A_101 = arith.extui %eq3A_100 : i1 to i32
    %cond3A = arith.constant 0 : i32
    %cond3A_102 = arith.cmpi ne, %convert_element_type3A_101, %cond3A : i32
    scf.if %cond3A_102 {
      %broadcast_in_dim3A_113 = arith.constant 0.000000e+00 : f32
      %broadcast_in_dim3A_114 = vector.broadcast %broadcast_in_dim3A_113 : f32 to vector<1x128xf32>
      %swap3A_115 = arith.constant 0 : index
      %swap3A_116 = arith.constant 0 : index
      %swap3A_117 = vector.load %arg19[%swap3A_115, %swap3A_116] : memref<1x128xf32, #tpu.memory_space<vmem>>, vector<1x128xf32>
      tpu.vector_store %arg19[%swap3A_115, %swap3A_116], %broadcast_in_dim3A_114 {strides = array<i32>} : memref<1x128xf32, #tpu.memory_space<vmem>>, vector<1x128xf32>,
    } else {
    }
    %get3A_103 = arith.constant 0 : index
    %get3A_104 = arith.constant 0 : index
    %get3A_105 = vector.load %arg19[%get3A_103, %get3A_104] : memref<1x128xf32, #tpu.memory_space<vmem>>, vector<1x128xf32>
    %reduce_sum3A_106 = arith.constant dense<0.000000e+00> : vector<128xf32>
    %reduce_sum3A_107 = vector.multi_reduction <add>, %add3A_94, %reduce_sum3A_106 [0] : vector<2000x128xf32> to vector<128xf32>
    %broadcast_in_dim3A_108 = vector.shape_cast %reduce_sum3A_107 : vector<128xf32> to vector<1x128xf32>
    %add3A_109 = arith.addf %get3A_105, %broadcast_in_dim3A_108 : vector<1x128xf32>
    %swap3A_110 = arith.constant 0 : index
    %swap3A_111 = arith.constant 0 : index
    %swap3A_112 = vector.load %arg19[%swap3A_110, %swap3A_111] : memref<1x128xf32, #tpu.memory_space<vmem>>, vector<1x128xf32>
    tpu.vector_store %arg19[%swap3A_110, %swap3A_111], %add3A_109 {strides = array<i32>} : memref<1x128xf32, #tpu.memory_space<vmem>>, vector<1x128xf32>,
    return
  }
  func.func @transform_1(%arg0: i32) -> (i32, i32) {
    %add3A = arith.constant 40 : i32
    %add3A_0 = arith.addi %add3A, %arg0 : i32
    %c0_i32 = arith.constant 0 : i32
    %c0_i32_1 = arith.constant 0 : i32
    return %add3A_0, %c0_i32 : i32, i32
  }
  func.func @transform_2(%arg0: i32) -> (i32, i32) {
    %c0_i32 = arith.constant 0 : i32
    %c0_i32_0 = arith.constant 0 : i32
    return %arg0, %c0_i32 : i32, i32
  }
  func.func @transform_3(%arg0: i32) -> (i32, i32) {
    %c0_i32 = arith.constant 0 : i32
    %c0_i32_0 = arith.constant 0 : i32
    return %arg0, %c0_i32 : i32, i32
  }
  func.func @transform_4(%arg0: i32) -> (i32, i32) {
    %c0_i32 = arith.constant 0 : i32
    %c0_i32_0 = arith.constant 0 : i32
    %c0_i32_1 = arith.constant 0 : i32
    return %c0_i32, %c0_i32_0 : i32, i32
  }
  func.func @transform_5(%arg0: i32) -> (i32, i32) {
    %c0_i32 = arith.constant 0 : i32
    %c0_i32_0 = arith.constant 0 : i32
    %c0_i32_1 = arith.constant 0 : i32
    return %c0_i32, %c0_i32_0 : i32, i32
  }
  func.func @transform_6(%arg0: i32) -> (i32, i32) {
    %c0_i32 = arith.constant 0 : i32
    %c0_i32_0 = arith.constant 0 : i32
    %c0_i32_1 = arith.constant 0 : i32
    return %c0_i32, %c0_i32_0 : i32, i32
  }
  func.func @transform_7(%arg0: i32) -> (i32, i32) {
    %c0_i32 = arith.constant 0 : i32
    %c0_i32_0 = arith.constant 0 : i32
    %c0_i32_1 = arith.constant 0 : i32
    return %c0_i32, %c0_i32_0 : i32, i32
  }
  func.func @transform_8(%arg0: i32) -> (i32, i32) {
    %c0_i32 = arith.constant 0 : i32
    %c0_i32_0 = arith.constant 0 : i32
    %c0_i32_1 = arith.constant 0 : i32
    return %c0_i32, %c0_i32_0 : i32, i32
  }
  func.func @transform_9(%arg0: i32) -> (i32, i32) {
    %c0_i32 = arith.constant 0 : i32
    %c0_i32_0 = arith.constant 0 : i32
    %c0_i32_1 = arith.constant 0 : i32
    return %c0_i32, %c0_i32_0 : i32, i32
  }
  func.func @transform_10(%arg0: i32) -> (i32, i32) {
    %c0_i32 = arith.constant 0 : i32
    %c0_i32_0 = arith.constant 0 : i32
    %c0_i32_1 = arith.constant 0 : i32
    return %c0_i32, %c0_i32_0 : i32, i32
  }
  func.func @transform_11(%arg0: i32) -> (i32, i32) {
    %c0_i32 = arith.constant 0 : i32
    %c0_i32_0 = arith.constant 0 : i32
    %c0_i32_1 = arith.constant 0 : i32
    return %c0_i32, %c0_i32_0 : i32, i32
  }
  func.func @transform_12(%arg0: i32) -> (i32, i32) {
    %c0_i32 = arith.constant 0 : i32
    %c0_i32_0 = arith.constant 0 : i32
    %c0_i32_1 = arith.constant 0 : i32
    return %c0_i32, %c0_i32_0 : i32, i32
  }
  func.func @transform_13(%arg0: i32) -> (i32, i32) {
    %c0_i32 = arith.constant 0 : i32
    %c0_i32_0 = arith.constant 0 : i32
    %c0_i32_1 = arith.constant 0 : i32
    return %c0_i32, %c0_i32_0 : i32, i32
  }
  func.func @transform_14(%arg0: i32) -> (i32, i32) {
    %c0_i32 = arith.constant 0 : i32
    %c0_i32_0 = arith.constant 0 : i32
    %c0_i32_1 = arith.constant 0 : i32
    return %c0_i32, %c0_i32_0 : i32, i32
  }
  func.func @transform_15(%arg0: i32) -> (i32, i32) {
    %c0_i32 = arith.constant 0 : i32
    %c0_i32_0 = arith.constant 0 : i32
    %c0_i32_1 = arith.constant 0 : i32
    return %c0_i32, %c0_i32_0 : i32, i32
  }
  func.func @transform_16(%arg0: i32) -> (i32, i32) {
    %add3A = arith.constant 40 : i32
    %add3A_0 = arith.addi %add3A, %arg0 : i32
    %c0_i32 = arith.constant 0 : i32
    %c0_i32_1 = arith.constant 0 : i32
    return %add3A_0, %c0_i32 : i32, i32
  }
  func.func @transform_17(%arg0: i32) -> (i32, i32) {
    %c0_i32 = arith.constant 0 : i32
    %c0_i32_0 = arith.constant 0 : i32
    return %arg0, %c0_i32 : i32, i32
  }
  func.func @transform_18(%arg0: i32) -> (i32, i32) {
    %c0_i32 = arith.constant 0 : i32
    %c0_i32_0 = arith.constant 0 : i32
    %c0_i32_1 = arith.constant 0 : i32
    return %c0_i32, %c0_i32_0 : i32, i32
  }
}

module attributes {stable_mosaic.version = 14 : i64} {
  func.func @_lambda_(%arg0: i32, %arg1: memref<160000x128xf32, #tpu.memory_space<any>>, %arg2: memref<2000x16xbf16, #tpu.memory_space<vmem>>, %arg3: memref<2000x128xf32, #tpu.memory_space<vmem>>, %arg4: memref<2000x128xf32, #tpu.memory_space<vmem>>, %arg5: memref<1x64xbf16, #tpu.memory_space<vmem>>, %arg6: memref<16x256xbf16, #tpu.memory_space<vmem>>, %arg7: memref<128x256xbf16, #tpu.memory_space<vmem>>, %arg8: memref<128x256xbf16, #tpu.memory_space<vmem>>, %arg9: memref<64x256xbf16, #tpu.memory_space<vmem>>, %arg10: memref<1x256xf32, #tpu.memory_space<vmem>>, %arg11: memref<256x256xbf16, #tpu.memory_space<vmem>>, %arg12: memref<1x256xf32, #tpu.memory_space<vmem>>, %arg13: memref<256x128xbf16, #tpu.memory_space<vmem>>, %arg14: memref<1x128xf32, #tpu.memory_space<vmem>>, %arg15: memref<1x128xf32, #tpu.memory_space<vmem>>, %arg16: memref<1x128xf32, #tpu.memory_space<vmem>>, %arg17: memref<2000x128xf32, #tpu.memory_space<vmem>>, %arg18: memref<2000x128xf32, #tpu.memory_space<vmem>>, %arg19: memref<1x128xf32, #tpu.memory_space<vmem>>) attributes {dimension_semantics = [#tpu.dimension_semantics<arbitrary>], iteration_bounds = array<i64: 20>, scalar_prefetch = 0 : i64, scratch_operands = 0 : i64, tpu.core_type = #tpu.core_type<tc>, window_params = [{}, {transform_indices = @transform_1, window_bounds = array<i64: 2000, 16>}, {transform_indices = @transform_2, window_bounds = array<i64: 2000, 128>}, {transform_indices = @transform_3, window_bounds = array<i64: 2000, 128>}, {pipeline_mode = #tpu.pipeline_mode<synchronous>, transform_indices = @transform_4, window_bounds = array<i64: 1, 64>}, {pipeline_mode = #tpu.pipeline_mode<synchronous>, transform_indices = @transform_5, window_bounds = array<i64: 16, 256>}, {pipeline_mode = #tpu.pipeline_mode<synchronous>, transform_indices = @transform_6, window_bounds = array<i64: 128, 256>}, {pipeline_mode = #tpu.pipeline_mode<synchronous>, transform_indices = @transform_7, window_bounds = array<i64: 128, 256>}, {pipeline_mode = #tpu.pipeline_mode<synchronous>, transform_indices = @transform_8, window_bounds = array<i64: 64, 256>}, {pipeline_mode = #tpu.pipeline_mode<synchronous>, transform_indices = @transform_9, window_bounds = array<i64: 1, 256>}, {pipeline_mode = #tpu.pipeline_mode<synchronous>, transform_indices = @transform_10, window_bounds = array<i64: 256, 256>}, {pipeline_mode = #tpu.pipeline_mode<synchronous>, transform_indices = @transform_11, window_bounds = array<i64: 1, 256>}, {pipeline_mode = #tpu.pipeline_mode<synchronous>, transform_indices = @transform_12, window_bounds = array<i64: 256, 128>}, {pipeline_mode = #tpu.pipeline_mode<synchronous>, transform_indices = @transform_13, window_bounds = array<i64: 1, 128>}, {pipeline_mode = #tpu.pipeline_mode<synchronous>, transform_indices = @transform_14, window_bounds = array<i64: 1, 128>}, {pipeline_mode = #tpu.pipeline_mode<synchronous>, transform_indices = @transform_15, window_bounds = array<i64: 1, 128>}, {transform_indices = @transform_16, window_bounds = array<i64: 2000, 128>}, {transform_indices = @transform_17, window_bounds = array<i64: 2000, 128>}, {pipeline_mode = #tpu.pipeline_mode<synchronous>, transform_indices = @transform_18, window_bounds = array<i64: 1, 128>}]} {
    %get3A = arith.constant 0 : index
    %get3A_0 = arith.constant 0 : index
    %get3A_1 = vector.load %arg2[%get3A, %get3A_0] : memref<2000x16xbf16, #tpu.memory_space<vmem>>, vector<2000x16xbf16>
    %get3A_2 = arith.constant 0 : index
    %get3A_3 = arith.constant 0 : index
    %get3A_4 = vector.load %arg6[%get3A_2, %get3A_3] : memref<16x256xbf16, #tpu.memory_space<vmem>>, vector<16x256xbf16>
    %dot_general3A = arith.constant dense<0.000000e+00> : vector<2000x256xf32>
    %dot_general3A_5 = tpu.matmul %get3A_1, %get3A_4, %dot_general3A {dimension_numbers = #tpu.dot_dimension_numbers<[1], [0], [0], [1], [0, 0, 1, 1], [], []>, transpose_lhs_hint = false} : vector<2000x16xbf16>, vector<16x256xbf16>, vector<2000x256xf32> -> vector<2000x256xf32>
    %get3A_6 = arith.constant 0 : index
    %get3A_7 = arith.constant 0 : index
    %get3A_8 = vector.load %arg3[%get3A_6, %get3A_7] : memref<2000x128xf32, #tpu.memory_space<vmem>>, vector<2000x128xf32>
    %convert_element_type3A = arith.truncf %get3A_8 : vector<2000x128xf32> to vector<2000x128xbf16>
    %get3A_9 = arith.constant 0 : index
    %get3A_10 = arith.constant 0 : index
    %get3A_11 = vector.load %arg7[%get3A_9, %get3A_10] : memref<128x256xbf16, #tpu.memory_space<vmem>>, vector<128x256xbf16>
    %dot_general3A_12 = arith.constant dense<0.000000e+00> : vector<2000x256xf32>
    %dot_general3A_13 = tpu.matmul %convert_element_type3A, %get3A_11, %dot_general3A_12 {dimension_numbers = #tpu.dot_dimension_numbers<[1], [0], [0], [1], [0, 0, 1, 1], [], []>, transpose_lhs_hint = false} : vector<2000x128xbf16>, vector<128x256xbf16>, vector<2000x256xf32> -> vector<2000x256xf32>
    %add3A = arith.addf %dot_general3A_5, %dot_general3A_13 : vector<2000x256xf32>
    %get3A_14 = arith.constant 0 : index
    %get3A_15 = arith.constant 0 : index
    %get3A_16 = vector.load %arg4[%get3A_14, %get3A_15] : memref<2000x128xf32, #tpu.memory_space<vmem>>, vector<2000x128xf32>
    %convert_element_type3A_17 = arith.truncf %get3A_16 : vector<2000x128xf32> to vector<2000x128xbf16>
    %get3A_18 = arith.constant 0 : index
    %get3A_19 = arith.constant 0 : index
    %get3A_20 = vector.load %arg8[%get3A_18, %get3A_19] : memref<128x256xbf16, #tpu.memory_space<vmem>>, vector<128x256xbf16>
    %dot_general3A_21 = arith.constant dense<0.000000e+00> : vector<2000x256xf32>
    %dot_general3A_22 = tpu.matmul %convert_element_type3A_17, %get3A_20, %dot_general3A_21 {dimension_numbers = #tpu.dot_dimension_numbers<[1], [0], [0], [1], [0, 0, 1, 1], [], []>, transpose_lhs_hint = false} : vector<2000x128xbf16>, vector<128x256xbf16>, vector<2000x256xf32> -> vector<2000x256xf32>
    %add3A_23 = arith.addf %add3A, %dot_general3A_22 : vector<2000x256xf32>
    %get3A_24 = arith.constant 0 : index
    %get3A_25 = arith.constant 0 : index
    %get3A_26 = vector.load %arg5[%get3A_24, %get3A_25] : memref<1x64xbf16, #tpu.memory_space<vmem>>, vector<1x64xbf16>
    %get3A_27 = arith.constant 0 : index
    %get3A_28 = arith.constant 0 : index
    %get3A_29 = vector.load %arg9[%get3A_27, %get3A_28] : memref<64x256xbf16, #tpu.memory_space<vmem>>, vector<64x256xbf16>
    %dot_general3A_30 = arith.constant dense<0.000000e+00> : vector<1x256xf32>
    %dot_general3A_31 = tpu.matmul %get3A_26, %get3A_29, %dot_general3A_30 {dimension_numbers = #tpu.dot_dimension_numbers<[1], [0], [0], [1], [0, 0, 1, 1], [], []>, transpose_lhs_hint = false} : vector<1x64xbf16>, vector<64x256xbf16>, vector<1x256xf32> -> vector<1x256xf32>
    %get3A_32 = arith.constant 0 : index
    %get3A_33 = arith.constant 0 : index
    %get3A_34 = vector.load %arg10[%get3A_32, %get3A_33] : memref<1x256xf32, #tpu.memory_space<vmem>>, vector<1x256xf32>
    %add3A_35 = arith.addf %dot_general3A_31, %get3A_34 : vector<1x256xf32>
    %add3A_36 = vector.broadcast %add3A_35 : vector<1x256xf32> to vector<2000x256xf32>
    %add3A_37 = arith.addf %add3A_23, %add3A_36 : vector<2000x256xf32>
    %max3A = arith.constant 0.000000e+00 : f32
    %max3A_38 = vector.broadcast %max3A : f32 to vector<2000x256xf32>
    %max3A_39 = arith.maximumf %add3A_37, %max3A_38 : vector<2000x256xf32>
    %convert_element_type3A_40 = arith.truncf %max3A_39 : vector<2000x256xf32> to vector<2000x256xbf16>
    %get3A_41 = arith.constant 0 : index
    %get3A_42 = arith.constant 0 : index
    %get3A_43 = vector.load %arg11[%get3A_41, %get3A_42] : memref<256x256xbf16, #tpu.memory_space<vmem>>, vector<256x256xbf16>
    %dot_general3A_44 = arith.constant dense<0.000000e+00> : vector<2000x256xf32>
    %dot_general3A_45 = tpu.matmul %convert_element_type3A_40, %get3A_43, %dot_general3A_44 {dimension_numbers = #tpu.dot_dimension_numbers<[1], [0], [0], [1], [0, 0, 1, 1], [], []>, transpose_lhs_hint = false} : vector<2000x256xbf16>, vector<256x256xbf16>, vector<2000x256xf32> -> vector<2000x256xf32>
    %get3A_46 = arith.constant 0 : index
    %get3A_47 = arith.constant 0 : index
    %get3A_48 = vector.load %arg12[%get3A_46, %get3A_47] : memref<1x256xf32, #tpu.memory_space<vmem>>, vector<1x256xf32>
    %add3A_49 = vector.broadcast %get3A_48 : vector<1x256xf32> to vector<2000x256xf32>
    %add3A_50 = arith.addf %dot_general3A_45, %add3A_49 : vector<2000x256xf32>
    %max3A_51 = arith.constant 0.000000e+00 : f32
    %max3A_52 = vector.broadcast %max3A_51 : f32 to vector<2000x256xf32>
    %max3A_53 = arith.maximumf %add3A_50, %max3A_52 : vector<2000x256xf32>
    %convert_element_type3A_54 = arith.truncf %max3A_53 : vector<2000x256xf32> to vector<2000x256xbf16>
    %get3A_55 = arith.constant 0 : index
    %get3A_56 = arith.constant 0 : index
    %get3A_57 = vector.load %arg13[%get3A_55, %get3A_56] : memref<256x128xbf16, #tpu.memory_space<vmem>>, vector<256x128xbf16>
    %dot_general3A_58 = arith.constant dense<0.000000e+00> : vector<2000x128xf32>
    %dot_general3A_59 = tpu.matmul %convert_element_type3A_54, %get3A_57, %dot_general3A_58 {dimension_numbers = #tpu.dot_dimension_numbers<[1], [0], [0], [1], [0, 0, 1, 1], [], []>, transpose_lhs_hint = false} : vector<2000x256xbf16>, vector<256x128xbf16>, vector<2000x128xf32> -> vector<2000x128xf32>
    %get3A_60 = arith.constant 0 : index
    %get3A_61 = arith.constant 0 : index
    %get3A_62 = vector.load %arg14[%get3A_60, %get3A_61] : memref<1x128xf32, #tpu.memory_space<vmem>>, vector<1x128xf32>
    %add3A_63 = vector.broadcast %get3A_62 : vector<1x128xf32> to vector<2000x128xf32>
    %add3A_64 = arith.addf %dot_general3A_59, %add3A_63 : vector<2000x128xf32>
    %logistic3A = arith.negf %add3A_64 : vector<2000x128xf32>
    %logistic3A_65 = math.exp %logistic3A : vector<2000x128xf32>
    %logistic3A_66 = arith.constant 1.000000e+00 : f32
    %logistic3A_67 = vector.broadcast %logistic3A_66 : f32 to vector<2000x128xf32>
    %logistic3A_68 = arith.addf %logistic3A_67, %logistic3A_65 : vector<2000x128xf32>
    %logistic3A_69 = arith.divf %logistic3A_67, %logistic3A_68 : vector<2000x128xf32>
    %reduce_sum3A = arith.constant dense<0.000000e+00> : vector<2000xf32>
    %reduce_sum3A_70 = vector.multi_reduction <add>, %logistic3A_69, %reduce_sum3A [1] : vector<2000x128xf32> to vector<2000xf32>
    %broadcast_in_dim3A = vector.shape_cast %reduce_sum3A_70 : vector<2000xf32> to vector<2000x1xf32>
    %div3A = arith.constant 1.280000e+02 : f32
    %div3A_71 = vector.broadcast %div3A : f32 to vector<2000x1xf32>
    %div3A_72 = arith.divf %broadcast_in_dim3A, %div3A_71 : vector<2000x1xf32>
    %sub3A = vector.broadcast %div3A_72 : vector<2000x1xf32> to vector<2000x128xf32>
    %sub3A_73 = arith.subf %logistic3A_69, %sub3A : vector<2000x128xf32>
    %mul3A = arith.mulf %sub3A_73, %sub3A_73 : vector<2000x128xf32>
    %reduce_sum3A_74 = arith.constant dense<0.000000e+00> : vector<2000xf32>
    %reduce_sum3A_75 = vector.multi_reduction <add>, %mul3A, %reduce_sum3A_74 [1] : vector<2000x128xf32> to vector<2000xf32>
    %broadcast_in_dim3A_76 = vector.shape_cast %reduce_sum3A_75 : vector<2000xf32> to vector<2000x1xf32>
    %div3A_77 = arith.constant 1.280000e+02 : f32
    %div3A_78 = vector.broadcast %div3A_77 : f32 to vector<2000x1xf32>
    %div3A_79 = arith.divf %broadcast_in_dim3A_76, %div3A_78 : vector<2000x1xf32>
    %add3A_80 = arith.constant 1.000000e-03 : f32
    %add3A_81 = vector.broadcast %add3A_80 : f32 to vector<2000x1xf32>
    %add3A_82 = arith.addf %div3A_79, %add3A_81 : vector<2000x1xf32>
    %rsqrt3A = math.rsqrt %add3A_82 : vector<2000x1xf32>
    %mul3A_83 = vector.broadcast %rsqrt3A : vector<2000x1xf32> to vector<2000x128xf32>
    %mul3A_84 = arith.mulf %sub3A_73, %mul3A_83 : vector<2000x128xf32>
    %get3A_85 = arith.constant 0 : index
    %get3A_86 = arith.constant 0 : index
    %get3A_87 = vector.load %arg15[%get3A_85, %get3A_86] : memref<1x128xf32, #tpu.memory_space<vmem>>, vector<1x128xf32>
    %mul3A_88 = vector.broadcast %get3A_87 : vector<1x128xf32> to vector<2000x128xf32>
    %mul3A_89 = arith.mulf %mul3A_84, %mul3A_88 : vector<2000x128xf32>
    %get3A_90 = arith.constant 0 : index
    %get3A_91 = arith.constant 0 : index
    %get3A_92 = vector.load %arg16[%get3A_90, %get3A_91] : memref<1x128xf32, #tpu.memory_space<vmem>>, vector<1x128xf32>
    %add3A_93 = vector.broadcast %get3A_92 : vector<1x128xf32> to vector<2000x128xf32>
    %add3A_94 = arith.addf %mul3A_89, %add3A_93 : vector<2000x128xf32>
    %swap3A = arith.constant 0 : index
    %swap3A_95 = arith.constant 0 : index
    %swap3A_96 = vector.load %arg17[%swap3A, %swap3A_95] : memref<2000x128xf32, #tpu.memory_space<vmem>>, vector<2000x128xf32>
    tpu.vector_store %arg17[%swap3A, %swap3A_95], %add3A_94 {strides = array<i32>} : memref<2000x128xf32, #tpu.memory_space<vmem>>, vector<2000x128xf32>,
    %swap3A_97 = arith.constant 0 : index
    %swap3A_98 = arith.constant 0 : index
    %swap3A_99 = vector.load %arg18[%swap3A_97, %swap3A_98] : memref<2000x128xf32, #tpu.memory_space<vmem>>, vector<2000x128xf32>
    tpu.vector_store %arg18[%swap3A_97, %swap3A_98], %add3A_94 {strides = array<i32>} : memref<2000x128xf32, #tpu.memory_space<vmem>>, vector<2000x128xf32>,
    %eq3A = arith.constant 0 : i32
    %eq3A_100 = arith.cmpi eq, %arg0, %eq3A : i32
    %convert_element_type3A_101 = arith.extui %eq3A_100 : i1 to i32
    %cond3A = arith.constant 0 : i32
    %cond3A_102 = arith.cmpi ne, %convert_element_type3A_101, %cond3A : i32
    scf.if %cond3A_102 {
      %broadcast_in_dim3A_113 = arith.constant 0.000000e+00 : f32
      %broadcast_in_dim3A_114 = vector.broadcast %broadcast_in_dim3A_113 : f32 to vector<1x128xf32>
      %swap3A_115 = arith.constant 0 : index
      %swap3A_116 = arith.constant 0 : index
      %swap3A_117 = vector.load %arg19[%swap3A_115, %swap3A_116] : memref<1x128xf32, #tpu.memory_space<vmem>>, vector<1x128xf32>
      tpu.vector_store %arg19[%swap3A_115, %swap3A_116], %broadcast_in_dim3A_114 {strides = array<i32>} : memref<1x128xf32, #tpu.memory_space<vmem>>, vector<1x128xf32>,
    } else {
    }
    %get3A_103 = arith.constant 0 : index
    %get3A_104 = arith.constant 0 : index
    %get3A_105 = vector.load %arg19[%get3A_103, %get3A_104] : memref<1x128xf32, #tpu.memory_space<vmem>>, vector<1x128xf32>
    %reduce_sum3A_106 = arith.constant dense<0.000000e+00> : vector<128xf32>
    %reduce_sum3A_107 = vector.multi_reduction <add>, %add3A_94, %reduce_sum3A_106 [0] : vector<2000x128xf32> to vector<128xf32>
    %broadcast_in_dim3A_108 = vector.shape_cast %reduce_sum3A_107 : vector<128xf32> to vector<1x128xf32>
    %add3A_109 = arith.addf %get3A_105, %broadcast_in_dim3A_108 : vector<1x128xf32>
    %swap3A_110 = arith.constant 0 : index
    %swap3A_111 = arith.constant 0 : index
    %swap3A_112 = vector.load %arg19[%swap3A_110, %swap3A_111] : memref<1x128xf32, #tpu.memory_space<vmem>>, vector<1x128xf32>
    tpu.vector_store %arg19[%swap3A_110, %swap3A_111], %add3A_109 {strides = array<i32>} : memref<1x128xf32, #tpu.memory_space<vmem>>, vector<1x128xf32>,
    return
  }
  func.func @transform_1(%arg0: i32) -> (i32, i32) {
    %add3A = arith.constant 60 : i32
    %add3A_0 = arith.addi %add3A, %arg0 : i32
    %c0_i32 = arith.constant 0 : i32
    %c0_i32_1 = arith.constant 0 : i32
    return %add3A_0, %c0_i32 : i32, i32
  }
  func.func @transform_2(%arg0: i32) -> (i32, i32) {
    %c0_i32 = arith.constant 0 : i32
    %c0_i32_0 = arith.constant 0 : i32
    return %arg0, %c0_i32 : i32, i32
  }
  func.func @transform_3(%arg0: i32) -> (i32, i32) {
    %c0_i32 = arith.constant 0 : i32
    %c0_i32_0 = arith.constant 0 : i32
    return %arg0, %c0_i32 : i32, i32
  }
  func.func @transform_4(%arg0: i32) -> (i32, i32) {
    %c0_i32 = arith.constant 0 : i32
    %c0_i32_0 = arith.constant 0 : i32
    %c0_i32_1 = arith.constant 0 : i32
    return %c0_i32, %c0_i32_0 : i32, i32
  }
  func.func @transform_5(%arg0: i32) -> (i32, i32) {
    %c0_i32 = arith.constant 0 : i32
    %c0_i32_0 = arith.constant 0 : i32
    %c0_i32_1 = arith.constant 0 : i32
    return %c0_i32, %c0_i32_0 : i32, i32
  }
  func.func @transform_6(%arg0: i32) -> (i32, i32) {
    %c0_i32 = arith.constant 0 : i32
    %c0_i32_0 = arith.constant 0 : i32
    %c0_i32_1 = arith.constant 0 : i32
    return %c0_i32, %c0_i32_0 : i32, i32
  }
  func.func @transform_7(%arg0: i32) -> (i32, i32) {
    %c0_i32 = arith.constant 0 : i32
    %c0_i32_0 = arith.constant 0 : i32
    %c0_i32_1 = arith.constant 0 : i32
    return %c0_i32, %c0_i32_0 : i32, i32
  }
  func.func @transform_8(%arg0: i32) -> (i32, i32) {
    %c0_i32 = arith.constant 0 : i32
    %c0_i32_0 = arith.constant 0 : i32
    %c0_i32_1 = arith.constant 0 : i32
    return %c0_i32, %c0_i32_0 : i32, i32
  }
  func.func @transform_9(%arg0: i32) -> (i32, i32) {
    %c0_i32 = arith.constant 0 : i32
    %c0_i32_0 = arith.constant 0 : i32
    %c0_i32_1 = arith.constant 0 : i32
    return %c0_i32, %c0_i32_0 : i32, i32
  }
  func.func @transform_10(%arg0: i32) -> (i32, i32) {
    %c0_i32 = arith.constant 0 : i32
    %c0_i32_0 = arith.constant 0 : i32
    %c0_i32_1 = arith.constant 0 : i32
    return %c0_i32, %c0_i32_0 : i32, i32
  }
  func.func @transform_11(%arg0: i32) -> (i32, i32) {
    %c0_i32 = arith.constant 0 : i32
    %c0_i32_0 = arith.constant 0 : i32
    %c0_i32_1 = arith.constant 0 : i32
    return %c0_i32, %c0_i32_0 : i32, i32
  }
  func.func @transform_12(%arg0: i32) -> (i32, i32) {
    %c0_i32 = arith.constant 0 : i32
    %c0_i32_0 = arith.constant 0 : i32
    %c0_i32_1 = arith.constant 0 : i32
    return %c0_i32, %c0_i32_0 : i32, i32
  }
  func.func @transform_13(%arg0: i32) -> (i32, i32) {
    %c0_i32 = arith.constant 0 : i32
    %c0_i32_0 = arith.constant 0 : i32
    %c0_i32_1 = arith.constant 0 : i32
    return %c0_i32, %c0_i32_0 : i32, i32
  }
  func.func @transform_14(%arg0: i32) -> (i32, i32) {
    %c0_i32 = arith.constant 0 : i32
    %c0_i32_0 = arith.constant 0 : i32
    %c0_i32_1 = arith.constant 0 : i32
    return %c0_i32, %c0_i32_0 : i32, i32
  }
  func.func @transform_15(%arg0: i32) -> (i32, i32) {
    %c0_i32 = arith.constant 0 : i32
    %c0_i32_0 = arith.constant 0 : i32
    %c0_i32_1 = arith.constant 0 : i32
    return %c0_i32, %c0_i32_0 : i32, i32
  }
  func.func @transform_16(%arg0: i32) -> (i32, i32) {
    %add3A = arith.constant 60 : i32
    %add3A_0 = arith.addi %add3A, %arg0 : i32
    %c0_i32 = arith.constant 0 : i32
    %c0_i32_1 = arith.constant 0 : i32
    return %add3A_0, %c0_i32 : i32, i32
  }
  func.func @transform_17(%arg0: i32) -> (i32, i32) {
    %c0_i32 = arith.constant 0 : i32
    %c0_i32_0 = arith.constant 0 : i32
    return %arg0, %c0_i32 : i32, i32
  }
  func.func @transform_18(%arg0: i32) -> (i32, i32) {
    %c0_i32 = arith.constant 0 : i32
    %c0_i32_0 = arith.constant 0 : i32
    %c0_i32_1 = arith.constant 0 : i32
    return %c0_i32, %c0_i32_0 : i32, i32
  }
}

module attributes {stable_mosaic.version = 14 : i64} {
  func.func @_node_mlp_body(%arg0: i32, %arg1: memref<2000x128xbf16, #tpu.memory_space<vmem>>, %arg2: memref<2x2000x128xf32, #tpu.memory_space<vmem>>, %arg3: memref<2x2000x128xf32, #tpu.memory_space<vmem>>, %arg4: memref<1x64xf32, #tpu.memory_space<vmem>>, %arg5: memref<1x128xf32, #tpu.memory_space<vmem>>, %arg6: memref<128x256xbf16, #tpu.memory_space<vmem>>, %arg7: memref<64x256xf32, #tpu.memory_space<vmem>>, %arg8: memref<128x256xbf16, #tpu.memory_space<vmem>>, %arg9: memref<1x256xf32, #tpu.memory_space<vmem>>, %arg10: memref<256x256xbf16, #tpu.memory_space<vmem>>, %arg11: memref<1x256xf32, #tpu.memory_space<vmem>>, %arg12: memref<256x128xbf16, #tpu.memory_space<vmem>>, %arg13: memref<1x128xf32, #tpu.memory_space<vmem>>, %arg14: memref<1x128xf32, #tpu.memory_space<vmem>>, %arg15: memref<1x128xf32, #tpu.memory_space<vmem>>, %arg16: memref<64x256xf32, #tpu.memory_space<vmem>>, %arg17: memref<128x256xf32, #tpu.memory_space<vmem>>, %arg18: memref<128x256xf32, #tpu.memory_space<vmem>>, %arg19: memref<1x256xf32, #tpu.memory_space<vmem>>, %arg20: memref<256x256xf32, #tpu.memory_space<vmem>>, %arg21: memref<1x256xf32, #tpu.memory_space<vmem>>, %arg22: memref<256x64xf32, #tpu.memory_space<vmem>>, %arg23: memref<1x64xf32, #tpu.memory_space<vmem>>, %arg24: memref<1x64xf32, #tpu.memory_space<vmem>>, %arg25: memref<1x64xf32, #tpu.memory_space<vmem>>, %arg26: memref<2000x128xf32, #tpu.memory_space<vmem>>, %arg27: memref<1x64xf32, #tpu.memory_space<vmem>>, %arg28: memref<1x128xf32, #tpu.memory_space<vmem>>) attributes {dimension_semantics = [#tpu.dimension_semantics<arbitrary>], iteration_bounds = array<i64: 5>, scalar_prefetch = 0 : i64, scratch_operands = 1 : i64, tpu.core_type = #tpu.core_type<tc>, window_params = [{transform_indices = @transform_0, window_bounds = array<i64: 2000, 128>}, {transform_indices = @transform_1, window_bounds = array<i64: 2, 2000, 128>}, {transform_indices = @transform_2, window_bounds = array<i64: 2, 2000, 128>}, {pipeline_mode = #tpu.pipeline_mode<synchronous>, transform_indices = @transform_3, window_bounds = array<i64: 1, 64>}, {pipeline_mode = #tpu.pipeline_mode<synchronous>, transform_indices = @transform_4, window_bounds = array<i64: 1, 128>}, {pipeline_mode = #tpu.pipeline_mode<synchronous>, transform_indices = @transform_5, window_bounds = array<i64: 128, 256>}, {pipeline_mode = #tpu.pipeline_mode<synchronous>, transform_indices = @transform_6, window_bounds = array<i64: 64, 256>}, {pipeline_mode = #tpu.pipeline_mode<synchronous>, transform_indices = @transform_7, window_bounds = array<i64: 128, 256>}, {pipeline_mode = #tpu.pipeline_mode<synchronous>, transform_indices = @transform_8, window_bounds = array<i64: 1, 256>}, {pipeline_mode = #tpu.pipeline_mode<synchronous>, transform_indices = @transform_9, window_bounds = array<i64: 256, 256>}, {pipeline_mode = #tpu.pipeline_mode<synchronous>, transform_indices = @transform_10, window_bounds = array<i64: 1, 256>}, {pipeline_mode = #tpu.pipeline_mode<synchronous>, transform_indices = @transform_11, window_bounds = array<i64: 256, 128>}, {pipeline_mode = #tpu.pipeline_mode<synchronous>, transform_indices = @transform_12, window_bounds = array<i64: 1, 128>}, {pipeline_mode = #tpu.pipeline_mode<synchronous>, transform_indices = @transform_13, window_bounds = array<i64: 1, 128>}, {pipeline_mode = #tpu.pipeline_mode<synchronous>, transform_indices = @transform_14, window_bounds = array<i64: 1, 128>}, {pipeline_mode = #tpu.pipeline_mode<synchronous>, transform_indices = @transform_15, window_bounds = array<i64: 64, 256>}, {pipeline_mode = #tpu.pipeline_mode<synchronous>, transform_indices = @transform_16, window_bounds = array<i64: 128, 256>}, {pipeline_mode = #tpu.pipeline_mode<synchronous>, transform_indices = @transform_17, window_bounds = array<i64: 128, 256>}, {pipeline_mode = #tpu.pipeline_mode<synchronous>, transform_indices = @transform_18, window_bounds = array<i64: 1, 256>}, {pipeline_mode = #tpu.pipeline_mode<synchronous>, transform_indices = @transform_19, window_bounds = array<i64: 256, 256>}, {pipeline_mode = #tpu.pipeline_mode<synchronous>, transform_indices = @transform_20, window_bounds = array<i64: 1, 256>}, {pipeline_mode = #tpu.pipeline_mode<synchronous>, transform_indices = @transform_21, window_bounds = array<i64: 256, 64>}, {pipeline_mode = #tpu.pipeline_mode<synchronous>, transform_indices = @transform_22, window_bounds = array<i64: 1, 64>}, {pipeline_mode = #tpu.pipeline_mode<synchronous>, transform_indices = @transform_23, window_bounds = array<i64: 1, 64>}, {pipeline_mode = #tpu.pipeline_mode<synchronous>, transform_indices = @transform_24, window_bounds = array<i64: 1, 64>}, {transform_indices = @transform_25, window_bounds = array<i64: 2000, 128>}, {pipeline_mode = #tpu.pipeline_mode<synchronous>, transform_indices = @transform_26, window_bounds = array<i64: 1, 64>}]} {
    %get3A = arith.constant 0 : index
    %get3A_0 = arith.constant 0 : index
    %get3A_1 = arith.constant 0 : index
    %get3A_2 = vector.load %arg2[%get3A, %get3A_0, %get3A_1] : memref<2x2000x128xf32, #tpu.memory_space<vmem>>, vector<1x2000x128xf32>
    %get3A_3 = vector.shape_cast %get3A_2 : vector<1x2000x128xf32> to vector<2000x128xf32>
    %get3A_4 = arith.constant 1 : index
    %get3A_5 = arith.constant 0 : index
    %get3A_6 = arith.constant 0 : index
    %get3A_7 = vector.load %arg2[%get3A_4, %get3A_5, %get3A_6] : memref<2x2000x128xf32, #tpu.memory_space<vmem>>, vector<1x2000x128xf32>
    %get3A_8 = vector.shape_cast %get3A_7 : vector<1x2000x128xf32> to vector<2000x128xf32>
    %add3A = arith.addf %get3A_3, %get3A_8 : vector<2000x128xf32>
    %get3A_9 = arith.constant 0 : index
    %get3A_10 = arith.constant 0 : index
    %get3A_11 = arith.constant 0 : index
    %get3A_12 = vector.load %arg3[%get3A_9, %get3A_10, %get3A_11] : memref<2x2000x128xf32, #tpu.memory_space<vmem>>, vector<1x2000x128xf32>
    %get3A_13 = vector.shape_cast %get3A_12 : vector<1x2000x128xf32> to vector<2000x128xf32>
    %get3A_14 = arith.constant 1 : index
    %get3A_15 = arith.constant 0 : index
    %get3A_16 = arith.constant 0 : index
    %get3A_17 = vector.load %arg3[%get3A_14, %get3A_15, %get3A_16] : memref<2x2000x128xf32, #tpu.memory_space<vmem>>, vector<1x2000x128xf32>
    %get3A_18 = vector.shape_cast %get3A_17 : vector<1x2000x128xf32> to vector<2000x128xf32>
    %add3A_19 = arith.addf %get3A_13, %get3A_18 : vector<2000x128xf32>
    %add3A_20 = arith.addf %add3A, %add3A_19 : vector<2000x128xf32>
    %convert_element_type3A = arith.truncf %add3A_20 : vector<2000x128xf32> to vector<2000x128xbf16>
    %get3A_21 = arith.constant 0 : index
    %get3A_22 = arith.constant 0 : index
    %get3A_23 = vector.load %arg1[%get3A_21, %get3A_22] : memref<2000x128xbf16, #tpu.memory_space<vmem>>, vector<2000x128xbf16>
    %get3A_24 = arith.constant 0 : index
    %get3A_25 = arith.constant 0 : index
    %get3A_26 = vector.load %arg6[%get3A_24, %get3A_25] : memref<128x256xbf16, #tpu.memory_space<vmem>>, vector<128x256xbf16>
    %dot_general3A = arith.constant dense<0.000000e+00> : vector<2000x256xf32>
    %dot_general3A_27 = tpu.matmul %get3A_23, %get3A_26, %dot_general3A {dimension_numbers = #tpu.dot_dimension_numbers<[1], [0], [0], [1], [0, 0, 1, 1], [], []>, transpose_lhs_hint = false} : vector<2000x128xbf16>, vector<128x256xbf16>, vector<2000x256xf32> -> vector<2000x256xf32>
    %get3A_28 = arith.constant 0 : index
    %get3A_29 = arith.constant 0 : index
    %get3A_30 = vector.load %arg8[%get3A_28, %get3A_29] : memref<128x256xbf16, #tpu.memory_space<vmem>>, vector<128x256xbf16>
    %dot_general3A_31 = arith.constant dense<0.000000e+00> : vector<2000x256xf32>
    %dot_general3A_32 = tpu.matmul %convert_element_type3A, %get3A_30, %dot_general3A_31 {dimension_numbers = #tpu.dot_dimension_numbers<[1], [0], [0], [1], [0, 0, 1, 1], [], []>, transpose_lhs_hint = false} : vector<2000x128xbf16>, vector<128x256xbf16>, vector<2000x256xf32> -> vector<2000x256xf32>
    %add3A_33 = arith.addf %dot_general3A_27, %dot_general3A_32 : vector<2000x256xf32>
    %get3A_34 = arith.constant 0 : index
    %get3A_35 = arith.constant 0 : index
    %get3A_36 = vector.load %arg4[%get3A_34, %get3A_35] : memref<1x64xf32, #tpu.memory_space<vmem>>, vector<1x64xf32>
    %get3A_37 = arith.constant 0 : index
    %get3A_38 = arith.constant 0 : index
    %get3A_39 = vector.load %arg7[%get3A_37, %get3A_38] : memref<64x256xf32, #tpu.memory_space<vmem>>, vector<64x256xf32>
    %dot_general3A_40 = arith.constant dense<0.000000e+00> : vector<1x256xf32>
    %dot_general3A_41 = tpu.matmul %get3A_36, %get3A_39, %dot_general3A_40 {dimension_numbers = #tpu.dot_dimension_numbers<[1], [0], [0], [1], [0, 0, 1, 1], [], []>, transpose_lhs_hint = false} : vector<1x64xf32>, vector<64x256xf32>, vector<1x256xf32> -> vector<1x256xf32>
    %get3A_42 = arith.constant 0 : index
    %get3A_43 = arith.constant 0 : index
    %get3A_44 = vector.load %arg9[%get3A_42, %get3A_43] : memref<1x256xf32, #tpu.memory_space<vmem>>, vector<1x256xf32>
    %add3A_45 = arith.addf %dot_general3A_41, %get3A_44 : vector<1x256xf32>
    %add3A_46 = vector.broadcast %add3A_45 : vector<1x256xf32> to vector<2000x256xf32>
    %add3A_47 = arith.addf %add3A_33, %add3A_46 : vector<2000x256xf32>
    %max3A = arith.constant 0.000000e+00 : f32
    %max3A_48 = vector.broadcast %max3A : f32 to vector<2000x256xf32>
    %max3A_49 = arith.maximumf %add3A_47, %max3A_48 : vector<2000x256xf32>
    %convert_element_type3A_50 = arith.truncf %max3A_49 : vector<2000x256xf32> to vector<2000x256xbf16>
    %get3A_51 = arith.constant 0 : index
    %get3A_52 = arith.constant 0 : index
    %get3A_53 = vector.load %arg10[%get3A_51, %get3A_52] : memref<256x256xbf16, #tpu.memory_space<vmem>>, vector<256x256xbf16>
    %dot_general3A_54 = arith.constant dense<0.000000e+00> : vector<2000x256xf32>
    %dot_general3A_55 = tpu.matmul %convert_element_type3A_50, %get3A_53, %dot_general3A_54 {dimension_numbers = #tpu.dot_dimension_numbers<[1], [0], [0], [1], [0, 0, 1, 1], [], []>, transpose_lhs_hint = false} : vector<2000x256xbf16>, vector<256x256xbf16>, vector<2000x256xf32> -> vector<2000x256xf32>
    %get3A_56 = arith.constant 0 : index
    %get3A_57 = arith.constant 0 : index
    %get3A_58 = vector.load %arg11[%get3A_56, %get3A_57] : memref<1x256xf32, #tpu.memory_space<vmem>>, vector<1x256xf32>
    %add3A_59 = vector.broadcast %get3A_58 : vector<1x256xf32> to vector<2000x256xf32>
    %add3A_60 = arith.addf %dot_general3A_55, %add3A_59 : vector<2000x256xf32>
    %max3A_61 = arith.constant 0.000000e+00 : f32
    %max3A_62 = vector.broadcast %max3A_61 : f32 to vector<2000x256xf32>
    %max3A_63 = arith.maximumf %add3A_60, %max3A_62 : vector<2000x256xf32>
    %convert_element_type3A_64 = arith.truncf %max3A_63 : vector<2000x256xf32> to vector<2000x256xbf16>
    %get3A_65 = arith.constant 0 : index
    %get3A_66 = arith.constant 0 : index
    %get3A_67 = vector.load %arg12[%get3A_65, %get3A_66] : memref<256x128xbf16, #tpu.memory_space<vmem>>, vector<256x128xbf16>
    %dot_general3A_68 = arith.constant dense<0.000000e+00> : vector<2000x128xf32>
    %dot_general3A_69 = tpu.matmul %convert_element_type3A_64, %get3A_67, %dot_general3A_68 {dimension_numbers = #tpu.dot_dimension_numbers<[1], [0], [0], [1], [0, 0, 1, 1], [], []>, transpose_lhs_hint = false} : vector<2000x256xbf16>, vector<256x128xbf16>, vector<2000x128xf32> -> vector<2000x128xf32>
    %get3A_70 = arith.constant 0 : index
    %get3A_71 = arith.constant 0 : index
    %get3A_72 = vector.load %arg13[%get3A_70, %get3A_71] : memref<1x128xf32, #tpu.memory_space<vmem>>, vector<1x128xf32>
    %add3A_73 = vector.broadcast %get3A_72 : vector<1x128xf32> to vector<2000x128xf32>
    %add3A_74 = arith.addf %dot_general3A_69, %add3A_73 : vector<2000x128xf32>
    %logistic3A = arith.negf %add3A_74 : vector<2000x128xf32>
    %logistic3A_75 = math.exp %logistic3A : vector<2000x128xf32>
    %logistic3A_76 = arith.constant 1.000000e+00 : f32
    %logistic3A_77 = vector.broadcast %logistic3A_76 : f32 to vector<2000x128xf32>
    %logistic3A_78 = arith.addf %logistic3A_77, %logistic3A_75 : vector<2000x128xf32>
    %logistic3A_79 = arith.divf %logistic3A_77, %logistic3A_78 : vector<2000x128xf32>
    %reduce_sum3A = arith.constant dense<0.000000e+00> : vector<2000xf32>
    %reduce_sum3A_80 = vector.multi_reduction <add>, %logistic3A_79, %reduce_sum3A [1] : vector<2000x128xf32> to vector<2000xf32>
    %broadcast_in_dim3A = vector.shape_cast %reduce_sum3A_80 : vector<2000xf32> to vector<2000x1xf32>
    %div3A = arith.constant 1.280000e+02 : f32
    %div3A_81 = vector.broadcast %div3A : f32 to vector<2000x1xf32>
    %div3A_82 = arith.divf %broadcast_in_dim3A, %div3A_81 : vector<2000x1xf32>
    %sub3A = vector.broadcast %div3A_82 : vector<2000x1xf32> to vector<2000x128xf32>
    %sub3A_83 = arith.subf %logistic3A_79, %sub3A : vector<2000x128xf32>
    %mul3A = arith.mulf %sub3A_83, %sub3A_83 : vector<2000x128xf32>
    %reduce_sum3A_84 = arith.constant dense<0.000000e+00> : vector<2000xf32>
    %reduce_sum3A_85 = vector.multi_reduction <add>, %mul3A, %reduce_sum3A_84 [1] : vector<2000x128xf32> to vector<2000xf32>
    %broadcast_in_dim3A_86 = vector.shape_cast %reduce_sum3A_85 : vector<2000xf32> to vector<2000x1xf32>
    %div3A_87 = arith.constant 1.280000e+02 : f32
    %div3A_88 = vector.broadcast %div3A_87 : f32 to vector<2000x1xf32>
    %div3A_89 = arith.divf %broadcast_in_dim3A_86, %div3A_88 : vector<2000x1xf32>
    %add3A_90 = arith.constant 1.000000e-03 : f32
    %add3A_91 = vector.broadcast %add3A_90 : f32 to vector<2000x1xf32>
    %add3A_92 = arith.addf %div3A_89, %add3A_91 : vector<2000x1xf32>
    %rsqrt3A = math.rsqrt %add3A_92 : vector<2000x1xf32>
    %mul3A_93 = vector.broadcast %rsqrt3A : vector<2000x1xf32> to vector<2000x128xf32>
    %mul3A_94 = arith.mulf %sub3A_83, %mul3A_93 : vector<2000x128xf32>
    %get3A_95 = arith.constant 0 : index
    %get3A_96 = arith.constant 0 : index
    %get3A_97 = vector.load %arg14[%get3A_95, %get3A_96] : memref<1x128xf32, #tpu.memory_space<vmem>>, vector<1x128xf32>
    %mul3A_98 = vector.broadcast %get3A_97 : vector<1x128xf32> to vector<2000x128xf32>
    %mul3A_99 = arith.mulf %mul3A_94, %mul3A_98 : vector<2000x128xf32>
    %get3A_100 = arith.constant 0 : index
    %get3A_101 = arith.constant 0 : index
    %get3A_102 = vector.load %arg15[%get3A_100, %get3A_101] : memref<1x128xf32, #tpu.memory_space<vmem>>, vector<1x128xf32>
    %add3A_103 = vector.broadcast %get3A_102 : vector<1x128xf32> to vector<2000x128xf32>
    %add3A_104 = arith.addf %mul3A_99, %add3A_103 : vector<2000x128xf32>
    %swap3A = arith.constant 0 : index
    %swap3A_105 = arith.constant 0 : index
    %swap3A_106 = vector.load %arg26[%swap3A, %swap3A_105] : memref<2000x128xf32, #tpu.memory_space<vmem>>, vector<2000x128xf32>
    tpu.vector_store %arg26[%swap3A, %swap3A_105], %add3A_104 {strides = array<i32>} : memref<2000x128xf32, #tpu.memory_space<vmem>>, vector<2000x128xf32>,
    %eq3A = arith.constant 0 : i32
    %eq3A_107 = arith.cmpi eq, %arg0, %eq3A : i32
    %convert_element_type3A_108 = arith.extui %eq3A_107 : i1 to i32
    %cond3A = arith.constant 0 : i32
    %cond3A_109 = arith.cmpi ne, %convert_element_type3A_108, %cond3A : i32
    scf.if %cond3A_109 {
      %broadcast_in_dim3A_125 = arith.constant 0.000000e+00 : f32
      %broadcast_in_dim3A_126 = vector.broadcast %broadcast_in_dim3A_125 : f32 to vector<1x128xf32>
      %swap3A_127 = arith.constant 0 : index
      %swap3A_128 = arith.constant 0 : index
      %swap3A_129 = vector.load %arg28[%swap3A_127, %swap3A_128] : memref<1x128xf32, #tpu.memory_space<vmem>>, vector<1x128xf32>
      tpu.vector_store %arg28[%swap3A_127, %swap3A_128], %broadcast_in_dim3A_126 {strides = array<i32>} : memref<1x128xf32, #tpu.memory_space<vmem>>, vector<1x128xf32>,
    } else {
    }
    %get3A_110 = arith.constant 0 : index
    %get3A_111 = arith.constant 0 : index
    %get3A_112 = vector.load %arg28[%get3A_110, %get3A_111] : memref<1x128xf32, #tpu.memory_space<vmem>>, vector<1x128xf32>
    %reduce_sum3A_113 = arith.constant dense<0.000000e+00> : vector<128xf32>
    %reduce_sum3A_114 = vector.multi_reduction <add>, %add3A_104, %reduce_sum3A_113 [0] : vector<2000x128xf32> to vector<128xf32>
    %broadcast_in_dim3A_115 = vector.shape_cast %reduce_sum3A_114 : vector<128xf32> to vector<1x128xf32>
    %add3A_116 = arith.addf %get3A_112, %broadcast_in_dim3A_115 : vector<1x128xf32>
    %swap3A_117 = arith.constant 0 : index
    %swap3A_118 = arith.constant 0 : index
    %swap3A_119 = vector.load %arg28[%swap3A_117, %swap3A_118] : memref<1x128xf32, #tpu.memory_space<vmem>>, vector<1x128xf32>
    tpu.vector_store %arg28[%swap3A_117, %swap3A_118], %add3A_116 {strides = array<i32>} : memref<1x128xf32, #tpu.memory_space<vmem>>, vector<1x128xf32>,
    %eq3A_120 = arith.constant 4 : i32
    %eq3A_121 = arith.cmpi eq, %arg0, %eq3A_120 : i32
    %convert_element_type3A_122 = arith.extui %eq3A_121 : i1 to i32
    %cond3A_123 = arith.constant 0 : i32
    %cond3A_124 = arith.cmpi ne, %convert_element_type3A_122, %cond3A_123 : i32
    scf.if %cond3A_124 {
      %get3A_125 = arith.constant 0 : index
      %get3A_126 = arith.constant 0 : index
      %get3A_127 = vector.load %arg28[%get3A_125, %get3A_126] : memref<1x128xf32, #tpu.memory_space<vmem>>, vector<1x128xf32>
      %div3A_128 = arith.constant 1.000000e+04 : f32
      %div3A_129 = vector.broadcast %div3A_128 : f32 to vector<1x128xf32>
      %div3A_130 = arith.divf %get3A_127, %div3A_129 : vector<1x128xf32>
      %get3A_131 = arith.constant 0 : index
      %get3A_132 = arith.constant 0 : index
      %get3A_133 = vector.load %arg5[%get3A_131, %get3A_132] : memref<1x128xf32, #tpu.memory_space<vmem>>, vector<1x128xf32>
      %div3A_134 = arith.constant 1.600000e+05 : f32
      %div3A_135 = vector.broadcast %div3A_134 : f32 to vector<1x128xf32>
      %div3A_136 = arith.divf %get3A_133, %div3A_135 : vector<1x128xf32>
      %get3A_137 = arith.constant 0 : index
      %get3A_138 = arith.constant 0 : index
      %get3A_139 = vector.load %arg4[%get3A_137, %get3A_138] : memref<1x64xf32, #tpu.memory_space<vmem>>, vector<1x64xf32>
      %get3A_140 = arith.constant 0 : index
      %get3A_141 = arith.constant 0 : index
      %get3A_142 = vector.load %arg16[%get3A_140, %get3A_141] : memref<64x256xf32, #tpu.memory_space<vmem>>, vector<64x256xf32>
      %dot_general3A_143 = arith.constant dense<0.000000e+00> : vector<1x256xf32>
      %dot_general3A_144 = tpu.matmul %get3A_139, %get3A_142, %dot_general3A_143 {dimension_numbers = #tpu.dot_dimension_numbers<[1], [0], [0], [1], [0, 0, 1, 1], [], []>, transpose_lhs_hint = false} : vector<1x64xf32>, vector<64x256xf32>, vector<1x256xf32> -> vector<1x256xf32>
      %get3A_145 = arith.constant 0 : index
      %get3A_146 = arith.constant 0 : index
      %get3A_147 = vector.load %arg17[%get3A_145, %get3A_146] : memref<128x256xf32, #tpu.memory_space<vmem>>, vector<128x256xf32>
      %dot_general3A_148 = arith.constant dense<0.000000e+00> : vector<1x256xf32>
      %dot_general3A_149 = tpu.matmul %div3A_130, %get3A_147, %dot_general3A_148 {dimension_numbers = #tpu.dot_dimension_numbers<[1], [0], [0], [1], [0, 0, 1, 1], [], []>, transpose_lhs_hint = false} : vector<1x128xf32>, vector<128x256xf32>, vector<1x256xf32> -> vector<1x256xf32>
      %add3A_150 = arith.addf %dot_general3A_144, %dot_general3A_149 : vector<1x256xf32>
      %get3A_151 = arith.constant 0 : index
      %get3A_152 = arith.constant 0 : index
      %get3A_153 = vector.load %arg18[%get3A_151, %get3A_152] : memref<128x256xf32, #tpu.memory_space<vmem>>, vector<128x256xf32>
      %dot_general3A_154 = arith.constant dense<0.000000e+00> : vector<1x256xf32>
      %dot_general3A_155 = tpu.matmul %div3A_136, %get3A_153, %dot_general3A_154 {dimension_numbers = #tpu.dot_dimension_numbers<[1], [0], [0], [1], [0, 0, 1, 1], [], []>, transpose_lhs_hint = false} : vector<1x128xf32>, vector<128x256xf32>, vector<1x256xf32> -> vector<1x256xf32>
      %add3A_156 = arith.addf %add3A_150, %dot_general3A_155 : vector<1x256xf32>
      %get3A_157 = arith.constant 0 : index
      %get3A_158 = arith.constant 0 : index
      %get3A_159 = vector.load %arg19[%get3A_157, %get3A_158] : memref<1x256xf32, #tpu.memory_space<vmem>>, vector<1x256xf32>
      %add3A_160 = arith.addf %add3A_156, %get3A_159 : vector<1x256xf32>
      %max3A_161 = arith.constant 0.000000e+00 : f32
      %max3A_162 = vector.broadcast %max3A_161 : f32 to vector<1x256xf32>
      %max3A_163 = arith.maximumf %add3A_160, %max3A_162 : vector<1x256xf32>
      %get3A_164 = arith.constant 0 : index
      %get3A_165 = arith.constant 0 : index
      %get3A_166 = vector.load %arg20[%get3A_164, %get3A_165] : memref<256x256xf32, #tpu.memory_space<vmem>>, vector<256x256xf32>
      %dot_general3A_167 = arith.constant dense<0.000000e+00> : vector<1x256xf32>
      %dot_general3A_168 = tpu.matmul %max3A_163, %get3A_166, %dot_general3A_167 {dimension_numbers = #tpu.dot_dimension_numbers<[1], [0], [0], [1], [0, 0, 1, 1], [], []>, transpose_lhs_hint = false} : vector<1x256xf32>, vector<256x256xf32>, vector<1x256xf32> -> vector<1x256xf32>
      %get3A_169 = arith.constant 0 : index
      %get3A_170 = arith.constant 0 : index
      %get3A_171 = vector.load %arg21[%get3A_169, %get3A_170] : memref<1x256xf32, #tpu.memory_space<vmem>>, vector<1x256xf32>
      %add3A_172 = arith.addf %dot_general3A_168, %get3A_171 : vector<1x256xf32>
      %max3A_173 = arith.constant 0.000000e+00 : f32
      %max3A_174 = vector.broadcast %max3A_173 : f32 to vector<1x256xf32>
      %max3A_175 = arith.maximumf %add3A_172, %max3A_174 : vector<1x256xf32>
      %get3A_176 = arith.constant 0 : index
      %get3A_177 = arith.constant 0 : index
      %get3A_178 = vector.load %arg22[%get3A_176, %get3A_177] : memref<256x64xf32, #tpu.memory_space<vmem>>, vector<256x64xf32>
      %dot_general3A_179 = arith.constant dense<0.000000e+00> : vector<1x64xf32>
      %dot_general3A_180 = tpu.matmul %max3A_175, %get3A_178, %dot_general3A_179 {dimension_numbers = #tpu.dot_dimension_numbers<[1], [0], [0], [1], [0, 0, 1, 1], [], []>, transpose_lhs_hint = false} : vector<1x256xf32>, vector<256x64xf32>, vector<1x64xf32> -> vector<1x64xf32>
      %get3A_181 = arith.constant 0 : index
      %get3A_182 = arith.constant 0 : index
      %get3A_183 = vector.load %arg23[%get3A_181, %get3A_182] : memref<1x64xf32, #tpu.memory_space<vmem>>, vector<1x64xf32>
      %add3A_184 = arith.addf %dot_general3A_180, %get3A_183 : vector<1x64xf32>
      %logistic3A_185 = arith.negf %add3A_184 : vector<1x64xf32>
      %logistic3A_186 = math.exp %logistic3A_185 : vector<1x64xf32>
      %logistic3A_187 = arith.constant 1.000000e+00 : f32
      %logistic3A_188 = vector.broadcast %logistic3A_187 : f32 to vector<1x64xf32>
      %logistic3A_189 = arith.addf %logistic3A_188, %logistic3A_186 : vector<1x64xf32>
      %logistic3A_190 = arith.divf %logistic3A_188, %logistic3A_189 : vector<1x64xf32>
      %reduce_sum3A_191 = arith.constant dense<0.000000e+00> : vector<1xf32>
      %reduce_sum3A_192 = vector.multi_reduction <add>, %logistic3A_190, %reduce_sum3A_191 [1] : vector<1x64xf32> to vector<1xf32>
      %broadcast_in_dim3A_193 = vector.shape_cast %reduce_sum3A_192 : vector<1xf32> to vector<1x1xf32>
      %div3A_194 = arith.constant 6.400000e+01 : f32
      %div3A_195 = vector.broadcast %div3A_194 : f32 to vector<1x1xf32>
      %div3A_196 = arith.divf %broadcast_in_dim3A_193, %div3A_195 : vector<1x1xf32>
      %sub3A_197 = vector.broadcast %div3A_196 : vector<1x1xf32> to vector<1x64xf32>
      %sub3A_198 = arith.subf %logistic3A_190, %sub3A_197 : vector<1x64xf32>
      %mul3A_199 = arith.mulf %sub3A_198, %sub3A_198 : vector<1x64xf32>
      %reduce_sum3A_200 = arith.constant dense<0.000000e+00> : vector<1xf32>
      %reduce_sum3A_201 = vector.multi_reduction <add>, %mul3A_199, %reduce_sum3A_200 [1] : vector<1x64xf32> to vector<1xf32>
      %broadcast_in_dim3A_202 = vector.shape_cast %reduce_sum3A_201 : vector<1xf32> to vector<1x1xf32>
      %div3A_203 = arith.constant 6.400000e+01 : f32
      %div3A_204 = vector.broadcast %div3A_203 : f32 to vector<1x1xf32>
      %div3A_205 = arith.divf %broadcast_in_dim3A_202, %div3A_204 : vector<1x1xf32>
      %add3A_206 = arith.constant 1.000000e-03 : f32
      %add3A_207 = vector.broadcast %add3A_206 : f32 to vector<1x1xf32>
      %add3A_208 = arith.addf %div3A_205, %add3A_207 : vector<1x1xf32>
      %rsqrt3A_209 = math.rsqrt %add3A_208 : vector<1x1xf32>
      %mul3A_210 = vector.broadcast %rsqrt3A_209 : vector<1x1xf32> to vector<1x64xf32>
      %mul3A_211 = arith.mulf %sub3A_198, %mul3A_210 : vector<1x64xf32>
      %get3A_212 = arith.constant 0 : index
      %get3A_213 = arith.constant 0 : index
      %get3A_214 = vector.load %arg24[%get3A_212, %get3A_213] : memref<1x64xf32, #tpu.memory_space<vmem>>, vector<1x64xf32>
      %mul3A_215 = arith.mulf %mul3A_211, %get3A_214 : vector<1x64xf32>
      %get3A_216 = arith.constant 0 : index
      %get3A_217 = arith.constant 0 : index
      %get3A_218 = vector.load %arg25[%get3A_216, %get3A_217] : memref<1x64xf32, #tpu.memory_space<vmem>>, vector<1x64xf32>
      %add3A_219 = arith.addf %mul3A_215, %get3A_218 : vector<1x64xf32>
      %swap3A_220 = arith.constant 0 : index
      %swap3A_221 = arith.constant 0 : index
      %swap3A_222 = vector.load %arg27[%swap3A_220, %swap3A_221] : memref<1x64xf32, #tpu.memory_space<vmem>>, vector<1x64xf32>
      tpu.vector_store %arg27[%swap3A_220, %swap3A_221], %add3A_219 {strides = array<i32>} : memref<1x64xf32, #tpu.memory_space<vmem>>, vector<1x64xf32>,
    } else {
    }
    return
  }
  func.func @transform_0(%arg0: i32) -> (i32, i32) {
    %c0_i32 = arith.constant 0 : i32
    %c0_i32_0 = arith.constant 0 : i32
    return %arg0, %c0_i32 : i32, i32
  }
  func.func @transform_1(%arg0: i32) -> (i32, i32, i32) {
    %c0_i32 = arith.constant 0 : i32
    %c0_i32_0 = arith.constant 0 : i32
    %c0_i32_1 = arith.constant 0 : i32
    return %c0_i32, %arg0, %c0_i32_0 : i32, i32, i32
  }
  func.func @transform_2(%arg0: i32) -> (i32, i32, i32) {
    %c0_i32 = arith.constant 0 : i32
    %c0_i32_0 = arith.constant 0 : i32
    %c0_i32_1 = arith.constant 0 : i32
    return %c0_i32, %arg0, %c0_i32_0 : i32, i32, i32
  }
  func.func @transform_3(%arg0: i32) -> (i32, i32) {
    %c0_i32 = arith.constant 0 : i32
    %c0_i32_0 = arith.constant 0 : i32
    %c0_i32_1 = arith.constant 0 : i32
    return %c0_i32, %c0_i32_0 : i32, i32
  }
  func.func @transform_4(%arg0: i32) -> (i32, i32) {
    %c0_i32 = arith.constant 0 : i32
    %c0_i32_0 = arith.constant 0 : i32
    %c0_i32_1 = arith.constant 0 : i32
    return %c0_i32, %c0_i32_0 : i32, i32
  }
  func.func @transform_5(%arg0: i32) -> (i32, i32) {
    %c0_i32 = arith.constant 0 : i32
    %c0_i32_0 = arith.constant 0 : i32
    %c0_i32_1 = arith.constant 0 : i32
    return %c0_i32, %c0_i32_0 : i32, i32
  }
  func.func @transform_6(%arg0: i32) -> (i32, i32) {
    %c0_i32 = arith.constant 0 : i32
    %c0_i32_0 = arith.constant 0 : i32
    %c0_i32_1 = arith.constant 0 : i32
    return %c0_i32, %c0_i32_0 : i32, i32
  }
  func.func @transform_7(%arg0: i32) -> (i32, i32) {
    %c0_i32 = arith.constant 0 : i32
    %c0_i32_0 = arith.constant 0 : i32
    %c0_i32_1 = arith.constant 0 : i32
    return %c0_i32, %c0_i32_0 : i32, i32
  }
  func.func @transform_8(%arg0: i32) -> (i32, i32) {
    %c0_i32 = arith.constant 0 : i32
    %c0_i32_0 = arith.constant 0 : i32
    %c0_i32_1 = arith.constant 0 : i32
    return %c0_i32, %c0_i32_0 : i32, i32
  }
  func.func @transform_9(%arg0: i32) -> (i32, i32) {
    %c0_i32 = arith.constant 0 : i32
    %c0_i32_0 = arith.constant 0 : i32
    %c0_i32_1 = arith.constant 0 : i32
    return %c0_i32, %c0_i32_0 : i32, i32
  }
  func.func @transform_10(%arg0: i32) -> (i32, i32) {
    %c0_i32 = arith.constant 0 : i32
    %c0_i32_0 = arith.constant 0 : i32
    %c0_i32_1 = arith.constant 0 : i32
    return %c0_i32, %c0_i32_0 : i32, i32
  }
  func.func @transform_11(%arg0: i32) -> (i32, i32) {
    %c0_i32 = arith.constant 0 : i32
    %c0_i32_0 = arith.constant 0 : i32
    %c0_i32_1 = arith.constant 0 : i32
    return %c0_i32, %c0_i32_0 : i32, i32
  }
  func.func @transform_12(%arg0: i32) -> (i32, i32) {
    %c0_i32 = arith.constant 0 : i32
    %c0_i32_0 = arith.constant 0 : i32
    %c0_i32_1 = arith.constant 0 : i32
    return %c0_i32, %c0_i32_0 : i32, i32
  }
  func.func @transform_13(%arg0: i32) -> (i32, i32) {
    %c0_i32 = arith.constant 0 : i32
    %c0_i32_0 = arith.constant 0 : i32
    %c0_i32_1 = arith.constant 0 : i32
    return %c0_i32, %c0_i32_0 : i32, i32
  }
  func.func @transform_14(%arg0: i32) -> (i32, i32) {
    %c0_i32 = arith.constant 0 : i32
    %c0_i32_0 = arith.constant 0 : i32
    %c0_i32_1 = arith.constant 0 : i32
    return %c0_i32, %c0_i32_0 : i32, i32
  }
  func.func @transform_15(%arg0: i32) -> (i32, i32) {
    %c0_i32 = arith.constant 0 : i32
    %c0_i32_0 = arith.constant 0 : i32
    %c0_i32_1 = arith.constant 0 : i32
    return %c0_i32, %c0_i32_0 : i32, i32
  }
  func.func @transform_16(%arg0: i32) -> (i32, i32) {
    %c0_i32 = arith.constant 0 : i32
    %c0_i32_0 = arith.constant 0 : i32
    %c0_i32_1 = arith.constant 0 : i32
    return %c0_i32, %c0_i32_0 : i32, i32
  }
  func.func @transform_17(%arg0: i32) -> (i32, i32) {
    %c0_i32 = arith.constant 0 : i32
    %c0_i32_0 = arith.constant 0 : i32
    %c0_i32_1 = arith.constant 0 : i32
    return %c0_i32, %c0_i32_0 : i32, i32
  }
  func.func @transform_18(%arg0: i32) -> (i32, i32) {
    %c0_i32 = arith.constant 0 : i32
    %c0_i32_0 = arith.constant 0 : i32
    %c0_i32_1 = arith.constant 0 : i32
    return %c0_i32, %c0_i32_0 : i32, i32
  }
  func.func @transform_19(%arg0: i32) -> (i32, i32) {
    %c0_i32 = arith.constant 0 : i32
    %c0_i32_0 = arith.constant 0 : i32
    %c0_i32_1 = arith.constant 0 : i32
    return %c0_i32, %c0_i32_0 : i32, i32
  }
  func.func @transform_20(%arg0: i32) -> (i32, i32) {
    %c0_i32 = arith.constant 0 : i32
    %c0_i32_0 = arith.constant 0 : i32
    %c0_i32_1 = arith.constant 0 : i32
    return %c0_i32, %c0_i32_0 : i32, i32
  }
  func.func @transform_21(%arg0: i32) -> (i32, i32) {
    %c0_i32 = arith.constant 0 : i32
    %c0_i32_0 = arith.constant 0 : i32
    %c0_i32_1 = arith.constant 0 : i32
    return %c0_i32, %c0_i32_0 : i32, i32
  }
  func.func @transform_22(%arg0: i32) -> (i32, i32) {
    %c0_i32 = arith.constant 0 : i32
    %c0_i32_0 = arith.constant 0 : i32
    %c0_i32_1 = arith.constant 0 : i32
    return %c0_i32, %c0_i32_0 : i32, i32
  }
  func.func @transform_23(%arg0: i32) -> (i32, i32) {
    %c0_i32 = arith.constant 0 : i32
    %c0_i32_0 = arith.constant 0 : i32
    %c0_i32_1 = arith.constant 0 : i32
    return %c0_i32, %c0_i32_0 : i32, i32
  }
  func.func @transform_24(%arg0: i32) -> (i32, i32) {
    %c0_i32 = arith.constant 0 : i32
    %c0_i32_0 = arith.constant 0 : i32
    %c0_i32_1 = arith.constant 0 : i32
    return %c0_i32, %c0_i32_0 : i32, i32
  }
  func.func @transform_25(%arg0: i32) -> (i32, i32) {
    %c0_i32 = arith.constant 0 : i32
    %c0_i32_0 = arith.constant 0 : i32
    return %arg0, %c0_i32 : i32, i32
  }
  func.func @transform_26(%arg0: i32) -> (i32, i32) {
    %c0_i32 = arith.constant 0 : i32
    %c0_i32_0 = arith.constant 0 : i32
    %c0_i32_1 = arith.constant 0 : i32
    return %c0_i32, %c0_i32_0 : i32, i32
  }
}

</mosaic_0001>

<sc_bundles>
// kernel: kernel.13.cloned.1.call-start
scs
__scs_entry_jumppad:
0x0: {  	(pc) =	sbr.rel $0x88, $3  }
0x1: {  	(tag) =	ssettag $0x0;
	lr =	simm.s32 $0x1  }
0x2: {  	[smem:$0x3F85] =	sst lr;
	_ =	strace $0xD0000000  }
0x3: {  	_ = 	snop  }
0x4: {  	_ = 	snop  }
0x5: {  	_ = 	snop  }
0x6: {  	_ = 	snop  }
0x7: {  	_ = 	snop  }
__scs_overlays_trampoline_lowered:
0x8: {  	[smem:$0x3F94] =	sst s0  }
0x9: {  	[smem:$0x3F95] =	sst s1  }
0xa: {  	[smem:$0x3F96] =	sst s2  }
0xb: {  	[smem:$0x3F97] =	sst s3  }
0xc: {  	[smem:$0x3F98] =	sst s4  }
0xd: {  	[smem:$0x3F99] =	sst s5  }
0xe: {  	[smem:$0x3F9A] =	sst s6  }
0xf: {  	[smem:$0x3F9B] =	sst s7  }
0x10: {  	[smem:$0x3F9C] =	sst s8  }
0x11: {  	[smem:$0x3F9D] =	sst s9;
	s0 =	simm.s32 @!p0 $0x0  }
0x12: {  	s1 =	sld [smem:$0x3F83];
	s0 =	simm.s32 @p0 $0x1  }
0x13: {  	[smem:$0x3F9E] =	sst s0;
	s0 =	simm.s32 @!p1 $0x0  }
0x14: {  	s2 =	sld [smem:$0x3F82];
	s0 =	simm.s32 @p1 $0x1  }
0x15: {  	[smem:$0x3F9F] =	sst s0;
	s0 =	simm.s32 @!p2 $0x0  }
0x16: {  	s3 =	sld [smem:$0x3FDB];
	s0 =	simm.s32 @p2 $0x1  }
0x17: {  	s4 =	simm.s32 $0x1BF5;
	[smem:$0x3FA1] =	sst s0  }
0x18: {  	s0 =	sld [smem:$0x3F84];
	_ =	swait.ge [sflag:s4], $0x0  }
0x19: {  	s7 =	sld [smem:$0x3F85]  }
0x1a: {  	s8 =	sadd.s32 $0xFFFFE003, lr  }
0x1b: {  	s9 =	sadd.s32 $0xFFFFFEF7, lr;
	s5 =	simm.s32 $0xFFFFFFFF;
	p2 =	slt.u32 s8, $0xFFFFF086  }
0x1c: {  	p1 =	slt.u32 s9, $0xF7A;
	s5 =	simm.s32 @!p2 $0x0  }
0x1d: {  	s5 =	simm.s32 @p1 $0x1;
	p0 =	seq.s32 s7, s2  }
0x1e: {  	s7 =	smul.u32 @!p0 $0xF7A, s2;
	p2 =	seq.s32 @!p0 s5, $0x0  }
0x1f: {  	s9 =	smul.u32 $0xF7A, s1;
	s8 =	simm.s32 @!p0 $0x1BF5;
	p2 =	por !p2, p0  }
0x20: {  	[sflag:s8] =	ssyncset.s32 @!p0 $0xFFFFF086;
	s6 =	sadd.s32 @!p0 s3, s7;
	s7 =	simm.s32 @!p0 $0x108  }
0x21: {  	s3 =	sadd.s32 s3, s9;
	s6 =	sadd.s32 @!p0 $0x88, s6;
	s7 =	simm.s32 @p2 $0x1082  }
0x22: {  	[simem:s7], [sflag:s8] =	dma.local @!p0 [hbm:s6], $0xF7A  }
0x23: {  	s9 =	sor.u32 $0xD0000000, s2;
	s6 =	simm.s32 $0x108;
	_ =	swait.ge @!p0 [sflag:s8], $0x0  }
0x24: {  	s3 =	sadd.s32 $0x88, s3;
	s6 =	simm.s32 @!p1 $0x1082;
	[sflag:s4] =	ssyncset.s32 $0xFFFFF086  }
0x25: {  	[simem:s6], [sflag:s4] =	dma.local [hbm:s3], $0xF7A  }
0x26: {  	[smem:$0x3F85] =	sst s1;
	(tag) =	ssettag s2;
	_ =	strace s9  }
0x27: {  	s1 =	sld [smem:$0x3F95]  }
0x28: {  	s2 =	sld [smem:$0x3F96]  }
0x29: {  	s4 =	sld [smem:$0x3F98]  }
0x2a: {  	p0 =	seq.s32 s5, $0x0;
	s5 =	sld [smem:$0x3F99]  }
0x2b: {  	s6 =	sld [smem:$0x3F9A]  }
0x2c: {  	s7 =	sld [smem:$0x3F9B]  }
0x2d: {  	s3 =	simm.s32 $0x108;
	s8 =	sld [smem:$0x3F9C]  }
0x2e: {  	s3 =	simm.s32 @!p0 $0x1082;
	s9 =	sld [smem:$0x3F9D]  }
0x2f: {  	lr =	sadd.s32 s0, s3;
	s0 =	sld [smem:$0x3F94]  }
0x30: {  	s3 =	sld [smem:$0x3F97]  }
0x31: {  	[smem:$0x3FA0] =	sst s10  }
0x32: {  	s10 =	sld [smem:$0x3F9E];
	_ =	sdelay $0x3  }
0x33: {  	p0 =	seq.s32 s10, $0x1;
	s10 =	sld [smem:$0x3FA0];
	_ =	sdelay $0x3  }
0x34: {  	[smem:$0x3FA0] =	sst s10  }
0x35: {  	s10 =	sld [smem:$0x3F9F];
	_ =	sdelay $0x3  }
0x36: {  	p1 =	seq.s32 s10, $0x1;
	s10 =	sld [smem:$0x3FA0];
	_ =	sdelay $0x3  }
0x37: {  	[smem:$0x3FA0] =	sst s10  }
0x38: {  	s10 =	sld [smem:$0x3FA1]  }
0x39: {  	_ = 	snop;
	(pc) =	sbr.ind lr, $3  }
0x3a: {  	_ = 	snop  }
0x3b: {  	_ = 	snop  }
0x3c: {  	p2 =	seq.s32 s10, $0x1;
	s10 =	sld [smem:$0x3FA0]  }
0x3d: {  	_ =	shalt  }
0x3e: {  	_ =	shalt  }
0x3f: {  	_ =	shalt  }
0x40: {  	_ =	shalt  }
0x41: {  	_ =	shalt  }
0x42: {  	_ =	shalt  }
0x43: {  	_ =	shalt  }
0x44: {  	_ =	shalt  }
0x45: {  	_ =	shalt  }
0x46: {  	_ =	shalt  }
0x47: {  	_ =	shalt  }
0x48: {  	_ =	shalt  }
0x49: {  	_ =	shalt  }
0x4a: {  	_ =	shalt  }
0x4b: {  	_ =	shalt  }
0x4c: {  	_ =	shalt  }
0x4d: {  	_ =	shalt  }
0x4e: {  	_ =	shalt  }
0x4f: {  	_ =	shalt  }
0x50: {  	_ =	shalt  }
0x51: {  	_ =	shalt  }
0x52: {  	_ =	shalt  }
0x53: {  	_ =	shalt  }
0x54: {  	_ =	shalt  }
0x55: {  	_ =	shalt  }
0x56: {  	_ =	shalt  }
0x57: {  	_ =	shalt  }
0x58: {  	_ =	shalt  }
0x59: {  	_ =	shalt  }
0x5a: {  	_ =	shalt  }
0x5b: {  	_ =	shalt  }
0x5c: {  	_ =	shalt  }
0x5d: {  	_ =	shalt  }
0x5e: {  	_ =	shalt  }
0x5f: {  	_ =	shalt  }
0x60: {  	_ =	shalt  }
0x61: {  	_ =	shalt  }
0x62: {  	_ =	shalt  }
0x63: {  	_ =	shalt  }
0x64: {  	_ =	shalt  }
0x65: {  	_ =	shalt  }
0x66: {  	_ =	shalt  }
0x67: {  	_ =	shalt  }
0x68: {  	_ =	shalt  }
0x69: {  	_ =	shalt  }
0x6a: {  	_ =	shalt  }
0x6b: {  	_ =	shalt  }
0x6c: {  	_ =	shalt  }
0x6d: {  	_ =	shalt  }
0x6e: {  	_ =	shalt  }
0x6f: {  	_ =	shalt  }
0x70: {  	_ =	shalt  }
0x71: {  	_ =	shalt  }
0x72: {  	_ =	shalt  }
0x73: {  	_ =	shalt  }
0x74: {  	_ =	shalt  }
0x75: {  	_ =	shalt  }
0x76: {  	_ =	shalt  }
0x77: {  	_ =	shalt  }
0x78: {  	_ =	shalt  }
0x79: {  	_ =	shalt  }
0x7a: {  	_ =	shalt  }
0x7b: {  	_ =	shalt  }
0x7c: {  	_ =	shalt  }
0x7d: {  	_ =	shalt  }
0x7e: {  	_ =	shalt  }
0x7f: {  	_ =	shalt  }
0x80: {  	_ =	shalt  }
0x81: {  	_ =	shalt  }
0x82: {  	_ =	shalt  }
0x83: {  	_ =	shalt  }
0x84: {  	_ =	shalt  }
0x85: {  	_ =	shalt  }
0x86: {  	_ =	shalt  }
0x87: {  	_ =	shalt  }
.Lfunc_end0:
.L_simem_size_0:
called_computation_lowered:
.L_overlay_start_0:
0x88: {  	s2 =	sld [smem:$0x3FD9]  }
0x89: {  	s3 =	sld [smem:$0x3FFE];
	_ =	sdelay $0x1  }
0x8a: {  	s1 =	srdreg.scid  }
0x8b: {  	s0 =	sand.u32 $0x1, s1  }
0x8c: {  	s17 =	sshll.u32 s0, $0xA;
	s2 =	sadd.s32 s3, s2  }
0x8d: {  	s2 =	sadd.s32 s2, s17  }
0x8e: {  	[smem:$0x3FAC] =	sst s2  }
0x8f: {  	_ = 	snop  }
0x90: {  	s2 =	sld [smem:$0x3FC9];
	(tm) =	ssettm $0x1  }
0x91: {  	s18 =	sld [smem:$0x3FFB];
	_ =	sdelay $0x3  }
0x92: {  	_ =	strace s18  }
0x93: {  	s3 =	sld [smem:$0x3FFC];
	_ =	sdelay $0x3  }
0x94: {  	_ =	strace s3  }
0x95: {  	s3 =	sld [smem:$0x3FFD];
	_ =	sdelay $0x3  }
0x96: {  	_ =	strace s3  }
0x97: {  	_ =	strace $0x8FFFFFFF  }
0x98: {  	s19 =	sld [smem:$0x3FDB];
	_ =	sdelay $0x1  }
0x99: {  	s4 =	simm.s32 $_scs_section_size  }
0x9a: {  	s5 =	simm.s32 $_size__tile_overlayer_lowered;
	s6 =	simm.s32 $_tile_overlayer_lowered  }
0x9b: {  	s22 =	simm.s32 $0x1BFF;
	s21 =	sshll.u32 s6, $0x1;
	s3 =	sadd.s32 s4, s19  }
0x9c: {  	s7 =	simm.s32 $0x0;
	s20 =	sshll.u32 s5, $0x1;
	s5 =	sadd.s32 s21, s3  }
0x9d: {  	[timem:s7], [sflag:s22] =	dma.local [hbm:s5], s20  }
0x9e: {  	_ =	swait.ge [sflag:s22], s20  }
0x9f: {  	s4 =	ssub.s32 $0x0, s20;
	[sflag:s22] =	ssyncset.done $0x0  }
0xa0: {  	[sflag:s22] =	ssyncadd.s32 s4;
	_ =	sdelay $0x1  }
0xa1: {  	s23 =	simm.s32 $0x1B8B  }
0xa2: {  	_ =	swait.ge [sflag:s23], $0x1  }
0xa3: {  	[sflag:s23] =	ssyncset.done $0x0  }
0xa4: {  	s25 =	simm.s32 $0x1B8E;
	s24 =	sld [smem:$0x3FFE];
	[sflag:s23] =	ssyncadd.s32 $0xFFFFFFFF  }
0xa5: {  	s26 =	simm.s32 $execute0_lowered;
	[smem:$0x3FD2] =	sst s25  }
0xa6: {  	s5 =	sshll.u32 s26, $0x1;
	_ =	strace $0x80000046;
	[dreg:$0x1] =	wrdreg $0xFFFFFFFF  }
0xa7: {  	s28 =	simm.s32 $_size_execute0_lowered;
	s3 =	sadd.s32 s3, s5;
	[dreg:$0x0] =	wrdreg $0x0  }
0xa8: {  	s5 =	sshll.u32 s28, $0x1;
	[dreg:$0x2] =	wrdreg s3  }
0xa9: {  	[dreg:$0x3] =	wrdreg s5  }
0xaa: {  	[dreg:$0x4] =	wrdreg $0xC0  }
0xab: {  	_ =	task [dreg:s7], $0x5FFFF  }
0xac: {  	[dreg:$0x1] =	wrdreg $0xFFFFFFFF  }
0xad: {  	[dreg:$0x0] =	wrdreg $0x60  }
0xae: {  	[dreg:$0x2] =	wrdreg s2  }
0xaf: {  	[dreg:$0x3] =	wrdreg s24  }
0xb0: {  	[dreg:$0x4] =	wrdreg $0xB  }
0xb1: {  	_ =	task.clear_ibuf [dreg:s7], $0x5FFFF;
	_ =	strace $0x90000046  }
0xb2: {  	s29 =	simm.s32 $0xB;
	_ =	strace $0x80000048  }
0xb3: {  	_ =	swait.ge [sflag:s29], $0x1  }
0xb4: {  	[sflag:s29] =	ssyncadd.s32 $0xFFFFFFFF  }
0xb5: {  	_ =	strace $0x90000048  }
0xb6: {  	_ =	sfence  }
0xb7: {  	s30 =	sld [smem:$0x0];
	_ =	sdelay $0x2  }
0xb8: {  	s31 =	sshll.u32 s1, $0xD;
	s1 =	sshrl.u32 s1, $0x2  }
0xb9: {  	s3 =	sand.u32 $0x4000, s31;
	s1 =	sadd.s32 s1, s30  }
0xba: {  	s0 =	sor.u32 s3, s0;
	s1 =	sshll.u32 s1, $0x11  }
0xbb: {  	s0 =	sor.u32 s1, s0  }
0xbc: {  	s0 =	sadd.s32 $0x8F2B, s0  }
0xbd: {  	[sflag:s0] =	ssyncadd.remote.s32 $0x1  }
0xbe: {  	_ =	sfence.sel $0xFFFF  }
0xbf: {  	[dreg:$0x0] =	wrdreg $0xFFFFFFFF;
	(pc) =	sbr.abs _section_cstart, $3  }
0xc0: {  	[dreg:$0x1] =	wrdreg $0xFFFFFFFF  }
0xc1: {  	_ =	task.clear_ibuf [dreg:s7], $0x2FFFF;
	_ =	strace $0x9FFFFFFF  }
0xc2: {  	(tm) =	ssettm $0x7FFFFFFF  }
0xc3: {  	_ =	shalt  }
tec
execute0_lowered:
.L_overlay_start_1:
0x0: {  	(tag) =	ssettag $0x1  }
0x1: {  	s1 =	srdreg.scid  }
0x2: {  	s0 =	stileid.u32;
	s2 =	rddreg [dreg:$0x0]  }
0x3: {  	s5 =	rddreg [dreg:$0x1];
	s3 =	simm.s32 $0x0;
	s10 =	simm.s32 $0x500  }
0x4: {  	s11 =	simm.s32 $0x7D;
	s12 =	simm.s32 $0xA00;
	s13 =	simm.s32 $0x4880  }
0x5: {  	s14 =	simm.s32 $0x1;
	s4 =	sand.u32 $0x1, s1;
	s28 =	sshll.u32 s0, $0x1  }
0x6: {  	s15 =	simm.s32 $0x2;
	s1 =	rddreg [dreg:$0x2];
	s6 =	sor.u32 s4, s28  }
0x7: {  	s16 =	simm.s32 $0x0;
	[smem:$0x7FF] =	sst s3;
	s6 =	smul.u32 $0xA0, s6  }
0x8: {  	s7 =	smul.u32 $0x9C40, s0;
	_ =	strace $0x80000047;
	s8 =	ssub.s32 $0x2, s4  }
0x9: {  	s9 =	smul.u32 $0x4E20, s4;
	s29 =	sshrl.u32 s8, $0x1;
	s6 =	sadd.s32 s6, s5  }
0xa: {  	s30 =	ssub.s32 s8, s29;
	s5 =	sadd.s32 s7, s5;
	s4 =	sadd.s32 $0x8600, s6  }
0xb: {  	s31 =	sadd.s32 s9, s5;
	s5 =	sadd.s32 $0x9A00, s6;
	s6 =	smax.u32 s30, $0x1  }
0xc: {  	s9 =	simm.s32 $0x3;
	s7 =	sadd.s32 $0xA7200, s31;
	s8 =	sadd.s32 $0xAE00, s31  }
.LBB2_1:
0xd: {  	[tilespmem:s3], [sflag:$0x3] =	stream.linear.gather [hbm4b:s4+s3], $0x500, $0x38;
	[tilespmem:$0x8700] =	vst v63  }
0xe: {  	_ =	swait.ge [sflag:s9], $0x500  }
0xf: {  	[sflag:s9] =	ssyncset.done $0x0  }
0x10: {  	[sflag:s9] =	ssyncadd.s32 $0xFFFFFB00  }
0x11: {  	[tilespmem:s10], [sflag:$0x3] =	stream.linear.gather [hbm4b:s5+s3], $0x500, $0x38;
	[tilespmem:$0x8700] =	vst v63  }
0x12: {  	_ =	swait.ge [sflag:s9], $0x500  }
0x13: {  	[sflag:s9] =	ssyncset.done $0x0  }
0x14: {  	s17 =	simm.s32 $0x0;
	[sflag:s9] =	ssyncadd.s32 $0xFFFFFB00  }
0x15: {  	[tilespmem:s12], [sflag:$0x1] =	stream.indirect.gather [hbm4b:s2+s11], $0x80, s17, s11, $0xb8;
	[tilespmem:$0x8700] =	vst v63  }
0x16: {  	s31 =	simm.s32 $0x500  }
0x17: {  	[tilespmem:s13], [sflag:$0x2] =	stream.indirect.gather [hbm4b:s2+s11], $0x80, s31, s11, $0xb8;
	[tilespmem:$0x8700] =	vst v63  }
0x18: {  	_ =	swait.ge [sflag:s14], $0x3E80  }
0x19: {  	[sflag:s14] =	ssyncset.done $0x0  }
0x1a: {  	[sflag:s14] =	ssyncadd.s32 $0xFFFFC180  }
0x1b: {  	[hbm4b:s8+s3] =	stream.linear.scatter [tilespmem:s12], [sflag:$0x3], $0x3E80, $0x38;
	[tilespmem:$0x8700] =	vst v63  }
0x1c: {  	_ =	swait.ge [sflag:s9], $0x3E80  }
0x1d: {  	[sflag:s9] =	ssyncset.done $0x0  }
0x1e: {  	[sflag:s9] =	ssyncadd.s32 $0xFFFFC180  }
0x1f: {  	_ =	swait.ge [sflag:s15], $0x3E80  }
0x20: {  	[sflag:s15] =	ssyncset.done $0x0  }
0x21: {  	[sflag:s15] =	ssyncadd.s32 $0xFFFFC180  }
0x22: {  	[hbm4b:s7+s3] =	stream.linear.scatter [tilespmem:s13], [sflag:$0x3], $0x3E80, $0x38;
	[tilespmem:$0x8700] =	vst v63  }
0x23: {  	s19 =	simm.s32 $0x200;
	s20 =	simm.s32 $0x400;
	_ =	swait.ge [sflag:s9], $0x3E80  }
0x24: {  	s18 =	sadd.s32 $0x7D0, s8;
	s17 =	sadd.s32 $0x7D0, s7;
	[sflag:s9] =	ssyncset.done $0x0  }
.LBB2_2:
0x25: {  	s21 =	sshra.s32 s19, $0x2  }
0x26: {  	[sflag:s9] =	ssyncadd.s32 $0xFFFFC180;
	s19 =	smov.u32 s20;
	s22 =	sadd.s32 $0x200, s20  }
0x27: {  	[tilespmem:s12], [sflag:$0x1] =	stream.indirect.gather [hbm4b:s2+s11], $0x80, s21, s11, $0xb8;
	[tilespmem:$0x8700] =	vst v63  }
0x28: {  	p0 =	sne.s32 s20, $0x1200;
	s20 =	sadd.s32 $0x500, s21  }
0x29: {  	[tilespmem:s13], [sflag:$0x2] =	stream.indirect.gather [hbm4b:s2+s11], $0x80, s20, s11, $0xb8;
	[tilespmem:$0x8700] =	vst v63  }
0x2a: {  	_ =	swait.ge [sflag:s14], $0x3E80  }
0x2b: {  	[sflag:s14] =	ssyncset.done $0x0  }
0x2c: {  	[sflag:s14] =	ssyncadd.s32 $0xFFFFC180  }
0x2d: {  	[hbm4b:s18+s3] =	stream.linear.scatter [tilespmem:s12], [sflag:$0x3], $0x3E80, $0x38;
	[tilespmem:$0x8700] =	vst v63  }
0x2e: {  	_ =	swait.ge [sflag:s9], $0x3E80  }
0x2f: {  	[sflag:s9] =	ssyncset.done $0x0  }
0x30: {  	[sflag:s9] =	ssyncadd.s32 $0xFFFFC180  }
0x31: {  	_ =	swait.ge [sflag:s15], $0x3E80  }
.Ltmp0:
0x32: {  	[sflag:s15] =	ssyncset.done $0x0;
	(pc) =	sbr.rel @p0 .LBB2_2-.Ltmp0, $4  }
0x33: {  	[sflag:s15] =	ssyncadd.s32 $0xFFFFC180  }
0x34: {  	[hbm4b:s17+s3] =	stream.linear.scatter [tilespmem:s13], [sflag:$0x3], $0x3E80, $0x38;
	[tilespmem:$0x8700] =	vst v63  }
0x35: {  	s20 =	smov.u32 s22;
	_ =	swait.ge [sflag:s9], $0x3E80  }
0x36: {  	s18 =	sadd.s32 $0x7D0, s18;
	s17 =	sadd.s32 $0x7D0, s17;
	[sflag:s9] =	ssyncset.done $0x0  }
0x37: {  	s19 =	sshra.s32 s19, $0x2;
	[sflag:s9] =	ssyncadd.s32 $0xFFFFC180  }
0x38: {  	[tilespmem:s12], [sflag:$0x1] =	stream.indirect.gather [hbm4b:s2+s11], $0x80, s19, s11, $0xb8;
	[tilespmem:$0x8700] =	vst v63  }
0x39: {  	s19 =	sadd.s32 $0x500, s19  }
0x3a: {  	[tilespmem:s13], [sflag:$0x2] =	stream.indirect.gather [hbm4b:s2+s11], $0x80, s19, s11, $0xb8;
	[tilespmem:$0x8700] =	vst v63  }
0x3b: {  	_ =	swait.ge [sflag:s14], $0x3E80  }
0x3c: {  	[sflag:s14] =	ssyncset.done $0x0  }
0x3d: {  	[sflag:s14] =	ssyncadd.s32 $0xFFFFC180  }
0x3e: {  	[hbm4b:s18+s3] =	stream.linear.scatter [tilespmem:s12], [sflag:$0x3], $0x3E80, $0x38;
	[tilespmem:$0x8700] =	vst v63  }
0x3f: {  	_ =	swait.ge [sflag:s9], $0x3E80  }
0x40: {  	[sflag:s9] =	ssyncset.done $0x0  }
0x41: {  	[sflag:s9] =	ssyncadd.s32 $0xFFFFC180  }
0x42: {  	s16 =	sadd.s32 $0x1, s16;
	_ =	swait.ge [sflag:s15], $0x3E80  }
0x43: {  	p0 =	sne.s32 s16, s6;
	[sflag:s15] =	ssyncset.done $0x0  }
.Ltmp1:
0x44: {  	[sflag:s15] =	ssyncadd.s32 $0xFFFFC180;
	(pc) =	sbr.rel @p0 .LBB2_1-.Ltmp1, $4  }
0x45: {  	[hbm4b:s17+s3] =	stream.linear.scatter [tilespmem:s13], [sflag:$0x3], $0x3E80, $0x38;
	[tilespmem:$0x8700] =	vst v63  }
0x46: {  	_ =	swait.ge [sflag:s9], $0x3E80  }
0x47: {  	[sflag:s9] =	ssyncset.done $0x0  }
0x48: {  	[sflag:s9] =	ssyncadd.s32 $0xFFFFC180  }
0x49: {  	_ =	sfence.sel $0x180000  }
0x4a: {  	[bflag:$0x0] =	sbarrier.arrive $0xFFFF  }
0x4b: {  	p0 =	sne.s32 s0, $0x0;
	_ =	strace $0x90000047  }
0x4c: {  	s0 =	sadd.s32 @!p0 $0x100000, s1;
	[bflag:$0x2] =	sbarrier.arrive $0xFFFF  }
0x4d: {  	[sflag:s0] =	ssyncadd.tile.s32 @!p0 $0x1;
	_ =	shalt  }
.Lfunc_end2:
_tile_overlayer_lowered:
.L_overlay_start_2:
0x4e: {  	(tag) =	ssettag $0x2  }
0x4f: {  	s0 =	rddreg [dreg:$0x0];
	s2 =	stileid.u32  }
0x50: {  	s1 =	rddreg [dreg:$0x1];
	p0 =	sne.s32 s2, $0x0  }
0x51: {  	s3 =	rddreg [dreg:$0x2];
	[bflag:$0x3] =	sbarrier.arrive $0xFFFF;
	s2 =	simm.s32 @!p0 $0x1C03  }
0x52: {  	[timem:s3], [sflag:s2] =	dma.local @!p0 [hbm:s0], s1  }
0x53: {  	s0 =	simm.s32 @!p0 $0x3  }
0x54: {  	_ =	swait.ge @!p0 [sflag:s0], s1  }
0x55: {  	s1 =	ssub.s32 @!p0 $0x0, s1;
	[sflag:s0] =	ssyncset.done @!p0 $0x0  }
0x56: {  	[sflag:s0] =	ssyncadd.s32 @!p0 s1  }
0x57: {  	[bflag:$0x3] =	sbarrier.arrive $0xFFFF  }
0x58: {  	_ =	shalt  }

// kernel: kernel.16.cloned.1.call-start
scs
__scs_entry_jumppad:
0x0: {  	(pc) =	sbr.rel $0x88, $3  }
0x1: {  	(tag) =	ssettag $0x0;
	lr =	simm.s32 $0x1  }
0x2: {  	[smem:$0x3F85] =	sst lr;
	_ =	strace $0xD0000000  }
0x3: {  	_ = 	snop  }
0x4: {  	_ = 	snop  }
0x5: {  	_ = 	snop  }
0x6: {  	_ = 	snop  }
0x7: {  	_ = 	snop  }
__scs_overlays_trampoline_lowered:
0x8: {  	[smem:$0x3F94] =	sst s0  }
0x9: {  	[smem:$0x3F95] =	sst s1  }
0xa: {  	[smem:$0x3F96] =	sst s2  }
0xb: {  	[smem:$0x3F97] =	sst s3  }
0xc: {  	[smem:$0x3F98] =	sst s4  }
0xd: {  	[smem:$0x3F99] =	sst s5  }
0xe: {  	[smem:$0x3F9A] =	sst s6  }
0xf: {  	[smem:$0x3F9B] =	sst s7  }
0x10: {  	[smem:$0x3F9C] =	sst s8  }
0x11: {  	[smem:$0x3F9D] =	sst s9;
	s0 =	simm.s32 @!p0 $0x0  }
0x12: {  	s1 =	sld [smem:$0x3F83];
	s0 =	simm.s32 @p0 $0x1  }
0x13: {  	[smem:$0x3F9E] =	sst s0;
	s0 =	simm.s32 @!p1 $0x0  }
0x14: {  	s2 =	sld [smem:$0x3F82];
	s0 =	simm.s32 @p1 $0x1  }
0x15: {  	[smem:$0x3F9F] =	sst s0;
	s0 =	simm.s32 @!p2 $0x0  }
0x16: {  	s3 =	sld [smem:$0x3FDB];
	s0 =	simm.s32 @p2 $0x1  }
0x17: {  	s4 =	simm.s32 $0x1BF5;
	[smem:$0x3FA1] =	sst s0  }
0x18: {  	s0 =	sld [smem:$0x3F84];
	_ =	swait.ge [sflag:s4], $0x0  }
0x19: {  	s7 =	sld [smem:$0x3F85]  }
0x1a: {  	s8 =	sadd.s32 $0xFFFFE003, lr  }
0x1b: {  	s9 =	sadd.s32 $0xFFFFFEF7, lr;
	s5 =	simm.s32 $0xFFFFFFFF;
	p2 =	slt.u32 s8, $0xFFFFF086  }
0x1c: {  	p1 =	slt.u32 s9, $0xF7A;
	s5 =	simm.s32 @!p2 $0x0  }
0x1d: {  	s5 =	simm.s32 @p1 $0x1;
	p0 =	seq.s32 s7, s2  }
0x1e: {  	s7 =	smul.u32 @!p0 $0xF7A, s2;
	p2 =	seq.s32 @!p0 s5, $0x0  }
0x1f: {  	s9 =	smul.u32 $0xF7A, s1;
	s8 =	simm.s32 @!p0 $0x1BF5;
	p2 =	por !p2, p0  }
0x20: {  	[sflag:s8] =	ssyncset.s32 @!p0 $0xFFFFF086;
	s6 =	sadd.s32 @!p0 s3, s7;
	s7 =	simm.s32 @!p0 $0x108  }
0x21: {  	s3 =	sadd.s32 s3, s9;
	s6 =	sadd.s32 @!p0 $0x88, s6;
	s7 =	simm.s32 @p2 $0x1082  }
0x22: {  	[simem:s7], [sflag:s8] =	dma.local @!p0 [hbm:s6], $0xF7A  }
0x23: {  	s9 =	sor.u32 $0xD0000000, s2;
	s6 =	simm.s32 $0x108;
	_ =	swait.ge @!p0 [sflag:s8], $0x0  }
0x24: {  	s3 =	sadd.s32 $0x88, s3;
	s6 =	simm.s32 @!p1 $0x1082;
	[sflag:s4] =	ssyncset.s32 $0xFFFFF086  }
0x25: {  	[simem:s6], [sflag:s4] =	dma.local [hbm:s3], $0xF7A  }
0x26: {  	[smem:$0x3F85] =	sst s1;
	(tag) =	ssettag s2;
	_ =	strace s9  }
0x27: {  	s1 =	sld [smem:$0x3F95]  }
0x28: {  	s2 =	sld [smem:$0x3F96]  }
0x29: {  	s4 =	sld [smem:$0x3F98]  }
0x2a: {  	p0 =	seq.s32 s5, $0x0;
	s5 =	sld [smem:$0x3F99]  }
0x2b: {  	s6 =	sld [smem:$0x3F9A]  }
0x2c: {  	s7 =	sld [smem:$0x3F9B]  }
0x2d: {  	s3 =	simm.s32 $0x108;
	s8 =	sld [smem:$0x3F9C]  }
0x2e: {  	s3 =	simm.s32 @!p0 $0x1082;
	s9 =	sld [smem:$0x3F9D]  }
0x2f: {  	lr =	sadd.s32 s0, s3;
	s0 =	sld [smem:$0x3F94]  }
0x30: {  	s3 =	sld [smem:$0x3F97]  }
0x31: {  	[smem:$0x3FA0] =	sst s10  }
0x32: {  	s10 =	sld [smem:$0x3F9E];
	_ =	sdelay $0x3  }
0x33: {  	p0 =	seq.s32 s10, $0x1;
	s10 =	sld [smem:$0x3FA0];
	_ =	sdelay $0x3  }
0x34: {  	[smem:$0x3FA0] =	sst s10  }
0x35: {  	s10 =	sld [smem:$0x3F9F];
	_ =	sdelay $0x3  }
0x36: {  	p1 =	seq.s32 s10, $0x1;
	s10 =	sld [smem:$0x3FA0];
	_ =	sdelay $0x3  }
0x37: {  	[smem:$0x3FA0] =	sst s10  }
0x38: {  	s10 =	sld [smem:$0x3FA1]  }
0x39: {  	_ = 	snop;
	(pc) =	sbr.ind lr, $3  }
0x3a: {  	_ = 	snop  }
0x3b: {  	_ = 	snop  }
0x3c: {  	p2 =	seq.s32 s10, $0x1;
	s10 =	sld [smem:$0x3FA0]  }
0x3d: {  	_ =	shalt  }
0x3e: {  	_ =	shalt  }
0x3f: {  	_ =	shalt  }
0x40: {  	_ =	shalt  }
0x41: {  	_ =	shalt  }
0x42: {  	_ =	shalt  }
0x43: {  	_ =	shalt  }
0x44: {  	_ =	shalt  }
0x45: {  	_ =	shalt  }
0x46: {  	_ =	shalt  }
0x47: {  	_ =	shalt  }
0x48: {  	_ =	shalt  }
0x49: {  	_ =	shalt  }
0x4a: {  	_ =	shalt  }
0x4b: {  	_ =	shalt  }
0x4c: {  	_ =	shalt  }
0x4d: {  	_ =	shalt  }
0x4e: {  	_ =	shalt  }
0x4f: {  	_ =	shalt  }
0x50: {  	_ =	shalt  }
0x51: {  	_ =	shalt  }
0x52: {  	_ =	shalt  }
0x53: {  	_ =	shalt  }
0x54: {  	_ =	shalt  }
0x55: {  	_ =	shalt  }
0x56: {  	_ =	shalt  }
0x57: {  	_ =	shalt  }
0x58: {  	_ =	shalt  }
0x59: {  	_ =	shalt  }
0x5a: {  	_ =	shalt  }
0x5b: {  	_ =	shalt  }
0x5c: {  	_ =	shalt  }
0x5d: {  	_ =	shalt  }
0x5e: {  	_ =	shalt  }
0x5f: {  	_ =	shalt  }
0x60: {  	_ =	shalt  }
0x61: {  	_ =	shalt  }
0x62: {  	_ =	shalt  }
0x63: {  	_ =	shalt  }
0x64: {  	_ =	shalt  }
0x65: {  	_ =	shalt  }
0x66: {  	_ =	shalt  }
0x67: {  	_ =	shalt  }
0x68: {  	_ =	shalt  }
0x69: {  	_ =	shalt  }
0x6a: {  	_ =	shalt  }
0x6b: {  	_ =	shalt  }
0x6c: {  	_ =	shalt  }
0x6d: {  	_ =	shalt  }
0x6e: {  	_ =	shalt  }
0x6f: {  	_ =	shalt  }
0x70: {  	_ =	shalt  }
0x71: {  	_ =	shalt  }
0x72: {  	_ =	shalt  }
0x73: {  	_ =	shalt  }
0x74: {  	_ =	shalt  }
0x75: {  	_ =	shalt  }
0x76: {  	_ =	shalt  }
0x77: {  	_ =	shalt  }
0x78: {  	_ =	shalt  }
0x79: {  	_ =	shalt  }
0x7a: {  	_ =	shalt  }
0x7b: {  	_ =	shalt  }
0x7c: {  	_ =	shalt  }
0x7d: {  	_ =	shalt  }
0x7e: {  	_ =	shalt  }
0x7f: {  	_ =	shalt  }
0x80: {  	_ =	shalt  }
0x81: {  	_ =	shalt  }
0x82: {  	_ =	shalt  }
0x83: {  	_ =	shalt  }
0x84: {  	_ =	shalt  }
0x85: {  	_ =	shalt  }
0x86: {  	_ =	shalt  }
0x87: {  	_ =	shalt  }
.Lfunc_end0:
.L_simem_size_0:
called_computation.1_lowered:
.L_overlay_start_0:
0x88: {  	s2 =	sld [smem:$0x3FD9]  }
0x89: {  	s3 =	sld [smem:$0x3FFE];
	_ =	sdelay $0x1  }
0x8a: {  	s1 =	srdreg.scid  }
0x8b: {  	s0 =	sand.u32 $0x1, s1  }
0x8c: {  	s17 =	sshll.u32 s0, $0xA;
	s2 =	sadd.s32 s3, s2  }
0x8d: {  	s2 =	sadd.s32 s2, s17  }
0x8e: {  	[smem:$0x3FAC] =	sst s2  }
0x8f: {  	_ = 	snop  }
0x90: {  	s18 =	sld [smem:$0x3FC9];
	(tm) =	ssettm $0x1  }
0x91: {  	s19 =	sld [smem:$0x3FFB];
	_ =	sdelay $0x3  }
0x92: {  	_ =	strace s19  }
0x93: {  	s2 =	sld [smem:$0x3FFC];
	_ =	sdelay $0x3  }
0x94: {  	_ =	strace s2  }
0x95: {  	s2 =	sld [smem:$0x3FFD];
	_ =	sdelay $0x3  }
0x96: {  	_ =	strace s2  }
0x97: {  	_ =	strace $0x8FFFFFFF  }
0x98: {  	s20 =	sld [smem:$0x3FDB];
	_ =	sdelay $0x1  }
0x99: {  	s4 =	simm.s32 $_scs_section_size  }
0x9a: {  	s5 =	simm.s32 $_size__tile_overlayer_lowered;
	s6 =	simm.s32 $_tile_overlayer_lowered  }
0x9b: {  	s7 =	simm.s32 $0x1BFF;
	s21 =	sshll.u32 s6, $0x1;
	s4 =	sadd.s32 s4, s20  }
0x9c: {  	s22 =	simm.s32 $0x0;
	s5 =	sshll.u32 s5, $0x1;
	s6 =	sadd.s32 s21, s4  }
0x9d: {  	[timem:s22], [sflag:s7] =	dma.local [hbm:s6], s5  }
0x9e: {  	_ =	swait.ge [sflag:s7], s5  }
0x9f: {  	s5 =	ssub.s32 $0x0, s5;
	[sflag:s7] =	ssyncset.done $0x0  }
0xa0: {  	[sflag:s7] =	ssyncadd.s32 s5;
	_ =	sdelay $0x1  }
0xa1: {  	s23 =	simm.s32 $0x1B8B  }
0xa2: {  	_ =	swait.ge [sflag:s23], $0x1  }
0xa3: {  	[sflag:s23] =	ssyncset.done $0x0  }
0xa4: {  	[sflag:s23] =	ssyncadd.s32 $0xFFFFFFFF  }
0xa5: {  	s5 =	sld [smem:$0x0]  }
0xa6: {  	s6 =	sand.u32 $0xFFFFFFFE, s1  }
0xa7: {  	p0 =	sne.s32 s1, s6  }
0xa8: {  	s6 =	sshll.u32 @p0 s6, $0xE  }
0xa9: {  	s6 =	sadd.s32 @p0 $0x11B8D, s6;
	s7 =	sshll.u32 @p0 s5, $0x11  }
0xaa: {  	s6 =	sor.u32 @p0 s7, s6  }
0xab: {  	[sflag:s6] =	ssyncadd.remote.s32 @p0 $0x1;
	_ =	sdelay $0x1  }
0xac: {  	s6 =	simm.s32 @p0 $0x1B8D  }
0xad: {  	_ =	swait.eq @p0 [sflag:s6], $0x1  }
0xae: {  	[sflag:s6] =	ssyncadd.s32 @p0 $0xFFFFFFFF  }
0xaf: {  	s7 =	sshll.u32 @!p0 s1, $0xE  }
0xb0: {  	s7 =	sor.u32 @!p0 $0x4000, s7;
	s6 =	simm.s32 @!p0 $0x1B8D  }
0xb1: {  	s5 =	sshll.u32 @!p0 s5, $0x11;
	s7 =	sadd.s32 @!p0 $0x11B8D, s7;
	_ =	swait.eq @!p0 [sflag:s6], $0x1  }
0xb2: {  	s5 =	sor.u32 @!p0 s5, s7;
	[sflag:s6] =	ssyncadd.s32 @!p0 $0xFFFFFFFF  }
0xb3: {  	s25 =	simm.s32 $0x1B8E;
	s24 =	sld [smem:$0x3FFE];
	[sflag:s5] =	ssyncadd.remote.s32 @!p0 $0x1  }
0xb4: {  	s26 =	simm.s32 $execute0_lowered;
	[smem:$0x3FD2] =	sst s25  }
0xb5: {  	s6 =	sshll.u32 s26, $0x1;
	_ =	strace $0x80000049;
	[dreg:$0x1] =	wrdreg $0xFFFFFFFF  }
0xb6: {  	s28 =	simm.s32 $_size_execute0_lowered;
	s4 =	sadd.s32 s4, s6;
	[dreg:$0x0] =	wrdreg $0x0  }
0xb7: {  	s6 =	sshll.u32 s28, $0x1;
	[dreg:$0x2] =	wrdreg s4  }
0xb8: {  	[dreg:$0x3] =	wrdreg s6  }
0xb9: {  	[dreg:$0x4] =	wrdreg $0xC0  }
0xba: {  	_ =	task [dreg:s22], $0x5FFFF  }
0xbb: {  	[dreg:$0x1] =	wrdreg $0xFFFFFFFF  }
0xbc: {  	[dreg:$0x0] =	wrdreg $0x60  }
0xbd: {  	[dreg:$0x2] =	wrdreg s18  }
0xbe: {  	[dreg:$0x3] =	wrdreg s24  }
0xbf: {  	[dreg:$0x4] =	wrdreg $0xC  }
0xc0: {  	_ =	task.clear_ibuf [dreg:s22], $0x5FFFF;
	_ =	strace $0x90000049  }
0xc1: {  	s29 =	simm.s32 $0xC;
	_ =	strace $0x8000004B  }
0xc2: {  	_ =	swait.ge [sflag:s29], $0x1  }
0xc3: {  	[sflag:s29] =	ssyncadd.s32 $0xFFFFFFFF  }
0xc4: {  	_ =	strace $0x9000004B  }
0xc5: {  	_ =	sfence  }
0xc6: {  	s30 =	sld [smem:$0x0];
	_ =	sdelay $0x2  }
0xc7: {  	s31 =	sshll.u32 s1, $0xD;
	s1 =	sshrl.u32 s1, $0x2  }
0xc8: {  	s4 =	sand.u32 $0x4000, s31;
	s1 =	sadd.s32 s1, s30  }
0xc9: {  	s0 =	sor.u32 s4, s0;
	s1 =	sshll.u32 s1, $0x11  }
0xca: {  	s0 =	sor.u32 s1, s0  }
0xcb: {  	s0 =	sadd.s32 $0x8F2B, s0  }
0xcc: {  	[sflag:s0] =	ssyncadd.remote.s32 $0x1  }
0xcd: {  	_ =	sfence.sel $0xFFFF  }
0xce: {  	[dreg:$0x0] =	wrdreg $0xFFFFFFFF;
	(pc) =	sbr.abs _section_cstart, $3  }
0xcf: {  	[dreg:$0x1] =	wrdreg $0xFFFFFFFF  }
0xd0: {  	_ =	task.clear_ibuf [dreg:s22], $0x2FFFF;
	_ =	strace $0x9FFFFFFF  }
0xd1: {  	(tm) =	ssettm $0x7FFFFFFF  }
tec
execute0_lowered:
.L_overlay_start_1:
0x0: {  	(tag) =	ssettag $0x1  }
0x1: {  	s1 =	srdreg.scid  }
0x2: {  	s0 =	stileid.u32;
	s2 =	rddreg [dreg:$0x0]  }
0x3: {  	s5 =	rddreg [dreg:$0x1];
	s3 =	simm.s32 $0x0;
	s10 =	simm.s32 $0x500  }
0x4: {  	s11 =	simm.s32 $0x7D;
	s12 =	simm.s32 $0xA00;
	s13 =	simm.s32 $0x4880  }
0x5: {  	s14 =	simm.s32 $0x1;
	s4 =	sand.u32 $0x1, s1;
	s28 =	sshll.u32 s0, $0x1  }
0x6: {  	s15 =	simm.s32 $0x2;
	s1 =	rddreg [dreg:$0x2];
	s6 =	sor.u32 s4, s28  }
0x7: {  	s16 =	simm.s32 $0x0;
	[smem:$0x7FF] =	sst s3;
	s6 =	smul.u32 $0xA0, s6  }
0x8: {  	s7 =	smul.u32 $0x9C40, s0;
	_ =	strace $0x8000004A;
	s8 =	ssub.s32 $0x2, s4  }
0x9: {  	s9 =	smul.u32 $0x4E20, s4;
	s29 =	sshrl.u32 s8, $0x1;
	s6 =	sadd.s32 s6, s5  }
0xa: {  	s30 =	ssub.s32 s8, s29;
	s5 =	sadd.s32 s7, s5;
	s4 =	sadd.s32 $0x143600, s6  }
0xb: {  	s31 =	sadd.s32 s9, s5;
	s5 =	sadd.s32 $0x144A00, s6;
	s6 =	smax.u32 s30, $0x1  }
0xc: {  	s9 =	simm.s32 $0x3;
	s7 =	sadd.s32 $0x1E2200, s31;
	s8 =	sadd.s32 $0x145E00, s31  }
.LBB2_1:
0xd: {  	[tilespmem:s3], [sflag:$0x3] =	stream.linear.gather [hbm4b:s4+s3], $0x500, $0x38;
	[tilespmem:$0x8700] =	vst v63  }
0xe: {  	_ =	swait.ge [sflag:s9], $0x500  }
0xf: {  	[sflag:s9] =	ssyncset.done $0x0  }
0x10: {  	[sflag:s9] =	ssyncadd.s32 $0xFFFFFB00  }
0x11: {  	[tilespmem:s10], [sflag:$0x3] =	stream.linear.gather [hbm4b:s5+s3], $0x500, $0x38;
	[tilespmem:$0x8700] =	vst v63  }
0x12: {  	_ =	swait.ge [sflag:s9], $0x500  }
0x13: {  	[sflag:s9] =	ssyncset.done $0x0  }
0x14: {  	s17 =	simm.s32 $0x0;
	[sflag:s9] =	ssyncadd.s32 $0xFFFFFB00  }
0x15: {  	[tilespmem:s12], [sflag:$0x1] =	stream.indirect.gather [hbm4b:s2+s11], $0x80, s17, s11, $0xb8;
	[tilespmem:$0x8700] =	vst v63  }
0x16: {  	s31 =	simm.s32 $0x500  }
0x17: {  	[tilespmem:s13], [sflag:$0x2] =	stream.indirect.gather [hbm4b:s2+s11], $0x80, s31, s11, $0xb8;
	[tilespmem:$0x8700] =	vst v63  }
0x18: {  	_ =	swait.ge [sflag:s14], $0x3E80  }
0x19: {  	[sflag:s14] =	ssyncset.done $0x0  }
0x1a: {  	[sflag:s14] =	ssyncadd.s32 $0xFFFFC180  }
0x1b: {  	[hbm4b:s8+s3] =	stream.linear.scatter [tilespmem:s12], [sflag:$0x3], $0x3E80, $0x38;
	[tilespmem:$0x8700] =	vst v63  }
0x1c: {  	_ =	swait.ge [sflag:s9], $0x3E80  }
0x1d: {  	[sflag:s9] =	ssyncset.done $0x0  }
0x1e: {  	[sflag:s9] =	ssyncadd.s32 $0xFFFFC180  }
0x1f: {  	_ =	swait.ge [sflag:s15], $0x3E80  }
0x20: {  	[sflag:s15] =	ssyncset.done $0x0  }
0x21: {  	[sflag:s15] =	ssyncadd.s32 $0xFFFFC180  }
0x22: {  	[hbm4b:s7+s3] =	stream.linear.scatter [tilespmem:s13], [sflag:$0x3], $0x3E80, $0x38;
	[tilespmem:$0x8700] =	vst v63  }
0x23: {  	s19 =	simm.s32 $0x200;
	s20 =	simm.s32 $0x400;
	_ =	swait.ge [sflag:s9], $0x3E80  }
0x24: {  	s18 =	sadd.s32 $0x7D0, s8;
	s17 =	sadd.s32 $0x7D0, s7;
	[sflag:s9] =	ssyncset.done $0x0  }
.LBB2_2:
0x25: {  	s21 =	sshra.s32 s19, $0x2  }
0x26: {  	[sflag:s9] =	ssyncadd.s32 $0xFFFFC180;
	s19 =	smov.u32 s20;
	s22 =	sadd.s32 $0x200, s20  }
0x27: {  	[tilespmem:s12], [sflag:$0x1] =	stream.indirect.gather [hbm4b:s2+s11], $0x80, s21, s11, $0xb8;
	[tilespmem:$0x8700] =	vst v63  }
0x28: {  	p0 =	sne.s32 s20, $0x1200;
	s20 =	sadd.s32 $0x500, s21  }
0x29: {  	[tilespmem:s13], [sflag:$0x2] =	stream.indirect.gather [hbm4b:s2+s11], $0x80, s20, s11, $0xb8;
	[tilespmem:$0x8700] =	vst v63  }
0x2a: {  	_ =	swait.ge [sflag:s14], $0x3E80  }
0x2b: {  	[sflag:s14] =	ssyncset.done $0x0  }
0x2c: {  	[sflag:s14] =	ssyncadd.s32 $0xFFFFC180  }
0x2d: {  	[hbm4b:s18+s3] =	stream.linear.scatter [tilespmem:s12], [sflag:$0x3], $0x3E80, $0x38;
	[tilespmem:$0x8700] =	vst v63  }
0x2e: {  	_ =	swait.ge [sflag:s9], $0x3E80  }
0x2f: {  	[sflag:s9] =	ssyncset.done $0x0  }
0x30: {  	[sflag:s9] =	ssyncadd.s32 $0xFFFFC180  }
0x31: {  	_ =	swait.ge [sflag:s15], $0x3E80  }
.Ltmp0:
0x32: {  	[sflag:s15] =	ssyncset.done $0x0;
	(pc) =	sbr.rel @p0 .LBB2_2-.Ltmp0, $4  }
0x33: {  	[sflag:s15] =	ssyncadd.s32 $0xFFFFC180  }
0x34: {  	[hbm4b:s17+s3] =	stream.linear.scatter [tilespmem:s13], [sflag:$0x3], $0x3E80, $0x38;
	[tilespmem:$0x8700] =	vst v63  }
0x35: {  	s20 =	smov.u32 s22;
	_ =	swait.ge [sflag:s9], $0x3E80  }
0x36: {  	s18 =	sadd.s32 $0x7D0, s18;
	s17 =	sadd.s32 $0x7D0, s17;
	[sflag:s9] =	ssyncset.done $0x0  }
0x37: {  	s19 =	sshra.s32 s19, $0x2;
	[sflag:s9] =	ssyncadd.s32 $0xFFFFC180  }
0x38: {  	[tilespmem:s12], [sflag:$0x1] =	stream.indirect.gather [hbm4b:s2+s11], $0x80, s19, s11, $0xb8;
	[tilespmem:$0x8700] =	vst v63  }
0x39: {  	s19 =	sadd.s32 $0x500, s19  }
0x3a: {  	[tilespmem:s13], [sflag:$0x2] =	stream.indirect.gather [hbm4b:s2+s11], $0x80, s19, s11, $0xb8;
	[tilespmem:$0x8700] =	vst v63  }
0x3b: {  	_ =	swait.ge [sflag:s14], $0x3E80  }
0x3c: {  	[sflag:s14] =	ssyncset.done $0x0  }
0x3d: {  	[sflag:s14] =	ssyncadd.s32 $0xFFFFC180  }
0x3e: {  	[hbm4b:s18+s3] =	stream.linear.scatter [tilespmem:s12], [sflag:$0x3], $0x3E80, $0x38;
	[tilespmem:$0x8700] =	vst v63  }
0x3f: {  	_ =	swait.ge [sflag:s9], $0x3E80  }
0x40: {  	[sflag:s9] =	ssyncset.done $0x0  }
0x41: {  	[sflag:s9] =	ssyncadd.s32 $0xFFFFC180  }
0x42: {  	s16 =	sadd.s32 $0x1, s16;
	_ =	swait.ge [sflag:s15], $0x3E80  }
0x43: {  	p0 =	sne.s32 s16, s6;
	[sflag:s15] =	ssyncset.done $0x0  }
.Ltmp1:
0x44: {  	[sflag:s15] =	ssyncadd.s32 $0xFFFFC180;
	(pc) =	sbr.rel @p0 .LBB2_1-.Ltmp1, $4  }
0x45: {  	[hbm4b:s17+s3] =	stream.linear.scatter [tilespmem:s13], [sflag:$0x3], $0x3E80, $0x38;
	[tilespmem:$0x8700] =	vst v63  }
0x46: {  	_ =	swait.ge [sflag:s9], $0x3E80  }
0x47: {  	[sflag:s9] =	ssyncset.done $0x0  }
0x48: {  	[sflag:s9] =	ssyncadd.s32 $0xFFFFC180  }
0x49: {  	_ =	sfence.sel $0x180000  }
0x4a: {  	[bflag:$0x0] =	sbarrier.arrive $0xFFFF  }
0x4b: {  	p0 =	sne.s32 s0, $0x0;
	_ =	strace $0x9000004A  }
0x4c: {  	s0 =	sadd.s32 @!p0 $0x100000, s1;
	[bflag:$0x2] =	sbarrier.arrive $0xFFFF  }
0x4d: {  	[sflag:s0] =	ssyncadd.tile.s32 @!p0 $0x1;
	_ =	shalt  }
.Lfunc_end2:
_tile_overlayer_lowered:
.L_overlay_start_2:
0x4e: {  	(tag) =	ssettag $0x2  }
0x4f: {  	s0 =	rddreg [dreg:$0x0];
	s2 =	stileid.u32  }
0x50: {  	s1 =	rddreg [dreg:$0x1];
	p0 =	sne.s32 s2, $0x0  }
0x51: {  	s3 =	rddreg [dreg:$0x2];
	[bflag:$0x3] =	sbarrier.arrive $0xFFFF;
	s2 =	simm.s32 @!p0 $0x1C03  }
0x52: {  	[timem:s3], [sflag:s2] =	dma.local @!p0 [hbm:s0], s1  }
0x53: {  	s0 =	simm.s32 @!p0 $0x3  }
0x54: {  	_ =	swait.ge @!p0 [sflag:s0], s1  }
0x55: {  	s1 =	ssub.s32 @!p0 $0x0, s1;
	[sflag:s0] =	ssyncset.done @!p0 $0x0  }
0x56: {  	[sflag:s0] =	ssyncadd.s32 @!p0 s1  }
0x57: {  	[bflag:$0x3] =	sbarrier.arrive $0xFFFF  }
0x58: {  	_ =	shalt  }

// kernel: kernel.19.cloned.1.call-start
scs
__scs_entry_jumppad:
0x0: {  	(pc) =	sbr.rel $0x88, $3  }
0x1: {  	(tag) =	ssettag $0x0;
	lr =	simm.s32 $0x1  }
0x2: {  	[smem:$0x3F85] =	sst lr;
	_ =	strace $0xD0000000  }
0x3: {  	_ = 	snop  }
0x4: {  	_ = 	snop  }
0x5: {  	_ = 	snop  }
0x6: {  	_ = 	snop  }
0x7: {  	_ = 	snop  }
__scs_overlays_trampoline_lowered:
0x8: {  	[smem:$0x3F94] =	sst s0  }
0x9: {  	[smem:$0x3F95] =	sst s1  }
0xa: {  	[smem:$0x3F96] =	sst s2  }
0xb: {  	[smem:$0x3F97] =	sst s3  }
0xc: {  	[smem:$0x3F98] =	sst s4  }
0xd: {  	[smem:$0x3F99] =	sst s5  }
0xe: {  	[smem:$0x3F9A] =	sst s6  }
0xf: {  	[smem:$0x3F9B] =	sst s7  }
0x10: {  	[smem:$0x3F9C] =	sst s8  }
0x11: {  	[smem:$0x3F9D] =	sst s9;
	s0 =	simm.s32 @!p0 $0x0  }
0x12: {  	s1 =	sld [smem:$0x3F83];
	s0 =	simm.s32 @p0 $0x1  }
0x13: {  	[smem:$0x3F9E] =	sst s0;
	s0 =	simm.s32 @!p1 $0x0  }
0x14: {  	s2 =	sld [smem:$0x3F82];
	s0 =	simm.s32 @p1 $0x1  }
0x15: {  	[smem:$0x3F9F] =	sst s0;
	s0 =	simm.s32 @!p2 $0x0  }
0x16: {  	s3 =	sld [smem:$0x3FDB];
	s0 =	simm.s32 @p2 $0x1  }
0x17: {  	s4 =	simm.s32 $0x1BF5;
	[smem:$0x3FA1] =	sst s0  }
0x18: {  	s0 =	sld [smem:$0x3F84];
	_ =	swait.ge [sflag:s4], $0x0  }
0x19: {  	s7 =	sld [smem:$0x3F85]  }
0x1a: {  	s8 =	sadd.s32 $0xFFFFE003, lr  }
0x1b: {  	s9 =	sadd.s32 $0xFFFFFEF7, lr;
	s5 =	simm.s32 $0xFFFFFFFF;
	p2 =	slt.u32 s8, $0xFFFFF086  }
0x1c: {  	p1 =	slt.u32 s9, $0xF7A;
	s5 =	simm.s32 @!p2 $0x0  }
0x1d: {  	s5 =	simm.s32 @p1 $0x1;
	p0 =	seq.s32 s7, s2  }
0x1e: {  	s7 =	smul.u32 @!p0 $0xF7A, s2;
	p2 =	seq.s32 @!p0 s5, $0x0  }
0x1f: {  	s9 =	smul.u32 $0xF7A, s1;
	s8 =	simm.s32 @!p0 $0x1BF5;
	p2 =	por !p2, p0  }
0x20: {  	[sflag:s8] =	ssyncset.s32 @!p0 $0xFFFFF086;
	s6 =	sadd.s32 @!p0 s3, s7;
	s7 =	simm.s32 @!p0 $0x108  }
0x21: {  	s3 =	sadd.s32 s3, s9;
	s6 =	sadd.s32 @!p0 $0x88, s6;
	s7 =	simm.s32 @p2 $0x1082  }
0x22: {  	[simem:s7], [sflag:s8] =	dma.local @!p0 [hbm:s6], $0xF7A  }
0x23: {  	s9 =	sor.u32 $0xD0000000, s2;
	s6 =	simm.s32 $0x108;
	_ =	swait.ge @!p0 [sflag:s8], $0x0  }
0x24: {  	s3 =	sadd.s32 $0x88, s3;
	s6 =	simm.s32 @!p1 $0x1082;
	[sflag:s4] =	ssyncset.s32 $0xFFFFF086  }
0x25: {  	[simem:s6], [sflag:s4] =	dma.local [hbm:s3], $0xF7A  }
0x26: {  	[smem:$0x3F85] =	sst s1;
	(tag) =	ssettag s2;
	_ =	strace s9  }
0x27: {  	s1 =	sld [smem:$0x3F95]  }
0x28: {  	s2 =	sld [smem:$0x3F96]  }
0x29: {  	s4 =	sld [smem:$0x3F98]  }
0x2a: {  	p0 =	seq.s32 s5, $0x0;
	s5 =	sld [smem:$0x3F99]  }
0x2b: {  	s6 =	sld [smem:$0x3F9A]  }
0x2c: {  	s7 =	sld [smem:$0x3F9B]  }
0x2d: {  	s3 =	simm.s32 $0x108;
	s8 =	sld [smem:$0x3F9C]  }
0x2e: {  	s3 =	simm.s32 @!p0 $0x1082;
	s9 =	sld [smem:$0x3F9D]  }
0x2f: {  	lr =	sadd.s32 s0, s3;
	s0 =	sld [smem:$0x3F94]  }
0x30: {  	s3 =	sld [smem:$0x3F97]  }
0x31: {  	[smem:$0x3FA0] =	sst s10  }
0x32: {  	s10 =	sld [smem:$0x3F9E];
	_ =	sdelay $0x3  }
0x33: {  	p0 =	seq.s32 s10, $0x1;
	s10 =	sld [smem:$0x3FA0];
	_ =	sdelay $0x3  }
0x34: {  	[smem:$0x3FA0] =	sst s10  }
0x35: {  	s10 =	sld [smem:$0x3F9F];
	_ =	sdelay $0x3  }
0x36: {  	p1 =	seq.s32 s10, $0x1;
	s10 =	sld [smem:$0x3FA0];
	_ =	sdelay $0x3  }
0x37: {  	[smem:$0x3FA0] =	sst s10  }
0x38: {  	s10 =	sld [smem:$0x3FA1]  }
0x39: {  	_ = 	snop;
	(pc) =	sbr.ind lr, $3  }
0x3a: {  	_ = 	snop  }
0x3b: {  	_ = 	snop  }
0x3c: {  	p2 =	seq.s32 s10, $0x1;
	s10 =	sld [smem:$0x3FA0]  }
0x3d: {  	_ =	shalt  }
0x3e: {  	_ =	shalt  }
0x3f: {  	_ =	shalt  }
0x40: {  	_ =	shalt  }
0x41: {  	_ =	shalt  }
0x42: {  	_ =	shalt  }
0x43: {  	_ =	shalt  }
0x44: {  	_ =	shalt  }
0x45: {  	_ =	shalt  }
0x46: {  	_ =	shalt  }
0x47: {  	_ =	shalt  }
0x48: {  	_ =	shalt  }
0x49: {  	_ =	shalt  }
0x4a: {  	_ =	shalt  }
0x4b: {  	_ =	shalt  }
0x4c: {  	_ =	shalt  }
0x4d: {  	_ =	shalt  }
0x4e: {  	_ =	shalt  }
0x4f: {  	_ =	shalt  }
0x50: {  	_ =	shalt  }
0x51: {  	_ =	shalt  }
0x52: {  	_ =	shalt  }
0x53: {  	_ =	shalt  }
0x54: {  	_ =	shalt  }
0x55: {  	_ =	shalt  }
0x56: {  	_ =	shalt  }
0x57: {  	_ =	shalt  }
0x58: {  	_ =	shalt  }
0x59: {  	_ =	shalt  }
0x5a: {  	_ =	shalt  }
0x5b: {  	_ =	shalt  }
0x5c: {  	_ =	shalt  }
0x5d: {  	_ =	shalt  }
0x5e: {  	_ =	shalt  }
0x5f: {  	_ =	shalt  }
0x60: {  	_ =	shalt  }
0x61: {  	_ =	shalt  }
0x62: {  	_ =	shalt  }
0x63: {  	_ =	shalt  }
0x64: {  	_ =	shalt  }
0x65: {  	_ =	shalt  }
0x66: {  	_ =	shalt  }
0x67: {  	_ =	shalt  }
0x68: {  	_ =	shalt  }
0x69: {  	_ =	shalt  }
0x6a: {  	_ =	shalt  }
0x6b: {  	_ =	shalt  }
0x6c: {  	_ =	shalt  }
0x6d: {  	_ =	shalt  }
0x6e: {  	_ =	shalt  }
0x6f: {  	_ =	shalt  }
0x70: {  	_ =	shalt  }
0x71: {  	_ =	shalt  }
0x72: {  	_ =	shalt  }
0x73: {  	_ =	shalt  }
0x74: {  	_ =	shalt  }
0x75: {  	_ =	shalt  }
0x76: {  	_ =	shalt  }
0x77: {  	_ =	shalt  }
0x78: {  	_ =	shalt  }
0x79: {  	_ =	shalt  }
0x7a: {  	_ =	shalt  }
0x7b: {  	_ =	shalt  }
0x7c: {  	_ =	shalt  }
0x7d: {  	_ =	shalt  }
0x7e: {  	_ =	shalt  }
0x7f: {  	_ =	shalt  }
0x80: {  	_ =	shalt  }
0x81: {  	_ =	shalt  }
0x82: {  	_ =	shalt  }
0x83: {  	_ =	shalt  }
0x84: {  	_ =	shalt  }
0x85: {  	_ =	shalt  }
0x86: {  	_ =	shalt  }
0x87: {  	_ =	shalt  }
.Lfunc_end0:
.L_simem_size_0:
called_computation.2_lowered:
.L_overlay_start_0:
0x88: {  	s2 =	sld [smem:$0x3FD9]  }
0x89: {  	s3 =	sld [smem:$0x3FFE];
	_ =	sdelay $0x1  }
0x8a: {  	s1 =	srdreg.scid  }
0x8b: {  	s0 =	sand.u32 $0x1, s1  }
0x8c: {  	s15 =	sshll.u32 s0, $0xA;
	s2 =	sadd.s32 s3, s2  }
0x8d: {  	s2 =	sadd.s32 s2, s15  }
0x8e: {  	[smem:$0x3FAC] =	sst s2  }
0x8f: {  	_ = 	snop  }
0x90: {  	s2 =	sld [smem:$0x3FD0];
	_ =	sdelay $0x2  }
0x91: {  	s16 =	simm.s32 $0xD;
	s4 =	simm.s32 $0x10  }
0x92: {  	[smem:s4], [sflag:s16] =	dma.local [hbm:s2], $0x1  }
0x93: {  	_ =	swait.eq [sflag:s16], $0x1  }
0x94: {  	[sflag:s16] =	ssyncset.done $0x0  }
0x95: {  	[sflag:s16] =	ssyncadd.s32 $0xFFFFFFFF  }
0x96: {  	s17 =	sld [smem:$0x10];
	(tm) =	ssettm $0x1  }
0x97: {  	s18 =	sld [smem:$0x3FFB];
	_ =	sdelay $0x3  }
0x98: {  	_ =	strace s18  }
0x99: {  	s2 =	sld [smem:$0x3FFC];
	_ =	sdelay $0x3  }
0x9a: {  	_ =	strace s2  }
0x9b: {  	s2 =	sld [smem:$0x3FFD];
	_ =	sdelay $0x3  }
0x9c: {  	_ =	strace s2  }
0x9d: {  	_ =	strace $0x8FFFFFFF  }
0x9e: {  	s19 =	sld [smem:$0x3FDB];
	_ =	sdelay $0x1  }
0x9f: {  	s20 =	simm.s32 $_scs_section_size  }
0xa0: {  	s5 =	simm.s32 $_size__tile_overlayer_lowered;
	s6 =	simm.s32 $_tile_overlayer_lowered  }
0xa1: {  	s7 =	simm.s32 $0x1BFF;
	s21 =	sshll.u32 s6, $0x1;
	s4 =	sadd.s32 s20, s19  }
0xa2: {  	s22 =	simm.s32 $0x0;
	s5 =	sshll.u32 s5, $0x1;
	s6 =	sadd.s32 s21, s4  }
0xa3: {  	[timem:s22], [sflag:s7] =	dma.local [hbm:s6], s5  }
0xa4: {  	_ =	swait.ge [sflag:s7], s5  }
0xa5: {  	s5 =	ssub.s32 $0x0, s5;
	[sflag:s7] =	ssyncset.done $0x0  }
0xa6: {  	[sflag:s7] =	ssyncadd.s32 s5;
	_ =	sdelay $0x1  }
0xa7: {  	s23 =	simm.s32 $0x1B8B  }
0xa8: {  	_ =	swait.ge [sflag:s23], $0x1  }
0xa9: {  	[sflag:s23] =	ssyncset.done $0x0  }
0xaa: {  	[sflag:s23] =	ssyncadd.s32 $0xFFFFFFFF  }
0xab: {  	s5 =	sld [smem:$0x0]  }
0xac: {  	s6 =	sand.u32 $0xFFFFFFFE, s1  }
0xad: {  	p0 =	sne.s32 s1, s6  }
0xae: {  	s6 =	sshll.u32 @p0 s6, $0xE  }
0xaf: {  	s6 =	sadd.s32 @p0 $0x11B8D, s6;
	s7 =	sshll.u32 @p0 s5, $0x11  }
0xb0: {  	s6 =	sor.u32 @p0 s7, s6  }
0xb1: {  	[sflag:s6] =	ssyncadd.remote.s32 @p0 $0x1;
	_ =	sdelay $0x1  }
0xb2: {  	s6 =	simm.s32 @p0 $0x1B8D  }
0xb3: {  	_ =	swait.eq @p0 [sflag:s6], $0x1  }
0xb4: {  	[sflag:s6] =	ssyncadd.s32 @p0 $0xFFFFFFFF  }
0xb5: {  	s7 =	sshll.u32 @!p0 s1, $0xE  }
0xb6: {  	s7 =	sor.u32 @!p0 $0x4000, s7;
	s6 =	simm.s32 @!p0 $0x1B8D  }
0xb7: {  	s5 =	sshll.u32 @!p0 s5, $0x11;
	s7 =	sadd.s32 @!p0 $0x11B8D, s7;
	_ =	swait.eq @!p0 [sflag:s6], $0x1  }
0xb8: {  	s5 =	sor.u32 @!p0 s5, s7;
	[sflag:s6] =	ssyncadd.s32 @!p0 $0xFFFFFFFF  }
0xb9: {  	s25 =	simm.s32 $0x1B8E;
	s24 =	sld [smem:$0x3FFE];
	[sflag:s5] =	ssyncadd.remote.s32 @!p0 $0x1  }
0xba: {  	s26 =	simm.s32 $execute0_lowered;
	[smem:$0x3FD2] =	sst s25  }
0xbb: {  	s6 =	sshll.u32 s26, $0x1;
	_ =	strace $0x80000052;
	[dreg:$0x1] =	wrdreg $0xFFFFFFFF  }
0xbc: {  	s28 =	simm.s32 $_size_execute0_lowered;
	s4 =	sadd.s32 s4, s6;
	[dreg:$0x0] =	wrdreg $0x0  }
0xbd: {  	s6 =	sshll.u32 s28, $0x1;
	[dreg:$0x2] =	wrdreg s4  }
0xbe: {  	[dreg:$0x3] =	wrdreg s6  }
0xbf: {  	[dreg:$0x4] =	wrdreg $0xC0  }
0xc0: {  	_ =	task [dreg:s22], $0x5FFFF  }
0xc1: {  	[dreg:$0x1] =	wrdreg $0xFFFFFFFF  }
0xc2: {  	[dreg:$0x0] =	wrdreg $0x60  }
0xc3: {  	[dreg:$0x2] =	wrdreg s24  }
0xc4: {  	[dreg:$0x3] =	wrdreg s17  }
0xc5: {  	[dreg:$0x4] =	wrdreg $0x48800  }
0xc6: {  	[dreg:$0x5] =	wrdreg $0xB  }
0xc7: {  	_ =	task.clear_ibuf [dreg:s22], $0x6FFFF;
	_ =	strace $0x90000052  }
0xc8: {  	s29 =	simm.s32 $0xB;
	_ =	strace $0x80000054  }
0xc9: {  	_ =	swait.ge [sflag:s29], $0x1  }
0xca: {  	[sflag:s29] =	ssyncadd.s32 $0xFFFFFFFF  }
0xcb: {  	_ =	strace $0x90000054  }
0xcc: {  	_ =	sfence  }
0xcd: {  	s30 =	sld [smem:$0x0];
	_ =	sdelay $0x2  }
0xce: {  	s31 =	sshll.u32 s1, $0xD;
	s1 =	sshrl.u32 s1, $0x2  }
0xcf: {  	s4 =	sand.u32 $0x4000, s31;
	s1 =	sadd.s32 s1, s30  }
0xd0: {  	s0 =	sor.u32 s4, s0;
	s1 =	sshll.u32 s1, $0x11  }
0xd1: {  	s0 =	sor.u32 s1, s0  }
0xd2: {  	s0 =	sadd.s32 $0x8F2B, s0  }
0xd3: {  	[sflag:s0] =	ssyncadd.remote.s32 $0x1  }
0xd4: {  	_ =	sfence.sel $0xFFFF  }
0xd5: {  	[dreg:$0x0] =	wrdreg $0xFFFFFFFF;
	(pc) =	sbr.abs _section_cstart, $3  }
0xd6: {  	[dreg:$0x1] =	wrdreg $0xFFFFFFFF  }
0xd7: {  	_ =	task.clear_ibuf [dreg:s22], $0x2FFFF;
	_ =	strace $0x9FFFFFFF  }
0xd8: {  	(tm) =	ssettm $0x7FFFFFFF  }
0xd9: {  	_ =	shalt  }
tec
execute0_lowered:
.L_overlay_start_1:
0x0: {  	(tag) =	ssettag $0x1  }
0x1: {  	s0 =	rddreg [dreg:$0x0]  }
0x2: {  	s1 =	srdreg.scid;
	s14 =	stileid.u32  }
0x3: {  	s5 =	rddreg [dreg:$0x1];
	s1 =	sand.u32 $0x1, s1;
	s3 =	sshll.u32 s14, $0x1  }
0x4: {  	s2 =	rddreg [dreg:$0x2];
	s4 =	smul.u32 $0x13880, s14;
	s6 =	sor.u32 s1, s3  }
0x5: {  	s31 =	sadd.s32 $0xA7200, s0;
	s3 =	simm.s32 $0x0;
	s7 =	smul.u32 $0xA0, s6  }
0x6: {  	[smem:$0x7FF] =	sst s3;
	s9 =	sshrl.u32 s4, $0x3;
	s6 =	smul.u32 $0x4E20, s6  }
0x7: {  	_ =	strace $0x80000053;
	s5 =	sadd.s32 s5, s9;
	s9 =	sadd.s32 $0xAE00, s0  }
0x8: {  	s7 =	sadd.s32 s7, s0;
	[dreg:$0x4] =	wrdreg s5;
	s15 =	sadd.s32 s31, s6  }
0x9: {  	s16 =	sadd.s32 s9, s6;
	s17 =	sadd.s32 $0x7D0, s6;
	s19 =	sadd.s32 $0xFA0, s6  }
0xa: {  	s21 =	sadd.s32 $0x1770, s6;
	s10 =	sadd.s32 $0x1F40, s6;
	s11 =	sadd.s32 $0x2710, s6  }
0xb: {  	s12 =	sadd.s32 $0x2EE0, s6;
	s29 =	sadd.s32 $0x36B0, s6;
	[dreg:$0xa] =	wrdreg s15  }
0xc: {  	s30 =	sadd.s32 $0x3E80, s6;
	s6 =	sadd.s32 $0x4650, s6;
	[dreg:$0xb] =	wrdreg s16  }
0xd: {  	s24 =	sadd.s32 $0x8600, s7;
	[dreg:$0x1b] =	wrdreg s6  }
0xe: {  	s25 =	sadd.s32 $0x9A00, s7;
	[dreg:$0x5] =	wrdreg s24  }
0xf: {  	s26 =	sadd.s32 $0x143600, s7;
	[dreg:$0x6] =	wrdreg s25  }
0x10: {  	s7 =	sadd.s32 $0x144A00, s7;
	[dreg:$0x7] =	wrdreg s26  }
0x11: {  	s18 =	sadd.s32 s9, s17;
	[dreg:$0x8] =	wrdreg s7  }
0x12: {  	s20 =	sadd.s32 s9, s19;
	[dreg:$0xc] =	wrdreg s18  }
0x13: {  	s22 =	sadd.s32 s9, s21;
	[dreg:$0xd] =	wrdreg s20  }
0x14: {  	s8 =	smul.u32 $0x138800, s1;
	s23 =	sadd.s32 s9, s10;
	[dreg:$0xe] =	wrdreg s22  }
0x15: {  	s13 =	sadd.s32 s9, s30;
	[dreg:$0xf] =	wrdreg s23  }
0x16: {  	s8 =	sadd.s32 s4, s8;
	s6 =	sadd.s32 s9, s6;
	[dreg:$0x13] =	wrdreg s13  }
0x17: {  	s8 =	sshrl.u32 s8, $0x3;
	s5 =	sadd.s32 s31, s17;
	[dreg:$0x14] =	wrdreg s6  }
0x18: {  	s8 =	sadd.s32 s8, s0;
	s15 =	sadd.s32 s31, s10;
	[dreg:$0x15] =	wrdreg s5  }
0x19: {  	s8 =	sadd.s32 $0x146000, s8;
	[dreg:$0x18] =	wrdreg s15  }
0x1a: {  	s24 =	sadd.s32 s9, s11;
	[dreg:$0x9] =	wrdreg s8  }
0x1b: {  	s25 =	sadd.s32 s9, s12;
	[dreg:$0x10] =	wrdreg s24  }
0x1c: {  	s26 =	sadd.s32 s9, s29;
	[dreg:$0x11] =	wrdreg s25  }
0x1d: {  	s13 =	sadd.s32 s31, s21;
	[dreg:$0x12] =	wrdreg s26  }
0x1e: {  	[dreg:$0x17] =	wrdreg s13  }
0x1f: {  	s18 =	sadd.s32 s31, s11;
	s8 =	sadd.s32 s31, s19;
	s19 =	rddreg [dreg:$0x4]  }
0x20: {  	s17 =	sshll.u32 s14, $0x6;
	s20 =	sadd.s32 s31, s12;
	[dreg:$0x19] =	wrdreg s18  }
0x21: {  	s16 =	sadd.s32 s4, s2;
	s4 =	sor.u32 $0x1C01, s17;
	[dreg:$0x1a] =	wrdreg s20  }
0x22: {  	s6 =	sshrl.u32 s16, $0x3;
	s5 =	simm.s32 $0x1;
	[dreg:$0x16] =	wrdreg s8  }
0x23: {  	[spmem:s6], [sflag:s4] =	dma.local [hbm:s19], $0x2710  }
0x24: {  	_ =	swait.ge [sflag:s5], $0x2710  }
0x25: {  	[sflag:s5] =	ssyncset.done $0x0  }
0x26: {  	[sflag:s5] =	ssyncadd.s32 $0xFFFFD8F0  }
0x27: {  	[bflag:$0x0] =	sbarrier.arrive $0xFFFF  }
0x28: {  	s21 =	rddreg [dreg:$0x5]  }
0x29: {  	[tilespmem:s3], [sflag:$0x1] =	stream.linear.gather [hbm4b:s21+s3], $0x500, $0x38;
	[tilespmem:$0x18100] =	vst v63  }
0x2a: {  	_ =	swait.ge [sflag:s5], $0x500  }
0x2b: {  	[sflag:s5] =	ssyncset.done $0x0  }
0x2c: {  	s7 =	simm.s32 $0x500;
	s22 =	rddreg [dreg:$0x6];
	[sflag:s5] =	ssyncadd.s32 $0xFFFFFB00  }
0x2d: {  	[tilespmem:s7], [sflag:$0x1] =	stream.linear.gather [hbm4b:s22+s3], $0x500, $0x38;
	[tilespmem:$0x18100] =	vst v63  }
0x2e: {  	_ =	swait.ge [sflag:s5], $0x500  }
0x2f: {  	[sflag:s5] =	ssyncset.done $0x0  }
0x30: {  	s8 =	simm.s32 $0xA00;
	s23 =	rddreg [dreg:$0xb];
	[sflag:s5] =	ssyncadd.s32 $0xFFFFFB00  }
0x31: {  	[tilespmem:s8], [sflag:$0x1] =	stream.linear.gather [hbm4b:s23+s3], $0x3E80, $0x38;
	[tilespmem:$0x18100] =	vst v63  }
0x32: {  	_ =	swait.ge [sflag:s5], $0x3E80  }
0x33: {  	[sflag:s5] =	ssyncset.done $0x0  }
0x34: {  	s9 =	simm.s32 $0x7D;
	[sflag:s5] =	ssyncadd.s32 $0xFFFFC180  }
0x35: {  	[spmem:s2] =	stream.indirect.scatter.add.f32 [tilespmem:s8], [sflag:$0x1], $0x80, s3, s9, $0xb8;
	[tilespmem:$0x18100] =	vst v63  }
0x36: {  	_ =	swait.ge [sflag:s5], $0x3E80  }
0x37: {  	[sflag:s5] =	ssyncset.done $0x0  }
0x38: {  	[sflag:s5] =	ssyncadd.s32 $0xFFFFC180  }
0x39: {  	[spmem:s2] =	stream.indirect.scatter.add.f32 [tilespmem:s8], [sflag:$0x1], $0x80, s7, s9, $0xb8;
	[tilespmem:$0x18100] =	vst v63  }
0x3a: {  	_ =	swait.ge [sflag:s5], $0x3E80  }
0x3b: {  	[sflag:s5] =	ssyncset.done $0x0  }
0x3c: {  	s24 =	rddreg [dreg:$0xc];
	[sflag:s5] =	ssyncadd.s32 $0xFFFFC180  }
0x3d: {  	[tilespmem:s8], [sflag:$0x1] =	stream.linear.gather [hbm4b:s24+s3], $0x3E80, $0x38;
	[tilespmem:$0x18100] =	vst v63  }
0x3e: {  	_ =	swait.ge [sflag:s5], $0x3E80  }
0x3f: {  	[sflag:s5] =	ssyncset.done $0x0  }
0x40: {  	s10 =	simm.s32 $0x80;
	[sflag:s5] =	ssyncadd.s32 $0xFFFFC180  }
0x41: {  	[spmem:s2] =	stream.indirect.scatter.add.f32 [tilespmem:s8], [sflag:$0x1], $0x80, s10, s9, $0xb8;
	[tilespmem:$0x18100] =	vst v63  }
0x42: {  	_ =	swait.ge [sflag:s5], $0x3E80  }
0x43: {  	[sflag:s5] =	ssyncset.done $0x0  }
0x44: {  	s11 =	simm.s32 $0x580;
	[sflag:s5] =	ssyncadd.s32 $0xFFFFC180  }
0x45: {  	[spmem:s2] =	stream.indirect.scatter.add.f32 [tilespmem:s8], [sflag:$0x1], $0x80, s11, s9, $0xb8;
	[tilespmem:$0x18100] =	vst v63  }
0x46: {  	_ =	swait.ge [sflag:s5], $0x3E80  }
0x47: {  	[sflag:s5] =	ssyncset.done $0x0  }
0x48: {  	s25 =	rddreg [dreg:$0xd];
	[sflag:s5] =	ssyncadd.s32 $0xFFFFC180  }
0x49: {  	[tilespmem:s8], [sflag:$0x1] =	stream.linear.gather [hbm4b:s25+s3], $0x3E80, $0x38;
	[tilespmem:$0x18100] =	vst v63  }
0x4a: {  	_ =	swait.ge [sflag:s5], $0x3E80  }
0x4b: {  	[sflag:s5] =	ssyncset.done $0x0  }
0x4c: {  	s12 =	simm.s32 $0x100;
	[sflag:s5] =	ssyncadd.s32 $0xFFFFC180  }
0x4d: {  	[spmem:s2] =	stream.indirect.scatter.add.f32 [tilespmem:s8], [sflag:$0x1], $0x80, s12, s9, $0xb8;
	[tilespmem:$0x18100] =	vst v63  }
0x4e: {  	_ =	swait.ge [sflag:s5], $0x3E80  }
0x4f: {  	[sflag:s5] =	ssyncset.done $0x0  }
0x50: {  	s13 =	simm.s32 $0x600;
	[sflag:s5] =	ssyncadd.s32 $0xFFFFC180  }
0x51: {  	[spmem:s2] =	stream.indirect.scatter.add.f32 [tilespmem:s8], [sflag:$0x1], $0x80, s13, s9, $0xb8;
	[tilespmem:$0x18100] =	vst v63  }
0x52: {  	_ =	swait.ge [sflag:s5], $0x3E80  }
0x53: {  	[sflag:s5] =	ssyncset.done $0x0  }
0x54: {  	s26 =	rddreg [dreg:$0xe];
	[sflag:s5] =	ssyncadd.s32 $0xFFFFC180  }
0x55: {  	[tilespmem:s8], [sflag:$0x1] =	stream.linear.gather [hbm4b:s26+s3], $0x3E80, $0x38;
	[tilespmem:$0x18100] =	vst v63  }
0x56: {  	_ =	swait.ge [sflag:s5], $0x3E80  }
0x57: {  	[sflag:s5] =	ssyncset.done $0x0  }
0x58: {  	s14 =	simm.s32 $0x180;
	[sflag:s5] =	ssyncadd.s32 $0xFFFFC180  }
0x59: {  	[spmem:s2] =	stream.indirect.scatter.add.f32 [tilespmem:s8], [sflag:$0x1], $0x80, s14, s9, $0xb8;
	[tilespmem:$0x18100] =	vst v63  }
0x5a: {  	_ =	swait.ge [sflag:s5], $0x3E80  }
0x5b: {  	[sflag:s5] =	ssyncset.done $0x0  }
0x5c: {  	s15 =	simm.s32 $0x680;
	[sflag:s5] =	ssyncadd.s32 $0xFFFFC180  }
0x5d: {  	[spmem:s2] =	stream.indirect.scatter.add.f32 [tilespmem:s8], [sflag:$0x1], $0x80, s15, s9, $0xb8;
	[tilespmem:$0x18100] =	vst v63  }
0x5e: {  	_ =	swait.ge [sflag:s5], $0x3E80  }
0x5f: {  	[sflag:s5] =	ssyncset.done $0x0  }
0x60: {  	s16 =	rddreg [dreg:$0xf];
	[sflag:s5] =	ssyncadd.s32 $0xFFFFC180  }
0x61: {  	[tilespmem:s8], [sflag:$0x1] =	stream.linear.gather [hbm4b:s16+s3], $0x3E80, $0x38;
	[tilespmem:$0x18100] =	vst v63  }
0x62: {  	_ =	swait.ge [sflag:s5], $0x3E80  }
0x63: {  	[sflag:s5] =	ssyncset.done $0x0  }
0x64: {  	s16 =	simm.s32 $0x200;
	[sflag:s5] =	ssyncadd.s32 $0xFFFFC180  }
0x65: {  	[spmem:s2] =	stream.indirect.scatter.add.f32 [tilespmem:s8], [sflag:$0x1], $0x80, s16, s9, $0xb8;
	[tilespmem:$0x18100] =	vst v63  }
0x66: {  	_ =	swait.ge [sflag:s5], $0x3E80  }
0x67: {  	[sflag:s5] =	ssyncset.done $0x0  }
0x68: {  	s17 =	simm.s32 $0x700;
	[sflag:s5] =	ssyncadd.s32 $0xFFFFC180  }
0x69: {  	[spmem:s2] =	stream.indirect.scatter.add.f32 [tilespmem:s8], [sflag:$0x1], $0x80, s17, s9, $0xb8;
	[tilespmem:$0x18100] =	vst v63  }
0x6a: {  	_ =	swait.ge [sflag:s5], $0x3E80  }
0x6b: {  	[sflag:s5] =	ssyncset.done $0x0  }
0x6c: {  	s18 =	rddreg [dreg:$0x10];
	[sflag:s5] =	ssyncadd.s32 $0xFFFFC180  }
0x6d: {  	[tilespmem:s8], [sflag:$0x1] =	stream.linear.gather [hbm4b:s18+s3], $0x3E80, $0x38;
	[tilespmem:$0x18100] =	vst v63  }
0x6e: {  	_ =	swait.ge [sflag:s5], $0x3E80  }
0x6f: {  	[sflag:s5] =	ssyncset.done $0x0  }
0x70: {  	s18 =	simm.s32 $0x280;
	[sflag:s5] =	ssyncadd.s32 $0xFFFFC180  }
0x71: {  	[spmem:s2] =	stream.indirect.scatter.add.f32 [tilespmem:s8], [sflag:$0x1], $0x80, s18, s9, $0xb8;
	[tilespmem:$0x18100] =	vst v63  }
0x72: {  	_ =	swait.ge [sflag:s5], $0x3E80  }
0x73: {  	[sflag:s5] =	ssyncset.done $0x0  }
0x74: {  	s19 =	simm.s32 $0x780;
	[sflag:s5] =	ssyncadd.s32 $0xFFFFC180  }
0x75: {  	[spmem:s2] =	stream.indirect.scatter.add.f32 [tilespmem:s8], [sflag:$0x1], $0x80, s19, s9, $0xb8;
	[tilespmem:$0x18100] =	vst v63  }
0x76: {  	_ =	swait.ge [sflag:s5], $0x3E80  }
0x77: {  	[sflag:s5] =	ssyncset.done $0x0  }
0x78: {  	s20 =	rddreg [dreg:$0x11];
	[sflag:s5] =	ssyncadd.s32 $0xFFFFC180  }
0x79: {  	[tilespmem:s8], [sflag:$0x1] =	stream.linear.gather [hbm4b:s20+s3], $0x3E80, $0x38;
	[tilespmem:$0x18100] =	vst v63  }
0x7a: {  	_ =	swait.ge [sflag:s5], $0x3E80  }
0x7b: {  	[sflag:s5] =	ssyncset.done $0x0  }
0x7c: {  	s20 =	simm.s32 $0x300;
	[sflag:s5] =	ssyncadd.s32 $0xFFFFC180  }
0x7d: {  	[spmem:s2] =	stream.indirect.scatter.add.f32 [tilespmem:s8], [sflag:$0x1], $0x80, s20, s9, $0xb8;
	[tilespmem:$0x18100] =	vst v63  }
0x7e: {  	_ =	swait.ge [sflag:s5], $0x3E80  }
0x7f: {  	[sflag:s5] =	ssyncset.done $0x0  }
0x80: {  	s21 =	simm.s32 $0x800;
	[sflag:s5] =	ssyncadd.s32 $0xFFFFC180  }
0x81: {  	[spmem:s2] =	stream.indirect.scatter.add.f32 [tilespmem:s8], [sflag:$0x1], $0x80, s21, s9, $0xb8;
	[tilespmem:$0x18100] =	vst v63  }
0x82: {  	_ =	swait.ge [sflag:s5], $0x3E80  }
0x83: {  	[sflag:s5] =	ssyncset.done $0x0  }
0x84: {  	s22 =	rddreg [dreg:$0x12];
	[sflag:s5] =	ssyncadd.s32 $0xFFFFC180  }
0x85: {  	[tilespmem:s8], [sflag:$0x1] =	stream.linear.gather [hbm4b:s22+s3], $0x3E80, $0x38;
	[tilespmem:$0x18100] =	vst v63  }
0x86: {  	_ =	swait.ge [sflag:s5], $0x3E80  }
0x87: {  	[sflag:s5] =	ssyncset.done $0x0  }
0x88: {  	s22 =	simm.s32 $0x380;
	[sflag:s5] =	ssyncadd.s32 $0xFFFFC180  }
0x89: {  	[spmem:s2] =	stream.indirect.scatter.add.f32 [tilespmem:s8], [sflag:$0x1], $0x80, s22, s9, $0xb8;
	[tilespmem:$0x18100] =	vst v63  }
0x8a: {  	_ =	swait.ge [sflag:s5], $0x3E80  }
0x8b: {  	[sflag:s5] =	ssyncset.done $0x0  }
0x8c: {  	s23 =	simm.s32 $0x880;
	[sflag:s5] =	ssyncadd.s32 $0xFFFFC180  }
0x8d: {  	[spmem:s2] =	stream.indirect.scatter.add.f32 [tilespmem:s8], [sflag:$0x1], $0x80, s23, s9, $0xb8;
	[tilespmem:$0x18100] =	vst v63  }
0x8e: {  	_ =	swait.ge [sflag:s5], $0x3E80  }
0x8f: {  	[sflag:s5] =	ssyncset.done $0x0  }
0x90: {  	s24 =	rddreg [dreg:$0x13];
	[sflag:s5] =	ssyncadd.s32 $0xFFFFC180  }
0x91: {  	[tilespmem:s8], [sflag:$0x1] =	stream.linear.gather [hbm4b:s24+s3], $0x3E80, $0x38;
	[tilespmem:$0x18100] =	vst v63  }
0x92: {  	_ =	swait.ge [sflag:s5], $0x3E80  }
0x93: {  	[sflag:s5] =	ssyncset.done $0x0  }
0x94: {  	s24 =	simm.s32 $0x400;
	[sflag:s5] =	ssyncadd.s32 $0xFFFFC180  }
0x95: {  	[spmem:s2] =	stream.indirect.scatter.add.f32 [tilespmem:s8], [sflag:$0x1], $0x80, s24, s9, $0xb8;
	[tilespmem:$0x18100] =	vst v63  }
0x96: {  	_ =	swait.ge [sflag:s5], $0x3E80  }
0x97: {  	[sflag:s5] =	ssyncset.done $0x0  }
0x98: {  	s25 =	simm.s32 $0x900;
	[sflag:s5] =	ssyncadd.s32 $0xFFFFC180  }
0x99: {  	[spmem:s2] =	stream.indirect.scatter.add.f32 [tilespmem:s8], [sflag:$0x1], $0x80, s25, s9, $0xb8;
	[tilespmem:$0x18100] =	vst v63  }
0x9a: {  	_ =	swait.ge [sflag:s5], $0x3E80  }
0x9b: {  	[sflag:s5] =	ssyncset.done $0x0  }
0x9c: {  	s26 =	rddreg [dreg:$0x14];
	[sflag:s5] =	ssyncadd.s32 $0xFFFFC180  }
0x9d: {  	[tilespmem:s8], [sflag:$0x1] =	stream.linear.gather [hbm4b:s26+s3], $0x3E80, $0x38;
	[tilespmem:$0x18100] =	vst v63  }
0x9e: {  	_ =	swait.ge [sflag:s5], $0x3E80  }
0x9f: {  	[sflag:s5] =	ssyncset.done $0x0  }
0xa0: {  	s26 =	simm.s32 $0x480;
	[sflag:s5] =	ssyncadd.s32 $0xFFFFC180  }
0xa1: {  	[spmem:s2] =	stream.indirect.scatter.add.f32 [tilespmem:s8], [sflag:$0x1], $0x80, s26, s9, $0xb8;
	[tilespmem:$0x18100] =	vst v63  }
0xa2: {  	_ =	swait.ge [sflag:s5], $0x3E80  }
0xa3: {  	[sflag:s5] =	ssyncset.done $0x0  }
0xa4: {  	s28 =	simm.s32 $0x980;
	[sflag:s5] =	ssyncadd.s32 $0xFFFFC180  }
0xa5: {  	[spmem:s2] =	stream.indirect.scatter.add.f32 [tilespmem:s8], [sflag:$0x1], $0x80, s28, s9, $0xb8;
	[tilespmem:$0x18100] =	vst v63  }
0xa6: {  	_ =	swait.ge [sflag:s5], $0x3E80  }
0xa7: {  	[sflag:s5] =	ssyncset.done $0x0  }
0xa8: {  	s0 =	rddreg [dreg:$0x7];
	[sflag:s5] =	ssyncadd.s32 $0xFFFFC180  }
0xa9: {  	[tilespmem:s3], [sflag:$0x1] =	stream.linear.gather [hbm4b:s0+s3], $0x500, $0x38;
	[tilespmem:$0x18100] =	vst v63  }
0xaa: {  	_ =	swait.ge [sflag:s5], $0x500  }
0xab: {  	[sflag:s5] =	ssyncset.done $0x0  }
0xac: {  	s0 =	rddreg [dreg:$0x8];
	[sflag:s5] =	ssyncadd.s32 $0xFFFFFB00  }
0xad: {  	[tilespmem:s7], [sflag:$0x1] =	stream.linear.gather [hbm4b:s0+s3], $0x500, $0x38;
	[tilespmem:$0x18100] =	vst v63  }
0xae: {  	_ =	swait.ge [sflag:s5], $0x500  }
0xaf: {  	[sflag:s5] =	ssyncset.done $0x0  }
0xb0: {  	s0 =	rddreg [dreg:$0xa];
	[sflag:s5] =	ssyncadd.s32 $0xFFFFFB00  }
0xb1: {  	[tilespmem:s8], [sflag:$0x1] =	stream.linear.gather [hbm4b:s0+s3], $0x3E80, $0x38;
	[tilespmem:$0x18100] =	vst v63  }
0xb2: {  	_ =	swait.ge [sflag:s5], $0x3E80  }
0xb3: {  	[sflag:s5] =	ssyncset.done $0x0  }
0xb4: {  	[sflag:s5] =	ssyncadd.s32 $0xFFFFC180  }
0xb5: {  	[spmem:s2] =	stream.indirect.scatter.add.f32 [tilespmem:s8], [sflag:$0x1], $0x80, s3, s9, $0xb8;
	[tilespmem:$0x18100] =	vst v63  }
0xb6: {  	_ =	swait.ge [sflag:s5], $0x3E80  }
0xb7: {  	[sflag:s5] =	ssyncset.done $0x0  }
0xb8: {  	[sflag:s5] =	ssyncadd.s32 $0xFFFFC180  }
0xb9: {  	[spmem:s2] =	stream.indirect.scatter.add.f32 [tilespmem:s8], [sflag:$0x1], $0x80, s7, s9, $0xb8;
	[tilespmem:$0x18100] =	vst v63  }
0xba: {  	_ =	swait.ge [sflag:s5], $0x3E80  }
0xbb: {  	[sflag:s5] =	ssyncset.done $0x0  }
0xbc: {  	s0 =	rddreg [dreg:$0x15];
	[sflag:s5] =	ssyncadd.s32 $0xFFFFC180  }
0xbd: {  	[tilespmem:s8], [sflag:$0x1] =	stream.linear.gather [hbm4b:s0+s3], $0x3E80, $0x38;
	[tilespmem:$0x18100] =	vst v63  }
0xbe: {  	_ =	swait.ge [sflag:s5], $0x3E80  }
0xbf: {  	[sflag:s5] =	ssyncset.done $0x0  }
0xc0: {  	[sflag:s5] =	ssyncadd.s32 $0xFFFFC180  }
0xc1: {  	[spmem:s2] =	stream.indirect.scatter.add.f32 [tilespmem:s8], [sflag:$0x1], $0x80, s10, s9, $0xb8;
	[tilespmem:$0x18100] =	vst v63  }
0xc2: {  	_ =	swait.ge [sflag:s5], $0x3E80  }
0xc3: {  	[sflag:s5] =	ssyncset.done $0x0  }
0xc4: {  	[sflag:s5] =	ssyncadd.s32 $0xFFFFC180  }
0xc5: {  	[spmem:s2] =	stream.indirect.scatter.add.f32 [tilespmem:s8], [sflag:$0x1], $0x80, s11, s9, $0xb8;
	[tilespmem:$0x18100] =	vst v63  }
0xc6: {  	_ =	swait.ge [sflag:s5], $0x3E80  }
0xc7: {  	[sflag:s5] =	ssyncset.done $0x0  }
0xc8: {  	s0 =	rddreg [dreg:$0x16];
	[sflag:s5] =	ssyncadd.s32 $0xFFFFC180  }
0xc9: {  	[tilespmem:s8], [sflag:$0x1] =	stream.linear.gather [hbm4b:s0+s3], $0x3E80, $0x38;
	[tilespmem:$0x18100] =	vst v63  }
0xca: {  	_ =	swait.ge [sflag:s5], $0x3E80  }
0xcb: {  	[sflag:s5] =	ssyncset.done $0x0  }
0xcc: {  	[sflag:s5] =	ssyncadd.s32 $0xFFFFC180  }
0xcd: {  	[spmem:s2] =	stream.indirect.scatter.add.f32 [tilespmem:s8], [sflag:$0x1], $0x80, s12, s9, $0xb8;
	[tilespmem:$0x18100] =	vst v63  }
0xce: {  	_ =	swait.ge [sflag:s5], $0x3E80  }
0xcf: {  	[sflag:s5] =	ssyncset.done $0x0  }
0xd0: {  	[sflag:s5] =	ssyncadd.s32 $0xFFFFC180  }
0xd1: {  	[spmem:s2] =	stream.indirect.scatter.add.f32 [tilespmem:s8], [sflag:$0x1], $0x80, s13, s9, $0xb8;
	[tilespmem:$0x18100] =	vst v63  }
0xd2: {  	_ =	swait.ge [sflag:s5], $0x3E80  }
0xd3: {  	[sflag:s5] =	ssyncset.done $0x0  }
0xd4: {  	s0 =	rddreg [dreg:$0x17];
	[sflag:s5] =	ssyncadd.s32 $0xFFFFC180  }
0xd5: {  	[tilespmem:s8], [sflag:$0x1] =	stream.linear.gather [hbm4b:s0+s3], $0x3E80, $0x38;
	[tilespmem:$0x18100] =	vst v63  }
0xd6: {  	_ =	swait.ge [sflag:s5], $0x3E80  }
0xd7: {  	[sflag:s5] =	ssyncset.done $0x0  }
0xd8: {  	[sflag:s5] =	ssyncadd.s32 $0xFFFFC180  }
0xd9: {  	[spmem:s2] =	stream.indirect.scatter.add.f32 [tilespmem:s8], [sflag:$0x1], $0x80, s14, s9, $0xb8;
	[tilespmem:$0x18100] =	vst v63  }
0xda: {  	_ =	swait.ge [sflag:s5], $0x3E80  }
0xdb: {  	[sflag:s5] =	ssyncset.done $0x0  }
0xdc: {  	[sflag:s5] =	ssyncadd.s32 $0xFFFFC180  }
0xdd: {  	[spmem:s2] =	stream.indirect.scatter.add.f32 [tilespmem:s8], [sflag:$0x1], $0x80, s15, s9, $0xb8;
	[tilespmem:$0x18100] =	vst v63  }
0xde: {  	_ =	swait.ge [sflag:s5], $0x3E80  }
0xdf: {  	[sflag:s5] =	ssyncset.done $0x0  }
0xe0: {  	s0 =	rddreg [dreg:$0x18];
	[sflag:s5] =	ssyncadd.s32 $0xFFFFC180  }
0xe1: {  	[tilespmem:s8], [sflag:$0x1] =	stream.linear.gather [hbm4b:s0+s3], $0x3E80, $0x38;
	[tilespmem:$0x18100] =	vst v63  }
0xe2: {  	_ =	swait.ge [sflag:s5], $0x3E80  }
0xe3: {  	[sflag:s5] =	ssyncset.done $0x0  }
0xe4: {  	[sflag:s5] =	ssyncadd.s32 $0xFFFFC180  }
0xe5: {  	[spmem:s2] =	stream.indirect.scatter.add.f32 [tilespmem:s8], [sflag:$0x1], $0x80, s16, s9, $0xb8;
	[tilespmem:$0x18100] =	vst v63  }
0xe6: {  	_ =	swait.ge [sflag:s5], $0x3E80  }
0xe7: {  	[sflag:s5] =	ssyncset.done $0x0  }
0xe8: {  	[sflag:s5] =	ssyncadd.s32 $0xFFFFC180  }
0xe9: {  	[spmem:s2] =	stream.indirect.scatter.add.f32 [tilespmem:s8], [sflag:$0x1], $0x80, s17, s9, $0xb8;
	[tilespmem:$0x18100] =	vst v63  }
0xea: {  	_ =	swait.ge [sflag:s5], $0x3E80  }
0xeb: {  	[sflag:s5] =	ssyncset.done $0x0  }
0xec: {  	s0 =	rddreg [dreg:$0x19];
	[sflag:s5] =	ssyncadd.s32 $0xFFFFC180  }
0xed: {  	[tilespmem:s8], [sflag:$0x1] =	stream.linear.gather [hbm4b:s0+s3], $0x3E80, $0x38;
	[tilespmem:$0x18100] =	vst v63  }
0xee: {  	_ =	swait.ge [sflag:s5], $0x3E80  }
0xef: {  	[sflag:s5] =	ssyncset.done $0x0  }
0xf0: {  	[sflag:s5] =	ssyncadd.s32 $0xFFFFC180  }
0xf1: {  	[spmem:s2] =	stream.indirect.scatter.add.f32 [tilespmem:s8], [sflag:$0x1], $0x80, s18, s9, $0xb8;
	[tilespmem:$0x18100] =	vst v63  }
0xf2: {  	_ =	swait.ge [sflag:s5], $0x3E80  }
0xf3: {  	[sflag:s5] =	ssyncset.done $0x0  }
0xf4: {  	[sflag:s5] =	ssyncadd.s32 $0xFFFFC180  }
0xf5: {  	[spmem:s2] =	stream.indirect.scatter.add.f32 [tilespmem:s8], [sflag:$0x1], $0x80, s19, s9, $0xb8;
	[tilespmem:$0x18100] =	vst v63  }
0xf6: {  	_ =	swait.ge [sflag:s5], $0x3E80  }
0xf7: {  	[sflag:s5] =	ssyncset.done $0x0  }
0xf8: {  	s0 =	rddreg [dreg:$0x1a];
	[sflag:s5] =	ssyncadd.s32 $0xFFFFC180  }
0xf9: {  	[tilespmem:s8], [sflag:$0x1] =	stream.linear.gather [hbm4b:s0+s3], $0x3E80, $0x38;
	[tilespmem:$0x18100] =	vst v63  }
0xfa: {  	_ =	swait.ge [sflag:s5], $0x3E80  }
0xfb: {  	[sflag:s5] =	ssyncset.done $0x0  }
0xfc: {  	[sflag:s5] =	ssyncadd.s32 $0xFFFFC180  }
0xfd: {  	[spmem:s2] =	stream.indirect.scatter.add.f32 [tilespmem:s8], [sflag:$0x1], $0x80, s20, s9, $0xb8;
	[tilespmem:$0x18100] =	vst v63  }
0xfe: {  	_ =	swait.ge [sflag:s5], $0x3E80  }
0xff: {  	[sflag:s5] =	ssyncset.done $0x0  }
0x100: {  	[sflag:s5] =	ssyncadd.s32 $0xFFFFC180  }
0x101: {  	[spmem:s2] =	stream.indirect.scatter.add.f32 [tilespmem:s8], [sflag:$0x1], $0x80, s21, s9, $0xb8;
	[tilespmem:$0x18100] =	vst v63  }
0x102: {  	_ =	swait.ge [sflag:s5], $0x3E80  }
0x103: {  	[sflag:s5] =	ssyncset.done $0x0  }
0x104: {  	s29 =	sadd.s32 s31, s29;
	[sflag:s5] =	ssyncadd.s32 $0xFFFFC180  }
0x105: {  	[tilespmem:s8], [sflag:$0x1] =	stream.linear.gather [hbm4b:s29+s3], $0x3E80, $0x38;
	[tilespmem:$0x18100] =	vst v63  }
0x106: {  	_ =	swait.ge [sflag:s5], $0x3E80  }
0x107: {  	[sflag:s5] =	ssyncset.done $0x0  }
0x108: {  	[sflag:s5] =	ssyncadd.s32 $0xFFFFC180  }
0x109: {  	[spmem:s2] =	stream.indirect.scatter.add.f32 [tilespmem:s8], [sflag:$0x1], $0x80, s22, s9, $0xb8;
	[tilespmem:$0x18100] =	vst v63  }
0x10a: {  	_ =	swait.ge [sflag:s5], $0x3E80  }
0x10b: {  	[sflag:s5] =	ssyncset.done $0x0  }
0x10c: {  	[sflag:s5] =	ssyncadd.s32 $0xFFFFC180  }
0x10d: {  	[spmem:s2] =	stream.indirect.scatter.add.f32 [tilespmem:s8], [sflag:$0x1], $0x80, s23, s9, $0xb8;
	[tilespmem:$0x18100] =	vst v63  }
0x10e: {  	_ =	swait.ge [sflag:s5], $0x3E80  }
0x10f: {  	[sflag:s5] =	ssyncset.done $0x0  }
0x110: {  	s30 =	sadd.s32 s31, s30;
	[sflag:s5] =	ssyncadd.s32 $0xFFFFC180  }
0x111: {  	[tilespmem:s8], [sflag:$0x1] =	stream.linear.gather [hbm4b:s30+s3], $0x3E80, $0x38;
	[tilespmem:$0x18100] =	vst v63  }
0x112: {  	_ =	swait.ge [sflag:s5], $0x3E80  }
0x113: {  	[sflag:s5] =	ssyncset.done $0x0  }
0x114: {  	[sflag:s5] =	ssyncadd.s32 $0xFFFFC180  }
0x115: {  	[spmem:s2] =	stream.indirect.scatter.add.f32 [tilespmem:s8], [sflag:$0x1], $0x80, s24, s9, $0xb8;
	[tilespmem:$0x18100] =	vst v63  }
0x116: {  	_ =	swait.ge [sflag:s5], $0x3E80  }
0x117: {  	[sflag:s5] =	ssyncset.done $0x0  }
0x118: {  	[sflag:s5] =	ssyncadd.s32 $0xFFFFC180  }
0x119: {  	[spmem:s2] =	stream.indirect.scatter.add.f32 [tilespmem:s8], [sflag:$0x1], $0x80, s25, s9, $0xb8;
	[tilespmem:$0x18100] =	vst v63  }
0x11a: {  	_ =	swait.ge [sflag:s5], $0x3E80  }
0x11b: {  	[sflag:s5] =	ssyncset.done $0x0;
	s0 =	rddreg [dreg:$0x1b]  }
0x11c: {  	s31 =	sadd.s32 s31, s0;
	[sflag:s5] =	ssyncadd.s32 $0xFFFFC180  }
0x11d: {  	[tilespmem:s8], [sflag:$0x1] =	stream.linear.gather [hbm4b:s31+s3], $0x3E80, $0x38;
	[tilespmem:$0x18100] =	vst v63  }
0x11e: {  	_ =	swait.ge [sflag:s5], $0x3E80  }
0x11f: {  	[sflag:s5] =	ssyncset.done $0x0  }
0x120: {  	[sflag:s5] =	ssyncadd.s32 $0xFFFFC180  }
0x121: {  	[spmem:s2] =	stream.indirect.scatter.add.f32 [tilespmem:s8], [sflag:$0x1], $0x80, s26, s9, $0xb8;
	[tilespmem:$0x18100] =	vst v63  }
0x122: {  	_ =	swait.ge [sflag:s5], $0x3E80  }
0x123: {  	[sflag:s5] =	ssyncset.done $0x0  }
0x124: {  	[sflag:s5] =	ssyncadd.s32 $0xFFFFC180  }
0x125: {  	[spmem:s2] =	stream.indirect.scatter.add.f32 [tilespmem:s8], [sflag:$0x1], $0x80, s28, s9, $0xb8;
	[tilespmem:$0x18100] =	vst v63  }
0x126: {  	_ =	swait.ge [sflag:s5], $0x3E80  }
0x127: {  	[sflag:s5] =	ssyncset.done $0x0  }
0x128: {  	[sflag:s5] =	ssyncadd.s32 $0xFFFFC180  }
0x129: {  	[bflag:$0x0] =	sbarrier.arrive $0xFFFF  }
0x12a: {  	s0 =	ssub.s32 $0x2, s1;
	s1 =	rddreg [dreg:$0x9]  }
0x12b: {  	[dreg:$0x1c] =	wrdreg s1;
	s1 =	sshrl.u32 s0, $0x1  }
0x12c: {  	s0 =	ssub.s32 s0, s1  }
0x12d: {  	s0 =	smax.u32 s0, $0x1  }
0x12e: {  	p0 =	sne.s32 s0, $0x1  }
.Ltmp0:
0x12f: {  	_ = 	snop;
	(pc) =	sbr.rel @!p0 .LBB2_2-.Ltmp0, $4  }
0x130: {  	_ = 	snop  }
0x131: {  	s1 =	rddreg [dreg:$0x1c]  }
0x132: {  	[hbm:s1], [sflag:s4] =	dma.local [spmem:s6], $0x2710  }
0x133: {  	s1 =	sadd.s32 $0xFFFFFFFF, s0;
	_ =	swait.ge [sflag:s5], $0x2710  }
.LBB2_1:
0x134: {  	[sflag:s5] =	ssyncset.done $0x0  }
0x135: {  	s0 =	rddreg [dreg:$0x4];
	[sflag:s5] =	ssyncadd.s32 $0xFFFFD8F0  }
0x136: {  	[spmem:s6], [sflag:s4] =	dma.local [hbm:s0], $0x2710  }
0x137: {  	_ =	swait.ge [sflag:s5], $0x2710  }
0x138: {  	[sflag:s5] =	ssyncset.done $0x0  }
0x139: {  	[sflag:s5] =	ssyncadd.s32 $0xFFFFD8F0  }
0x13a: {  	[bflag:$0x0] =	sbarrier.arrive $0xFFFF  }
0x13b: {  	s0 =	rddreg [dreg:$0x5]  }
0x13c: {  	[tilespmem:s3], [sflag:$0x1] =	stream.linear.gather [hbm4b:s0+s3], $0x500, $0x38;
	[tilespmem:$0x18100] =	vst v63  }
0x13d: {  	_ =	swait.ge [sflag:s5], $0x500  }
0x13e: {  	[sflag:s5] =	ssyncset.done $0x0  }
0x13f: {  	s0 =	rddreg [dreg:$0x6];
	[sflag:s5] =	ssyncadd.s32 $0xFFFFFB00  }
0x140: {  	[tilespmem:s7], [sflag:$0x1] =	stream.linear.gather [hbm4b:s0+s3], $0x500, $0x38;
	[tilespmem:$0x18100] =	vst v63  }
0x141: {  	_ =	swait.ge [sflag:s5], $0x500  }
0x142: {  	[sflag:s5] =	ssyncset.done $0x0  }
0x143: {  	s0 =	rddreg [dreg:$0xb];
	[sflag:s5] =	ssyncadd.s32 $0xFFFFFB00  }
0x144: {  	[tilespmem:s8], [sflag:$0x1] =	stream.linear.gather [hbm4b:s0+s3], $0x3E80, $0x38;
	[tilespmem:$0x18100] =	vst v63  }
0x145: {  	_ =	swait.ge [sflag:s5], $0x3E80  }
0x146: {  	[sflag:s5] =	ssyncset.done $0x0  }
0x147: {  	[sflag:s5] =	ssyncadd.s32 $0xFFFFC180  }
0x148: {  	[spmem:s2] =	stream.indirect.scatter.add.f32 [tilespmem:s8], [sflag:$0x1], $0x80, s3, s9, $0xb8;
	[tilespmem:$0x18100] =	vst v63  }
0x149: {  	_ =	swait.ge [sflag:s5], $0x3E80  }
0x14a: {  	[sflag:s5] =	ssyncset.done $0x0  }
0x14b: {  	[sflag:s5] =	ssyncadd.s32 $0xFFFFC180  }
0x14c: {  	[spmem:s2] =	stream.indirect.scatter.add.f32 [tilespmem:s8], [sflag:$0x1], $0x80, s7, s9, $0xb8;
	[tilespmem:$0x18100] =	vst v63  }
0x14d: {  	_ =	swait.ge [sflag:s5], $0x3E80  }
0x14e: {  	[sflag:s5] =	ssyncset.done $0x0  }
0x14f: {  	s0 =	rddreg [dreg:$0xc];
	[sflag:s5] =	ssyncadd.s32 $0xFFFFC180  }
0x150: {  	[tilespmem:s8], [sflag:$0x1] =	stream.linear.gather [hbm4b:s0+s3], $0x3E80, $0x38;
	[tilespmem:$0x18100] =	vst v63  }
0x151: {  	_ =	swait.ge [sflag:s5], $0x3E80  }
0x152: {  	[sflag:s5] =	ssyncset.done $0x0  }
0x153: {  	[sflag:s5] =	ssyncadd.s32 $0xFFFFC180  }
0x154: {  	[spmem:s2] =	stream.indirect.scatter.add.f32 [tilespmem:s8], [sflag:$0x1], $0x80, s10, s9, $0xb8;
	[tilespmem:$0x18100] =	vst v63  }
0x155: {  	_ =	swait.ge [sflag:s5], $0x3E80  }
0x156: {  	[sflag:s5] =	ssyncset.done $0x0  }
0x157: {  	[sflag:s5] =	ssyncadd.s32 $0xFFFFC180  }
0x158: {  	[spmem:s2] =	stream.indirect.scatter.add.f32 [tilespmem:s8], [sflag:$0x1], $0x80, s11, s9, $0xb8;
	[tilespmem:$0x18100] =	vst v63  }
0x159: {  	_ =	swait.ge [sflag:s5], $0x3E80  }
0x15a: {  	[sflag:s5] =	ssyncset.done $0x0  }
0x15b: {  	s0 =	rddreg [dreg:$0xd];
	[sflag:s5] =	ssyncadd.s32 $0xFFFFC180  }
0x15c: {  	[tilespmem:s8], [sflag:$0x1] =	stream.linear.gather [hbm4b:s0+s3], $0x3E80, $0x38;
	[tilespmem:$0x18100] =	vst v63  }
0x15d: {  	_ =	swait.ge [sflag:s5], $0x3E80  }
0x15e: {  	[sflag:s5] =	ssyncset.done $0x0  }
0x15f: {  	[sflag:s5] =	ssyncadd.s32 $0xFFFFC180  }
0x160: {  	[spmem:s2] =	stream.indirect.scatter.add.f32 [tilespmem:s8], [sflag:$0x1], $0x80, s12, s9, $0xb8;
	[tilespmem:$0x18100] =	vst v63  }
0x161: {  	_ =	swait.ge [sflag:s5], $0x3E80  }
0x162: {  	[sflag:s5] =	ssyncset.done $0x0  }
0x163: {  	[sflag:s5] =	ssyncadd.s32 $0xFFFFC180  }
0x164: {  	[spmem:s2] =	stream.indirect.scatter.add.f32 [tilespmem:s8], [sflag:$0x1], $0x80, s13, s9, $0xb8;
	[tilespmem:$0x18100] =	vst v63  }
0x165: {  	_ =	swait.ge [sflag:s5], $0x3E80  }
0x166: {  	[sflag:s5] =	ssyncset.done $0x0  }
0x167: {  	s0 =	rddreg [dreg:$0xe];
	[sflag:s5] =	ssyncadd.s32 $0xFFFFC180  }
0x168: {  	[tilespmem:s8], [sflag:$0x1] =	stream.linear.gather [hbm4b:s0+s3], $0x3E80, $0x38;
	[tilespmem:$0x18100] =	vst v63  }
0x169: {  	_ =	swait.ge [sflag:s5], $0x3E80  }
0x16a: {  	[sflag:s5] =	ssyncset.done $0x0  }
0x16b: {  	[sflag:s5] =	ssyncadd.s32 $0xFFFFC180  }
0x16c: {  	[spmem:s2] =	stream.indirect.scatter.add.f32 [tilespmem:s8], [sflag:$0x1], $0x80, s14, s9, $0xb8;
	[tilespmem:$0x18100] =	vst v63  }
0x16d: {  	_ =	swait.ge [sflag:s5], $0x3E80  }
0x16e: {  	[sflag:s5] =	ssyncset.done $0x0  }
0x16f: {  	[sflag:s5] =	ssyncadd.s32 $0xFFFFC180  }
0x170: {  	[spmem:s2] =	stream.indirect.scatter.add.f32 [tilespmem:s8], [sflag:$0x1], $0x80, s15, s9, $0xb8;
	[tilespmem:$0x18100] =	vst v63  }
0x171: {  	_ =	swait.ge [sflag:s5], $0x3E80  }
0x172: {  	[sflag:s5] =	ssyncset.done $0x0  }
0x173: {  	s0 =	rddreg [dreg:$0xf];
	[sflag:s5] =	ssyncadd.s32 $0xFFFFC180  }
0x174: {  	[tilespmem:s8], [sflag:$0x1] =	stream.linear.gather [hbm4b:s0+s3], $0x3E80, $0x38;
	[tilespmem:$0x18100] =	vst v63  }
0x175: {  	_ =	swait.ge [sflag:s5], $0x3E80  }
0x176: {  	[sflag:s5] =	ssyncset.done $0x0  }
0x177: {  	[sflag:s5] =	ssyncadd.s32 $0xFFFFC180  }
0x178: {  	[spmem:s2] =	stream.indirect.scatter.add.f32 [tilespmem:s8], [sflag:$0x1], $0x80, s16, s9, $0xb8;
	[tilespmem:$0x18100] =	vst v63  }
0x179: {  	_ =	swait.ge [sflag:s5], $0x3E80  }
0x17a: {  	[sflag:s5] =	ssyncset.done $0x0  }
0x17b: {  	[sflag:s5] =	ssyncadd.s32 $0xFFFFC180  }
0x17c: {  	[spmem:s2] =	stream.indirect.scatter.add.f32 [tilespmem:s8], [sflag:$0x1], $0x80, s17, s9, $0xb8;
	[tilespmem:$0x18100] =	vst v63  }
0x17d: {  	_ =	swait.ge [sflag:s5], $0x3E80  }
0x17e: {  	[sflag:s5] =	ssyncset.done $0x0  }
0x17f: {  	s0 =	rddreg [dreg:$0x10];
	[sflag:s5] =	ssyncadd.s32 $0xFFFFC180  }
0x180: {  	[tilespmem:s8], [sflag:$0x1] =	stream.linear.gather [hbm4b:s0+s3], $0x3E80, $0x38;
	[tilespmem:$0x18100] =	vst v63  }
0x181: {  	_ =	swait.ge [sflag:s5], $0x3E80  }
0x182: {  	[sflag:s5] =	ssyncset.done $0x0  }
0x183: {  	[sflag:s5] =	ssyncadd.s32 $0xFFFFC180  }
0x184: {  	[spmem:s2] =	stream.indirect.scatter.add.f32 [tilespmem:s8], [sflag:$0x1], $0x80, s18, s9, $0xb8;
	[tilespmem:$0x18100] =	vst v63  }
0x185: {  	_ =	swait.ge [sflag:s5], $0x3E80  }
0x186: {  	[sflag:s5] =	ssyncset.done $0x0  }
0x187: {  	[sflag:s5] =	ssyncadd.s32 $0xFFFFC180  }
0x188: {  	[spmem:s2] =	stream.indirect.scatter.add.f32 [tilespmem:s8], [sflag:$0x1], $0x80, s19, s9, $0xb8;
	[tilespmem:$0x18100] =	vst v63  }
0x189: {  	_ =	swait.ge [sflag:s5], $0x3E80  }
0x18a: {  	[sflag:s5] =	ssyncset.done $0x0  }
0x18b: {  	s0 =	rddreg [dreg:$0x11];
	[sflag:s5] =	ssyncadd.s32 $0xFFFFC180  }
0x18c: {  	[tilespmem:s8], [sflag:$0x1] =	stream.linear.gather [hbm4b:s0+s3], $0x3E80, $0x38;
	[tilespmem:$0x18100] =	vst v63  }
0x18d: {  	_ =	swait.ge [sflag:s5], $0x3E80  }
0x18e: {  	[sflag:s5] =	ssyncset.done $0x0  }
0x18f: {  	[sflag:s5] =	ssyncadd.s32 $0xFFFFC180  }
0x190: {  	[spmem:s2] =	stream.indirect.scatter.add.f32 [tilespmem:s8], [sflag:$0x1], $0x80, s20, s9, $0xb8;
	[tilespmem:$0x18100] =	vst v63  }
0x191: {  	_ =	swait.ge [sflag:s5], $0x3E80  }
0x192: {  	[sflag:s5] =	ssyncset.done $0x0  }
0x193: {  	[sflag:s5] =	ssyncadd.s32 $0xFFFFC180  }
0x194: {  	[spmem:s2] =	stream.indirect.scatter.add.f32 [tilespmem:s8], [sflag:$0x1], $0x80, s21, s9, $0xb8;
	[tilespmem:$0x18100] =	vst v63  }
0x195: {  	_ =	swait.ge [sflag:s5], $0x3E80  }
0x196: {  	[sflag:s5] =	ssyncset.done $0x0  }
0x197: {  	s0 =	rddreg [dreg:$0x12];
	[sflag:s5] =	ssyncadd.s32 $0xFFFFC180  }
0x198: {  	[tilespmem:s8], [sflag:$0x1] =	stream.linear.gather [hbm4b:s0+s3], $0x3E80, $0x38;
	[tilespmem:$0x18100] =	vst v63  }
0x199: {  	_ =	swait.ge [sflag:s5], $0x3E80  }
0x19a: {  	[sflag:s5] =	ssyncset.done $0x0  }
0x19b: {  	[sflag:s5] =	ssyncadd.s32 $0xFFFFC180  }
0x19c: {  	[spmem:s2] =	stream.indirect.scatter.add.f32 [tilespmem:s8], [sflag:$0x1], $0x80, s22, s9, $0xb8;
	[tilespmem:$0x18100] =	vst v63  }
0x19d: {  	_ =	swait.ge [sflag:s5], $0x3E80  }
0x19e: {  	[sflag:s5] =	ssyncset.done $0x0  }
0x19f: {  	[sflag:s5] =	ssyncadd.s32 $0xFFFFC180  }
0x1a0: {  	[spmem:s2] =	stream.indirect.scatter.add.f32 [tilespmem:s8], [sflag:$0x1], $0x80, s23, s9, $0xb8;
	[tilespmem:$0x18100] =	vst v63  }
0x1a1: {  	_ =	swait.ge [sflag:s5], $0x3E80  }
0x1a2: {  	[sflag:s5] =	ssyncset.done $0x0  }
0x1a3: {  	s0 =	rddreg [dreg:$0x13];
	[sflag:s5] =	ssyncadd.s32 $0xFFFFC180  }
0x1a4: {  	[tilespmem:s8], [sflag:$0x1] =	stream.linear.gather [hbm4b:s0+s3], $0x3E80, $0x38;
	[tilespmem:$0x18100] =	vst v63  }
0x1a5: {  	_ =	swait.ge [sflag:s5], $0x3E80  }
0x1a6: {  	[sflag:s5] =	ssyncset.done $0x0  }
0x1a7: {  	[sflag:s5] =	ssyncadd.s32 $0xFFFFC180  }
0x1a8: {  	[spmem:s2] =	stream.indirect.scatter.add.f32 [tilespmem:s8], [sflag:$0x1], $0x80, s24, s9, $0xb8;
	[tilespmem:$0x18100] =	vst v63  }
0x1a9: {  	_ =	swait.ge [sflag:s5], $0x3E80  }
0x1aa: {  	[sflag:s5] =	ssyncset.done $0x0  }
0x1ab: {  	[sflag:s5] =	ssyncadd.s32 $0xFFFFC180  }
0x1ac: {  	[spmem:s2] =	stream.indirect.scatter.add.f32 [tilespmem:s8], [sflag:$0x1], $0x80, s25, s9, $0xb8;
	[tilespmem:$0x18100] =	vst v63  }
0x1ad: {  	_ =	swait.ge [sflag:s5], $0x3E80  }
0x1ae: {  	[sflag:s5] =	ssyncset.done $0x0  }
0x1af: {  	s0 =	rddreg [dreg:$0x14];
	[sflag:s5] =	ssyncadd.s32 $0xFFFFC180  }
0x1b0: {  	[tilespmem:s8], [sflag:$0x1] =	stream.linear.gather [hbm4b:s0+s3], $0x3E80, $0x38;
	[tilespmem:$0x18100] =	vst v63  }
0x1b1: {  	_ =	swait.ge [sflag:s5], $0x3E80  }
0x1b2: {  	[sflag:s5] =	ssyncset.done $0x0  }
0x1b3: {  	[sflag:s5] =	ssyncadd.s32 $0xFFFFC180  }
0x1b4: {  	[spmem:s2] =	stream.indirect.scatter.add.f32 [tilespmem:s8], [sflag:$0x1], $0x80, s26, s9, $0xb8;
	[tilespmem:$0x18100] =	vst v63  }
0x1b5: {  	_ =	swait.ge [sflag:s5], $0x3E80  }
0x1b6: {  	[sflag:s5] =	ssyncset.done $0x0  }
0x1b7: {  	[sflag:s5] =	ssyncadd.s32 $0xFFFFC180  }
0x1b8: {  	[spmem:s2] =	stream.indirect.scatter.add.f32 [tilespmem:s8], [sflag:$0x1], $0x80, s28, s9, $0xb8;
	[tilespmem:$0x18100] =	vst v63  }
0x1b9: {  	_ =	swait.ge [sflag:s5], $0x3E80  }
0x1ba: {  	[sflag:s5] =	ssyncset.done $0x0  }
0x1bb: {  	s0 =	rddreg [dreg:$0x7];
	[sflag:s5] =	ssyncadd.s32 $0xFFFFC180  }
0x1bc: {  	[tilespmem:s3], [sflag:$0x1] =	stream.linear.gather [hbm4b:s0+s3], $0x500, $0x38;
	[tilespmem:$0x18100] =	vst v63  }
0x1bd: {  	_ =	swait.ge [sflag:s5], $0x500  }
0x1be: {  	[sflag:s5] =	ssyncset.done $0x0  }
0x1bf: {  	s0 =	rddreg [dreg:$0x8];
	[sflag:s5] =	ssyncadd.s32 $0xFFFFFB00  }
0x1c0: {  	[tilespmem:s7], [sflag:$0x1] =	stream.linear.gather [hbm4b:s0+s3], $0x500, $0x38;
	[tilespmem:$0x18100] =	vst v63  }
0x1c1: {  	_ =	swait.ge [sflag:s5], $0x500  }
0x1c2: {  	[sflag:s5] =	ssyncset.done $0x0  }
0x1c3: {  	s0 =	rddreg [dreg:$0xa];
	[sflag:s5] =	ssyncadd.s32 $0xFFFFFB00  }
0x1c4: {  	[tilespmem:s8], [sflag:$0x1] =	stream.linear.gather [hbm4b:s0+s3], $0x3E80, $0x38;
	[tilespmem:$0x18100] =	vst v63  }
0x1c5: {  	_ =	swait.ge [sflag:s5], $0x3E80  }
0x1c6: {  	[sflag:s5] =	ssyncset.done $0x0  }
0x1c7: {  	[sflag:s5] =	ssyncadd.s32 $0xFFFFC180  }
0x1c8: {  	[spmem:s2] =	stream.indirect.scatter.add.f32 [tilespmem:s8], [sflag:$0x1], $0x80, s3, s9, $0xb8;
	[tilespmem:$0x18100] =	vst v63  }
0x1c9: {  	_ =	swait.ge [sflag:s5], $0x3E80  }
0x1ca: {  	[sflag:s5] =	ssyncset.done $0x0  }
0x1cb: {  	[sflag:s5] =	ssyncadd.s32 $0xFFFFC180  }
0x1cc: {  	[spmem:s2] =	stream.indirect.scatter.add.f32 [tilespmem:s8], [sflag:$0x1], $0x80, s7, s9, $0xb8;
	[tilespmem:$0x18100] =	vst v63  }
0x1cd: {  	_ =	swait.ge [sflag:s5], $0x3E80  }
0x1ce: {  	[sflag:s5] =	ssyncset.done $0x0  }
0x1cf: {  	s0 =	rddreg [dreg:$0x15];
	[sflag:s5] =	ssyncadd.s32 $0xFFFFC180  }
0x1d0: {  	[tilespmem:s8], [sflag:$0x1] =	stream.linear.gather [hbm4b:s0+s3], $0x3E80, $0x38;
	[tilespmem:$0x18100] =	vst v63  }
0x1d1: {  	_ =	swait.ge [sflag:s5], $0x3E80  }
0x1d2: {  	[sflag:s5] =	ssyncset.done $0x0  }
0x1d3: {  	[sflag:s5] =	ssyncadd.s32 $0xFFFFC180  }
0x1d4: {  	[spmem:s2] =	stream.indirect.scatter.add.f32 [tilespmem:s8], [sflag:$0x1], $0x80, s10, s9, $0xb8;
	[tilespmem:$0x18100] =	vst v63  }
0x1d5: {  	_ =	swait.ge [sflag:s5], $0x3E80  }
0x1d6: {  	[sflag:s5] =	ssyncset.done $0x0  }
0x1d7: {  	[sflag:s5] =	ssyncadd.s32 $0xFFFFC180  }
0x1d8: {  	[spmem:s2] =	stream.indirect.scatter.add.f32 [tilespmem:s8], [sflag:$0x1], $0x80, s11, s9, $0xb8;
	[tilespmem:$0x18100] =	vst v63  }
0x1d9: {  	_ =	swait.ge [sflag:s5], $0x3E80  }
0x1da: {  	[sflag:s5] =	ssyncset.done $0x0  }
0x1db: {  	s0 =	rddreg [dreg:$0x16];
	[sflag:s5] =	ssyncadd.s32 $0xFFFFC180  }
0x1dc: {  	[tilespmem:s8], [sflag:$0x1] =	stream.linear.gather [hbm4b:s0+s3], $0x3E80, $0x38;
	[tilespmem:$0x18100] =	vst v63  }
0x1dd: {  	_ =	swait.ge [sflag:s5], $0x3E80  }
0x1de: {  	[sflag:s5] =	ssyncset.done $0x0  }
0x1df: {  	[sflag:s5] =	ssyncadd.s32 $0xFFFFC180  }
0x1e0: {  	[spmem:s2] =	stream.indirect.scatter.add.f32 [tilespmem:s8], [sflag:$0x1], $0x80, s12, s9, $0xb8;
	[tilespmem:$0x18100] =	vst v63  }
0x1e1: {  	_ =	swait.ge [sflag:s5], $0x3E80  }
0x1e2: {  	[sflag:s5] =	ssyncset.done $0x0  }
0x1e3: {  	[sflag:s5] =	ssyncadd.s32 $0xFFFFC180  }
0x1e4: {  	[spmem:s2] =	stream.indirect.scatter.add.f32 [tilespmem:s8], [sflag:$0x1], $0x80, s13, s9, $0xb8;
	[tilespmem:$0x18100] =	vst v63  }
0x1e5: {  	_ =	swait.ge [sflag:s5], $0x3E80  }
0x1e6: {  	[sflag:s5] =	ssyncset.done $0x0  }
0x1e7: {  	s0 =	rddreg [dreg:$0x17];
	[sflag:s5] =	ssyncadd.s32 $0xFFFFC180  }
0x1e8: {  	[tilespmem:s8], [sflag:$0x1] =	stream.linear.gather [hbm4b:s0+s3], $0x3E80, $0x38;
	[tilespmem:$0x18100] =	vst v63  }
0x1e9: {  	_ =	swait.ge [sflag:s5], $0x3E80  }
0x1ea: {  	[sflag:s5] =	ssyncset.done $0x0  }
0x1eb: {  	[sflag:s5] =	ssyncadd.s32 $0xFFFFC180  }
0x1ec: {  	[spmem:s2] =	stream.indirect.scatter.add.f32 [tilespmem:s8], [sflag:$0x1], $0x80, s14, s9, $0xb8;
	[tilespmem:$0x18100] =	vst v63  }
0x1ed: {  	_ =	swait.ge [sflag:s5], $0x3E80  }
0x1ee: {  	[sflag:s5] =	ssyncset.done $0x0  }
0x1ef: {  	[sflag:s5] =	ssyncadd.s32 $0xFFFFC180  }
0x1f0: {  	[spmem:s2] =	stream.indirect.scatter.add.f32 [tilespmem:s8], [sflag:$0x1], $0x80, s15, s9, $0xb8;
	[tilespmem:$0x18100] =	vst v63  }
0x1f1: {  	_ =	swait.ge [sflag:s5], $0x3E80  }
0x1f2: {  	[sflag:s5] =	ssyncset.done $0x0  }
0x1f3: {  	s0 =	rddreg [dreg:$0x18];
	[sflag:s5] =	ssyncadd.s32 $0xFFFFC180  }
0x1f4: {  	[tilespmem:s8], [sflag:$0x1] =	stream.linear.gather [hbm4b:s0+s3], $0x3E80, $0x38;
	[tilespmem:$0x18100] =	vst v63  }
0x1f5: {  	_ =	swait.ge [sflag:s5], $0x3E80  }
0x1f6: {  	[sflag:s5] =	ssyncset.done $0x0  }
0x1f7: {  	[sflag:s5] =	ssyncadd.s32 $0xFFFFC180  }
0x1f8: {  	[spmem:s2] =	stream.indirect.scatter.add.f32 [tilespmem:s8], [sflag:$0x1], $0x80, s16, s9, $0xb8;
	[tilespmem:$0x18100] =	vst v63  }
0x1f9: {  	_ =	swait.ge [sflag:s5], $0x3E80  }
0x1fa: {  	[sflag:s5] =	ssyncset.done $0x0  }
0x1fb: {  	[sflag:s5] =	ssyncadd.s32 $0xFFFFC180  }
0x1fc: {  	[spmem:s2] =	stream.indirect.scatter.add.f32 [tilespmem:s8], [sflag:$0x1], $0x80, s17, s9, $0xb8;
	[tilespmem:$0x18100] =	vst v63  }
0x1fd: {  	_ =	swait.ge [sflag:s5], $0x3E80  }
0x1fe: {  	[sflag:s5] =	ssyncset.done $0x0  }
0x1ff: {  	s0 =	rddreg [dreg:$0x19];
	[sflag:s5] =	ssyncadd.s32 $0xFFFFC180  }
0x200: {  	[tilespmem:s8], [sflag:$0x1] =	stream.linear.gather [hbm4b:s0+s3], $0x3E80, $0x38;
	[tilespmem:$0x18100] =	vst v63  }
0x201: {  	_ =	swait.ge [sflag:s5], $0x3E80  }
0x202: {  	[sflag:s5] =	ssyncset.done $0x0  }
0x203: {  	[sflag:s5] =	ssyncadd.s32 $0xFFFFC180  }
0x204: {  	[spmem:s2] =	stream.indirect.scatter.add.f32 [tilespmem:s8], [sflag:$0x1], $0x80, s18, s9, $0xb8;
	[tilespmem:$0x18100] =	vst v63  }
0x205: {  	_ =	swait.ge [sflag:s5], $0x3E80  }
0x206: {  	[sflag:s5] =	ssyncset.done $0x0  }
0x207: {  	[sflag:s5] =	ssyncadd.s32 $0xFFFFC180  }
0x208: {  	[spmem:s2] =	stream.indirect.scatter.add.f32 [tilespmem:s8], [sflag:$0x1], $0x80, s19, s9, $0xb8;
	[tilespmem:$0x18100] =	vst v63  }
0x209: {  	_ =	swait.ge [sflag:s5], $0x3E80  }
0x20a: {  	[sflag:s5] =	ssyncset.done $0x0  }
0x20b: {  	s0 =	rddreg [dreg:$0x1a];
	[sflag:s5] =	ssyncadd.s32 $0xFFFFC180  }
0x20c: {  	[tilespmem:s8], [sflag:$0x1] =	stream.linear.gather [hbm4b:s0+s3], $0x3E80, $0x38;
	[tilespmem:$0x18100] =	vst v63  }
0x20d: {  	_ =	swait.ge [sflag:s5], $0x3E80  }
0x20e: {  	[sflag:s5] =	ssyncset.done $0x0  }
0x20f: {  	[sflag:s5] =	ssyncadd.s32 $0xFFFFC180  }
0x210: {  	[spmem:s2] =	stream.indirect.scatter.add.f32 [tilespmem:s8], [sflag:$0x1], $0x80, s20, s9, $0xb8;
	[tilespmem:$0x18100] =	vst v63  }
0x211: {  	_ =	swait.ge [sflag:s5], $0x3E80  }
0x212: {  	[sflag:s5] =	ssyncset.done $0x0  }
0x213: {  	[sflag:s5] =	ssyncadd.s32 $0xFFFFC180  }
0x214: {  	[spmem:s2] =	stream.indirect.scatter.add.f32 [tilespmem:s8], [sflag:$0x1], $0x80, s21, s9, $0xb8;
	[tilespmem:$0x18100] =	vst v63  }
0x215: {  	_ =	swait.ge [sflag:s5], $0x3E80  }
0x216: {  	[sflag:s5] =	ssyncset.done $0x0  }
0x217: {  	[sflag:s5] =	ssyncadd.s32 $0xFFFFC180  }
0x218: {  	[tilespmem:s8], [sflag:$0x1] =	stream.linear.gather [hbm4b:s29+s3], $0x3E80, $0x38;
	[tilespmem:$0x18100] =	vst v63  }
0x219: {  	_ =	swait.ge [sflag:s5], $0x3E80  }
0x21a: {  	[sflag:s5] =	ssyncset.done $0x0  }
0x21b: {  	[sflag:s5] =	ssyncadd.s32 $0xFFFFC180  }
0x21c: {  	[spmem:s2] =	stream.indirect.scatter.add.f32 [tilespmem:s8], [sflag:$0x1], $0x80, s22, s9, $0xb8;
	[tilespmem:$0x18100] =	vst v63  }
0x21d: {  	_ =	swait.ge [sflag:s5], $0x3E80  }
0x21e: {  	[sflag:s5] =	ssyncset.done $0x0  }
0x21f: {  	[sflag:s5] =	ssyncadd.s32 $0xFFFFC180  }
0x220: {  	[spmem:s2] =	stream.indirect.scatter.add.f32 [tilespmem:s8], [sflag:$0x1], $0x80, s23, s9, $0xb8;
	[tilespmem:$0x18100] =	vst v63  }
0x221: {  	_ =	swait.ge [sflag:s5], $0x3E80  }
0x222: {  	[sflag:s5] =	ssyncset.done $0x0  }
0x223: {  	[sflag:s5] =	ssyncadd.s32 $0xFFFFC180  }
0x224: {  	[tilespmem:s8], [sflag:$0x1] =	stream.linear.gather [hbm4b:s30+s3], $0x3E80, $0x38;
	[tilespmem:$0x18100] =	vst v63  }
0x225: {  	_ =	swait.ge [sflag:s5], $0x3E80  }
0x226: {  	[sflag:s5] =	ssyncset.done $0x0  }
0x227: {  	[sflag:s5] =	ssyncadd.s32 $0xFFFFC180  }
0x228: {  	[spmem:s2] =	stream.indirect.scatter.add.f32 [tilespmem:s8], [sflag:$0x1], $0x80, s24, s9, $0xb8;
	[tilespmem:$0x18100] =	vst v63  }
0x229: {  	_ =	swait.ge [sflag:s5], $0x3E80  }
0x22a: {  	[sflag:s5] =	ssyncset.done $0x0  }
0x22b: {  	[sflag:s5] =	ssyncadd.s32 $0xFFFFC180  }
0x22c: {  	[spmem:s2] =	stream.indirect.scatter.add.f32 [tilespmem:s8], [sflag:$0x1], $0x80, s25, s9, $0xb8;
	[tilespmem:$0x18100] =	vst v63  }
0x22d: {  	_ =	swait.ge [sflag:s5], $0x3E80  }
0x22e: {  	[sflag:s5] =	ssyncset.done $0x0  }
0x22f: {  	[sflag:s5] =	ssyncadd.s32 $0xFFFFC180  }
0x230: {  	[tilespmem:s8], [sflag:$0x1] =	stream.linear.gather [hbm4b:s31+s3], $0x3E80, $0x38;
	[tilespmem:$0x18100] =	vst v63  }
0x231: {  	_ =	swait.ge [sflag:s5], $0x3E80  }
0x232: {  	[sflag:s5] =	ssyncset.done $0x0  }
0x233: {  	[sflag:s5] =	ssyncadd.s32 $0xFFFFC180  }
0x234: {  	[spmem:s2] =	stream.indirect.scatter.add.f32 [tilespmem:s8], [sflag:$0x1], $0x80, s26, s9, $0xb8;
	[tilespmem:$0x18100] =	vst v63  }
0x235: {  	_ =	swait.ge [sflag:s5], $0x3E80  }
0x236: {  	[sflag:s5] =	ssyncset.done $0x0  }
0x237: {  	[sflag:s5] =	ssyncadd.s32 $0xFFFFC180  }
0x238: {  	[spmem:s2] =	stream.indirect.scatter.add.f32 [tilespmem:s8], [sflag:$0x1], $0x80, s28, s9, $0xb8;
	[tilespmem:$0x18100] =	vst v63  }
0x239: {  	_ =	swait.ge [sflag:s5], $0x3E80  }
0x23a: {  	p0 =	sne.s32 s1, $0x1;
	[sflag:s5] =	ssyncset.done $0x0  }
.Ltmp1:
0x23b: {  	[sflag:s5] =	ssyncadd.s32 $0xFFFFC180;
	(pc) =	sbr.rel @p0 .LBB2_1-.Ltmp1, $4  }
0x23c: {  	[bflag:$0x0] =	sbarrier.arrive $0xFFFF  }
0x23d: {  	s0 =	rddreg [dreg:$0x9]  }
0x23e: {  	[hbm:s0], [sflag:s4] =	dma.local [spmem:s6], $0x2710  }
0x23f: {  	s1 =	sadd.s32 $0xFFFFFFFF, s1;
	_ =	swait.ge [sflag:s5], $0x2710  }
.LBB2_2:
0x240: {  	[sflag:s5] =	ssyncset.done $0x0  }
0x241: {  	[sflag:s5] =	ssyncadd.s32 $0xFFFFD8F0  }
0x242: {  	_ =	sfence.sel $0x180000  }
0x243: {  	[bflag:$0x0] =	sbarrier.arrive $0xFFFF  }
0x244: {  	_ =	strace $0x90000053  }
0x245: {  	s0 =	stileid.u32;
	[bflag:$0x2] =	sbarrier.arrive $0xFFFF  }
0x246: {  	p0 =	sne.s32 s0, $0x0;
	s0 =	rddreg [dreg:$0x3]  }
0x247: {  	s0 =	sadd.s32 @!p0 $0x100000, s0  }
0x248: {  	[sflag:s0] =	ssyncadd.tile.s32 @!p0 $0x1;
	_ =	shalt  }
.Lfunc_end2:
_tile_overlayer_lowered:
.L_overlay_start_2:
0x249: {  	(tag) =	ssettag $0x2  }
0x24a: {  	s0 =	rddreg [dreg:$0x0];
	s2 =	stileid.u32  }
0x24b: {  	s1 =	rddreg [dreg:$0x1];
	p0 =	sne.s32 s2, $0x0  }
0x24c: {  	s3 =	rddreg [dreg:$0x2];
	[bflag:$0x3] =	sbarrier.arrive $0xFFFF;
	s2 =	simm.s32 @!p0 $0x1C01  }
0x24d: {  	[timem:s3], [sflag:s2] =	dma.local @!p0 [hbm:s0], s1  }
0x24e: {  	s0 =	simm.s32 @!p0 $0x1  }
0x24f: {  	_ =	swait.ge @!p0 [sflag:s0], s1  }
0x250: {  	s1 =	ssub.s32 @!p0 $0x0, s1;
	[sflag:s0] =	ssyncset.done @!p0 $0x0  }
0x251: {  	[sflag:s0] =	ssyncadd.s32 @!p0 s1  }
0x252: {  	[bflag:$0x3] =	sbarrier.arrive $0xFFFF  }
0x253: {  	_ =	shalt  }

// kernel: kernel.22.cloned.1.call-start
scs
__scs_entry_jumppad:
0x0: {  	(pc) =	sbr.rel $0x88, $3  }
0x1: {  	(tag) =	ssettag $0x0;
	lr =	simm.s32 $0x1  }
0x2: {  	[smem:$0x3F85] =	sst lr;
	_ =	strace $0xD0000000  }
0x3: {  	_ = 	snop  }
0x4: {  	_ = 	snop  }
0x5: {  	_ = 	snop  }
0x6: {  	_ = 	snop  }
0x7: {  	_ = 	snop  }
__scs_overlays_trampoline_lowered:
0x8: {  	[smem:$0x3F94] =	sst s0  }
0x9: {  	[smem:$0x3F95] =	sst s1  }
0xa: {  	[smem:$0x3F96] =	sst s2  }
0xb: {  	[smem:$0x3F97] =	sst s3  }
0xc: {  	[smem:$0x3F98] =	sst s4  }
0xd: {  	[smem:$0x3F99] =	sst s5  }
0xe: {  	[smem:$0x3F9A] =	sst s6  }
0xf: {  	[smem:$0x3F9B] =	sst s7  }
0x10: {  	[smem:$0x3F9C] =	sst s8  }
0x11: {  	[smem:$0x3F9D] =	sst s9;
	s0 =	simm.s32 @!p0 $0x0  }
0x12: {  	s1 =	sld [smem:$0x3F83];
	s0 =	simm.s32 @p0 $0x1  }
0x13: {  	[smem:$0x3F9E] =	sst s0;
	s0 =	simm.s32 @!p1 $0x0  }
0x14: {  	s2 =	sld [smem:$0x3F82];
	s0 =	simm.s32 @p1 $0x1  }
0x15: {  	[smem:$0x3F9F] =	sst s0;
	s0 =	simm.s32 @!p2 $0x0  }
0x16: {  	s3 =	sld [smem:$0x3FDB];
	s0 =	simm.s32 @p2 $0x1  }
0x17: {  	s4 =	simm.s32 $0x1BF5;
	[smem:$0x3FA1] =	sst s0  }
0x18: {  	s0 =	sld [smem:$0x3F84];
	_ =	swait.ge [sflag:s4], $0x0  }
0x19: {  	s7 =	sld [smem:$0x3F85]  }
0x1a: {  	s8 =	sadd.s32 $0xFFFFE003, lr  }
0x1b: {  	s9 =	sadd.s32 $0xFFFFFEF7, lr;
	s5 =	simm.s32 $0xFFFFFFFF;
	p2 =	slt.u32 s8, $0xFFFFF086  }
0x1c: {  	p1 =	slt.u32 s9, $0xF7A;
	s5 =	simm.s32 @!p2 $0x0  }
0x1d: {  	s5 =	simm.s32 @p1 $0x1;
	p0 =	seq.s32 s7, s2  }
0x1e: {  	s7 =	smul.u32 @!p0 $0xF7A, s2;
	p2 =	seq.s32 @!p0 s5, $0x0  }
0x1f: {  	s9 =	smul.u32 $0xF7A, s1;
	s8 =	simm.s32 @!p0 $0x1BF5;
	p2 =	por !p2, p0  }
0x20: {  	[sflag:s8] =	ssyncset.s32 @!p0 $0xFFFFF086;
	s6 =	sadd.s32 @!p0 s3, s7;
	s7 =	simm.s32 @!p0 $0x108  }
0x21: {  	s3 =	sadd.s32 s3, s9;
	s6 =	sadd.s32 @!p0 $0x88, s6;
	s7 =	simm.s32 @p2 $0x1082  }
0x22: {  	[simem:s7], [sflag:s8] =	dma.local @!p0 [hbm:s6], $0xF7A  }
0x23: {  	s9 =	sor.u32 $0xD0000000, s2;
	s6 =	simm.s32 $0x108;
	_ =	swait.ge @!p0 [sflag:s8], $0x0  }
0x24: {  	s3 =	sadd.s32 $0x88, s3;
	s6 =	simm.s32 @!p1 $0x1082;
	[sflag:s4] =	ssyncset.s32 $0xFFFFF086  }
0x25: {  	[simem:s6], [sflag:s4] =	dma.local [hbm:s3], $0xF7A  }
0x26: {  	[smem:$0x3F85] =	sst s1;
	(tag) =	ssettag s2;
	_ =	strace s9  }
0x27: {  	s1 =	sld [smem:$0x3F95]  }
0x28: {  	s2 =	sld [smem:$0x3F96]  }
0x29: {  	s4 =	sld [smem:$0x3F98]  }
0x2a: {  	p0 =	seq.s32 s5, $0x0;
	s5 =	sld [smem:$0x3F99]  }
0x2b: {  	s6 =	sld [smem:$0x3F9A]  }
0x2c: {  	s7 =	sld [smem:$0x3F9B]  }
0x2d: {  	s3 =	simm.s32 $0x108;
	s8 =	sld [smem:$0x3F9C]  }
0x2e: {  	s3 =	simm.s32 @!p0 $0x1082;
	s9 =	sld [smem:$0x3F9D]  }
0x2f: {  	lr =	sadd.s32 s0, s3;
	s0 =	sld [smem:$0x3F94]  }
0x30: {  	s3 =	sld [smem:$0x3F97]  }
0x31: {  	[smem:$0x3FA0] =	sst s10  }
0x32: {  	s10 =	sld [smem:$0x3F9E];
	_ =	sdelay $0x3  }
0x33: {  	p0 =	seq.s32 s10, $0x1;
	s10 =	sld [smem:$0x3FA0];
	_ =	sdelay $0x3  }
0x34: {  	[smem:$0x3FA0] =	sst s10  }
0x35: {  	s10 =	sld [smem:$0x3F9F];
	_ =	sdelay $0x3  }
0x36: {  	p1 =	seq.s32 s10, $0x1;
	s10 =	sld [smem:$0x3FA0];
	_ =	sdelay $0x3  }
0x37: {  	[smem:$0x3FA0] =	sst s10  }
0x38: {  	s10 =	sld [smem:$0x3FA1]  }
0x39: {  	_ = 	snop;
	(pc) =	sbr.ind lr, $3  }
0x3a: {  	_ = 	snop  }
0x3b: {  	_ = 	snop  }
0x3c: {  	p2 =	seq.s32 s10, $0x1;
	s10 =	sld [smem:$0x3FA0]  }
0x3d: {  	_ =	shalt  }
0x3e: {  	_ =	shalt  }
0x3f: {  	_ =	shalt  }
0x40: {  	_ =	shalt  }
0x41: {  	_ =	shalt  }
0x42: {  	_ =	shalt  }
0x43: {  	_ =	shalt  }
0x44: {  	_ =	shalt  }
0x45: {  	_ =	shalt  }
0x46: {  	_ =	shalt  }
0x47: {  	_ =	shalt  }
0x48: {  	_ =	shalt  }
0x49: {  	_ =	shalt  }
0x4a: {  	_ =	shalt  }
0x4b: {  	_ =	shalt  }
0x4c: {  	_ =	shalt  }
0x4d: {  	_ =	shalt  }
0x4e: {  	_ =	shalt  }
0x4f: {  	_ =	shalt  }
0x50: {  	_ =	shalt  }
0x51: {  	_ =	shalt  }
0x52: {  	_ =	shalt  }
0x53: {  	_ =	shalt  }
0x54: {  	_ =	shalt  }
0x55: {  	_ =	shalt  }
0x56: {  	_ =	shalt  }
0x57: {  	_ =	shalt  }
0x58: {  	_ =	shalt  }
0x59: {  	_ =	shalt  }
0x5a: {  	_ =	shalt  }
0x5b: {  	_ =	shalt  }
0x5c: {  	_ =	shalt  }
0x5d: {  	_ =	shalt  }
0x5e: {  	_ =	shalt  }
0x5f: {  	_ =	shalt  }
0x60: {  	_ =	shalt  }
0x61: {  	_ =	shalt  }
0x62: {  	_ =	shalt  }
0x63: {  	_ =	shalt  }
0x64: {  	_ =	shalt  }
0x65: {  	_ =	shalt  }
0x66: {  	_ =	shalt  }
0x67: {  	_ =	shalt  }
0x68: {  	_ =	shalt  }
0x69: {  	_ =	shalt  }
0x6a: {  	_ =	shalt  }
0x6b: {  	_ =	shalt  }
0x6c: {  	_ =	shalt  }
0x6d: {  	_ =	shalt  }
0x6e: {  	_ =	shalt  }
0x6f: {  	_ =	shalt  }
0x70: {  	_ =	shalt  }
0x71: {  	_ =	shalt  }
0x72: {  	_ =	shalt  }
0x73: {  	_ =	shalt  }
0x74: {  	_ =	shalt  }
0x75: {  	_ =	shalt  }
0x76: {  	_ =	shalt  }
0x77: {  	_ =	shalt  }
0x78: {  	_ =	shalt  }
0x79: {  	_ =	shalt  }
0x7a: {  	_ =	shalt  }
0x7b: {  	_ =	shalt  }
0x7c: {  	_ =	shalt  }
0x7d: {  	_ =	shalt  }
0x7e: {  	_ =	shalt  }
0x7f: {  	_ =	shalt  }
0x80: {  	_ =	shalt  }
0x81: {  	_ =	shalt  }
0x82: {  	_ =	shalt  }
0x83: {  	_ =	shalt  }
0x84: {  	_ =	shalt  }
0x85: {  	_ =	shalt  }
0x86: {  	_ =	shalt  }
0x87: {  	_ =	shalt  }
.Lfunc_end0:
.L_simem_size_0:
called_computation.3_lowered:
.L_overlay_start_0:
0x88: {  	s2 =	sld [smem:$0x3FD9]  }
0x89: {  	s3 =	sld [smem:$0x3FFE];
	_ =	sdelay $0x1  }
0x8a: {  	s1 =	srdreg.scid  }
0x8b: {  	s0 =	sand.u32 $0x1, s1  }
0x8c: {  	s17 =	sshll.u32 s0, $0xA;
	s2 =	sadd.s32 s3, s2  }
0x8d: {  	s2 =	sadd.s32 s2, s17  }
0x8e: {  	[smem:$0x3FAC] =	sst s2  }
0x8f: {  	_ = 	snop  }
0x90: {  	s18 =	sld [smem:$0x3FC9];
	(tm) =	ssettm $0x1  }
0x91: {  	s19 =	sld [smem:$0x3FFB];
	_ =	sdelay $0x3  }
0x92: {  	_ =	strace s19  }
0x93: {  	s2 =	sld [smem:$0x3FFC];
	_ =	sdelay $0x3  }
0x94: {  	_ =	strace s2  }
0x95: {  	s2 =	sld [smem:$0x3FFD];
	_ =	sdelay $0x3  }
0x96: {  	_ =	strace s2  }
0x97: {  	_ =	strace $0x8FFFFFFF  }
0x98: {  	s20 =	sld [smem:$0x3FDB];
	_ =	sdelay $0x1  }
0x99: {  	s4 =	simm.s32 $_scs_section_size  }
0x9a: {  	s5 =	simm.s32 $_size__tile_overlayer_lowered;
	s6 =	simm.s32 $_tile_overlayer_lowered  }
0x9b: {  	s7 =	simm.s32 $0x1BFF;
	s21 =	sshll.u32 s6, $0x1;
	s4 =	sadd.s32 s4, s20  }
0x9c: {  	s22 =	simm.s32 $0x0;
	s5 =	sshll.u32 s5, $0x1;
	s6 =	sadd.s32 s21, s4  }
0x9d: {  	[timem:s22], [sflag:s7] =	dma.local [hbm:s6], s5  }
0x9e: {  	_ =	swait.ge [sflag:s7], s5  }
0x9f: {  	s5 =	ssub.s32 $0x0, s5;
	[sflag:s7] =	ssyncset.done $0x0  }
0xa0: {  	[sflag:s7] =	ssyncadd.s32 s5;
	_ =	sdelay $0x1  }
0xa1: {  	s23 =	simm.s32 $0x1B8B  }
0xa2: {  	_ =	swait.ge [sflag:s23], $0x1  }
0xa3: {  	[sflag:s23] =	ssyncset.done $0x0  }
0xa4: {  	[sflag:s23] =	ssyncadd.s32 $0xFFFFFFFF  }
0xa5: {  	s5 =	sld [smem:$0x0]  }
0xa6: {  	s6 =	sand.u32 $0xFFFFFFFE, s1  }
0xa7: {  	p0 =	sne.s32 s1, s6  }
0xa8: {  	s6 =	sshll.u32 @p0 s6, $0xE  }
0xa9: {  	s6 =	sadd.s32 @p0 $0x11B8D, s6;
	s7 =	sshll.u32 @p0 s5, $0x11  }
0xaa: {  	s6 =	sor.u32 @p0 s7, s6  }
0xab: {  	[sflag:s6] =	ssyncadd.remote.s32 @p0 $0x1;
	_ =	sdelay $0x1  }
0xac: {  	s6 =	simm.s32 @p0 $0x1B8D  }
0xad: {  	_ =	swait.eq @p0 [sflag:s6], $0x1  }
0xae: {  	[sflag:s6] =	ssyncadd.s32 @p0 $0xFFFFFFFF  }
0xaf: {  	s7 =	sshll.u32 @!p0 s1, $0xE  }
0xb0: {  	s7 =	sor.u32 @!p0 $0x4000, s7;
	s6 =	simm.s32 @!p0 $0x1B8D  }
0xb1: {  	s5 =	sshll.u32 @!p0 s5, $0x11;
	s7 =	sadd.s32 @!p0 $0x11B8D, s7;
	_ =	swait.eq @!p0 [sflag:s6], $0x1  }
0xb2: {  	s5 =	sor.u32 @!p0 s5, s7;
	[sflag:s6] =	ssyncadd.s32 @!p0 $0xFFFFFFFF  }
0xb3: {  	s25 =	simm.s32 $0x1B8E;
	s24 =	sld [smem:$0x3FFE];
	[sflag:s5] =	ssyncadd.remote.s32 @!p0 $0x1  }
0xb4: {  	s26 =	simm.s32 $execute0_lowered;
	[smem:$0x3FD2] =	sst s25  }
0xb5: {  	s6 =	sshll.u32 s26, $0x1;
	_ =	strace $0x8000004C;
	[dreg:$0x1] =	wrdreg $0xFFFFFFFF  }
0xb6: {  	s28 =	simm.s32 $_size_execute0_lowered;
	s4 =	sadd.s32 s4, s6;
	[dreg:$0x0] =	wrdreg $0x0  }
0xb7: {  	s6 =	sshll.u32 s28, $0x1;
	[dreg:$0x2] =	wrdreg s4  }
0xb8: {  	[dreg:$0x3] =	wrdreg s6  }
0xb9: {  	[dreg:$0x4] =	wrdreg $0xC0  }
0xba: {  	_ =	task [dreg:s22], $0x5FFFF  }
0xbb: {  	[dreg:$0x1] =	wrdreg $0xFFFFFFFF  }
0xbc: {  	[dreg:$0x0] =	wrdreg $0x60  }
0xbd: {  	[dreg:$0x2] =	wrdreg s18  }
0xbe: {  	[dreg:$0x3] =	wrdreg s24  }
0xbf: {  	[dreg:$0x4] =	wrdreg $0x9  }
0xc0: {  	_ =	task.clear_ibuf [dreg:s22], $0x5FFFF;
	_ =	strace $0x9000004C  }
0xc1: {  	s29 =	simm.s32 $0x9;
	_ =	strace $0x8000004E  }
0xc2: {  	_ =	swait.ge [sflag:s29], $0x1  }
0xc3: {  	[sflag:s29] =	ssyncadd.s32 $0xFFFFFFFF  }
0xc4: {  	_ =	strace $0x9000004E  }
0xc5: {  	_ =	sfence  }
0xc6: {  	s30 =	sld [smem:$0x0];
	_ =	sdelay $0x2  }
0xc7: {  	s31 =	sshll.u32 s1, $0xD;
	s1 =	sshrl.u32 s1, $0x2  }
0xc8: {  	s4 =	sand.u32 $0x4000, s31;
	s1 =	sadd.s32 s1, s30  }
0xc9: {  	s0 =	sor.u32 s4, s0;
	s1 =	sshll.u32 s1, $0x11  }
0xca: {  	s0 =	sor.u32 s1, s0  }
0xcb: {  	s0 =	sadd.s32 $0x8F2B, s0  }
0xcc: {  	[sflag:s0] =	ssyncadd.remote.s32 $0x1  }
0xcd: {  	_ =	sfence.sel $0xFFFF  }
0xce: {  	[dreg:$0x0] =	wrdreg $0xFFFFFFFF;
	(pc) =	sbr.abs _section_cstart, $3  }
0xcf: {  	[dreg:$0x1] =	wrdreg $0xFFFFFFFF  }
0xd0: {  	_ =	task.clear_ibuf [dreg:s22], $0x2FFFF;
	_ =	strace $0x9FFFFFFF  }
0xd1: {  	(tm) =	ssettm $0x7FFFFFFF  }
tec
execute0_lowered:
.L_overlay_start_1:
0x0: {  	(tag) =	ssettag $0x1  }
0x1: {  	s1 =	srdreg.scid  }
0x2: {  	s0 =	stileid.u32;
	s2 =	rddreg [dreg:$0x0]  }
0x3: {  	s5 =	rddreg [dreg:$0x1];
	s3 =	simm.s32 $0x0;
	s10 =	simm.s32 $0x500  }
0x4: {  	s11 =	simm.s32 $0x7D;
	s12 =	simm.s32 $0xA00;
	s13 =	simm.s32 $0x4880  }
0x5: {  	s14 =	simm.s32 $0x1;
	s4 =	sand.u32 $0x1, s1;
	s28 =	sshll.u32 s0, $0x1  }
0x6: {  	s15 =	simm.s32 $0x2;
	s1 =	rddreg [dreg:$0x2];
	s6 =	sor.u32 s4, s28  }
0x7: {  	s16 =	simm.s32 $0x0;
	[smem:$0x7FF] =	sst s3;
	s6 =	smul.u32 $0xA0, s6  }
0x8: {  	s7 =	smul.u32 $0x9C40, s0;
	_ =	strace $0x8000004D;
	s8 =	ssub.s32 $0x2, s4  }
0x9: {  	s9 =	smul.u32 $0x4E20, s4;
	s29 =	sshrl.u32 s8, $0x1;
	s6 =	sadd.s32 s6, s5  }
0xa: {  	s30 =	ssub.s32 s8, s29;
	s5 =	sadd.s32 s7, s5;
	s4 =	sadd.s32 $0x27E600, s6  }
0xb: {  	s31 =	sadd.s32 s9, s5;
	s5 =	sadd.s32 $0x27FA00, s6;
	s6 =	smax.u32 s30, $0x1  }
0xc: {  	s9 =	simm.s32 $0x3;
	s7 =	sadd.s32 $0x31D200, s31;
	s8 =	sadd.s32 $0x280E00, s31  }
.LBB2_1:
0xd: {  	[tilespmem:s3], [sflag:$0x3] =	stream.linear.gather [hbm4b:s4+s3], $0x500, $0x38;
	[tilespmem:$0x8700] =	vst v63  }
0xe: {  	_ =	swait.ge [sflag:s9], $0x500  }
0xf: {  	[sflag:s9] =	ssyncset.done $0x0  }
0x10: {  	[sflag:s9] =	ssyncadd.s32 $0xFFFFFB00  }
0x11: {  	[tilespmem:s10], [sflag:$0x3] =	stream.linear.gather [hbm4b:s5+s3], $0x500, $0x38;
	[tilespmem:$0x8700] =	vst v63  }
0x12: {  	_ =	swait.ge [sflag:s9], $0x500  }
0x13: {  	[sflag:s9] =	ssyncset.done $0x0  }
0x14: {  	s17 =	simm.s32 $0x0;
	[sflag:s9] =	ssyncadd.s32 $0xFFFFFB00  }
0x15: {  	[tilespmem:s12], [sflag:$0x1] =	stream.indirect.gather [hbm4b:s2+s11], $0x80, s17, s11, $0xb8;
	[tilespmem:$0x8700] =	vst v63  }
0x16: {  	s31 =	simm.s32 $0x500  }
0x17: {  	[tilespmem:s13], [sflag:$0x2] =	stream.indirect.gather [hbm4b:s2+s11], $0x80, s31, s11, $0xb8;
	[tilespmem:$0x8700] =	vst v63  }
0x18: {  	_ =	swait.ge [sflag:s14], $0x3E80  }
0x19: {  	[sflag:s14] =	ssyncset.done $0x0  }
0x1a: {  	[sflag:s14] =	ssyncadd.s32 $0xFFFFC180  }
0x1b: {  	[hbm4b:s8+s3] =	stream.linear.scatter [tilespmem:s12], [sflag:$0x3], $0x3E80, $0x38;
	[tilespmem:$0x8700] =	vst v63  }
0x1c: {  	_ =	swait.ge [sflag:s9], $0x3E80  }
0x1d: {  	[sflag:s9] =	ssyncset.done $0x0  }
0x1e: {  	[sflag:s9] =	ssyncadd.s32 $0xFFFFC180  }
0x1f: {  	_ =	swait.ge [sflag:s15], $0x3E80  }
0x20: {  	[sflag:s15] =	ssyncset.done $0x0  }
0x21: {  	[sflag:s15] =	ssyncadd.s32 $0xFFFFC180  }
0x22: {  	[hbm4b:s7+s3] =	stream.linear.scatter [tilespmem:s13], [sflag:$0x3], $0x3E80, $0x38;
	[tilespmem:$0x8700] =	vst v63  }
0x23: {  	s19 =	simm.s32 $0x200;
	s20 =	simm.s32 $0x400;
	_ =	swait.ge [sflag:s9], $0x3E80  }
0x24: {  	s18 =	sadd.s32 $0x7D0, s8;
	s17 =	sadd.s32 $0x7D0, s7;
	[sflag:s9] =	ssyncset.done $0x0  }
.LBB2_2:
0x25: {  	s21 =	sshra.s32 s19, $0x2  }
0x26: {  	[sflag:s9] =	ssyncadd.s32 $0xFFFFC180;
	s19 =	smov.u32 s20;
	s22 =	sadd.s32 $0x200, s20  }
0x27: {  	[tilespmem:s12], [sflag:$0x1] =	stream.indirect.gather [hbm4b:s2+s11], $0x80, s21, s11, $0xb8;
	[tilespmem:$0x8700] =	vst v63  }
0x28: {  	p0 =	sne.s32 s20, $0x1200;
	s20 =	sadd.s32 $0x500, s21  }
0x29: {  	[tilespmem:s13], [sflag:$0x2] =	stream.indirect.gather [hbm4b:s2+s11], $0x80, s20, s11, $0xb8;
	[tilespmem:$0x8700] =	vst v63  }
0x2a: {  	_ =	swait.ge [sflag:s14], $0x3E80  }
0x2b: {  	[sflag:s14] =	ssyncset.done $0x0  }
0x2c: {  	[sflag:s14] =	ssyncadd.s32 $0xFFFFC180  }
0x2d: {  	[hbm4b:s18+s3] =	stream.linear.scatter [tilespmem:s12], [sflag:$0x3], $0x3E80, $0x38;
	[tilespmem:$0x8700] =	vst v63  }
0x2e: {  	_ =	swait.ge [sflag:s9], $0x3E80  }
0x2f: {  	[sflag:s9] =	ssyncset.done $0x0  }
0x30: {  	[sflag:s9] =	ssyncadd.s32 $0xFFFFC180  }
0x31: {  	_ =	swait.ge [sflag:s15], $0x3E80  }
.Ltmp0:
0x32: {  	[sflag:s15] =	ssyncset.done $0x0;
	(pc) =	sbr.rel @p0 .LBB2_2-.Ltmp0, $4  }
0x33: {  	[sflag:s15] =	ssyncadd.s32 $0xFFFFC180  }
0x34: {  	[hbm4b:s17+s3] =	stream.linear.scatter [tilespmem:s13], [sflag:$0x3], $0x3E80, $0x38;
	[tilespmem:$0x8700] =	vst v63  }
0x35: {  	s20 =	smov.u32 s22;
	_ =	swait.ge [sflag:s9], $0x3E80  }
0x36: {  	s18 =	sadd.s32 $0x7D0, s18;
	s17 =	sadd.s32 $0x7D0, s17;
	[sflag:s9] =	ssyncset.done $0x0  }
0x37: {  	s19 =	sshra.s32 s19, $0x2;
	[sflag:s9] =	ssyncadd.s32 $0xFFFFC180  }
0x38: {  	[tilespmem:s12], [sflag:$0x1] =	stream.indirect.gather [hbm4b:s2+s11], $0x80, s19, s11, $0xb8;
	[tilespmem:$0x8700] =	vst v63  }
0x39: {  	s19 =	sadd.s32 $0x500, s19  }
0x3a: {  	[tilespmem:s13], [sflag:$0x2] =	stream.indirect.gather [hbm4b:s2+s11], $0x80, s19, s11, $0xb8;
	[tilespmem:$0x8700] =	vst v63  }
0x3b: {  	_ =	swait.ge [sflag:s14], $0x3E80  }
0x3c: {  	[sflag:s14] =	ssyncset.done $0x0  }
0x3d: {  	[sflag:s14] =	ssyncadd.s32 $0xFFFFC180  }
0x3e: {  	[hbm4b:s18+s3] =	stream.linear.scatter [tilespmem:s12], [sflag:$0x3], $0x3E80, $0x38;
	[tilespmem:$0x8700] =	vst v63  }
0x3f: {  	_ =	swait.ge [sflag:s9], $0x3E80  }
0x40: {  	[sflag:s9] =	ssyncset.done $0x0  }
0x41: {  	[sflag:s9] =	ssyncadd.s32 $0xFFFFC180  }
0x42: {  	s16 =	sadd.s32 $0x1, s16;
	_ =	swait.ge [sflag:s15], $0x3E80  }
0x43: {  	p0 =	sne.s32 s16, s6;
	[sflag:s15] =	ssyncset.done $0x0  }
.Ltmp1:
0x44: {  	[sflag:s15] =	ssyncadd.s32 $0xFFFFC180;
	(pc) =	sbr.rel @p0 .LBB2_1-.Ltmp1, $4  }
0x45: {  	[hbm4b:s17+s3] =	stream.linear.scatter [tilespmem:s13], [sflag:$0x3], $0x3E80, $0x38;
	[tilespmem:$0x8700] =	vst v63  }
0x46: {  	_ =	swait.ge [sflag:s9], $0x3E80  }
0x47: {  	[sflag:s9] =	ssyncset.done $0x0  }
0x48: {  	[sflag:s9] =	ssyncadd.s32 $0xFFFFC180  }
0x49: {  	_ =	sfence.sel $0x180000  }
0x4a: {  	[bflag:$0x0] =	sbarrier.arrive $0xFFFF  }
0x4b: {  	p0 =	sne.s32 s0, $0x0;
	_ =	strace $0x9000004D  }
0x4c: {  	s0 =	sadd.s32 @!p0 $0x100000, s1;
	[bflag:$0x2] =	sbarrier.arrive $0xFFFF  }
0x4d: {  	[sflag:s0] =	ssyncadd.tile.s32 @!p0 $0x1;
	_ =	shalt  }
.Lfunc_end2:
_tile_overlayer_lowered:
.L_overlay_start_2:
0x4e: {  	(tag) =	ssettag $0x2  }
0x4f: {  	s0 =	rddreg [dreg:$0x0];
	s2 =	stileid.u32  }
0x50: {  	s1 =	rddreg [dreg:$0x1];
	p0 =	sne.s32 s2, $0x0  }
0x51: {  	s3 =	rddreg [dreg:$0x2];
	[bflag:$0x3] =	sbarrier.arrive $0xFFFF;
	s2 =	simm.s32 @!p0 $0x1C03  }
0x52: {  	[timem:s3], [sflag:s2] =	dma.local @!p0 [hbm:s0], s1  }
0x53: {  	s0 =	simm.s32 @!p0 $0x3  }
0x54: {  	_ =	swait.ge @!p0 [sflag:s0], s1  }
0x55: {  	s1 =	ssub.s32 @!p0 $0x0, s1;
	[sflag:s0] =	ssyncset.done @!p0 $0x0  }
0x56: {  	[sflag:s0] =	ssyncadd.s32 @!p0 s1  }
0x57: {  	[bflag:$0x3] =	sbarrier.arrive $0xFFFF  }
0x58: {  	_ =	shalt  }

// kernel: kernel.25.cloned.1.call-start
scs
__scs_entry_jumppad:
0x0: {  	(pc) =	sbr.rel $0x88, $3  }
0x1: {  	(tag) =	ssettag $0x0;
	lr =	simm.s32 $0x1  }
0x2: {  	[smem:$0x3F85] =	sst lr;
	_ =	strace $0xD0000000  }
0x3: {  	_ = 	snop  }
0x4: {  	_ = 	snop  }
0x5: {  	_ = 	snop  }
0x6: {  	_ = 	snop  }
0x7: {  	_ = 	snop  }
__scs_overlays_trampoline_lowered:
0x8: {  	[smem:$0x3F94] =	sst s0  }
0x9: {  	[smem:$0x3F95] =	sst s1  }
0xa: {  	[smem:$0x3F96] =	sst s2  }
0xb: {  	[smem:$0x3F97] =	sst s3  }
0xc: {  	[smem:$0x3F98] =	sst s4  }
0xd: {  	[smem:$0x3F99] =	sst s5  }
0xe: {  	[smem:$0x3F9A] =	sst s6  }
0xf: {  	[smem:$0x3F9B] =	sst s7  }
0x10: {  	[smem:$0x3F9C] =	sst s8  }
0x11: {  	[smem:$0x3F9D] =	sst s9;
	s0 =	simm.s32 @!p0 $0x0  }
0x12: {  	s1 =	sld [smem:$0x3F83];
	s0 =	simm.s32 @p0 $0x1  }
0x13: {  	[smem:$0x3F9E] =	sst s0;
	s0 =	simm.s32 @!p1 $0x0  }
0x14: {  	s2 =	sld [smem:$0x3F82];
	s0 =	simm.s32 @p1 $0x1  }
0x15: {  	[smem:$0x3F9F] =	sst s0;
	s0 =	simm.s32 @!p2 $0x0  }
0x16: {  	s3 =	sld [smem:$0x3FDB];
	s0 =	simm.s32 @p2 $0x1  }
0x17: {  	s4 =	simm.s32 $0x1BF5;
	[smem:$0x3FA1] =	sst s0  }
0x18: {  	s0 =	sld [smem:$0x3F84];
	_ =	swait.ge [sflag:s4], $0x0  }
0x19: {  	s7 =	sld [smem:$0x3F85]  }
0x1a: {  	s8 =	sadd.s32 $0xFFFFE003, lr  }
0x1b: {  	s9 =	sadd.s32 $0xFFFFFEF7, lr;
	s5 =	simm.s32 $0xFFFFFFFF;
	p2 =	slt.u32 s8, $0xFFFFF086  }
0x1c: {  	p1 =	slt.u32 s9, $0xF7A;
	s5 =	simm.s32 @!p2 $0x0  }
0x1d: {  	s5 =	simm.s32 @p1 $0x1;
	p0 =	seq.s32 s7, s2  }
0x1e: {  	s7 =	smul.u32 @!p0 $0xF7A, s2;
	p2 =	seq.s32 @!p0 s5, $0x0  }
0x1f: {  	s9 =	smul.u32 $0xF7A, s1;
	s8 =	simm.s32 @!p0 $0x1BF5;
	p2 =	por !p2, p0  }
0x20: {  	[sflag:s8] =	ssyncset.s32 @!p0 $0xFFFFF086;
	s6 =	sadd.s32 @!p0 s3, s7;
	s7 =	simm.s32 @!p0 $0x108  }
0x21: {  	s3 =	sadd.s32 s3, s9;
	s6 =	sadd.s32 @!p0 $0x88, s6;
	s7 =	simm.s32 @p2 $0x1082  }
0x22: {  	[simem:s7], [sflag:s8] =	dma.local @!p0 [hbm:s6], $0xF7A  }
0x23: {  	s9 =	sor.u32 $0xD0000000, s2;
	s6 =	simm.s32 $0x108;
	_ =	swait.ge @!p0 [sflag:s8], $0x0  }
0x24: {  	s3 =	sadd.s32 $0x88, s3;
	s6 =	simm.s32 @!p1 $0x1082;
	[sflag:s4] =	ssyncset.s32 $0xFFFFF086  }
0x25: {  	[simem:s6], [sflag:s4] =	dma.local [hbm:s3], $0xF7A  }
0x26: {  	[smem:$0x3F85] =	sst s1;
	(tag) =	ssettag s2;
	_ =	strace s9  }
0x27: {  	s1 =	sld [smem:$0x3F95]  }
0x28: {  	s2 =	sld [smem:$0x3F96]  }
0x29: {  	s4 =	sld [smem:$0x3F98]  }
0x2a: {  	p0 =	seq.s32 s5, $0x0;
	s5 =	sld [smem:$0x3F99]  }
0x2b: {  	s6 =	sld [smem:$0x3F9A]  }
0x2c: {  	s7 =	sld [smem:$0x3F9B]  }
0x2d: {  	s3 =	simm.s32 $0x108;
	s8 =	sld [smem:$0x3F9C]  }
0x2e: {  	s3 =	simm.s32 @!p0 $0x1082;
	s9 =	sld [smem:$0x3F9D]  }
0x2f: {  	lr =	sadd.s32 s0, s3;
	s0 =	sld [smem:$0x3F94]  }
0x30: {  	s3 =	sld [smem:$0x3F97]  }
0x31: {  	[smem:$0x3FA0] =	sst s10  }
0x32: {  	s10 =	sld [smem:$0x3F9E];
	_ =	sdelay $0x3  }
0x33: {  	p0 =	seq.s32 s10, $0x1;
	s10 =	sld [smem:$0x3FA0];
	_ =	sdelay $0x3  }
0x34: {  	[smem:$0x3FA0] =	sst s10  }
0x35: {  	s10 =	sld [smem:$0x3F9F];
	_ =	sdelay $0x3  }
0x36: {  	p1 =	seq.s32 s10, $0x1;
	s10 =	sld [smem:$0x3FA0];
	_ =	sdelay $0x3  }
0x37: {  	[smem:$0x3FA0] =	sst s10  }
0x38: {  	s10 =	sld [smem:$0x3FA1]  }
0x39: {  	_ = 	snop;
	(pc) =	sbr.ind lr, $3  }
0x3a: {  	_ = 	snop  }
0x3b: {  	_ = 	snop  }
0x3c: {  	p2 =	seq.s32 s10, $0x1;
	s10 =	sld [smem:$0x3FA0]  }
0x3d: {  	_ =	shalt  }
0x3e: {  	_ =	shalt  }
0x3f: {  	_ =	shalt  }
0x40: {  	_ =	shalt  }
0x41: {  	_ =	shalt  }
0x42: {  	_ =	shalt  }
0x43: {  	_ =	shalt  }
0x44: {  	_ =	shalt  }
0x45: {  	_ =	shalt  }
0x46: {  	_ =	shalt  }
0x47: {  	_ =	shalt  }
0x48: {  	_ =	shalt  }
0x49: {  	_ =	shalt  }
0x4a: {  	_ =	shalt  }
0x4b: {  	_ =	shalt  }
0x4c: {  	_ =	shalt  }
0x4d: {  	_ =	shalt  }
0x4e: {  	_ =	shalt  }
0x4f: {  	_ =	shalt  }
0x50: {  	_ =	shalt  }
0x51: {  	_ =	shalt  }
0x52: {  	_ =	shalt  }
0x53: {  	_ =	shalt  }
0x54: {  	_ =	shalt  }
0x55: {  	_ =	shalt  }
0x56: {  	_ =	shalt  }
0x57: {  	_ =	shalt  }
0x58: {  	_ =	shalt  }
0x59: {  	_ =	shalt  }
0x5a: {  	_ =	shalt  }
0x5b: {  	_ =	shalt  }
0x5c: {  	_ =	shalt  }
0x5d: {  	_ =	shalt  }
0x5e: {  	_ =	shalt  }
0x5f: {  	_ =	shalt  }
0x60: {  	_ =	shalt  }
0x61: {  	_ =	shalt  }
0x62: {  	_ =	shalt  }
0x63: {  	_ =	shalt  }
0x64: {  	_ =	shalt  }
0x65: {  	_ =	shalt  }
0x66: {  	_ =	shalt  }
0x67: {  	_ =	shalt  }
0x68: {  	_ =	shalt  }
0x69: {  	_ =	shalt  }
0x6a: {  	_ =	shalt  }
0x6b: {  	_ =	shalt  }
0x6c: {  	_ =	shalt  }
0x6d: {  	_ =	shalt  }
0x6e: {  	_ =	shalt  }
0x6f: {  	_ =	shalt  }
0x70: {  	_ =	shalt  }
0x71: {  	_ =	shalt  }
0x72: {  	_ =	shalt  }
0x73: {  	_ =	shalt  }
0x74: {  	_ =	shalt  }
0x75: {  	_ =	shalt  }
0x76: {  	_ =	shalt  }
0x77: {  	_ =	shalt  }
0x78: {  	_ =	shalt  }
0x79: {  	_ =	shalt  }
0x7a: {  	_ =	shalt  }
0x7b: {  	_ =	shalt  }
0x7c: {  	_ =	shalt  }
0x7d: {  	_ =	shalt  }
0x7e: {  	_ =	shalt  }
0x7f: {  	_ =	shalt  }
0x80: {  	_ =	shalt  }
0x81: {  	_ =	shalt  }
0x82: {  	_ =	shalt  }
0x83: {  	_ =	shalt  }
0x84: {  	_ =	shalt  }
0x85: {  	_ =	shalt  }
0x86: {  	_ =	shalt  }
0x87: {  	_ =	shalt  }
.Lfunc_end0:
.L_simem_size_0:
called_computation.4_lowered:
.L_overlay_start_0:
0x88: {  	s2 =	sld [smem:$0x3FD9]  }
0x89: {  	s3 =	sld [smem:$0x3FFE];
	_ =	sdelay $0x1  }
0x8a: {  	s1 =	srdreg.scid  }
0x8b: {  	s0 =	sand.u32 $0x1, s1  }
0x8c: {  	s17 =	sshll.u32 s0, $0xA;
	s2 =	sadd.s32 s3, s2  }
0x8d: {  	s2 =	sadd.s32 s2, s17  }
0x8e: {  	[smem:$0x3FAC] =	sst s2  }
0x8f: {  	_ = 	snop  }
0x90: {  	s18 =	sld [smem:$0x3FC9];
	(tm) =	ssettm $0x1  }
0x91: {  	s19 =	sld [smem:$0x3FFB];
	_ =	sdelay $0x3  }
0x92: {  	_ =	strace s19  }
0x93: {  	s2 =	sld [smem:$0x3FFC];
	_ =	sdelay $0x3  }
0x94: {  	_ =	strace s2  }
0x95: {  	s2 =	sld [smem:$0x3FFD];
	_ =	sdelay $0x3  }
0x96: {  	_ =	strace s2  }
0x97: {  	_ =	strace $0x8FFFFFFF  }
0x98: {  	s20 =	sld [smem:$0x3FDB];
	_ =	sdelay $0x1  }
0x99: {  	s4 =	simm.s32 $_scs_section_size  }
0x9a: {  	s5 =	simm.s32 $_size__tile_overlayer_lowered;
	s6 =	simm.s32 $_tile_overlayer_lowered  }
0x9b: {  	s7 =	simm.s32 $0x1BFF;
	s21 =	sshll.u32 s6, $0x1;
	s4 =	sadd.s32 s4, s20  }
0x9c: {  	s22 =	simm.s32 $0x0;
	s5 =	sshll.u32 s5, $0x1;
	s6 =	sadd.s32 s21, s4  }
0x9d: {  	[timem:s22], [sflag:s7] =	dma.local [hbm:s6], s5  }
0x9e: {  	_ =	swait.ge [sflag:s7], s5  }
0x9f: {  	s5 =	ssub.s32 $0x0, s5;
	[sflag:s7] =	ssyncset.done $0x0  }
0xa0: {  	[sflag:s7] =	ssyncadd.s32 s5;
	_ =	sdelay $0x1  }
0xa1: {  	s23 =	simm.s32 $0x1B8B  }
0xa2: {  	_ =	swait.ge [sflag:s23], $0x1  }
0xa3: {  	[sflag:s23] =	ssyncset.done $0x0  }
0xa4: {  	[sflag:s23] =	ssyncadd.s32 $0xFFFFFFFF  }
0xa5: {  	s5 =	sld [smem:$0x0]  }
0xa6: {  	s6 =	sand.u32 $0xFFFFFFFE, s1  }
0xa7: {  	p0 =	sne.s32 s1, s6  }
0xa8: {  	s6 =	sshll.u32 @p0 s6, $0xE  }
0xa9: {  	s6 =	sadd.s32 @p0 $0x11B8D, s6;
	s7 =	sshll.u32 @p0 s5, $0x11  }
0xaa: {  	s6 =	sor.u32 @p0 s7, s6  }
0xab: {  	[sflag:s6] =	ssyncadd.remote.s32 @p0 $0x1;
	_ =	sdelay $0x1  }
0xac: {  	s6 =	simm.s32 @p0 $0x1B8D  }
0xad: {  	_ =	swait.eq @p0 [sflag:s6], $0x1  }
0xae: {  	[sflag:s6] =	ssyncadd.s32 @p0 $0xFFFFFFFF  }
0xaf: {  	s7 =	sshll.u32 @!p0 s1, $0xE  }
0xb0: {  	s7 =	sor.u32 @!p0 $0x4000, s7;
	s6 =	simm.s32 @!p0 $0x1B8D  }
0xb1: {  	s5 =	sshll.u32 @!p0 s5, $0x11;
	s7 =	sadd.s32 @!p0 $0x11B8D, s7;
	_ =	swait.eq @!p0 [sflag:s6], $0x1  }
0xb2: {  	s5 =	sor.u32 @!p0 s5, s7;
	[sflag:s6] =	ssyncadd.s32 @!p0 $0xFFFFFFFF  }
0xb3: {  	s25 =	simm.s32 $0x1B8E;
	s24 =	sld [smem:$0x3FFE];
	[sflag:s5] =	ssyncadd.remote.s32 @!p0 $0x1  }
0xb4: {  	s26 =	simm.s32 $execute0_lowered;
	[smem:$0x3FD2] =	sst s25  }
0xb5: {  	s6 =	sshll.u32 s26, $0x1;
	_ =	strace $0x8000004F;
	[dreg:$0x1] =	wrdreg $0xFFFFFFFF  }
0xb6: {  	s28 =	simm.s32 $_size_execute0_lowered;
	s4 =	sadd.s32 s4, s6;
	[dreg:$0x0] =	wrdreg $0x0  }
0xb7: {  	s6 =	sshll.u32 s28, $0x1;
	[dreg:$0x2] =	wrdreg s4  }
0xb8: {  	[dreg:$0x3] =	wrdreg s6  }
0xb9: {  	[dreg:$0x4] =	wrdreg $0xC0  }
0xba: {  	_ =	task [dreg:s22], $0x5FFFF  }
0xbb: {  	[dreg:$0x1] =	wrdreg $0xFFFFFFFF  }
0xbc: {  	[dreg:$0x0] =	wrdreg $0x60  }
0xbd: {  	[dreg:$0x2] =	wrdreg s18  }
0xbe: {  	[dreg:$0x3] =	wrdreg s24  }
0xbf: {  	[dreg:$0x4] =	wrdreg $0xA  }
0xc0: {  	_ =	task.clear_ibuf [dreg:s22], $0x5FFFF;
	_ =	strace $0x9000004F  }
0xc1: {  	s29 =	simm.s32 $0xA;
	_ =	strace $0x80000051  }
0xc2: {  	_ =	swait.ge [sflag:s29], $0x1  }
0xc3: {  	[sflag:s29] =	ssyncadd.s32 $0xFFFFFFFF  }
0xc4: {  	_ =	strace $0x90000051  }
0xc5: {  	_ =	sfence  }
0xc6: {  	s30 =	sld [smem:$0x0];
	_ =	sdelay $0x2  }
0xc7: {  	s31 =	sshll.u32 s1, $0xD;
	s1 =	sshrl.u32 s1, $0x2  }
0xc8: {  	s4 =	sand.u32 $0x4000, s31;
	s1 =	sadd.s32 s1, s30  }
0xc9: {  	s0 =	sor.u32 s4, s0;
	s1 =	sshll.u32 s1, $0x11  }
0xca: {  	s0 =	sor.u32 s1, s0  }
0xcb: {  	s0 =	sadd.s32 $0x8F2B, s0  }
0xcc: {  	[sflag:s0] =	ssyncadd.remote.s32 $0x1  }
0xcd: {  	_ =	sfence.sel $0xFFFF  }
0xce: {  	[dreg:$0x0] =	wrdreg $0xFFFFFFFF;
	(pc) =	sbr.abs _section_cstart, $3  }
0xcf: {  	[dreg:$0x1] =	wrdreg $0xFFFFFFFF  }
0xd0: {  	_ =	task.clear_ibuf [dreg:s22], $0x2FFFF;
	_ =	strace $0x9FFFFFFF  }
0xd1: {  	(tm) =	ssettm $0x7FFFFFFF  }
tec
execute0_lowered:
.L_overlay_start_1:
0x0: {  	(tag) =	ssettag $0x1  }
0x1: {  	s1 =	srdreg.scid  }
0x2: {  	s0 =	stileid.u32;
	s2 =	rddreg [dreg:$0x0]  }
0x3: {  	s5 =	rddreg [dreg:$0x1];
	s3 =	simm.s32 $0x0;
	s10 =	simm.s32 $0x500  }
0x4: {  	s11 =	simm.s32 $0x7D;
	s12 =	simm.s32 $0xA00;
	s13 =	simm.s32 $0x4880  }
0x5: {  	s14 =	simm.s32 $0x1;
	s4 =	sand.u32 $0x1, s1;
	s28 =	sshll.u32 s0, $0x1  }
0x6: {  	s15 =	simm.s32 $0x2;
	s1 =	rddreg [dreg:$0x2];
	s6 =	sor.u32 s4, s28  }
0x7: {  	s16 =	simm.s32 $0x0;
	[smem:$0x7FF] =	sst s3;
	s6 =	smul.u32 $0xA0, s6  }
0x8: {  	s7 =	smul.u32 $0x9C40, s0;
	_ =	strace $0x80000050;
	s8 =	ssub.s32 $0x2, s4  }
0x9: {  	s9 =	smul.u32 $0x4E20, s4;
	s29 =	sshrl.u32 s8, $0x1;
	s6 =	sadd.s32 s6, s5  }
0xa: {  	s30 =	ssub.s32 s8, s29;
	s5 =	sadd.s32 s7, s5;
	s4 =	sadd.s32 $0x3B9600, s6  }
0xb: {  	s31 =	sadd.s32 s9, s5;
	s5 =	sadd.s32 $0x3BAA00, s6;
	s6 =	smax.u32 s30, $0x1  }
0xc: {  	s9 =	simm.s32 $0x3;
	s7 =	sadd.s32 $0x458200, s31;
	s8 =	sadd.s32 $0x3BBE00, s31  }
.LBB2_1:
0xd: {  	[tilespmem:s3], [sflag:$0x3] =	stream.linear.gather [hbm4b:s4+s3], $0x500, $0x38;
	[tilespmem:$0x8700] =	vst v63  }
0xe: {  	_ =	swait.ge [sflag:s9], $0x500  }
0xf: {  	[sflag:s9] =	ssyncset.done $0x0  }
0x10: {  	[sflag:s9] =	ssyncadd.s32 $0xFFFFFB00  }
0x11: {  	[tilespmem:s10], [sflag:$0x3] =	stream.linear.gather [hbm4b:s5+s3], $0x500, $0x38;
	[tilespmem:$0x8700] =	vst v63  }
0x12: {  	_ =	swait.ge [sflag:s9], $0x500  }
0x13: {  	[sflag:s9] =	ssyncset.done $0x0  }
0x14: {  	s17 =	simm.s32 $0x0;
	[sflag:s9] =	ssyncadd.s32 $0xFFFFFB00  }
0x15: {  	[tilespmem:s12], [sflag:$0x1] =	stream.indirect.gather [hbm4b:s2+s11], $0x80, s17, s11, $0xb8;
	[tilespmem:$0x8700] =	vst v63  }
0x16: {  	s31 =	simm.s32 $0x500  }
0x17: {  	[tilespmem:s13], [sflag:$0x2] =	stream.indirect.gather [hbm4b:s2+s11], $0x80, s31, s11, $0xb8;
	[tilespmem:$0x8700] =	vst v63  }
0x18: {  	_ =	swait.ge [sflag:s14], $0x3E80  }
0x19: {  	[sflag:s14] =	ssyncset.done $0x0  }
0x1a: {  	[sflag:s14] =	ssyncadd.s32 $0xFFFFC180  }
0x1b: {  	[hbm4b:s8+s3] =	stream.linear.scatter [tilespmem:s12], [sflag:$0x3], $0x3E80, $0x38;
	[tilespmem:$0x8700] =	vst v63  }
0x1c: {  	_ =	swait.ge [sflag:s9], $0x3E80  }
0x1d: {  	[sflag:s9] =	ssyncset.done $0x0  }
0x1e: {  	[sflag:s9] =	ssyncadd.s32 $0xFFFFC180  }
0x1f: {  	_ =	swait.ge [sflag:s15], $0x3E80  }
0x20: {  	[sflag:s15] =	ssyncset.done $0x0  }
0x21: {  	[sflag:s15] =	ssyncadd.s32 $0xFFFFC180  }
0x22: {  	[hbm4b:s7+s3] =	stream.linear.scatter [tilespmem:s13], [sflag:$0x3], $0x3E80, $0x38;
	[tilespmem:$0x8700] =	vst v63  }
0x23: {  	s19 =	simm.s32 $0x200;
	s20 =	simm.s32 $0x400;
	_ =	swait.ge [sflag:s9], $0x3E80  }
0x24: {  	s18 =	sadd.s32 $0x7D0, s8;
	s17 =	sadd.s32 $0x7D0, s7;
	[sflag:s9] =	ssyncset.done $0x0  }
.LBB2_2:
0x25: {  	s21 =	sshra.s32 s19, $0x2  }
0x26: {  	[sflag:s9] =	ssyncadd.s32 $0xFFFFC180;
	s19 =	smov.u32 s20;
	s22 =	sadd.s32 $0x200, s20  }
0x27: {  	[tilespmem:s12], [sflag:$0x1] =	stream.indirect.gather [hbm4b:s2+s11], $0x80, s21, s11, $0xb8;
	[tilespmem:$0x8700] =	vst v63  }
0x28: {  	p0 =	sne.s32 s20, $0x1200;
	s20 =	sadd.s32 $0x500, s21  }
0x29: {  	[tilespmem:s13], [sflag:$0x2] =	stream.indirect.gather [hbm4b:s2+s11], $0x80, s20, s11, $0xb8;
	[tilespmem:$0x8700] =	vst v63  }
0x2a: {  	_ =	swait.ge [sflag:s14], $0x3E80  }
0x2b: {  	[sflag:s14] =	ssyncset.done $0x0  }
0x2c: {  	[sflag:s14] =	ssyncadd.s32 $0xFFFFC180  }
0x2d: {  	[hbm4b:s18+s3] =	stream.linear.scatter [tilespmem:s12], [sflag:$0x3], $0x3E80, $0x38;
	[tilespmem:$0x8700] =	vst v63  }
0x2e: {  	_ =	swait.ge [sflag:s9], $0x3E80  }
0x2f: {  	[sflag:s9] =	ssyncset.done $0x0  }
0x30: {  	[sflag:s9] =	ssyncadd.s32 $0xFFFFC180  }
0x31: {  	_ =	swait.ge [sflag:s15], $0x3E80  }
.Ltmp0:
0x32: {  	[sflag:s15] =	ssyncset.done $0x0;
	(pc) =	sbr.rel @p0 .LBB2_2-.Ltmp0, $4  }
0x33: {  	[sflag:s15] =	ssyncadd.s32 $0xFFFFC180  }
0x34: {  	[hbm4b:s17+s3] =	stream.linear.scatter [tilespmem:s13], [sflag:$0x3], $0x3E80, $0x38;
	[tilespmem:$0x8700] =	vst v63  }
0x35: {  	s20 =	smov.u32 s22;
	_ =	swait.ge [sflag:s9], $0x3E80  }
0x36: {  	s18 =	sadd.s32 $0x7D0, s18;
	s17 =	sadd.s32 $0x7D0, s17;
	[sflag:s9] =	ssyncset.done $0x0  }
0x37: {  	s19 =	sshra.s32 s19, $0x2;
	[sflag:s9] =	ssyncadd.s32 $0xFFFFC180  }
0x38: {  	[tilespmem:s12], [sflag:$0x1] =	stream.indirect.gather [hbm4b:s2+s11], $0x80, s19, s11, $0xb8;
	[tilespmem:$0x8700] =	vst v63  }
0x39: {  	s19 =	sadd.s32 $0x500, s19  }
0x3a: {  	[tilespmem:s13], [sflag:$0x2] =	stream.indirect.gather [hbm4b:s2+s11], $0x80, s19, s11, $0xb8;
	[tilespmem:$0x8700] =	vst v63  }
0x3b: {  	_ =	swait.ge [sflag:s14], $0x3E80  }
0x3c: {  	[sflag:s14] =	ssyncset.done $0x0  }
0x3d: {  	[sflag:s14] =	ssyncadd.s32 $0xFFFFC180  }
0x3e: {  	[hbm4b:s18+s3] =	stream.linear.scatter [tilespmem:s12], [sflag:$0x3], $0x3E80, $0x38;
	[tilespmem:$0x8700] =	vst v63  }
0x3f: {  	_ =	swait.ge [sflag:s9], $0x3E80  }
0x40: {  	[sflag:s9] =	ssyncset.done $0x0  }
0x41: {  	[sflag:s9] =	ssyncadd.s32 $0xFFFFC180  }
0x42: {  	s16 =	sadd.s32 $0x1, s16;
	_ =	swait.ge [sflag:s15], $0x3E80  }
0x43: {  	p0 =	sne.s32 s16, s6;
	[sflag:s15] =	ssyncset.done $0x0  }
.Ltmp1:
0x44: {  	[sflag:s15] =	ssyncadd.s32 $0xFFFFC180;
	(pc) =	sbr.rel @p0 .LBB2_1-.Ltmp1, $4  }
0x45: {  	[hbm4b:s17+s3] =	stream.linear.scatter [tilespmem:s13], [sflag:$0x3], $0x3E80, $0x38;
	[tilespmem:$0x8700] =	vst v63  }
0x46: {  	_ =	swait.ge [sflag:s9], $0x3E80  }
0x47: {  	[sflag:s9] =	ssyncset.done $0x0  }
0x48: {  	[sflag:s9] =	ssyncadd.s32 $0xFFFFC180  }
0x49: {  	_ =	sfence.sel $0x180000  }
0x4a: {  	[bflag:$0x0] =	sbarrier.arrive $0xFFFF  }
0x4b: {  	p0 =	sne.s32 s0, $0x0;
	_ =	strace $0x90000050  }
0x4c: {  	s0 =	sadd.s32 @!p0 $0x100000, s1;
	[bflag:$0x2] =	sbarrier.arrive $0xFFFF  }
0x4d: {  	[sflag:s0] =	ssyncadd.tile.s32 @!p0 $0x1;
	_ =	shalt  }
.Lfunc_end2:
_tile_overlayer_lowered:
.L_overlay_start_2:
0x4e: {  	(tag) =	ssettag $0x2  }
0x4f: {  	s0 =	rddreg [dreg:$0x0];
	s2 =	stileid.u32  }
0x50: {  	s1 =	rddreg [dreg:$0x1];
	p0 =	sne.s32 s2, $0x0  }
0x51: {  	s3 =	rddreg [dreg:$0x2];
	[bflag:$0x3] =	sbarrier.arrive $0xFFFF;
	s2 =	simm.s32 @!p0 $0x1C03  }
0x52: {  	[timem:s3], [sflag:s2] =	dma.local @!p0 [hbm:s0], s1  }
0x53: {  	s0 =	simm.s32 @!p0 $0x3  }
0x54: {  	_ =	swait.ge @!p0 [sflag:s0], s1  }
0x55: {  	s1 =	ssub.s32 @!p0 $0x0, s1;
	[sflag:s0] =	ssyncset.done @!p0 $0x0  }
0x56: {  	[sflag:s0] =	ssyncadd.s32 @!p0 s1  }
0x57: {  	[bflag:$0x3] =	sbarrier.arrive $0xFFFF  }
0x58: {  	_ =	shalt  }

// kernel: kernel.28.cloned.1.call-start
scs
__scs_entry_jumppad:
0x0: {  	(pc) =	sbr.rel $0x88, $3  }
0x1: {  	(tag) =	ssettag $0x0;
	lr =	simm.s32 $0x1  }
0x2: {  	[smem:$0x3F85] =	sst lr;
	_ =	strace $0xD0000000  }
0x3: {  	_ = 	snop  }
0x4: {  	_ = 	snop  }
0x5: {  	_ = 	snop  }
0x6: {  	_ = 	snop  }
0x7: {  	_ = 	snop  }
__scs_overlays_trampoline_lowered:
0x8: {  	[smem:$0x3F94] =	sst s0  }
0x9: {  	[smem:$0x3F95] =	sst s1  }
0xa: {  	[smem:$0x3F96] =	sst s2  }
0xb: {  	[smem:$0x3F97] =	sst s3  }
0xc: {  	[smem:$0x3F98] =	sst s4  }
0xd: {  	[smem:$0x3F99] =	sst s5  }
0xe: {  	[smem:$0x3F9A] =	sst s6  }
0xf: {  	[smem:$0x3F9B] =	sst s7  }
0x10: {  	[smem:$0x3F9C] =	sst s8  }
0x11: {  	[smem:$0x3F9D] =	sst s9;
	s0 =	simm.s32 @!p0 $0x0  }
0x12: {  	s1 =	sld [smem:$0x3F83];
	s0 =	simm.s32 @p0 $0x1  }
0x13: {  	[smem:$0x3F9E] =	sst s0;
	s0 =	simm.s32 @!p1 $0x0  }
0x14: {  	s2 =	sld [smem:$0x3F82];
	s0 =	simm.s32 @p1 $0x1  }
0x15: {  	[smem:$0x3F9F] =	sst s0;
	s0 =	simm.s32 @!p2 $0x0  }
0x16: {  	s3 =	sld [smem:$0x3FDB];
	s0 =	simm.s32 @p2 $0x1  }
0x17: {  	s4 =	simm.s32 $0x1BF5;
	[smem:$0x3FA1] =	sst s0  }
0x18: {  	s0 =	sld [smem:$0x3F84];
	_ =	swait.ge [sflag:s4], $0x0  }
0x19: {  	s7 =	sld [smem:$0x3F85]  }
0x1a: {  	s8 =	sadd.s32 $0xFFFFE003, lr  }
0x1b: {  	s9 =	sadd.s32 $0xFFFFFEF7, lr;
	s5 =	simm.s32 $0xFFFFFFFF;
	p2 =	slt.u32 s8, $0xFFFFF086  }
0x1c: {  	p1 =	slt.u32 s9, $0xF7A;
	s5 =	simm.s32 @!p2 $0x0  }
0x1d: {  	s5 =	simm.s32 @p1 $0x1;
	p0 =	seq.s32 s7, s2  }
0x1e: {  	s7 =	smul.u32 @!p0 $0xF7A, s2;
	p2 =	seq.s32 @!p0 s5, $0x0  }
0x1f: {  	s9 =	smul.u32 $0xF7A, s1;
	s8 =	simm.s32 @!p0 $0x1BF5;
	p2 =	por !p2, p0  }
0x20: {  	[sflag:s8] =	ssyncset.s32 @!p0 $0xFFFFF086;
	s6 =	sadd.s32 @!p0 s3, s7;
	s7 =	simm.s32 @!p0 $0x108  }
0x21: {  	s3 =	sadd.s32 s3, s9;
	s6 =	sadd.s32 @!p0 $0x88, s6;
	s7 =	simm.s32 @p2 $0x1082  }
0x22: {  	[simem:s7], [sflag:s8] =	dma.local @!p0 [hbm:s6], $0xF7A  }
0x23: {  	s9 =	sor.u32 $0xD0000000, s2;
	s6 =	simm.s32 $0x108;
	_ =	swait.ge @!p0 [sflag:s8], $0x0  }
0x24: {  	s3 =	sadd.s32 $0x88, s3;
	s6 =	simm.s32 @!p1 $0x1082;
	[sflag:s4] =	ssyncset.s32 $0xFFFFF086  }
0x25: {  	[simem:s6], [sflag:s4] =	dma.local [hbm:s3], $0xF7A  }
0x26: {  	[smem:$0x3F85] =	sst s1;
	(tag) =	ssettag s2;
	_ =	strace s9  }
0x27: {  	s1 =	sld [smem:$0x3F95]  }
0x28: {  	s2 =	sld [smem:$0x3F96]  }
0x29: {  	s4 =	sld [smem:$0x3F98]  }
0x2a: {  	p0 =	seq.s32 s5, $0x0;
	s5 =	sld [smem:$0x3F99]  }
0x2b: {  	s6 =	sld [smem:$0x3F9A]  }
0x2c: {  	s7 =	sld [smem:$0x3F9B]  }
0x2d: {  	s3 =	simm.s32 $0x108;
	s8 =	sld [smem:$0x3F9C]  }
0x2e: {  	s3 =	simm.s32 @!p0 $0x1082;
	s9 =	sld [smem:$0x3F9D]  }
0x2f: {  	lr =	sadd.s32 s0, s3;
	s0 =	sld [smem:$0x3F94]  }
0x30: {  	s3 =	sld [smem:$0x3F97]  }
0x31: {  	[smem:$0x3FA0] =	sst s10  }
0x32: {  	s10 =	sld [smem:$0x3F9E];
	_ =	sdelay $0x3  }
0x33: {  	p0 =	seq.s32 s10, $0x1;
	s10 =	sld [smem:$0x3FA0];
	_ =	sdelay $0x3  }
0x34: {  	[smem:$0x3FA0] =	sst s10  }
0x35: {  	s10 =	sld [smem:$0x3F9F];
	_ =	sdelay $0x3  }
0x36: {  	p1 =	seq.s32 s10, $0x1;
	s10 =	sld [smem:$0x3FA0];
	_ =	sdelay $0x3  }
0x37: {  	[smem:$0x3FA0] =	sst s10  }
0x38: {  	s10 =	sld [smem:$0x3FA1]  }
0x39: {  	_ = 	snop;
	(pc) =	sbr.ind lr, $3  }
0x3a: {  	_ = 	snop  }
0x3b: {  	_ = 	snop  }
0x3c: {  	p2 =	seq.s32 s10, $0x1;
	s10 =	sld [smem:$0x3FA0]  }
0x3d: {  	_ =	shalt  }
0x3e: {  	_ =	shalt  }
0x3f: {  	_ =	shalt  }
0x40: {  	_ =	shalt  }
0x41: {  	_ =	shalt  }
0x42: {  	_ =	shalt  }
0x43: {  	_ =	shalt  }
0x44: {  	_ =	shalt  }
0x45: {  	_ =	shalt  }
0x46: {  	_ =	shalt  }
0x47: {  	_ =	shalt  }
0x48: {  	_ =	shalt  }
0x49: {  	_ =	shalt  }
0x4a: {  	_ =	shalt  }
0x4b: {  	_ =	shalt  }
0x4c: {  	_ =	shalt  }
0x4d: {  	_ =	shalt  }
0x4e: {  	_ =	shalt  }
0x4f: {  	_ =	shalt  }
0x50: {  	_ =	shalt  }
0x51: {  	_ =	shalt  }
0x52: {  	_ =	shalt  }
0x53: {  	_ =	shalt  }
0x54: {  	_ =	shalt  }
0x55: {  	_ =	shalt  }
0x56: {  	_ =	shalt  }
0x57: {  	_ =	shalt  }
0x58: {  	_ =	shalt  }
0x59: {  	_ =	shalt  }
0x5a: {  	_ =	shalt  }
0x5b: {  	_ =	shalt  }
0x5c: {  	_ =	shalt  }
0x5d: {  	_ =	shalt  }
0x5e: {  	_ =	shalt  }
0x5f: {  	_ =	shalt  }
0x60: {  	_ =	shalt  }
0x61: {  	_ =	shalt  }
0x62: {  	_ =	shalt  }
0x63: {  	_ =	shalt  }
0x64: {  	_ =	shalt  }
0x65: {  	_ =	shalt  }
0x66: {  	_ =	shalt  }
0x67: {  	_ =	shalt  }
0x68: {  	_ =	shalt  }
0x69: {  	_ =	shalt  }
0x6a: {  	_ =	shalt  }
0x6b: {  	_ =	shalt  }
0x6c: {  	_ =	shalt  }
0x6d: {  	_ =	shalt  }
0x6e: {  	_ =	shalt  }
0x6f: {  	_ =	shalt  }
0x70: {  	_ =	shalt  }
0x71: {  	_ =	shalt  }
0x72: {  	_ =	shalt  }
0x73: {  	_ =	shalt  }
0x74: {  	_ =	shalt  }
0x75: {  	_ =	shalt  }
0x76: {  	_ =	shalt  }
0x77: {  	_ =	shalt  }
0x78: {  	_ =	shalt  }
0x79: {  	_ =	shalt  }
0x7a: {  	_ =	shalt  }
0x7b: {  	_ =	shalt  }
0x7c: {  	_ =	shalt  }
0x7d: {  	_ =	shalt  }
0x7e: {  	_ =	shalt  }
0x7f: {  	_ =	shalt  }
0x80: {  	_ =	shalt  }
0x81: {  	_ =	shalt  }
0x82: {  	_ =	shalt  }
0x83: {  	_ =	shalt  }
0x84: {  	_ =	shalt  }
0x85: {  	_ =	shalt  }
0x86: {  	_ =	shalt  }
0x87: {  	_ =	shalt  }
.Lfunc_end0:
.L_simem_size_0:
called_computation.5_lowered:
.L_overlay_start_0:
0x88: {  	s2 =	sld [smem:$0x3FD9]  }
0x89: {  	s3 =	sld [smem:$0x3FFE];
	_ =	sdelay $0x1  }
0x8a: {  	s1 =	srdreg.scid  }
0x8b: {  	s0 =	sand.u32 $0x1, s1  }
0x8c: {  	s15 =	sshll.u32 s0, $0xA;
	s2 =	sadd.s32 s3, s2  }
0x8d: {  	s2 =	sadd.s32 s2, s15  }
0x8e: {  	[smem:$0x3FAC] =	sst s2  }
0x8f: {  	_ = 	snop  }
0x90: {  	s2 =	sld [smem:$0x3FD0];
	_ =	sdelay $0x2  }
0x91: {  	s16 =	simm.s32 $0xD;
	s4 =	simm.s32 $0x10  }
0x92: {  	[smem:s4], [sflag:s16] =	dma.local [hbm:s2], $0x1  }
0x93: {  	_ =	swait.eq [sflag:s16], $0x1  }
0x94: {  	[sflag:s16] =	ssyncset.done $0x0  }
0x95: {  	[sflag:s16] =	ssyncadd.s32 $0xFFFFFFFF  }
0x96: {  	s17 =	sld [smem:$0x10];
	(tm) =	ssettm $0x1  }
0x97: {  	s18 =	sld [smem:$0x3FFB];
	_ =	sdelay $0x3  }
0x98: {  	_ =	strace s18  }
0x99: {  	s2 =	sld [smem:$0x3FFC];
	_ =	sdelay $0x3  }
0x9a: {  	_ =	strace s2  }
0x9b: {  	s2 =	sld [smem:$0x3FFD];
	_ =	sdelay $0x3  }
0x9c: {  	_ =	strace s2  }
0x9d: {  	_ =	strace $0x8FFFFFFF  }
0x9e: {  	s19 =	sld [smem:$0x3FDB];
	_ =	sdelay $0x1  }
0x9f: {  	s20 =	simm.s32 $_scs_section_size  }
0xa0: {  	s5 =	simm.s32 $_size__tile_overlayer_lowered;
	s6 =	simm.s32 $_tile_overlayer_lowered  }
0xa1: {  	s7 =	simm.s32 $0x1BFF;
	s21 =	sshll.u32 s6, $0x1;
	s4 =	sadd.s32 s20, s19  }
0xa2: {  	s22 =	simm.s32 $0x0;
	s5 =	sshll.u32 s5, $0x1;
	s6 =	sadd.s32 s21, s4  }
0xa3: {  	[timem:s22], [sflag:s7] =	dma.local [hbm:s6], s5  }
0xa4: {  	_ =	swait.ge [sflag:s7], s5  }
0xa5: {  	s5 =	ssub.s32 $0x0, s5;
	[sflag:s7] =	ssyncset.done $0x0  }
0xa6: {  	[sflag:s7] =	ssyncadd.s32 s5;
	_ =	sdelay $0x1  }
0xa7: {  	s23 =	simm.s32 $0x1B8B  }
0xa8: {  	_ =	swait.ge [sflag:s23], $0x1  }
0xa9: {  	[sflag:s23] =	ssyncset.done $0x0  }
0xaa: {  	[sflag:s23] =	ssyncadd.s32 $0xFFFFFFFF  }
0xab: {  	s5 =	sld [smem:$0x0]  }
0xac: {  	s6 =	sand.u32 $0xFFFFFFFE, s1  }
0xad: {  	p0 =	sne.s32 s1, s6  }
0xae: {  	s6 =	sshll.u32 @p0 s6, $0xE  }
0xaf: {  	s6 =	sadd.s32 @p0 $0x11B8D, s6;
	s7 =	sshll.u32 @p0 s5, $0x11  }
0xb0: {  	s6 =	sor.u32 @p0 s7, s6  }
0xb1: {  	[sflag:s6] =	ssyncadd.remote.s32 @p0 $0x1;
	_ =	sdelay $0x1  }
0xb2: {  	s6 =	simm.s32 @p0 $0x1B8D  }
0xb3: {  	_ =	swait.eq @p0 [sflag:s6], $0x1  }
0xb4: {  	[sflag:s6] =	ssyncadd.s32 @p0 $0xFFFFFFFF  }
0xb5: {  	s7 =	sshll.u32 @!p0 s1, $0xE  }
0xb6: {  	s7 =	sor.u32 @!p0 $0x4000, s7;
	s6 =	simm.s32 @!p0 $0x1B8D  }
0xb7: {  	s5 =	sshll.u32 @!p0 s5, $0x11;
	s7 =	sadd.s32 @!p0 $0x11B8D, s7;
	_ =	swait.eq @!p0 [sflag:s6], $0x1  }
0xb8: {  	s5 =	sor.u32 @!p0 s5, s7;
	[sflag:s6] =	ssyncadd.s32 @!p0 $0xFFFFFFFF  }
0xb9: {  	s25 =	simm.s32 $0x1B8E;
	s24 =	sld [smem:$0x3FFE];
	[sflag:s5] =	ssyncadd.remote.s32 @!p0 $0x1  }
0xba: {  	s26 =	simm.s32 $execute0_lowered;
	[smem:$0x3FD2] =	sst s25  }
0xbb: {  	s6 =	sshll.u32 s26, $0x1;
	_ =	strace $0x80000055;
	[dreg:$0x1] =	wrdreg $0xFFFFFFFF  }
0xbc: {  	s28 =	simm.s32 $_size_execute0_lowered;
	s4 =	sadd.s32 s4, s6;
	[dreg:$0x0] =	wrdreg $0x0  }
0xbd: {  	s6 =	sshll.u32 s28, $0x1;
	[dreg:$0x2] =	wrdreg s4  }
0xbe: {  	[dreg:$0x3] =	wrdreg s6  }
0xbf: {  	[dreg:$0x4] =	wrdreg $0xC0  }
0xc0: {  	_ =	task [dreg:s22], $0x5FFFF  }
0xc1: {  	[dreg:$0x1] =	wrdreg $0xFFFFFFFF  }
0xc2: {  	[dreg:$0x0] =	wrdreg $0x60  }
0xc3: {  	[dreg:$0x2] =	wrdreg s24  }
0xc4: {  	[dreg:$0x3] =	wrdreg s17  }
0xc5: {  	[dreg:$0x4] =	wrdreg $0x48800  }
0xc6: {  	[dreg:$0x5] =	wrdreg $0x9  }
0xc7: {  	_ =	task.clear_ibuf [dreg:s22], $0x6FFFF;
	_ =	strace $0x90000055  }
0xc8: {  	s29 =	simm.s32 $0x9;
	_ =	strace $0x80000057  }
0xc9: {  	_ =	swait.ge [sflag:s29], $0x1  }
0xca: {  	[sflag:s29] =	ssyncadd.s32 $0xFFFFFFFF  }
0xcb: {  	_ =	strace $0x90000057  }
0xcc: {  	_ =	sfence  }
0xcd: {  	s30 =	sld [smem:$0x0];
	_ =	sdelay $0x2  }
0xce: {  	s31 =	sshll.u32 s1, $0xD;
	s1 =	sshrl.u32 s1, $0x2  }
0xcf: {  	s4 =	sand.u32 $0x4000, s31;
	s1 =	sadd.s32 s1, s30  }
0xd0: {  	s0 =	sor.u32 s4, s0;
	s1 =	sshll.u32 s1, $0x11  }
0xd1: {  	s0 =	sor.u32 s1, s0  }
0xd2: {  	s0 =	sadd.s32 $0x8F2B, s0  }
0xd3: {  	[sflag:s0] =	ssyncadd.remote.s32 $0x1  }
0xd4: {  	_ =	sfence.sel $0xFFFF  }
0xd5: {  	[dreg:$0x0] =	wrdreg $0xFFFFFFFF;
	(pc) =	sbr.abs _section_cstart, $3  }
0xd6: {  	[dreg:$0x1] =	wrdreg $0xFFFFFFFF  }
0xd7: {  	_ =	task.clear_ibuf [dreg:s22], $0x2FFFF;
	_ =	strace $0x9FFFFFFF  }
0xd8: {  	(tm) =	ssettm $0x7FFFFFFF  }
0xd9: {  	_ =	shalt  }
tec
execute0_lowered:
.L_overlay_start_1:
0x0: {  	(tag) =	ssettag $0x1  }
0x1: {  	s0 =	rddreg [dreg:$0x0]  }
0x2: {  	s1 =	srdreg.scid;
	s14 =	stileid.u32  }
0x3: {  	s5 =	rddreg [dreg:$0x1];
	s1 =	sand.u32 $0x1, s1;
	s3 =	sshll.u32 s14, $0x1  }
0x4: {  	s2 =	rddreg [dreg:$0x2];
	s4 =	smul.u32 $0x13880, s14;
	s6 =	sor.u32 s1, s3  }
0x5: {  	s31 =	sadd.s32 $0x280E00, s0;
	s3 =	simm.s32 $0x0;
	s7 =	smul.u32 $0xA0, s6  }
0x6: {  	[smem:$0x7FF] =	sst s3;
	s9 =	sshrl.u32 s4, $0x3;
	s6 =	smul.u32 $0x4E20, s6  }
0x7: {  	_ =	strace $0x80000056;
	s5 =	sadd.s32 s5, s9;
	s9 =	sadd.s32 $0x194200, s0  }
0x8: {  	s7 =	sadd.s32 s7, s0;
	[dreg:$0x4] =	wrdreg s5;
	s15 =	sadd.s32 s31, s6  }
0x9: {  	s16 =	sadd.s32 s9, s6;
	s17 =	sadd.s32 $0x7D0, s6;
	s19 =	sadd.s32 $0xFA0, s6  }
0xa: {  	s21 =	sadd.s32 $0x1770, s6;
	s10 =	sadd.s32 $0x1F40, s6;
	s11 =	sadd.s32 $0x2710, s6  }
0xb: {  	s12 =	sadd.s32 $0x2EE0, s6;
	s29 =	sadd.s32 $0x36B0, s6;
	[dreg:$0xa] =	wrdreg s15  }
0xc: {  	s30 =	sadd.s32 $0x3E80, s6;
	s6 =	sadd.s32 $0x4650, s6;
	[dreg:$0xb] =	wrdreg s16  }
0xd: {  	s24 =	sadd.s32 $0x27E600, s7;
	[dreg:$0x1b] =	wrdreg s6  }
0xe: {  	s25 =	sadd.s32 $0x27FA00, s7;
	[dreg:$0x5] =	wrdreg s24  }
0xf: {  	s26 =	sadd.s32 $0x3B9600, s7;
	[dreg:$0x6] =	wrdreg s25  }
0x10: {  	s7 =	sadd.s32 $0x3BAA00, s7;
	[dreg:$0x7] =	wrdreg s26  }
0x11: {  	s18 =	sadd.s32 s9, s17;
	[dreg:$0x8] =	wrdreg s7  }
0x12: {  	s20 =	sadd.s32 s9, s19;
	[dreg:$0xc] =	wrdreg s18  }
0x13: {  	s22 =	sadd.s32 s9, s21;
	[dreg:$0xd] =	wrdreg s20  }
0x14: {  	s8 =	smul.u32 $0x138800, s1;
	s23 =	sadd.s32 s9, s10;
	[dreg:$0xe] =	wrdreg s22  }
0x15: {  	s13 =	sadd.s32 s9, s30;
	[dreg:$0xf] =	wrdreg s23  }
0x16: {  	s8 =	sadd.s32 s4, s8;
	s6 =	sadd.s32 s9, s6;
	[dreg:$0x13] =	wrdreg s13  }
0x17: {  	s8 =	sshrl.u32 s8, $0x3;
	s5 =	sadd.s32 s31, s17;
	[dreg:$0x14] =	wrdreg s6  }
0x18: {  	s8 =	sadd.s32 s8, s0;
	s15 =	sadd.s32 s31, s10;
	[dreg:$0x15] =	wrdreg s5  }
0x19: {  	s8 =	sadd.s32 $0x31D200, s8;
	[dreg:$0x18] =	wrdreg s15  }
0x1a: {  	s24 =	sadd.s32 s9, s11;
	[dreg:$0x9] =	wrdreg s8  }
0x1b: {  	s25 =	sadd.s32 s9, s12;
	[dreg:$0x10] =	wrdreg s24  }
0x1c: {  	s26 =	sadd.s32 s9, s29;
	[dreg:$0x11] =	wrdreg s25  }
0x1d: {  	s13 =	sadd.s32 s31, s21;
	[dreg:$0x12] =	wrdreg s26  }
0x1e: {  	[dreg:$0x17] =	wrdreg s13  }
0x1f: {  	s18 =	sadd.s32 s31, s11;
	s8 =	sadd.s32 s31, s19;
	s19 =	rddreg [dreg:$0x4]  }
0x20: {  	s17 =	sshll.u32 s14, $0x6;
	s20 =	sadd.s32 s31, s12;
	[dreg:$0x19] =	wrdreg s18  }
0x21: {  	s16 =	sadd.s32 s4, s2;
	s4 =	sor.u32 $0x1C01, s17;
	[dreg:$0x1a] =	wrdreg s20  }
0x22: {  	s6 =	sshrl.u32 s16, $0x3;
	s5 =	simm.s32 $0x1;
	[dreg:$0x16] =	wrdreg s8  }
0x23: {  	[spmem:s6], [sflag:s4] =	dma.local [hbm:s19], $0x2710  }
0x24: {  	_ =	swait.ge [sflag:s5], $0x2710  }
0x25: {  	[sflag:s5] =	ssyncset.done $0x0  }
0x26: {  	[sflag:s5] =	ssyncadd.s32 $0xFFFFD8F0  }
0x27: {  	[bflag:$0x0] =	sbarrier.arrive $0xFFFF  }
0x28: {  	s21 =	rddreg [dreg:$0x5]  }
0x29: {  	[tilespmem:s3], [sflag:$0x1] =	stream.linear.gather [hbm4b:s21+s3], $0x500, $0x38;
	[tilespmem:$0x18100] =	vst v63  }
0x2a: {  	_ =	swait.ge [sflag:s5], $0x500  }
0x2b: {  	[sflag:s5] =	ssyncset.done $0x0  }
0x2c: {  	s7 =	simm.s32 $0x500;
	s22 =	rddreg [dreg:$0x6];
	[sflag:s5] =	ssyncadd.s32 $0xFFFFFB00  }
0x2d: {  	[tilespmem:s7], [sflag:$0x1] =	stream.linear.gather [hbm4b:s22+s3], $0x500, $0x38;
	[tilespmem:$0x18100] =	vst v63  }
0x2e: {  	_ =	swait.ge [sflag:s5], $0x500  }
0x2f: {  	[sflag:s5] =	ssyncset.done $0x0  }
0x30: {  	s8 =	simm.s32 $0xA00;
	s23 =	rddreg [dreg:$0xb];
	[sflag:s5] =	ssyncadd.s32 $0xFFFFFB00  }
0x31: {  	[tilespmem:s8], [sflag:$0x1] =	stream.linear.gather [hbm4b:s23+s3], $0x3E80, $0x38;
	[tilespmem:$0x18100] =	vst v63  }
0x32: {  	_ =	swait.ge [sflag:s5], $0x3E80  }
0x33: {  	[sflag:s5] =	ssyncset.done $0x0  }
0x34: {  	s9 =	simm.s32 $0x7D;
	[sflag:s5] =	ssyncadd.s32 $0xFFFFC180  }
0x35: {  	[spmem:s2] =	stream.indirect.scatter.add.f32 [tilespmem:s8], [sflag:$0x1], $0x80, s3, s9, $0xb8;
	[tilespmem:$0x18100] =	vst v63  }
0x36: {  	_ =	swait.ge [sflag:s5], $0x3E80  }
0x37: {  	[sflag:s5] =	ssyncset.done $0x0  }
0x38: {  	[sflag:s5] =	ssyncadd.s32 $0xFFFFC180  }
0x39: {  	[spmem:s2] =	stream.indirect.scatter.add.f32 [tilespmem:s8], [sflag:$0x1], $0x80, s7, s9, $0xb8;
	[tilespmem:$0x18100] =	vst v63  }
0x3a: {  	_ =	swait.ge [sflag:s5], $0x3E80  }
0x3b: {  	[sflag:s5] =	ssyncset.done $0x0  }
0x3c: {  	s24 =	rddreg [dreg:$0xc];
	[sflag:s5] =	ssyncadd.s32 $0xFFFFC180  }
0x3d: {  	[tilespmem:s8], [sflag:$0x1] =	stream.linear.gather [hbm4b:s24+s3], $0x3E80, $0x38;
	[tilespmem:$0x18100] =	vst v63  }
0x3e: {  	_ =	swait.ge [sflag:s5], $0x3E80  }
0x3f: {  	[sflag:s5] =	ssyncset.done $0x0  }
0x40: {  	s10 =	simm.s32 $0x80;
	[sflag:s5] =	ssyncadd.s32 $0xFFFFC180  }
0x41: {  	[spmem:s2] =	stream.indirect.scatter.add.f32 [tilespmem:s8], [sflag:$0x1], $0x80, s10, s9, $0xb8;
	[tilespmem:$0x18100] =	vst v63  }
0x42: {  	_ =	swait.ge [sflag:s5], $0x3E80  }
0x43: {  	[sflag:s5] =	ssyncset.done $0x0  }
0x44: {  	s11 =	simm.s32 $0x580;
	[sflag:s5] =	ssyncadd.s32 $0xFFFFC180  }
0x45: {  	[spmem:s2] =	stream.indirect.scatter.add.f32 [tilespmem:s8], [sflag:$0x1], $0x80, s11, s9, $0xb8;
	[tilespmem:$0x18100] =	vst v63  }
0x46: {  	_ =	swait.ge [sflag:s5], $0x3E80  }
0x47: {  	[sflag:s5] =	ssyncset.done $0x0  }
0x48: {  	s25 =	rddreg [dreg:$0xd];
	[sflag:s5] =	ssyncadd.s32 $0xFFFFC180  }
0x49: {  	[tilespmem:s8], [sflag:$0x1] =	stream.linear.gather [hbm4b:s25+s3], $0x3E80, $0x38;
	[tilespmem:$0x18100] =	vst v63  }
0x4a: {  	_ =	swait.ge [sflag:s5], $0x3E80  }
0x4b: {  	[sflag:s5] =	ssyncset.done $0x0  }
0x4c: {  	s12 =	simm.s32 $0x100;
	[sflag:s5] =	ssyncadd.s32 $0xFFFFC180  }
0x4d: {  	[spmem:s2] =	stream.indirect.scatter.add.f32 [tilespmem:s8], [sflag:$0x1], $0x80, s12, s9, $0xb8;
	[tilespmem:$0x18100] =	vst v63  }
0x4e: {  	_ =	swait.ge [sflag:s5], $0x3E80  }
0x4f: {  	[sflag:s5] =	ssyncset.done $0x0  }
0x50: {  	s13 =	simm.s32 $0x600;
	[sflag:s5] =	ssyncadd.s32 $0xFFFFC180  }
0x51: {  	[spmem:s2] =	stream.indirect.scatter.add.f32 [tilespmem:s8], [sflag:$0x1], $0x80, s13, s9, $0xb8;
	[tilespmem:$0x18100] =	vst v63  }
0x52: {  	_ =	swait.ge [sflag:s5], $0x3E80  }
0x53: {  	[sflag:s5] =	ssyncset.done $0x0  }
0x54: {  	s26 =	rddreg [dreg:$0xe];
	[sflag:s5] =	ssyncadd.s32 $0xFFFFC180  }
0x55: {  	[tilespmem:s8], [sflag:$0x1] =	stream.linear.gather [hbm4b:s26+s3], $0x3E80, $0x38;
	[tilespmem:$0x18100] =	vst v63  }
0x56: {  	_ =	swait.ge [sflag:s5], $0x3E80  }
0x57: {  	[sflag:s5] =	ssyncset.done $0x0  }
0x58: {  	s14 =	simm.s32 $0x180;
	[sflag:s5] =	ssyncadd.s32 $0xFFFFC180  }
0x59: {  	[spmem:s2] =	stream.indirect.scatter.add.f32 [tilespmem:s8], [sflag:$0x1], $0x80, s14, s9, $0xb8;
	[tilespmem:$0x18100] =	vst v63  }
0x5a: {  	_ =	swait.ge [sflag:s5], $0x3E80  }
0x5b: {  	[sflag:s5] =	ssyncset.done $0x0  }
0x5c: {  	s15 =	simm.s32 $0x680;
	[sflag:s5] =	ssyncadd.s32 $0xFFFFC180  }
0x5d: {  	[spmem:s2] =	stream.indirect.scatter.add.f32 [tilespmem:s8], [sflag:$0x1], $0x80, s15, s9, $0xb8;
	[tilespmem:$0x18100] =	vst v63  }
0x5e: {  	_ =	swait.ge [sflag:s5], $0x3E80  }
0x5f: {  	[sflag:s5] =	ssyncset.done $0x0  }
0x60: {  	s16 =	rddreg [dreg:$0xf];
	[sflag:s5] =	ssyncadd.s32 $0xFFFFC180  }
0x61: {  	[tilespmem:s8], [sflag:$0x1] =	stream.linear.gather [hbm4b:s16+s3], $0x3E80, $0x38;
	[tilespmem:$0x18100] =	vst v63  }
0x62: {  	_ =	swait.ge [sflag:s5], $0x3E80  }
0x63: {  	[sflag:s5] =	ssyncset.done $0x0  }
0x64: {  	s16 =	simm.s32 $0x200;
	[sflag:s5] =	ssyncadd.s32 $0xFFFFC180  }
0x65: {  	[spmem:s2] =	stream.indirect.scatter.add.f32 [tilespmem:s8], [sflag:$0x1], $0x80, s16, s9, $0xb8;
	[tilespmem:$0x18100] =	vst v63  }
0x66: {  	_ =	swait.ge [sflag:s5], $0x3E80  }
0x67: {  	[sflag:s5] =	ssyncset.done $0x0  }
0x68: {  	s17 =	simm.s32 $0x700;
	[sflag:s5] =	ssyncadd.s32 $0xFFFFC180  }
0x69: {  	[spmem:s2] =	stream.indirect.scatter.add.f32 [tilespmem:s8], [sflag:$0x1], $0x80, s17, s9, $0xb8;
	[tilespmem:$0x18100] =	vst v63  }
0x6a: {  	_ =	swait.ge [sflag:s5], $0x3E80  }
0x6b: {  	[sflag:s5] =	ssyncset.done $0x0  }
0x6c: {  	s18 =	rddreg [dreg:$0x10];
	[sflag:s5] =	ssyncadd.s32 $0xFFFFC180  }
0x6d: {  	[tilespmem:s8], [sflag:$0x1] =	stream.linear.gather [hbm4b:s18+s3], $0x3E80, $0x38;
	[tilespmem:$0x18100] =	vst v63  }
0x6e: {  	_ =	swait.ge [sflag:s5], $0x3E80  }
0x6f: {  	[sflag:s5] =	ssyncset.done $0x0  }
0x70: {  	s18 =	simm.s32 $0x280;
	[sflag:s5] =	ssyncadd.s32 $0xFFFFC180  }
0x71: {  	[spmem:s2] =	stream.indirect.scatter.add.f32 [tilespmem:s8], [sflag:$0x1], $0x80, s18, s9, $0xb8;
	[tilespmem:$0x18100] =	vst v63  }
0x72: {  	_ =	swait.ge [sflag:s5], $0x3E80  }
0x73: {  	[sflag:s5] =	ssyncset.done $0x0  }
0x74: {  	s19 =	simm.s32 $0x780;
	[sflag:s5] =	ssyncadd.s32 $0xFFFFC180  }
0x75: {  	[spmem:s2] =	stream.indirect.scatter.add.f32 [tilespmem:s8], [sflag:$0x1], $0x80, s19, s9, $0xb8;
	[tilespmem:$0x18100] =	vst v63  }
0x76: {  	_ =	swait.ge [sflag:s5], $0x3E80  }
0x77: {  	[sflag:s5] =	ssyncset.done $0x0  }
0x78: {  	s20 =	rddreg [dreg:$0x11];
	[sflag:s5] =	ssyncadd.s32 $0xFFFFC180  }
0x79: {  	[tilespmem:s8], [sflag:$0x1] =	stream.linear.gather [hbm4b:s20+s3], $0x3E80, $0x38;
	[tilespmem:$0x18100] =	vst v63  }
0x7a: {  	_ =	swait.ge [sflag:s5], $0x3E80  }
0x7b: {  	[sflag:s5] =	ssyncset.done $0x0  }
0x7c: {  	s20 =	simm.s32 $0x300;
	[sflag:s5] =	ssyncadd.s32 $0xFFFFC180  }
0x7d: {  	[spmem:s2] =	stream.indirect.scatter.add.f32 [tilespmem:s8], [sflag:$0x1], $0x80, s20, s9, $0xb8;
	[tilespmem:$0x18100] =	vst v63  }
0x7e: {  	_ =	swait.ge [sflag:s5], $0x3E80  }
0x7f: {  	[sflag:s5] =	ssyncset.done $0x0  }
0x80: {  	s21 =	simm.s32 $0x800;
	[sflag:s5] =	ssyncadd.s32 $0xFFFFC180  }
0x81: {  	[spmem:s2] =	stream.indirect.scatter.add.f32 [tilespmem:s8], [sflag:$0x1], $0x80, s21, s9, $0xb8;
	[tilespmem:$0x18100] =	vst v63  }
0x82: {  	_ =	swait.ge [sflag:s5], $0x3E80  }
0x83: {  	[sflag:s5] =	ssyncset.done $0x0  }
0x84: {  	s22 =	rddreg [dreg:$0x12];
	[sflag:s5] =	ssyncadd.s32 $0xFFFFC180  }
0x85: {  	[tilespmem:s8], [sflag:$0x1] =	stream.linear.gather [hbm4b:s22+s3], $0x3E80, $0x38;
	[tilespmem:$0x18100] =	vst v63  }
0x86: {  	_ =	swait.ge [sflag:s5], $0x3E80  }
0x87: {  	[sflag:s5] =	ssyncset.done $0x0  }
0x88: {  	s22 =	simm.s32 $0x380;
	[sflag:s5] =	ssyncadd.s32 $0xFFFFC180  }
0x89: {  	[spmem:s2] =	stream.indirect.scatter.add.f32 [tilespmem:s8], [sflag:$0x1], $0x80, s22, s9, $0xb8;
	[tilespmem:$0x18100] =	vst v63  }
0x8a: {  	_ =	swait.ge [sflag:s5], $0x3E80  }
0x8b: {  	[sflag:s5] =	ssyncset.done $0x0  }
0x8c: {  	s23 =	simm.s32 $0x880;
	[sflag:s5] =	ssyncadd.s32 $0xFFFFC180  }
0x8d: {  	[spmem:s2] =	stream.indirect.scatter.add.f32 [tilespmem:s8], [sflag:$0x1], $0x80, s23, s9, $0xb8;
	[tilespmem:$0x18100] =	vst v63  }
0x8e: {  	_ =	swait.ge [sflag:s5], $0x3E80  }
0x8f: {  	[sflag:s5] =	ssyncset.done $0x0  }
0x90: {  	s24 =	rddreg [dreg:$0x13];
	[sflag:s5] =	ssyncadd.s32 $0xFFFFC180  }
0x91: {  	[tilespmem:s8], [sflag:$0x1] =	stream.linear.gather [hbm4b:s24+s3], $0x3E80, $0x38;
	[tilespmem:$0x18100] =	vst v63  }
0x92: {  	_ =	swait.ge [sflag:s5], $0x3E80  }
0x93: {  	[sflag:s5] =	ssyncset.done $0x0  }
0x94: {  	s24 =	simm.s32 $0x400;
	[sflag:s5] =	ssyncadd.s32 $0xFFFFC180  }
0x95: {  	[spmem:s2] =	stream.indirect.scatter.add.f32 [tilespmem:s8], [sflag:$0x1], $0x80, s24, s9, $0xb8;
	[tilespmem:$0x18100] =	vst v63  }
0x96: {  	_ =	swait.ge [sflag:s5], $0x3E80  }
0x97: {  	[sflag:s5] =	ssyncset.done $0x0  }
0x98: {  	s25 =	simm.s32 $0x900;
	[sflag:s5] =	ssyncadd.s32 $0xFFFFC180  }
0x99: {  	[spmem:s2] =	stream.indirect.scatter.add.f32 [tilespmem:s8], [sflag:$0x1], $0x80, s25, s9, $0xb8;
	[tilespmem:$0x18100] =	vst v63  }
0x9a: {  	_ =	swait.ge [sflag:s5], $0x3E80  }
0x9b: {  	[sflag:s5] =	ssyncset.done $0x0  }
0x9c: {  	s26 =	rddreg [dreg:$0x14];
	[sflag:s5] =	ssyncadd.s32 $0xFFFFC180  }
0x9d: {  	[tilespmem:s8], [sflag:$0x1] =	stream.linear.gather [hbm4b:s26+s3], $0x3E80, $0x38;
	[tilespmem:$0x18100] =	vst v63  }
0x9e: {  	_ =	swait.ge [sflag:s5], $0x3E80  }
0x9f: {  	[sflag:s5] =	ssyncset.done $0x0  }
0xa0: {  	s26 =	simm.s32 $0x480;
	[sflag:s5] =	ssyncadd.s32 $0xFFFFC180  }
0xa1: {  	[spmem:s2] =	stream.indirect.scatter.add.f32 [tilespmem:s8], [sflag:$0x1], $0x80, s26, s9, $0xb8;
	[tilespmem:$0x18100] =	vst v63  }
0xa2: {  	_ =	swait.ge [sflag:s5], $0x3E80  }
0xa3: {  	[sflag:s5] =	ssyncset.done $0x0  }
0xa4: {  	s28 =	simm.s32 $0x980;
	[sflag:s5] =	ssyncadd.s32 $0xFFFFC180  }
0xa5: {  	[spmem:s2] =	stream.indirect.scatter.add.f32 [tilespmem:s8], [sflag:$0x1], $0x80, s28, s9, $0xb8;
	[tilespmem:$0x18100] =	vst v63  }
0xa6: {  	_ =	swait.ge [sflag:s5], $0x3E80  }
0xa7: {  	[sflag:s5] =	ssyncset.done $0x0  }
0xa8: {  	s0 =	rddreg [dreg:$0x7];
	[sflag:s5] =	ssyncadd.s32 $0xFFFFC180  }
0xa9: {  	[tilespmem:s3], [sflag:$0x1] =	stream.linear.gather [hbm4b:s0+s3], $0x500, $0x38;
	[tilespmem:$0x18100] =	vst v63  }
0xaa: {  	_ =	swait.ge [sflag:s5], $0x500  }
0xab: {  	[sflag:s5] =	ssyncset.done $0x0  }
0xac: {  	s0 =	rddreg [dreg:$0x8];
	[sflag:s5] =	ssyncadd.s32 $0xFFFFFB00  }
0xad: {  	[tilespmem:s7], [sflag:$0x1] =	stream.linear.gather [hbm4b:s0+s3], $0x500, $0x38;
	[tilespmem:$0x18100] =	vst v63  }
0xae: {  	_ =	swait.ge [sflag:s5], $0x500  }
0xaf: {  	[sflag:s5] =	ssyncset.done $0x0  }
0xb0: {  	s0 =	rddreg [dreg:$0xa];
	[sflag:s5] =	ssyncadd.s32 $0xFFFFFB00  }
0xb1: {  	[tilespmem:s8], [sflag:$0x1] =	stream.linear.gather [hbm4b:s0+s3], $0x3E80, $0x38;
	[tilespmem:$0x18100] =	vst v63  }
0xb2: {  	_ =	swait.ge [sflag:s5], $0x3E80  }
0xb3: {  	[sflag:s5] =	ssyncset.done $0x0  }
0xb4: {  	[sflag:s5] =	ssyncadd.s32 $0xFFFFC180  }
0xb5: {  	[spmem:s2] =	stream.indirect.scatter.add.f32 [tilespmem:s8], [sflag:$0x1], $0x80, s3, s9, $0xb8;
	[tilespmem:$0x18100] =	vst v63  }
0xb6: {  	_ =	swait.ge [sflag:s5], $0x3E80  }
0xb7: {  	[sflag:s5] =	ssyncset.done $0x0  }
0xb8: {  	[sflag:s5] =	ssyncadd.s32 $0xFFFFC180  }
0xb9: {  	[spmem:s2] =	stream.indirect.scatter.add.f32 [tilespmem:s8], [sflag:$0x1], $0x80, s7, s9, $0xb8;
	[tilespmem:$0x18100] =	vst v63  }
0xba: {  	_ =	swait.ge [sflag:s5], $0x3E80  }
0xbb: {  	[sflag:s5] =	ssyncset.done $0x0  }
0xbc: {  	s0 =	rddreg [dreg:$0x15];
	[sflag:s5] =	ssyncadd.s32 $0xFFFFC180  }
0xbd: {  	[tilespmem:s8], [sflag:$0x1] =	stream.linear.gather [hbm4b:s0+s3], $0x3E80, $0x38;
	[tilespmem:$0x18100] =	vst v63  }
0xbe: {  	_ =	swait.ge [sflag:s5], $0x3E80  }
0xbf: {  	[sflag:s5] =	ssyncset.done $0x0  }
0xc0: {  	[sflag:s5] =	ssyncadd.s32 $0xFFFFC180  }
0xc1: {  	[spmem:s2] =	stream.indirect.scatter.add.f32 [tilespmem:s8], [sflag:$0x1], $0x80, s10, s9, $0xb8;
	[tilespmem:$0x18100] =	vst v63  }
0xc2: {  	_ =	swait.ge [sflag:s5], $0x3E80  }
0xc3: {  	[sflag:s5] =	ssyncset.done $0x0  }
0xc4: {  	[sflag:s5] =	ssyncadd.s32 $0xFFFFC180  }
0xc5: {  	[spmem:s2] =	stream.indirect.scatter.add.f32 [tilespmem:s8], [sflag:$0x1], $0x80, s11, s9, $0xb8;
	[tilespmem:$0x18100] =	vst v63  }
0xc6: {  	_ =	swait.ge [sflag:s5], $0x3E80  }
0xc7: {  	[sflag:s5] =	ssyncset.done $0x0  }
0xc8: {  	s0 =	rddreg [dreg:$0x16];
	[sflag:s5] =	ssyncadd.s32 $0xFFFFC180  }
0xc9: {  	[tilespmem:s8], [sflag:$0x1] =	stream.linear.gather [hbm4b:s0+s3], $0x3E80, $0x38;
	[tilespmem:$0x18100] =	vst v63  }
0xca: {  	_ =	swait.ge [sflag:s5], $0x3E80  }
0xcb: {  	[sflag:s5] =	ssyncset.done $0x0  }
0xcc: {  	[sflag:s5] =	ssyncadd.s32 $0xFFFFC180  }
0xcd: {  	[spmem:s2] =	stream.indirect.scatter.add.f32 [tilespmem:s8], [sflag:$0x1], $0x80, s12, s9, $0xb8;
	[tilespmem:$0x18100] =	vst v63  }
0xce: {  	_ =	swait.ge [sflag:s5], $0x3E80  }
0xcf: {  	[sflag:s5] =	ssyncset.done $0x0  }
0xd0: {  	[sflag:s5] =	ssyncadd.s32 $0xFFFFC180  }
0xd1: {  	[spmem:s2] =	stream.indirect.scatter.add.f32 [tilespmem:s8], [sflag:$0x1], $0x80, s13, s9, $0xb8;
	[tilespmem:$0x18100] =	vst v63  }
0xd2: {  	_ =	swait.ge [sflag:s5], $0x3E80  }
0xd3: {  	[sflag:s5] =	ssyncset.done $0x0  }
0xd4: {  	s0 =	rddreg [dreg:$0x17];
	[sflag:s5] =	ssyncadd.s32 $0xFFFFC180  }
0xd5: {  	[tilespmem:s8], [sflag:$0x1] =	stream.linear.gather [hbm4b:s0+s3], $0x3E80, $0x38;
	[tilespmem:$0x18100] =	vst v63  }
0xd6: {  	_ =	swait.ge [sflag:s5], $0x3E80  }
0xd7: {  	[sflag:s5] =	ssyncset.done $0x0  }
0xd8: {  	[sflag:s5] =	ssyncadd.s32 $0xFFFFC180  }
0xd9: {  	[spmem:s2] =	stream.indirect.scatter.add.f32 [tilespmem:s8], [sflag:$0x1], $0x80, s14, s9, $0xb8;
	[tilespmem:$0x18100] =	vst v63  }
0xda: {  	_ =	swait.ge [sflag:s5], $0x3E80  }
0xdb: {  	[sflag:s5] =	ssyncset.done $0x0  }
0xdc: {  	[sflag:s5] =	ssyncadd.s32 $0xFFFFC180  }
0xdd: {  	[spmem:s2] =	stream.indirect.scatter.add.f32 [tilespmem:s8], [sflag:$0x1], $0x80, s15, s9, $0xb8;
	[tilespmem:$0x18100] =	vst v63  }
0xde: {  	_ =	swait.ge [sflag:s5], $0x3E80  }
0xdf: {  	[sflag:s5] =	ssyncset.done $0x0  }
0xe0: {  	s0 =	rddreg [dreg:$0x18];
	[sflag:s5] =	ssyncadd.s32 $0xFFFFC180  }
0xe1: {  	[tilespmem:s8], [sflag:$0x1] =	stream.linear.gather [hbm4b:s0+s3], $0x3E80, $0x38;
	[tilespmem:$0x18100] =	vst v63  }
0xe2: {  	_ =	swait.ge [sflag:s5], $0x3E80  }
0xe3: {  	[sflag:s5] =	ssyncset.done $0x0  }
0xe4: {  	[sflag:s5] =	ssyncadd.s32 $0xFFFFC180  }
0xe5: {  	[spmem:s2] =	stream.indirect.scatter.add.f32 [tilespmem:s8], [sflag:$0x1], $0x80, s16, s9, $0xb8;
	[tilespmem:$0x18100] =	vst v63  }
0xe6: {  	_ =	swait.ge [sflag:s5], $0x3E80  }
0xe7: {  	[sflag:s5] =	ssyncset.done $0x0  }
0xe8: {  	[sflag:s5] =	ssyncadd.s32 $0xFFFFC180  }
0xe9: {  	[spmem:s2] =	stream.indirect.scatter.add.f32 [tilespmem:s8], [sflag:$0x1], $0x80, s17, s9, $0xb8;
	[tilespmem:$0x18100] =	vst v63  }
0xea: {  	_ =	swait.ge [sflag:s5], $0x3E80  }
0xeb: {  	[sflag:s5] =	ssyncset.done $0x0  }
0xec: {  	s0 =	rddreg [dreg:$0x19];
	[sflag:s5] =	ssyncadd.s32 $0xFFFFC180  }
0xed: {  	[tilespmem:s8], [sflag:$0x1] =	stream.linear.gather [hbm4b:s0+s3], $0x3E80, $0x38;
	[tilespmem:$0x18100] =	vst v63  }
0xee: {  	_ =	swait.ge [sflag:s5], $0x3E80  }
0xef: {  	[sflag:s5] =	ssyncset.done $0x0  }
0xf0: {  	[sflag:s5] =	ssyncadd.s32 $0xFFFFC180  }
0xf1: {  	[spmem:s2] =	stream.indirect.scatter.add.f32 [tilespmem:s8], [sflag:$0x1], $0x80, s18, s9, $0xb8;
	[tilespmem:$0x18100] =	vst v63  }
0xf2: {  	_ =	swait.ge [sflag:s5], $0x3E80  }
0xf3: {  	[sflag:s5] =	ssyncset.done $0x0  }
0xf4: {  	[sflag:s5] =	ssyncadd.s32 $0xFFFFC180  }
0xf5: {  	[spmem:s2] =	stream.indirect.scatter.add.f32 [tilespmem:s8], [sflag:$0x1], $0x80, s19, s9, $0xb8;
	[tilespmem:$0x18100] =	vst v63  }
0xf6: {  	_ =	swait.ge [sflag:s5], $0x3E80  }
0xf7: {  	[sflag:s5] =	ssyncset.done $0x0  }
0xf8: {  	s0 =	rddreg [dreg:$0x1a];
	[sflag:s5] =	ssyncadd.s32 $0xFFFFC180  }
0xf9: {  	[tilespmem:s8], [sflag:$0x1] =	stream.linear.gather [hbm4b:s0+s3], $0x3E80, $0x38;
	[tilespmem:$0x18100] =	vst v63  }
0xfa: {  	_ =	swait.ge [sflag:s5], $0x3E80  }
0xfb: {  	[sflag:s5] =	ssyncset.done $0x0  }
0xfc: {  	[sflag:s5] =	ssyncadd.s32 $0xFFFFC180  }
0xfd: {  	[spmem:s2] =	stream.indirect.scatter.add.f32 [tilespmem:s8], [sflag:$0x1], $0x80, s20, s9, $0xb8;
	[tilespmem:$0x18100] =	vst v63  }
0xfe: {  	_ =	swait.ge [sflag:s5], $0x3E80  }
0xff: {  	[sflag:s5] =	ssyncset.done $0x0  }
0x100: {  	[sflag:s5] =	ssyncadd.s32 $0xFFFFC180  }
0x101: {  	[spmem:s2] =	stream.indirect.scatter.add.f32 [tilespmem:s8], [sflag:$0x1], $0x80, s21, s9, $0xb8;
	[tilespmem:$0x18100] =	vst v63  }
0x102: {  	_ =	swait.ge [sflag:s5], $0x3E80  }
0x103: {  	[sflag:s5] =	ssyncset.done $0x0  }
0x104: {  	s29 =	sadd.s32 s31, s29;
	[sflag:s5] =	ssyncadd.s32 $0xFFFFC180  }
0x105: {  	[tilespmem:s8], [sflag:$0x1] =	stream.linear.gather [hbm4b:s29+s3], $0x3E80, $0x38;
	[tilespmem:$0x18100] =	vst v63  }
0x106: {  	_ =	swait.ge [sflag:s5], $0x3E80  }
0x107: {  	[sflag:s5] =	ssyncset.done $0x0  }
0x108: {  	[sflag:s5] =	ssyncadd.s32 $0xFFFFC180  }
0x109: {  	[spmem:s2] =	stream.indirect.scatter.add.f32 [tilespmem:s8], [sflag:$0x1], $0x80, s22, s9, $0xb8;
	[tilespmem:$0x18100] =	vst v63  }
0x10a: {  	_ =	swait.ge [sflag:s5], $0x3E80  }
0x10b: {  	[sflag:s5] =	ssyncset.done $0x0  }
0x10c: {  	[sflag:s5] =	ssyncadd.s32 $0xFFFFC180  }
0x10d: {  	[spmem:s2] =	stream.indirect.scatter.add.f32 [tilespmem:s8], [sflag:$0x1], $0x80, s23, s9, $0xb8;
	[tilespmem:$0x18100] =	vst v63  }
0x10e: {  	_ =	swait.ge [sflag:s5], $0x3E80  }
0x10f: {  	[sflag:s5] =	ssyncset.done $0x0  }
0x110: {  	s30 =	sadd.s32 s31, s30;
	[sflag:s5] =	ssyncadd.s32 $0xFFFFC180  }
0x111: {  	[tilespmem:s8], [sflag:$0x1] =	stream.linear.gather [hbm4b:s30+s3], $0x3E80, $0x38;
	[tilespmem:$0x18100] =	vst v63  }
0x112: {  	_ =	swait.ge [sflag:s5], $0x3E80  }
0x113: {  	[sflag:s5] =	ssyncset.done $0x0  }
0x114: {  	[sflag:s5] =	ssyncadd.s32 $0xFFFFC180  }
0x115: {  	[spmem:s2] =	stream.indirect.scatter.add.f32 [tilespmem:s8], [sflag:$0x1], $0x80, s24, s9, $0xb8;
	[tilespmem:$0x18100] =	vst v63  }
0x116: {  	_ =	swait.ge [sflag:s5], $0x3E80  }
0x117: {  	[sflag:s5] =	ssyncset.done $0x0  }
0x118: {  	[sflag:s5] =	ssyncadd.s32 $0xFFFFC180  }
0x119: {  	[spmem:s2] =	stream.indirect.scatter.add.f32 [tilespmem:s8], [sflag:$0x1], $0x80, s25, s9, $0xb8;
	[tilespmem:$0x18100] =	vst v63  }
0x11a: {  	_ =	swait.ge [sflag:s5], $0x3E80  }
0x11b: {  	[sflag:s5] =	ssyncset.done $0x0;
	s0 =	rddreg [dreg:$0x1b]  }
0x11c: {  	s31 =	sadd.s32 s31, s0;
	[sflag:s5] =	ssyncadd.s32 $0xFFFFC180  }
0x11d: {  	[tilespmem:s8], [sflag:$0x1] =	stream.linear.gather [hbm4b:s31+s3], $0x3E80, $0x38;
	[tilespmem:$0x18100] =	vst v63  }
0x11e: {  	_ =	swait.ge [sflag:s5], $0x3E80  }
0x11f: {  	[sflag:s5] =	ssyncset.done $0x0  }
0x120: {  	[sflag:s5] =	ssyncadd.s32 $0xFFFFC180  }
0x121: {  	[spmem:s2] =	stream.indirect.scatter.add.f32 [tilespmem:s8], [sflag:$0x1], $0x80, s26, s9, $0xb8;
	[tilespmem:$0x18100] =	vst v63  }
0x122: {  	_ =	swait.ge [sflag:s5], $0x3E80  }
0x123: {  	[sflag:s5] =	ssyncset.done $0x0  }
0x124: {  	[sflag:s5] =	ssyncadd.s32 $0xFFFFC180  }
0x125: {  	[spmem:s2] =	stream.indirect.scatter.add.f32 [tilespmem:s8], [sflag:$0x1], $0x80, s28, s9, $0xb8;
	[tilespmem:$0x18100] =	vst v63  }
0x126: {  	_ =	swait.ge [sflag:s5], $0x3E80  }
0x127: {  	[sflag:s5] =	ssyncset.done $0x0  }
0x128: {  	[sflag:s5] =	ssyncadd.s32 $0xFFFFC180  }
0x129: {  	[bflag:$0x0] =	sbarrier.arrive $0xFFFF  }
0x12a: {  	s0 =	ssub.s32 $0x2, s1;
	s1 =	rddreg [dreg:$0x9]  }
0x12b: {  	[dreg:$0x1c] =	wrdreg s1;
	s1 =	sshrl.u32 s0, $0x1  }
0x12c: {  	s0 =	ssub.s32 s0, s1  }
0x12d: {  	s0 =	smax.u32 s0, $0x1  }
0x12e: {  	p0 =	sne.s32 s0, $0x1  }
.Ltmp0:
0x12f: {  	_ = 	snop;
	(pc) =	sbr.rel @!p0 .LBB2_2-.Ltmp0, $4  }
0x130: {  	_ = 	snop  }
0x131: {  	s1 =	rddreg [dreg:$0x1c]  }
0x132: {  	[hbm:s1], [sflag:s4] =	dma.local [spmem:s6], $0x2710  }
0x133: {  	s1 =	sadd.s32 $0xFFFFFFFF, s0;
	_ =	swait.ge [sflag:s5], $0x2710  }
.LBB2_1:
0x134: {  	[sflag:s5] =	ssyncset.done $0x0  }
0x135: {  	s0 =	rddreg [dreg:$0x4];
	[sflag:s5] =	ssyncadd.s32 $0xFFFFD8F0  }
0x136: {  	[spmem:s6], [sflag:s4] =	dma.local [hbm:s0], $0x2710  }
0x137: {  	_ =	swait.ge [sflag:s5], $0x2710  }
0x138: {  	[sflag:s5] =	ssyncset.done $0x0  }
0x139: {  	[sflag:s5] =	ssyncadd.s32 $0xFFFFD8F0  }
0x13a: {  	[bflag:$0x0] =	sbarrier.arrive $0xFFFF  }
0x13b: {  	s0 =	rddreg [dreg:$0x5]  }
0x13c: {  	[tilespmem:s3], [sflag:$0x1] =	stream.linear.gather [hbm4b:s0+s3], $0x500, $0x38;
	[tilespmem:$0x18100] =	vst v63  }
0x13d: {  	_ =	swait.ge [sflag:s5], $0x500  }
0x13e: {  	[sflag:s5] =	ssyncset.done $0x0  }
0x13f: {  	s0 =	rddreg [dreg:$0x6];
	[sflag:s5] =	ssyncadd.s32 $0xFFFFFB00  }
0x140: {  	[tilespmem:s7], [sflag:$0x1] =	stream.linear.gather [hbm4b:s0+s3], $0x500, $0x38;
	[tilespmem:$0x18100] =	vst v63  }
0x141: {  	_ =	swait.ge [sflag:s5], $0x500  }
0x142: {  	[sflag:s5] =	ssyncset.done $0x0  }
0x143: {  	s0 =	rddreg [dreg:$0xb];
	[sflag:s5] =	ssyncadd.s32 $0xFFFFFB00  }
0x144: {  	[tilespmem:s8], [sflag:$0x1] =	stream.linear.gather [hbm4b:s0+s3], $0x3E80, $0x38;
	[tilespmem:$0x18100] =	vst v63  }
0x145: {  	_ =	swait.ge [sflag:s5], $0x3E80  }
0x146: {  	[sflag:s5] =	ssyncset.done $0x0  }
0x147: {  	[sflag:s5] =	ssyncadd.s32 $0xFFFFC180  }
0x148: {  	[spmem:s2] =	stream.indirect.scatter.add.f32 [tilespmem:s8], [sflag:$0x1], $0x80, s3, s9, $0xb8;
	[tilespmem:$0x18100] =	vst v63  }
0x149: {  	_ =	swait.ge [sflag:s5], $0x3E80  }
0x14a: {  	[sflag:s5] =	ssyncset.done $0x0  }
0x14b: {  	[sflag:s5] =	ssyncadd.s32 $0xFFFFC180  }
0x14c: {  	[spmem:s2] =	stream.indirect.scatter.add.f32 [tilespmem:s8], [sflag:$0x1], $0x80, s7, s9, $0xb8;
	[tilespmem:$0x18100] =	vst v63  }
0x14d: {  	_ =	swait.ge [sflag:s5], $0x3E80  }
0x14e: {  	[sflag:s5] =	ssyncset.done $0x0  }
0x14f: {  	s0 =	rddreg [dreg:$0xc];
	[sflag:s5] =	ssyncadd.s32 $0xFFFFC180  }
0x150: {  	[tilespmem:s8], [sflag:$0x1] =	stream.linear.gather [hbm4b:s0+s3], $0x3E80, $0x38;
	[tilespmem:$0x18100] =	vst v63  }
0x151: {  	_ =	swait.ge [sflag:s5], $0x3E80  }
0x152: {  	[sflag:s5] =	ssyncset.done $0x0  }
0x153: {  	[sflag:s5] =	ssyncadd.s32 $0xFFFFC180  }
0x154: {  	[spmem:s2] =	stream.indirect.scatter.add.f32 [tilespmem:s8], [sflag:$0x1], $0x80, s10, s9, $0xb8;
	[tilespmem:$0x18100] =	vst v63  }
0x155: {  	_ =	swait.ge [sflag:s5], $0x3E80  }
0x156: {  	[sflag:s5] =	ssyncset.done $0x0  }
0x157: {  	[sflag:s5] =	ssyncadd.s32 $0xFFFFC180  }
0x158: {  	[spmem:s2] =	stream.indirect.scatter.add.f32 [tilespmem:s8], [sflag:$0x1], $0x80, s11, s9, $0xb8;
	[tilespmem:$0x18100] =	vst v63  }
0x159: {  	_ =	swait.ge [sflag:s5], $0x3E80  }
0x15a: {  	[sflag:s5] =	ssyncset.done $0x0  }
0x15b: {  	s0 =	rddreg [dreg:$0xd];
	[sflag:s5] =	ssyncadd.s32 $0xFFFFC180  }
0x15c: {  	[tilespmem:s8], [sflag:$0x1] =	stream.linear.gather [hbm4b:s0+s3], $0x3E80, $0x38;
	[tilespmem:$0x18100] =	vst v63  }
0x15d: {  	_ =	swait.ge [sflag:s5], $0x3E80  }
0x15e: {  	[sflag:s5] =	ssyncset.done $0x0  }
0x15f: {  	[sflag:s5] =	ssyncadd.s32 $0xFFFFC180  }
0x160: {  	[spmem:s2] =	stream.indirect.scatter.add.f32 [tilespmem:s8], [sflag:$0x1], $0x80, s12, s9, $0xb8;
	[tilespmem:$0x18100] =	vst v63  }
0x161: {  	_ =	swait.ge [sflag:s5], $0x3E80  }
0x162: {  	[sflag:s5] =	ssyncset.done $0x0  }
0x163: {  	[sflag:s5] =	ssyncadd.s32 $0xFFFFC180  }
0x164: {  	[spmem:s2] =	stream.indirect.scatter.add.f32 [tilespmem:s8], [sflag:$0x1], $0x80, s13, s9, $0xb8;
	[tilespmem:$0x18100] =	vst v63  }
0x165: {  	_ =	swait.ge [sflag:s5], $0x3E80  }
0x166: {  	[sflag:s5] =	ssyncset.done $0x0  }
0x167: {  	s0 =	rddreg [dreg:$0xe];
	[sflag:s5] =	ssyncadd.s32 $0xFFFFC180  }
0x168: {  	[tilespmem:s8], [sflag:$0x1] =	stream.linear.gather [hbm4b:s0+s3], $0x3E80, $0x38;
	[tilespmem:$0x18100] =	vst v63  }
0x169: {  	_ =	swait.ge [sflag:s5], $0x3E80  }
0x16a: {  	[sflag:s5] =	ssyncset.done $0x0  }
0x16b: {  	[sflag:s5] =	ssyncadd.s32 $0xFFFFC180  }
0x16c: {  	[spmem:s2] =	stream.indirect.scatter.add.f32 [tilespmem:s8], [sflag:$0x1], $0x80, s14, s9, $0xb8;
	[tilespmem:$0x18100] =	vst v63  }
0x16d: {  	_ =	swait.ge [sflag:s5], $0x3E80  }
0x16e: {  	[sflag:s5] =	ssyncset.done $0x0  }
0x16f: {  	[sflag:s5] =	ssyncadd.s32 $0xFFFFC180  }
0x170: {  	[spmem:s2] =	stream.indirect.scatter.add.f32 [tilespmem:s8], [sflag:$0x1], $0x80, s15, s9, $0xb8;
	[tilespmem:$0x18100] =	vst v63  }
0x171: {  	_ =	swait.ge [sflag:s5], $0x3E80  }
0x172: {  	[sflag:s5] =	ssyncset.done $0x0  }
0x173: {  	s0 =	rddreg [dreg:$0xf];
	[sflag:s5] =	ssyncadd.s32 $0xFFFFC180  }
0x174: {  	[tilespmem:s8], [sflag:$0x1] =	stream.linear.gather [hbm4b:s0+s3], $0x3E80, $0x38;
	[tilespmem:$0x18100] =	vst v63  }
0x175: {  	_ =	swait.ge [sflag:s5], $0x3E80  }
0x176: {  	[sflag:s5] =	ssyncset.done $0x0  }
0x177: {  	[sflag:s5] =	ssyncadd.s32 $0xFFFFC180  }
0x178: {  	[spmem:s2] =	stream.indirect.scatter.add.f32 [tilespmem:s8], [sflag:$0x1], $0x80, s16, s9, $0xb8;
	[tilespmem:$0x18100] =	vst v63  }
0x179: {  	_ =	swait.ge [sflag:s5], $0x3E80  }
0x17a: {  	[sflag:s5] =	ssyncset.done $0x0  }
0x17b: {  	[sflag:s5] =	ssyncadd.s32 $0xFFFFC180  }
0x17c: {  	[spmem:s2] =	stream.indirect.scatter.add.f32 [tilespmem:s8], [sflag:$0x1], $0x80, s17, s9, $0xb8;
	[tilespmem:$0x18100] =	vst v63  }
0x17d: {  	_ =	swait.ge [sflag:s5], $0x3E80  }
0x17e: {  	[sflag:s5] =	ssyncset.done $0x0  }
0x17f: {  	s0 =	rddreg [dreg:$0x10];
	[sflag:s5] =	ssyncadd.s32 $0xFFFFC180  }
0x180: {  	[tilespmem:s8], [sflag:$0x1] =	stream.linear.gather [hbm4b:s0+s3], $0x3E80, $0x38;
	[tilespmem:$0x18100] =	vst v63  }
0x181: {  	_ =	swait.ge [sflag:s5], $0x3E80  }
0x182: {  	[sflag:s5] =	ssyncset.done $0x0  }
0x183: {  	[sflag:s5] =	ssyncadd.s32 $0xFFFFC180  }
0x184: {  	[spmem:s2] =	stream.indirect.scatter.add.f32 [tilespmem:s8], [sflag:$0x1], $0x80, s18, s9, $0xb8;
	[tilespmem:$0x18100] =	vst v63  }
0x185: {  	_ =	swait.ge [sflag:s5], $0x3E80  }
0x186: {  	[sflag:s5] =	ssyncset.done $0x0  }
0x187: {  	[sflag:s5] =	ssyncadd.s32 $0xFFFFC180  }
0x188: {  	[spmem:s2] =	stream.indirect.scatter.add.f32 [tilespmem:s8], [sflag:$0x1], $0x80, s19, s9, $0xb8;
	[tilespmem:$0x18100] =	vst v63  }
0x189: {  	_ =	swait.ge [sflag:s5], $0x3E80  }
0x18a: {  	[sflag:s5] =	ssyncset.done $0x0  }
0x18b: {  	s0 =	rddreg [dreg:$0x11];
	[sflag:s5] =	ssyncadd.s32 $0xFFFFC180  }
0x18c: {  	[tilespmem:s8], [sflag:$0x1] =	stream.linear.gather [hbm4b:s0+s3], $0x3E80, $0x38;
	[tilespmem:$0x18100] =	vst v63  }
0x18d: {  	_ =	swait.ge [sflag:s5], $0x3E80  }
0x18e: {  	[sflag:s5] =	ssyncset.done $0x0  }
0x18f: {  	[sflag:s5] =	ssyncadd.s32 $0xFFFFC180  }
0x190: {  	[spmem:s2] =	stream.indirect.scatter.add.f32 [tilespmem:s8], [sflag:$0x1], $0x80, s20, s9, $0xb8;
	[tilespmem:$0x18100] =	vst v63  }
0x191: {  	_ =	swait.ge [sflag:s5], $0x3E80  }
0x192: {  	[sflag:s5] =	ssyncset.done $0x0  }
0x193: {  	[sflag:s5] =	ssyncadd.s32 $0xFFFFC180  }
0x194: {  	[spmem:s2] =	stream.indirect.scatter.add.f32 [tilespmem:s8], [sflag:$0x1], $0x80, s21, s9, $0xb8;
	[tilespmem:$0x18100] =	vst v63  }
0x195: {  	_ =	swait.ge [sflag:s5], $0x3E80  }
0x196: {  	[sflag:s5] =	ssyncset.done $0x0  }
0x197: {  	s0 =	rddreg [dreg:$0x12];
	[sflag:s5] =	ssyncadd.s32 $0xFFFFC180  }
0x198: {  	[tilespmem:s8], [sflag:$0x1] =	stream.linear.gather [hbm4b:s0+s3], $0x3E80, $0x38;
	[tilespmem:$0x18100] =	vst v63  }
0x199: {  	_ =	swait.ge [sflag:s5], $0x3E80  }
0x19a: {  	[sflag:s5] =	ssyncset.done $0x0  }
0x19b: {  	[sflag:s5] =	ssyncadd.s32 $0xFFFFC180  }
0x19c: {  	[spmem:s2] =	stream.indirect.scatter.add.f32 [tilespmem:s8], [sflag:$0x1], $0x80, s22, s9, $0xb8;
	[tilespmem:$0x18100] =	vst v63  }
0x19d: {  	_ =	swait.ge [sflag:s5], $0x3E80  }
0x19e: {  	[sflag:s5] =	ssyncset.done $0x0  }
0x19f: {  	[sflag:s5] =	ssyncadd.s32 $0xFFFFC180  }
0x1a0: {  	[spmem:s2] =	stream.indirect.scatter.add.f32 [tilespmem:s8], [sflag:$0x1], $0x80, s23, s9, $0xb8;
	[tilespmem:$0x18100] =	vst v63  }
0x1a1: {  	_ =	swait.ge [sflag:s5], $0x3E80  }
0x1a2: {  	[sflag:s5] =	ssyncset.done $0x0  }
0x1a3: {  	s0 =	rddreg [dreg:$0x13];
	[sflag:s5] =	ssyncadd.s32 $0xFFFFC180  }
0x1a4: {  	[tilespmem:s8], [sflag:$0x1] =	stream.linear.gather [hbm4b:s0+s3], $0x3E80, $0x38;
	[tilespmem:$0x18100] =	vst v63  }
0x1a5: {  	_ =	swait.ge [sflag:s5], $0x3E80  }
0x1a6: {  	[sflag:s5] =	ssyncset.done $0x0  }
0x1a7: {  	[sflag:s5] =	ssyncadd.s32 $0xFFFFC180  }
0x1a8: {  	[spmem:s2] =	stream.indirect.scatter.add.f32 [tilespmem:s8], [sflag:$0x1], $0x80, s24, s9, $0xb8;
	[tilespmem:$0x18100] =	vst v63  }
0x1a9: {  	_ =	swait.ge [sflag:s5], $0x3E80  }
0x1aa: {  	[sflag:s5] =	ssyncset.done $0x0  }
0x1ab: {  	[sflag:s5] =	ssyncadd.s32 $0xFFFFC180  }
0x1ac: {  	[spmem:s2] =	stream.indirect.scatter.add.f32 [tilespmem:s8], [sflag:$0x1], $0x80, s25, s9, $0xb8;
	[tilespmem:$0x18100] =	vst v63  }
0x1ad: {  	_ =	swait.ge [sflag:s5], $0x3E80  }
0x1ae: {  	[sflag:s5] =	ssyncset.done $0x0  }
0x1af: {  	s0 =	rddreg [dreg:$0x14];
	[sflag:s5] =	ssyncadd.s32 $0xFFFFC180  }
0x1b0: {  	[tilespmem:s8], [sflag:$0x1] =	stream.linear.gather [hbm4b:s0+s3], $0x3E80, $0x38;
	[tilespmem:$0x18100] =	vst v63  }
0x1b1: {  	_ =	swait.ge [sflag:s5], $0x3E80  }
0x1b2: {  	[sflag:s5] =	ssyncset.done $0x0  }
0x1b3: {  	[sflag:s5] =	ssyncadd.s32 $0xFFFFC180  }
0x1b4: {  	[spmem:s2] =	stream.indirect.scatter.add.f32 [tilespmem:s8], [sflag:$0x1], $0x80, s26, s9, $0xb8;
	[tilespmem:$0x18100] =	vst v63  }
0x1b5: {  	_ =	swait.ge [sflag:s5], $0x3E80  }
0x1b6: {  	[sflag:s5] =	ssyncset.done $0x0  }
0x1b7: {  	[sflag:s5] =	ssyncadd.s32 $0xFFFFC180  }
0x1b8: {  	[spmem:s2] =	stream.indirect.scatter.add.f32 [tilespmem:s8], [sflag:$0x1], $0x80, s28, s9, $0xb8;
	[tilespmem:$0x18100] =	vst v63  }
0x1b9: {  	_ =	swait.ge [sflag:s5], $0x3E80  }
0x1ba: {  	[sflag:s5] =	ssyncset.done $0x0  }
0x1bb: {  	s0 =	rddreg [dreg:$0x7];
	[sflag:s5] =	ssyncadd.s32 $0xFFFFC180  }
0x1bc: {  	[tilespmem:s3], [sflag:$0x1] =	stream.linear.gather [hbm4b:s0+s3], $0x500, $0x38;
	[tilespmem:$0x18100] =	vst v63  }
0x1bd: {  	_ =	swait.ge [sflag:s5], $0x500  }
0x1be: {  	[sflag:s5] =	ssyncset.done $0x0  }
0x1bf: {  	s0 =	rddreg [dreg:$0x8];
	[sflag:s5] =	ssyncadd.s32 $0xFFFFFB00  }
0x1c0: {  	[tilespmem:s7], [sflag:$0x1] =	stream.linear.gather [hbm4b:s0+s3], $0x500, $0x38;
	[tilespmem:$0x18100] =	vst v63  }
0x1c1: {  	_ =	swait.ge [sflag:s5], $0x500  }
0x1c2: {  	[sflag:s5] =	ssyncset.done $0x0  }
0x1c3: {  	s0 =	rddreg [dreg:$0xa];
	[sflag:s5] =	ssyncadd.s32 $0xFFFFFB00  }
0x1c4: {  	[tilespmem:s8], [sflag:$0x1] =	stream.linear.gather [hbm4b:s0+s3], $0x3E80, $0x38;
	[tilespmem:$0x18100] =	vst v63  }
0x1c5: {  	_ =	swait.ge [sflag:s5], $0x3E80  }
0x1c6: {  	[sflag:s5] =	ssyncset.done $0x0  }
0x1c7: {  	[sflag:s5] =	ssyncadd.s32 $0xFFFFC180  }
0x1c8: {  	[spmem:s2] =	stream.indirect.scatter.add.f32 [tilespmem:s8], [sflag:$0x1], $0x80, s3, s9, $0xb8;
	[tilespmem:$0x18100] =	vst v63  }
0x1c9: {  	_ =	swait.ge [sflag:s5], $0x3E80  }
0x1ca: {  	[sflag:s5] =	ssyncset.done $0x0  }
0x1cb: {  	[sflag:s5] =	ssyncadd.s32 $0xFFFFC180  }
0x1cc: {  	[spmem:s2] =	stream.indirect.scatter.add.f32 [tilespmem:s8], [sflag:$0x1], $0x80, s7, s9, $0xb8;
	[tilespmem:$0x18100] =	vst v63  }
0x1cd: {  	_ =	swait.ge [sflag:s5], $0x3E80  }
0x1ce: {  	[sflag:s5] =	ssyncset.done $0x0  }
0x1cf: {  	s0 =	rddreg [dreg:$0x15];
	[sflag:s5] =	ssyncadd.s32 $0xFFFFC180  }
0x1d0: {  	[tilespmem:s8], [sflag:$0x1] =	stream.linear.gather [hbm4b:s0+s3], $0x3E80, $0x38;
	[tilespmem:$0x18100] =	vst v63  }
0x1d1: {  	_ =	swait.ge [sflag:s5], $0x3E80  }
0x1d2: {  	[sflag:s5] =	ssyncset.done $0x0  }
0x1d3: {  	[sflag:s5] =	ssyncadd.s32 $0xFFFFC180  }
0x1d4: {  	[spmem:s2] =	stream.indirect.scatter.add.f32 [tilespmem:s8], [sflag:$0x1], $0x80, s10, s9, $0xb8;
	[tilespmem:$0x18100] =	vst v63  }
0x1d5: {  	_ =	swait.ge [sflag:s5], $0x3E80  }
0x1d6: {  	[sflag:s5] =	ssyncset.done $0x0  }
0x1d7: {  	[sflag:s5] =	ssyncadd.s32 $0xFFFFC180  }
0x1d8: {  	[spmem:s2] =	stream.indirect.scatter.add.f32 [tilespmem:s8], [sflag:$0x1], $0x80, s11, s9, $0xb8;
	[tilespmem:$0x18100] =	vst v63  }
0x1d9: {  	_ =	swait.ge [sflag:s5], $0x3E80  }
0x1da: {  	[sflag:s5] =	ssyncset.done $0x0  }
0x1db: {  	s0 =	rddreg [dreg:$0x16];
	[sflag:s5] =	ssyncadd.s32 $0xFFFFC180  }
0x1dc: {  	[tilespmem:s8], [sflag:$0x1] =	stream.linear.gather [hbm4b:s0+s3], $0x3E80, $0x38;
	[tilespmem:$0x18100] =	vst v63  }
0x1dd: {  	_ =	swait.ge [sflag:s5], $0x3E80  }
0x1de: {  	[sflag:s5] =	ssyncset.done $0x0  }
0x1df: {  	[sflag:s5] =	ssyncadd.s32 $0xFFFFC180  }
0x1e0: {  	[spmem:s2] =	stream.indirect.scatter.add.f32 [tilespmem:s8], [sflag:$0x1], $0x80, s12, s9, $0xb8;
	[tilespmem:$0x18100] =	vst v63  }
0x1e1: {  	_ =	swait.ge [sflag:s5], $0x3E80  }
0x1e2: {  	[sflag:s5] =	ssyncset.done $0x0  }
0x1e3: {  	[sflag:s5] =	ssyncadd.s32 $0xFFFFC180  }
0x1e4: {  	[spmem:s2] =	stream.indirect.scatter.add.f32 [tilespmem:s8], [sflag:$0x1], $0x80, s13, s9, $0xb8;
	[tilespmem:$0x18100] =	vst v63  }
0x1e5: {  	_ =	swait.ge [sflag:s5], $0x3E80  }
0x1e6: {  	[sflag:s5] =	ssyncset.done $0x0  }
0x1e7: {  	s0 =	rddreg [dreg:$0x17];
	[sflag:s5] =	ssyncadd.s32 $0xFFFFC180  }
0x1e8: {  	[tilespmem:s8], [sflag:$0x1] =	stream.linear.gather [hbm4b:s0+s3], $0x3E80, $0x38;
	[tilespmem:$0x18100] =	vst v63  }
0x1e9: {  	_ =	swait.ge [sflag:s5], $0x3E80  }
0x1ea: {  	[sflag:s5] =	ssyncset.done $0x0  }
0x1eb: {  	[sflag:s5] =	ssyncadd.s32 $0xFFFFC180  }
0x1ec: {  	[spmem:s2] =	stream.indirect.scatter.add.f32 [tilespmem:s8], [sflag:$0x1], $0x80, s14, s9, $0xb8;
	[tilespmem:$0x18100] =	vst v63  }
0x1ed: {  	_ =	swait.ge [sflag:s5], $0x3E80  }
0x1ee: {  	[sflag:s5] =	ssyncset.done $0x0  }
0x1ef: {  	[sflag:s5] =	ssyncadd.s32 $0xFFFFC180  }
0x1f0: {  	[spmem:s2] =	stream.indirect.scatter.add.f32 [tilespmem:s8], [sflag:$0x1], $0x80, s15, s9, $0xb8;
	[tilespmem:$0x18100] =	vst v63  }
0x1f1: {  	_ =	swait.ge [sflag:s5], $0x3E80  }
0x1f2: {  	[sflag:s5] =	ssyncset.done $0x0  }
0x1f3: {  	s0 =	rddreg [dreg:$0x18];
	[sflag:s5] =	ssyncadd.s32 $0xFFFFC180  }
0x1f4: {  	[tilespmem:s8], [sflag:$0x1] =	stream.linear.gather [hbm4b:s0+s3], $0x3E80, $0x38;
	[tilespmem:$0x18100] =	vst v63  }
0x1f5: {  	_ =	swait.ge [sflag:s5], $0x3E80  }
0x1f6: {  	[sflag:s5] =	ssyncset.done $0x0  }
0x1f7: {  	[sflag:s5] =	ssyncadd.s32 $0xFFFFC180  }
0x1f8: {  	[spmem:s2] =	stream.indirect.scatter.add.f32 [tilespmem:s8], [sflag:$0x1], $0x80, s16, s9, $0xb8;
	[tilespmem:$0x18100] =	vst v63  }
0x1f9: {  	_ =	swait.ge [sflag:s5], $0x3E80  }
0x1fa: {  	[sflag:s5] =	ssyncset.done $0x0  }
0x1fb: {  	[sflag:s5] =	ssyncadd.s32 $0xFFFFC180  }
0x1fc: {  	[spmem:s2] =	stream.indirect.scatter.add.f32 [tilespmem:s8], [sflag:$0x1], $0x80, s17, s9, $0xb8;
	[tilespmem:$0x18100] =	vst v63  }
0x1fd: {  	_ =	swait.ge [sflag:s5], $0x3E80  }
0x1fe: {  	[sflag:s5] =	ssyncset.done $0x0  }
0x1ff: {  	s0 =	rddreg [dreg:$0x19];
	[sflag:s5] =	ssyncadd.s32 $0xFFFFC180  }
0x200: {  	[tilespmem:s8], [sflag:$0x1] =	stream.linear.gather [hbm4b:s0+s3], $0x3E80, $0x38;
	[tilespmem:$0x18100] =	vst v63  }
0x201: {  	_ =	swait.ge [sflag:s5], $0x3E80  }
0x202: {  	[sflag:s5] =	ssyncset.done $0x0  }
0x203: {  	[sflag:s5] =	ssyncadd.s32 $0xFFFFC180  }
0x204: {  	[spmem:s2] =	stream.indirect.scatter.add.f32 [tilespmem:s8], [sflag:$0x1], $0x80, s18, s9, $0xb8;
	[tilespmem:$0x18100] =	vst v63  }
0x205: {  	_ =	swait.ge [sflag:s5], $0x3E80  }
0x206: {  	[sflag:s5] =	ssyncset.done $0x0  }
0x207: {  	[sflag:s5] =	ssyncadd.s32 $0xFFFFC180  }
0x208: {  	[spmem:s2] =	stream.indirect.scatter.add.f32 [tilespmem:s8], [sflag:$0x1], $0x80, s19, s9, $0xb8;
	[tilespmem:$0x18100] =	vst v63  }
0x209: {  	_ =	swait.ge [sflag:s5], $0x3E80  }
0x20a: {  	[sflag:s5] =	ssyncset.done $0x0  }
0x20b: {  	s0 =	rddreg [dreg:$0x1a];
	[sflag:s5] =	ssyncadd.s32 $0xFFFFC180  }
0x20c: {  	[tilespmem:s8], [sflag:$0x1] =	stream.linear.gather [hbm4b:s0+s3], $0x3E80, $0x38;
	[tilespmem:$0x18100] =	vst v63  }
0x20d: {  	_ =	swait.ge [sflag:s5], $0x3E80  }
0x20e: {  	[sflag:s5] =	ssyncset.done $0x0  }
0x20f: {  	[sflag:s5] =	ssyncadd.s32 $0xFFFFC180  }
0x210: {  	[spmem:s2] =	stream.indirect.scatter.add.f32 [tilespmem:s8], [sflag:$0x1], $0x80, s20, s9, $0xb8;
	[tilespmem:$0x18100] =	vst v63  }
0x211: {  	_ =	swait.ge [sflag:s5], $0x3E80  }
0x212: {  	[sflag:s5] =	ssyncset.done $0x0  }
0x213: {  	[sflag:s5] =	ssyncadd.s32 $0xFFFFC180  }
0x214: {  	[spmem:s2] =	stream.indirect.scatter.add.f32 [tilespmem:s8], [sflag:$0x1], $0x80, s21, s9, $0xb8;
	[tilespmem:$0x18100] =	vst v63  }
0x215: {  	_ =	swait.ge [sflag:s5], $0x3E80  }
0x216: {  	[sflag:s5] =	ssyncset.done $0x0  }
0x217: {  	[sflag:s5] =	ssyncadd.s32 $0xFFFFC180  }
0x218: {  	[tilespmem:s8], [sflag:$0x1] =	stream.linear.gather [hbm4b:s29+s3], $0x3E80, $0x38;
	[tilespmem:$0x18100] =	vst v63  }
0x219: {  	_ =	swait.ge [sflag:s5], $0x3E80  }
0x21a: {  	[sflag:s5] =	ssyncset.done $0x0  }
0x21b: {  	[sflag:s5] =	ssyncadd.s32 $0xFFFFC180  }
0x21c: {  	[spmem:s2] =	stream.indirect.scatter.add.f32 [tilespmem:s8], [sflag:$0x1], $0x80, s22, s9, $0xb8;
	[tilespmem:$0x18100] =	vst v63  }
0x21d: {  	_ =	swait.ge [sflag:s5], $0x3E80  }
0x21e: {  	[sflag:s5] =	ssyncset.done $0x0  }
0x21f: {  	[sflag:s5] =	ssyncadd.s32 $0xFFFFC180  }
0x220: {  	[spmem:s2] =	stream.indirect.scatter.add.f32 [tilespmem:s8], [sflag:$0x1], $0x80, s23, s9, $0xb8;
	[tilespmem:$0x18100] =	vst v63  }
0x221: {  	_ =	swait.ge [sflag:s5], $0x3E80  }
0x222: {  	[sflag:s5] =	ssyncset.done $0x0  }
0x223: {  	[sflag:s5] =	ssyncadd.s32 $0xFFFFC180  }
0x224: {  	[tilespmem:s8], [sflag:$0x1] =	stream.linear.gather [hbm4b:s30+s3], $0x3E80, $0x38;
	[tilespmem:$0x18100] =	vst v63  }
0x225: {  	_ =	swait.ge [sflag:s5], $0x3E80  }
0x226: {  	[sflag:s5] =	ssyncset.done $0x0  }
0x227: {  	[sflag:s5] =	ssyncadd.s32 $0xFFFFC180  }
0x228: {  	[spmem:s2] =	stream.indirect.scatter.add.f32 [tilespmem:s8], [sflag:$0x1], $0x80, s24, s9, $0xb8;
	[tilespmem:$0x18100] =	vst v63  }
0x229: {  	_ =	swait.ge [sflag:s5], $0x3E80  }
0x22a: {  	[sflag:s5] =	ssyncset.done $0x0  }
0x22b: {  	[sflag:s5] =	ssyncadd.s32 $0xFFFFC180  }
0x22c: {  	[spmem:s2] =	stream.indirect.scatter.add.f32 [tilespmem:s8], [sflag:$0x1], $0x80, s25, s9, $0xb8;
	[tilespmem:$0x18100] =	vst v63  }
0x22d: {  	_ =	swait.ge [sflag:s5], $0x3E80  }
0x22e: {  	[sflag:s5] =	ssyncset.done $0x0  }
0x22f: {  	[sflag:s5] =	ssyncadd.s32 $0xFFFFC180  }
0x230: {  	[tilespmem:s8], [sflag:$0x1] =	stream.linear.gather [hbm4b:s31+s3], $0x3E80, $0x38;
	[tilespmem:$0x18100] =	vst v63  }
0x231: {  	_ =	swait.ge [sflag:s5], $0x3E80  }
0x232: {  	[sflag:s5] =	ssyncset.done $0x0  }
0x233: {  	[sflag:s5] =	ssyncadd.s32 $0xFFFFC180  }
0x234: {  	[spmem:s2] =	stream.indirect.scatter.add.f32 [tilespmem:s8], [sflag:$0x1], $0x80, s26, s9, $0xb8;
	[tilespmem:$0x18100] =	vst v63  }
0x235: {  	_ =	swait.ge [sflag:s5], $0x3E80  }
0x236: {  	[sflag:s5] =	ssyncset.done $0x0  }
0x237: {  	[sflag:s5] =	ssyncadd.s32 $0xFFFFC180  }
0x238: {  	[spmem:s2] =	stream.indirect.scatter.add.f32 [tilespmem:s8], [sflag:$0x1], $0x80, s28, s9, $0xb8;
	[tilespmem:$0x18100] =	vst v63  }
0x239: {  	_ =	swait.ge [sflag:s5], $0x3E80  }
0x23a: {  	p0 =	sne.s32 s1, $0x1;
	[sflag:s5] =	ssyncset.done $0x0  }
.Ltmp1:
0x23b: {  	[sflag:s5] =	ssyncadd.s32 $0xFFFFC180;
	(pc) =	sbr.rel @p0 .LBB2_1-.Ltmp1, $4  }
0x23c: {  	[bflag:$0x0] =	sbarrier.arrive $0xFFFF  }
0x23d: {  	s0 =	rddreg [dreg:$0x9]  }
0x23e: {  	[hbm:s0], [sflag:s4] =	dma.local [spmem:s6], $0x2710  }
0x23f: {  	s1 =	sadd.s32 $0xFFFFFFFF, s1;
	_ =	swait.ge [sflag:s5], $0x2710  }
.LBB2_2:
0x240: {  	[sflag:s5] =	ssyncset.done $0x0  }
0x241: {  	[sflag:s5] =	ssyncadd.s32 $0xFFFFD8F0  }
0x242: {  	_ =	sfence.sel $0x180000  }
0x243: {  	[bflag:$0x0] =	sbarrier.arrive $0xFFFF  }
0x244: {  	_ =	strace $0x90000056  }
0x245: {  	s0 =	stileid.u32;
	[bflag:$0x2] =	sbarrier.arrive $0xFFFF  }
0x246: {  	p0 =	sne.s32 s0, $0x0;
	s0 =	rddreg [dreg:$0x3]  }
0x247: {  	s0 =	sadd.s32 @!p0 $0x100000, s0  }
0x248: {  	[sflag:s0] =	ssyncadd.tile.s32 @!p0 $0x1;
	_ =	shalt  }
.Lfunc_end2:
_tile_overlayer_lowered:
.L_overlay_start_2:
0x249: {  	(tag) =	ssettag $0x2  }
0x24a: {  	s0 =	rddreg [dreg:$0x0];
	s2 =	stileid.u32  }
0x24b: {  	s1 =	rddreg [dreg:$0x1];
	p0 =	sne.s32 s2, $0x0  }
0x24c: {  	s3 =	rddreg [dreg:$0x2];
	[bflag:$0x3] =	sbarrier.arrive $0xFFFF;
	s2 =	simm.s32 @!p0 $0x1C01  }
0x24d: {  	[timem:s3], [sflag:s2] =	dma.local @!p0 [hbm:s0], s1  }
0x24e: {  	s0 =	simm.s32 @!p0 $0x1  }
0x24f: {  	_ =	swait.ge @!p0 [sflag:s0], s1  }
0x250: {  	s1 =	ssub.s32 @!p0 $0x0, s1;
	[sflag:s0] =	ssyncset.done @!p0 $0x0  }
0x251: {  	[sflag:s0] =	ssyncadd.s32 @!p0 s1  }
0x252: {  	[bflag:$0x3] =	sbarrier.arrive $0xFFFF  }
0x253: {  	_ =	shalt  }

</sc_bundles>
